<compile_context>
chip_gen: v7x
topology: tpu7x:2x2x1
jax: 0.10.2.dev20260603
libtpu: 0.0.44.dev20260713+nightly
codegen_flags: <defaults>
</compile_context>

<pallas_src>
import functools

import jax
import jax.numpy as jnp
from jax import lax
from jax.experimental import pallas as pl
from jax.experimental.pallas import tpu as pltpu
from jax.experimental.pallas import tpu_sc as plsc

N = 10000
E = 320000
D = 128
NC = 2
NS = 16
NW = NC * NS
K = 128
NPAD = 10240
RPT = NPAD // NS
EPT = NPAD
EPAD = NW * EPT
NCHUNK = EPT // K
NBUF = 2
NI = 8
ILA = 6

ROWBLK = 2048
NB = -(-N // ROWBLK)


def _sc_segment_sums(h_user, h_item, src0, dst0, src1, dst1):
  zrows = jnp.zeros((RPT, D), jnp.float32)
  zhist = jnp.zeros((NPAD,), jnp.float32)
  pad_s = jnp.arange(EPAD - E, dtype=src0.dtype) % N
  pad_d = (N + jnp.arange(EPAD - E, dtype=dst0.dtype) % (NPAD - N))
  src0 = jnp.concatenate([src0, pad_s])
  dst0 = jnp.concatenate([dst0, pad_d])
  src1 = jnp.concatenate([src1, pad_s])
  dst1 = jnp.concatenate([dst1, pad_d])

  mesh = plsc.VectorSubcoreMesh(core_axis_name="c", subcore_axis_name="s")

  @functools.partial(
      pl.kernel,
      out_type=(
          jax.ShapeDtypeStruct((2 * NC * NPAD, D), jnp.float32),
          jax.ShapeDtypeStruct((2 * NW * NPAD,), jnp.float32),
      ),
      mesh=mesh,
      compiler_params=pltpu.CompilerParams(needs_layout_passes=False),
      scratch_types=[
          pltpu.VMEM((NI, K), jnp.int32),
          pltpu.VMEM((NI, K), jnp.int32),
          pltpu.VMEM((NBUF, K, D), jnp.float32),
          pltpu.VMEM((NPAD,), jnp.float32),
          pltpu.VMEM_SHARED((NPAD, D), jnp.float32),
          [pltpu.SemaphoreType.DMA] * NI,
          [pltpu.SemaphoreType.DMA] * NBUF,
          [pltpu.SemaphoreType.DMA] * NBUF,
      ],
  )
  def seg(hu, hi, s0, d0, s1, d1, zr, zh, agg_out, cnt_out,
          idx_s, idx_d, rows, hist, acc, sem_i, sem_g, sem_s):
    c = lax.axis_index("c")
    s = lax.axis_index("s")
    wid = c * NS + s
    rowbase = pl.multiple_of(s * RPT, 8)
    ebase = wid * EPT
    ones16 = jnp.ones((16,), jnp.float32)

    def zero_owned():
      pltpu.sync_copy(zr, acc.at[pl.ds(rowbase, RPT)])
      pltpu.sync_copy(zh, hist)

    zero_owned()
    plsc.subcore_barrier()

    def do_rel(rel, table, src_hbm, dst_hbm):
      def fire_idx(ch, bi):
        eoff = pl.multiple_of(ebase + ch * K, 8)
        pltpu.async_copy(src_hbm.at[pl.ds(eoff, K)], idx_s.at[bi], sem_i[bi])
        pltpu.async_copy(dst_hbm.at[pl.ds(eoff, K)], idx_d.at[bi], sem_i[bi])

      def wait_idx(bi):
        pltpu.make_async_copy(src_hbm.at[pl.ds(0, K)], idx_s.at[bi],
                              sem_i[bi]).wait()
        pltpu.make_async_copy(src_hbm.at[pl.ds(0, K)], idx_d.at[bi],
                              sem_i[bi]).wait()

      def fire_gather(bi, b):
        pltpu.async_copy(table.at[idx_s.at[bi]], rows.at[b], sem_g[b])

      for ch in range(ILA):
        fire_idx(ch, ch % NI)
      for ch in range(NBUF):
        wait_idx(ch % NI)
        fire_gather(ch % NI, ch % NBUF)

      def outer(g, carry):
        for u in range(NI):
          ch = NI * g + u
          b = u % NBUF
          bi = u
          @pl.when(ch + ILA < NCHUNK)
          def _():
            fire_idx(ch + ILA, (u + ILA) % NI)
          pltpu.make_async_copy(table.at[pl.ds(0, K)], rows.at[b],
                                sem_g[b]).wait()
          pltpu.async_copy(rows.at[b], acc.at[idx_d.at[bi]], sem_s[b],
                           add=True)
          for t in range(K // 16):
            plsc.addupdate_scatter(hist, [idx_d[bi, pl.ds(t * 16, 16)]],
                                   ones16)
          @pl.when(ch + NBUF < NCHUNK)
          def _():
            pltpu.make_async_copy(table.at[pl.ds(0, K)], rows.at[b],
                                  sem_s[b]).wait()
            wait_idx((u + NBUF) % NI)
            fire_gather((u + NBUF) % NI, b)
        return carry
      lax.fori_loop(0, NCHUNK // NI, outer, 0)
      for b in range(NBUF):
        pltpu.make_async_copy(table.at[pl.ds(0, K)], rows.at[b],
                              sem_s[b]).wait()
      plsc.subcore_barrier()
      obase = pl.multiple_of((rel * NC + c) * NPAD + rowbase, 8)
      pltpu.sync_copy(acc.at[pl.ds(rowbase, RPT)],
                      agg_out.at[pl.ds(obase, RPT)])
      hbase = pl.multiple_of((rel * NW + wid) * NPAD, 8)
      pltpu.sync_copy(hist, cnt_out.at[pl.ds(hbase, NPAD)])

    do_rel(0, hu, s0, d0)
    zero_owned()
    plsc.subcore_barrier()
    do_rel(1, hi, s1, d1)

  agg, cnt = seg(h_user, h_item, src0, dst0, src1, dst1, zrows, zhist)
  return (agg.reshape(2, NC, NPAD, D), cnt.reshape(2, NW, NPAD))


def _lin_body(xu_ref, xi_ref, wu_ref, bu_ref, wi_ref, bi_ref,
              ou_ref, oi_ref):
  ou_ref[...] = lax.dot_general(
      xu_ref[...], wu_ref[...], (((1,), (1,)), ((), ())),
      preferred_element_type=jnp.float32) + bu_ref[...]
  oi_ref[...] = lax.dot_general(
      xi_ref[...], wi_ref[...], (((1,), (1,)), ((), ())),
      preferred_element_type=jnp.float32) + bi_ref[...]


def _input_transform(xu, xi, wu, bu, wi, bi):
  row = pl.BlockSpec((ROWBLK, D), lambda i: (i, 0))
  full = pl.BlockSpec((D, D), lambda i: (0, 0))
  vec = pl.BlockSpec((1, D), lambda i: (0, 0))
  return pl.pallas_call(
      _lin_body,
      grid=(NB,),
      in_specs=[row, row, full, vec, full, vec],
      out_specs=(row, row),
      out_shape=(jax.ShapeDtypeStruct((N, D), jnp.float32),
                 jax.ShapeDtypeStruct((N, D), jnp.float32)),
  )(xu, xi, wu, bu.reshape(1, D), wi, bi.reshape(1, D))


def _post_one(hd, a0, a1, c, wl, bl, wr, g, be):
  agg = a0[0, 0] + a1[0, 0]
  cnt = jnp.sum(c[0], axis=0)[:, None]
  mean = agg / jnp.maximum(cnt, 1.0)
  out = (lax.dot_general(mean, wl, (((1,), (1,)), ((), ())),
                         preferred_element_type=jnp.float32)
         + bl
         + lax.dot_general(hd, wr, (((1,), (1,)), ((), ())),
                           preferred_element_type=jnp.float32))
  nrm = jnp.sqrt(jnp.sum(out * out, axis=-1, keepdims=True))
  conv = out / jnp.maximum(nrm, 1e-12)
  y = hd + conv
  mu = jnp.mean(y, axis=-1, keepdims=True)
  var = jnp.mean((y - mu) ** 2, axis=-1, keepdims=True)
  return (y - mu) / jnp.sqrt(var + 1e-5) * g + be


def _post_body(hu_ref, hi_ref, au0_ref, au1_ref, ai0_ref, ai1_ref,
               cu_ref, ci_ref, wlu_ref, blu_ref, wru_ref, gu_ref, beu_ref,
               wli_ref, bli_ref, wri_ref, gi_ref, bei_ref,
               ou_ref, oi_ref):
  ou_ref[...] = _post_one(hu_ref[...], au0_ref, au1_ref, cu_ref,
                          wlu_ref[...], blu_ref[...], wru_ref[...],
                          gu_ref[...], beu_ref[...])
  oi_ref[...] = _post_one(hi_ref[...], ai0_ref, ai1_ref, ci_ref,
                          wli_ref[...], bli_ref[...], wri_ref[...],
                          gi_ref[...], bei_ref[...])


def _post(hu, hi, agg, cnt, wlu, blu, wru, gu, beu,
          wli, bli, wri, gi, bei):
  row = pl.BlockSpec((ROWBLK, D), lambda i: (i, 0))
  full = pl.BlockSpec((D, D), lambda i: (0, 0))
  vec = pl.BlockSpec((1, D), lambda i: (0, 0))
  out_sds = jax.ShapeDtypeStruct((N, D), jnp.float32)
  return pl.pallas_call(
      _post_body,
      grid=(NB,),
      in_specs=[
          row, row,
          pl.BlockSpec((1, 1, ROWBLK, D), lambda i: (1, 0, i, 0)),
          pl.BlockSpec((1, 1, ROWBLK, D), lambda i: (1, 1, i, 0)),
          pl.BlockSpec((1, 1, ROWBLK, D), lambda i: (0, 0, i, 0)),
          pl.BlockSpec((1, 1, ROWBLK, D), lambda i: (0, 1, i, 0)),
          pl.BlockSpec((1, NW, ROWBLK), lambda i: (1, 0, i)),
          pl.BlockSpec((1, NW, ROWBLK), lambda i: (0, 0, i)),
          full, vec, full, vec, vec,
          full, vec, full, vec, vec,
      ],
      out_specs=(row, row),
      out_shape=(out_sds, out_sds),
  )(hu, hi, agg, agg, agg, agg, cnt, cnt,
    wlu, blu.reshape(1, D), wru, gu.reshape(1, D), beu.reshape(1, D),
    wli, bli.reshape(1, D), wri, gi.reshape(1, D), bei.reshape(1, D))


def kernel(x_user, x_item, edge_index_user_item, edge_index_item_user,
           W_user, b_user, W_item, b_item,
           Wl_ui, bl_ui, Wr_ui, Wl_iu, bl_iu, Wr_iu,
           ln_g_user, ln_b_user, ln_g_item, ln_b_item):
  h_user, h_item = _input_transform(x_user, x_item, W_user, b_user,
                                    W_item, b_item)

  agg, cnt = _sc_segment_sums(
      h_user, h_item,
      edge_index_user_item[0], edge_index_user_item[1],
      edge_index_item_user[0], edge_index_item_user[1])

  out_user, out_item = _post(
      h_user, h_item, agg, cnt,
      Wl_iu, bl_iu, Wr_iu, ln_g_user, ln_b_user,
      Wl_ui, bl_ui, Wr_ui, ln_g_item, ln_b_item)
  return (out_user, out_item)

# --- scband reference (transcript-rebuilt; emitter-appended) ---
"""Pipeline reference for scband-hcmgnnlayer-12300786335767 (READ-ONLY COPY).

The authoritative reference and input builder live on the scoring server;
editing this copy changes nothing except your own understanding.
"""

import jax, jax.numpy as jnp
import numpy as np

N_USER = 10000
N_ITEM = 10000
E = 320000
D = 128


def _sage_conv(x_src, x_dst, edge_index, Wl, bl, Wr, n_dst):
    # PyG SAGEConv with mean aggregation and normalize=True:
    #   out = lin_l(mean_{j in N(i)} x_j) + lin_r(x_i); out = l2_normalize(out)
    src = edge_index[0]
    dst = edge_index[1]
    msgs = jnp.take(x_src, src, axis=0)                                   # gather [E, D]
    agg = jax.ops.segment_sum(msgs, dst, num_segments=n_dst)              # scatter-add [N_dst, D]
    cnt = jax.ops.segment_sum(jnp.ones((edge_index.shape[1],), jnp.float32), dst, num_segments=n_dst)
    mean = agg / jnp.maximum(cnt, 1.0)[:, None]
    out = mean @ Wl.T + bl + x_dst @ Wr.T                                 # lin_r has no bias in PyG
    norm = jnp.sqrt(jnp.sum(out * out, axis=-1, keepdims=True))
    return out / jnp.maximum(norm, 1e-12)


def _layer_norm(x, g, b, eps=1e-5):
    mu = jnp.mean(x, axis=-1, keepdims=True)
    var = jnp.mean((x - mu) ** 2, axis=-1, keepdims=True)
    return (x - mu) / jnp.sqrt(var + eps) * g + b


def setup_inputs(seed: int = 0) -> dict:
    key = jax.random.key(seed)
    ks = jax.random.split(key, 16)
    inp = {}
    inp["x_user"] = jax.random.normal(ks[0], (N_USER, D), dtype=jnp.float32)
    inp["x_item"] = jax.random.normal(ks[1], (N_ITEM, D), dtype=jnp.float32)
    inp["edge_index_user_item"] = jax.random.randint(ks[2], (2, E), 0, N_USER, dtype=jnp.int64 if jax.config.jax_enable_x64 else jnp.int32)
    inp["edge_index_item_user"] = jax.random.randint(ks[3], (2, E), 0, N_ITEM, dtype=jnp.int64 if jax.config.jax_enable_x64 else jnp.int32)
    s = 0.05
    # per-node-type input transforms (nn.Linear)
    inp["W_user"] = jax.random.normal(ks[4], (D, D), dtype=jnp.float32) * s
    inp["b_user"] = jnp.zeros((D,), jnp.float32)
    inp["W_item"] = jax.random.normal(ks[5], (D, D), dtype=jnp.float32) * s
    inp["b_item"] = jnp.zeros((D,), jnp.float32)
    # SAGEConv weights for relation (user, to, item): dst = item
    inp["Wl_ui"] = jax.random.normal(ks[6], (D, D), dtype=jnp.float32) * s
    inp["bl_ui"] = jnp.zeros((D,), jnp.float32)
    inp["Wr_ui"] = jax.random.normal(ks[7], (D, D), dtype=jnp.float32) * s
    # SAGEConv weights for relation (item, rev, user): dst = user
    inp["Wl_iu"] = jax.random.normal(ks[8], (D, D), dtype=jnp.float32) * s
    inp["bl_iu"] = jnp.zeros((D,), jnp.float32)
    inp["Wr_iu"] = jax.random.normal(ks[9], (D, D), dtype=jnp.float32) * s
    # LayerNorm params per node type
    inp["ln_g_user"] = jnp.ones((D,), jnp.float32)
    inp["ln_b_user"] = jnp.zeros((D,), jnp.float32)
    inp["ln_g_item"] = jnp.ones((D,), jnp.float32)
    inp["ln_b_item"] = jnp.zeros((D,), jnp.float32)
    return inp


def reference(x_user, x_item, edge_index_user_item, edge_index_item_user,
              W_user, b_user, W_item, b_item,
              Wl_ui, bl_ui, Wr_ui, Wl_iu, bl_iu, Wr_iu,
              ln_g_user, ln_b_user, ln_g_item, ln_b_item):
    # 1) per-type node transforms
    h_user = x_user @ W_user.T + b_user
    h_item = x_item @ W_item.T + b_item
    # 2) HeteroConv (each dst type has exactly one incoming relation -> mean aggr is identity)
    conv_item = _sage_conv(h_user, h_item, edge_index_user_item, Wl_ui, bl_ui, Wr_ui, N_ITEM)
    conv_user = _sage_conv(h_item, h_user, edge_index_item_user, Wl_iu, bl_iu, Wr_iu, N_USER)
    # 3) residual + layer norm (+ dropout is identity in eval mode)
    out_user = _layer_norm(h_user + conv_user, ln_g_user, ln_b_user)
    out_item = _layer_norm(h_item + conv_item, ln_g_item, ln_b_item)
    return (out_user, out_item)

if __name__ == "__main__":
    import jax
    _d = setup_inputs()
    print(jax.jit(kernel)(*tuple(_d.values())))

</pallas_src>

<mosaic_0001>
#map = affine_map<(d0, d1) -> (0, 0)>
#map1 = affine_map<(d0, d1) -> (0)>
module attributes {stable_mosaic.version = 14 : i64} {
  func.func @seg(%arg0: i32, %arg1: i32, %arg2: memref<10000x128xf32, #tpu.memory_space<hbm>>, %arg3: memref<10000x128xf32, #tpu.memory_space<hbm>>, %arg4: memref<327680xi32, #tpu.memory_space<hbm>>, %arg5: memref<327680xi32, #tpu.memory_space<hbm>>, %arg6: memref<327680xi32, #tpu.memory_space<hbm>>, %arg7: memref<327680xi32, #tpu.memory_space<hbm>>, %arg8: memref<640x128xf32, #tpu.memory_space<hbm>>, %arg9: memref<10240xf32, #tpu.memory_space<hbm>>, %arg10: memref<40960x128xf32, #tpu.memory_space<hbm>>, %arg11: memref<655360xf32, #tpu.memory_space<hbm>>, %arg12: memref<8x128xi32, #tpu.memory_space<vmem>>, %arg13: memref<8x128xi32, #tpu.memory_space<vmem>>, %arg14: memref<2x128x128xf32, #tpu.memory_space<vmem>>, %arg15: memref<10240xf32, #tpu.memory_space<vmem>>, %arg16: memref<10240x128xf32, #tpu.memory_space<vmem_shared>>, %arg17: memref<!tpu.dma_semaphore, #tpu.memory_space<semaphore_mem>>, %arg18: memref<!tpu.dma_semaphore, #tpu.memory_space<semaphore_mem>>, %arg19: memref<!tpu.dma_semaphore, #tpu.memory_space<semaphore_mem>>, %arg20: memref<!tpu.dma_semaphore, #tpu.memory_space<semaphore_mem>>, %arg21: memref<!tpu.dma_semaphore, #tpu.memory_space<semaphore_mem>>, %arg22: memref<!tpu.dma_semaphore, #tpu.memory_space<semaphore_mem>>, %arg23: memref<!tpu.dma_semaphore, #tpu.memory_space<semaphore_mem>>, %arg24: memref<!tpu.dma_semaphore, #tpu.memory_space<semaphore_mem>>, %arg25: memref<!tpu.dma_semaphore, #tpu.memory_space<semaphore_mem>>, %arg26: memref<!tpu.dma_semaphore, #tpu.memory_space<semaphore_mem>>, %arg27: memref<!tpu.dma_semaphore, #tpu.memory_space<semaphore_mem>>, %arg28: memref<!tpu.dma_semaphore, #tpu.memory_space<semaphore_mem>>) attributes {dimension_semantics = [#tpu.dimension_semantics<core_parallel>, #tpu.dimension_semantics<subcore_parallel>], iteration_bounds = array<i64: 2, 16>, scalar_prefetch = 0 : i64, scratch_operands = 17 : i64, tpu.core_type = #tpu.core_type<sc_vector_subcore>, window_params = [{transform_indices = #map}, {transform_indices = #map}, {transform_indices = #map1}, {transform_indices = #map1}, {transform_indices = #map1}, {transform_indices = #map1}, {transform_indices = #map}, {transform_indices = #map1}, {transform_indices = #map}, {transform_indices = #map1}]} {
    %mul3A = arith.constant 16 : i32
    %mul3A_0 = arith.muli %arg0, %mul3A : i32
    %add3A = arith.addi %mul3A_0, %arg1 : i32
    %mul3A_1 = arith.constant 640 : i32
    %mul3A_2 = arith.muli %arg1, %mul3A_1 : i32
    %multiple_of3A = tpu.assume_multiple %mul3A_2, 8 : i32
    %mul3A_3 = arith.constant 10240 : i32
    %mul3A_4 = arith.muli %add3A, %mul3A_3 : i32
    %broadcast_in_dim3A = arith.constant 1.000000e+00 : f32
    %broadcast_in_dim3A_5 = vector.broadcast %broadcast_in_dim3A : f32 to vector<16xf32>
    "tpu.region"() ({
      %run_scoped3A = tpu.sem_alloc : memref<!tpu.dma_semaphore, #tpu.memory_space<semaphore_mem>>
      %dma_start3A_488 = arith.constant 0 : i32
      %dma_start3A_489 = tpu.memref_slice %arg16[%multiple_of3A, %dma_start3A_488] : memref<10240x128xf32, #tpu.memory_space<vmem_shared>> -> memref<640x128xf32, #tpu.memory_space<vmem_shared>>
      tpu.enqueue_dma source(%arg8 : memref<640x128xf32, #tpu.memory_space<hbm>>) target(%dma_start3A_489 : memref<640x128xf32, #tpu.memory_space<vmem_shared>>) target_semaphore(%run_scoped3A : memref<!tpu.dma_semaphore, #tpu.memory_space<semaphore_mem>>)
      %dma_wait3A_490 = arith.constant 0 : i32
      %dma_wait3A_491 = tpu.memref_slice %arg16[%multiple_of3A, %dma_wait3A_490] : memref<10240x128xf32, #tpu.memory_space<vmem_shared>> -> memref<640x128xf32, #tpu.memory_space<vmem_shared>>
      tpu.wait_dma2 semaphore(%run_scoped3A : memref<!tpu.dma_semaphore, #tpu.memory_space<semaphore_mem>>) src(%arg8 : memref<640x128xf32, #tpu.memory_space<hbm>>) dst(%dma_wait3A_491 : memref<640x128xf32, #tpu.memory_space<vmem_shared>>)
      tpu.yield
    }) : () -> ()
    "tpu.region"() ({
      %run_scoped3A = tpu.sem_alloc : memref<!tpu.dma_semaphore, #tpu.memory_space<semaphore_mem>>
      tpu.enqueue_dma source(%arg9 : memref<10240xf32, #tpu.memory_space<hbm>>) target(%arg15 : memref<10240xf32, #tpu.memory_space<vmem>>) target_semaphore(%run_scoped3A : memref<!tpu.dma_semaphore, #tpu.memory_space<semaphore_mem>>)
      tpu.wait_dma2 semaphore(%run_scoped3A : memref<!tpu.dma_semaphore, #tpu.memory_space<semaphore_mem>>) src(%arg9 : memref<10240xf32, #tpu.memory_space<hbm>>) dst(%arg15 : memref<10240xf32, #tpu.memory_space<vmem>>)
      tpu.yield
    }) : () -> ()
    %barrier3A = arith.constant 0 : index
    tpu.barrier barrier_id(%barrier3A)
    %add3A_6 = arith.constant 0 : i32
    %add3A_7 = arith.addi %mul3A_4, %add3A_6 : i32
    %multiple_of3A_8 = tpu.assume_multiple %add3A_7, 8 : i32
    %dma_start3A = arith.constant 0 : i32
    %dma_start3A_9 = arith.constant 0 : i32
    %dma_start3A_10 = tpu.memref_slice %arg12[%dma_start3A, %dma_start3A_9] : memref<8x128xi32, #tpu.memory_space<vmem>> -> memref<1x128xi32, #tpu.memory_space<vmem>>
    %dma_start3A_11 = tpu.memref_squeeze %dma_start3A_10 : memref<1x128xi32, #tpu.memory_space<vmem>> -> memref<128xi32, #tpu.memory_space<vmem>>
    %dma_start3A_12 = tpu.memref_slice %arg4[%multiple_of3A_8] : memref<327680xi32, #tpu.memory_space<hbm>> -> memref<128xi32, #tpu.memory_space<hbm>>
    %dma_start3A_13 = arith.constant 0 : i32
    %dma_start3A_14 = tpu.memref_slice %arg12[%dma_start3A, %dma_start3A_13] : memref<8x128xi32, #tpu.memory_space<vmem>> -> memref<1x128xi32, #tpu.memory_space<vmem>>
    %dma_start3A_15 = tpu.memref_squeeze %dma_start3A_14 : memref<1x128xi32, #tpu.memory_space<vmem>> -> memref<128xi32, #tpu.memory_space<vmem>>
    %dma_start3A_16 = tpu.memref_slice %arg4[%multiple_of3A_8] : memref<327680xi32, #tpu.memory_space<hbm>> -> memref<128xi32, #tpu.memory_space<hbm>>
    tpu.enqueue_dma source(%dma_start3A_16 : memref<128xi32, #tpu.memory_space<hbm>>) target(%dma_start3A_15 : memref<128xi32, #tpu.memory_space<vmem>>) target_semaphore(%arg17 : memref<!tpu.dma_semaphore, #tpu.memory_space<semaphore_mem>>)
    %dma_start3A_17 = arith.constant 0 : i32
    %dma_start3A_18 = arith.constant 0 : i32
    %dma_start3A_19 = tpu.memref_slice %arg13[%dma_start3A_17, %dma_start3A_18] : memref<8x128xi32, #tpu.memory_space<vmem>> -> memref<1x128xi32, #tpu.memory_space<vmem>>
    %dma_start3A_20 = tpu.memref_squeeze %dma_start3A_19 : memref<1x128xi32, #tpu.memory_space<vmem>> -> memref<128xi32, #tpu.memory_space<vmem>>
    %dma_start3A_21 = tpu.memref_slice %arg5[%multiple_of3A_8] : memref<327680xi32, #tpu.memory_space<hbm>> -> memref<128xi32, #tpu.memory_space<hbm>>
    %dma_start3A_22 = arith.constant 0 : i32
    %dma_start3A_23 = tpu.memref_slice %arg13[%dma_start3A_17, %dma_start3A_22] : memref<8x128xi32, #tpu.memory_space<vmem>> -> memref<1x128xi32, #tpu.memory_space<vmem>>
    %dma_start3A_24 = tpu.memref_squeeze %dma_start3A_23 : memref<1x128xi32, #tpu.memory_space<vmem>> -> memref<128xi32, #tpu.memory_space<vmem>>
    %dma_start3A_25 = tpu.memref_slice %arg5[%multiple_of3A_8] : memref<327680xi32, #tpu.memory_space<hbm>> -> memref<128xi32, #tpu.memory_space<hbm>>
    tpu.enqueue_dma source(%dma_start3A_25 : memref<128xi32, #tpu.memory_space<hbm>>) target(%dma_start3A_24 : memref<128xi32, #tpu.memory_space<vmem>>) target_semaphore(%arg17 : memref<!tpu.dma_semaphore, #tpu.memory_space<semaphore_mem>>)
    %add3A_26 = arith.constant 128 : i32
    %add3A_27 = arith.addi %mul3A_4, %add3A_26 : i32
    %multiple_of3A_28 = tpu.assume_multiple %add3A_27, 8 : i32
    %dma_start3A_29 = arith.constant 1 : i32
    %dma_start3A_30 = arith.constant 0 : i32
    %dma_start3A_31 = tpu.memref_slice %arg12[%dma_start3A_29, %dma_start3A_30] : memref<8x128xi32, #tpu.memory_space<vmem>> -> memref<1x128xi32, #tpu.memory_space<vmem>>
    %dma_start3A_32 = tpu.memref_squeeze %dma_start3A_31 : memref<1x128xi32, #tpu.memory_space<vmem>> -> memref<128xi32, #tpu.memory_space<vmem>>
    %dma_start3A_33 = tpu.memref_slice %arg4[%multiple_of3A_28] : memref<327680xi32, #tpu.memory_space<hbm>> -> memref<128xi32, #tpu.memory_space<hbm>>
    %dma_start3A_34 = arith.constant 0 : i32
    %dma_start3A_35 = tpu.memref_slice %arg12[%dma_start3A_29, %dma_start3A_34] : memref<8x128xi32, #tpu.memory_space<vmem>> -> memref<1x128xi32, #tpu.memory_space<vmem>>
    %dma_start3A_36 = tpu.memref_squeeze %dma_start3A_35 : memref<1x128xi32, #tpu.memory_space<vmem>> -> memref<128xi32, #tpu.memory_space<vmem>>
    %dma_start3A_37 = tpu.memref_slice %arg4[%multiple_of3A_28] : memref<327680xi32, #tpu.memory_space<hbm>> -> memref<128xi32, #tpu.memory_space<hbm>>
    tpu.enqueue_dma source(%dma_start3A_37 : memref<128xi32, #tpu.memory_space<hbm>>) target(%dma_start3A_36 : memref<128xi32, #tpu.memory_space<vmem>>) target_semaphore(%arg18 : memref<!tpu.dma_semaphore, #tpu.memory_space<semaphore_mem>>)
    %dma_start3A_38 = arith.constant 1 : i32
    %dma_start3A_39 = arith.constant 0 : i32
    %dma_start3A_40 = tpu.memref_slice %arg13[%dma_start3A_38, %dma_start3A_39] : memref<8x128xi32, #tpu.memory_space<vmem>> -> memref<1x128xi32, #tpu.memory_space<vmem>>
    %dma_start3A_41 = tpu.memref_squeeze %dma_start3A_40 : memref<1x128xi32, #tpu.memory_space<vmem>> -> memref<128xi32, #tpu.memory_space<vmem>>
    %dma_start3A_42 = tpu.memref_slice %arg5[%multiple_of3A_28] : memref<327680xi32, #tpu.memory_space<hbm>> -> memref<128xi32, #tpu.memory_space<hbm>>
    %dma_start3A_43 = arith.constant 0 : i32
    %dma_start3A_44 = tpu.memref_slice %arg13[%dma_start3A_38, %dma_start3A_43] : memref<8x128xi32, #tpu.memory_space<vmem>> -> memref<1x128xi32, #tpu.memory_space<vmem>>
    %dma_start3A_45 = tpu.memref_squeeze %dma_start3A_44 : memref<1x128xi32, #tpu.memory_space<vmem>> -> memref<128xi32, #tpu.memory_space<vmem>>
    %dma_start3A_46 = tpu.memref_slice %arg5[%multiple_of3A_28] : memref<327680xi32, #tpu.memory_space<hbm>> -> memref<128xi32, #tpu.memory_space<hbm>>
    tpu.enqueue_dma source(%dma_start3A_46 : memref<128xi32, #tpu.memory_space<hbm>>) target(%dma_start3A_45 : memref<128xi32, #tpu.memory_space<vmem>>) target_semaphore(%arg18 : memref<!tpu.dma_semaphore, #tpu.memory_space<semaphore_mem>>)
    %add3A_47 = arith.constant 256 : i32
    %add3A_48 = arith.addi %mul3A_4, %add3A_47 : i32
    %multiple_of3A_49 = tpu.assume_multiple %add3A_48, 8 : i32
    %dma_start3A_50 = arith.constant 2 : i32
    %dma_start3A_51 = arith.constant 0 : i32
    %dma_start3A_52 = tpu.memref_slice %arg12[%dma_start3A_50, %dma_start3A_51] : memref<8x128xi32, #tpu.memory_space<vmem>> -> memref<1x128xi32, #tpu.memory_space<vmem>>
    %dma_start3A_53 = tpu.memref_squeeze %dma_start3A_52 : memref<1x128xi32, #tpu.memory_space<vmem>> -> memref<128xi32, #tpu.memory_space<vmem>>
    %dma_start3A_54 = tpu.memref_slice %arg4[%multiple_of3A_49] : memref<327680xi32, #tpu.memory_space<hbm>> -> memref<128xi32, #tpu.memory_space<hbm>>
    %dma_start3A_55 = arith.constant 0 : i32
    %dma_start3A_56 = tpu.memref_slice %arg12[%dma_start3A_50, %dma_start3A_55] : memref<8x128xi32, #tpu.memory_space<vmem>> -> memref<1x128xi32, #tpu.memory_space<vmem>>
    %dma_start3A_57 = tpu.memref_squeeze %dma_start3A_56 : memref<1x128xi32, #tpu.memory_space<vmem>> -> memref<128xi32, #tpu.memory_space<vmem>>
    %dma_start3A_58 = tpu.memref_slice %arg4[%multiple_of3A_49] : memref<327680xi32, #tpu.memory_space<hbm>> -> memref<128xi32, #tpu.memory_space<hbm>>
    tpu.enqueue_dma source(%dma_start3A_58 : memref<128xi32, #tpu.memory_space<hbm>>) target(%dma_start3A_57 : memref<128xi32, #tpu.memory_space<vmem>>) target_semaphore(%arg19 : memref<!tpu.dma_semaphore, #tpu.memory_space<semaphore_mem>>)
    %dma_start3A_59 = arith.constant 2 : i32
    %dma_start3A_60 = arith.constant 0 : i32
    %dma_start3A_61 = tpu.memref_slice %arg13[%dma_start3A_59, %dma_start3A_60] : memref<8x128xi32, #tpu.memory_space<vmem>> -> memref<1x128xi32, #tpu.memory_space<vmem>>
    %dma_start3A_62 = tpu.memref_squeeze %dma_start3A_61 : memref<1x128xi32, #tpu.memory_space<vmem>> -> memref<128xi32, #tpu.memory_space<vmem>>
    %dma_start3A_63 = tpu.memref_slice %arg5[%multiple_of3A_49] : memref<327680xi32, #tpu.memory_space<hbm>> -> memref<128xi32, #tpu.memory_space<hbm>>
    %dma_start3A_64 = arith.constant 0 : i32
    %dma_start3A_65 = tpu.memref_slice %arg13[%dma_start3A_59, %dma_start3A_64] : memref<8x128xi32, #tpu.memory_space<vmem>> -> memref<1x128xi32, #tpu.memory_space<vmem>>
    %dma_start3A_66 = tpu.memref_squeeze %dma_start3A_65 : memref<1x128xi32, #tpu.memory_space<vmem>> -> memref<128xi32, #tpu.memory_space<vmem>>
    %dma_start3A_67 = tpu.memref_slice %arg5[%multiple_of3A_49] : memref<327680xi32, #tpu.memory_space<hbm>> -> memref<128xi32, #tpu.memory_space<hbm>>
    tpu.enqueue_dma source(%dma_start3A_67 : memref<128xi32, #tpu.memory_space<hbm>>) target(%dma_start3A_66 : memref<128xi32, #tpu.memory_space<vmem>>) target_semaphore(%arg19 : memref<!tpu.dma_semaphore, #tpu.memory_space<semaphore_mem>>)
    %add3A_68 = arith.constant 384 : i32
    %add3A_69 = arith.addi %mul3A_4, %add3A_68 : i32
    %multiple_of3A_70 = tpu.assume_multiple %add3A_69, 8 : i32
    %dma_start3A_71 = arith.constant 3 : i32
    %dma_start3A_72 = arith.constant 0 : i32
    %dma_start3A_73 = tpu.memref_slice %arg12[%dma_start3A_71, %dma_start3A_72] : memref<8x128xi32, #tpu.memory_space<vmem>> -> memref<1x128xi32, #tpu.memory_space<vmem>>
    %dma_start3A_74 = tpu.memref_squeeze %dma_start3A_73 : memref<1x128xi32, #tpu.memory_space<vmem>> -> memref<128xi32, #tpu.memory_space<vmem>>
    %dma_start3A_75 = tpu.memref_slice %arg4[%multiple_of3A_70] : memref<327680xi32, #tpu.memory_space<hbm>> -> memref<128xi32, #tpu.memory_space<hbm>>
    %dma_start3A_76 = arith.constant 0 : i32
    %dma_start3A_77 = tpu.memref_slice %arg12[%dma_start3A_71, %dma_start3A_76] : memref<8x128xi32, #tpu.memory_space<vmem>> -> memref<1x128xi32, #tpu.memory_space<vmem>>
    %dma_start3A_78 = tpu.memref_squeeze %dma_start3A_77 : memref<1x128xi32, #tpu.memory_space<vmem>> -> memref<128xi32, #tpu.memory_space<vmem>>
    %dma_start3A_79 = tpu.memref_slice %arg4[%multiple_of3A_70] : memref<327680xi32, #tpu.memory_space<hbm>> -> memref<128xi32, #tpu.memory_space<hbm>>
    tpu.enqueue_dma source(%dma_start3A_79 : memref<128xi32, #tpu.memory_space<hbm>>) target(%dma_start3A_78 : memref<128xi32, #tpu.memory_space<vmem>>) target_semaphore(%arg20 : memref<!tpu.dma_semaphore, #tpu.memory_space<semaphore_mem>>)
    %dma_start3A_80 = arith.constant 3 : i32
    %dma_start3A_81 = arith.constant 0 : i32
    %dma_start3A_82 = tpu.memref_slice %arg13[%dma_start3A_80, %dma_start3A_81] : memref<8x128xi32, #tpu.memory_space<vmem>> -> memref<1x128xi32, #tpu.memory_space<vmem>>
    %dma_start3A_83 = tpu.memref_squeeze %dma_start3A_82 : memref<1x128xi32, #tpu.memory_space<vmem>> -> memref<128xi32, #tpu.memory_space<vmem>>
    %dma_start3A_84 = tpu.memref_slice %arg5[%multiple_of3A_70] : memref<327680xi32, #tpu.memory_space<hbm>> -> memref<128xi32, #tpu.memory_space<hbm>>
    %dma_start3A_85 = arith.constant 0 : i32
    %dma_start3A_86 = tpu.memref_slice %arg13[%dma_start3A_80, %dma_start3A_85] : memref<8x128xi32, #tpu.memory_space<vmem>> -> memref<1x128xi32, #tpu.memory_space<vmem>>
    %dma_start3A_87 = tpu.memref_squeeze %dma_start3A_86 : memref<1x128xi32, #tpu.memory_space<vmem>> -> memref<128xi32, #tpu.memory_space<vmem>>
    %dma_start3A_88 = tpu.memref_slice %arg5[%multiple_of3A_70] : memref<327680xi32, #tpu.memory_space<hbm>> -> memref<128xi32, #tpu.memory_space<hbm>>
    tpu.enqueue_dma source(%dma_start3A_88 : memref<128xi32, #tpu.memory_space<hbm>>) target(%dma_start3A_87 : memref<128xi32, #tpu.memory_space<vmem>>) target_semaphore(%arg20 : memref<!tpu.dma_semaphore, #tpu.memory_space<semaphore_mem>>)
    %add3A_89 = arith.constant 512 : i32
    %add3A_90 = arith.addi %mul3A_4, %add3A_89 : i32
    %multiple_of3A_91 = tpu.assume_multiple %add3A_90, 8 : i32
    %dma_start3A_92 = arith.constant 4 : i32
    %dma_start3A_93 = arith.constant 0 : i32
    %dma_start3A_94 = tpu.memref_slice %arg12[%dma_start3A_92, %dma_start3A_93] : memref<8x128xi32, #tpu.memory_space<vmem>> -> memref<1x128xi32, #tpu.memory_space<vmem>>
    %dma_start3A_95 = tpu.memref_squeeze %dma_start3A_94 : memref<1x128xi32, #tpu.memory_space<vmem>> -> memref<128xi32, #tpu.memory_space<vmem>>
    %dma_start3A_96 = tpu.memref_slice %arg4[%multiple_of3A_91] : memref<327680xi32, #tpu.memory_space<hbm>> -> memref<128xi32, #tpu.memory_space<hbm>>
    %dma_start3A_97 = arith.constant 0 : i32
    %dma_start3A_98 = tpu.memref_slice %arg12[%dma_start3A_92, %dma_start3A_97] : memref<8x128xi32, #tpu.memory_space<vmem>> -> memref<1x128xi32, #tpu.memory_space<vmem>>
    %dma_start3A_99 = tpu.memref_squeeze %dma_start3A_98 : memref<1x128xi32, #tpu.memory_space<vmem>> -> memref<128xi32, #tpu.memory_space<vmem>>
    %dma_start3A_100 = tpu.memref_slice %arg4[%multiple_of3A_91] : memref<327680xi32, #tpu.memory_space<hbm>> -> memref<128xi32, #tpu.memory_space<hbm>>
    tpu.enqueue_dma source(%dma_start3A_100 : memref<128xi32, #tpu.memory_space<hbm>>) target(%dma_start3A_99 : memref<128xi32, #tpu.memory_space<vmem>>) target_semaphore(%arg21 : memref<!tpu.dma_semaphore, #tpu.memory_space<semaphore_mem>>)
    %dma_start3A_101 = arith.constant 4 : i32
    %dma_start3A_102 = arith.constant 0 : i32
    %dma_start3A_103 = tpu.memref_slice %arg13[%dma_start3A_101, %dma_start3A_102] : memref<8x128xi32, #tpu.memory_space<vmem>> -> memref<1x128xi32, #tpu.memory_space<vmem>>
    %dma_start3A_104 = tpu.memref_squeeze %dma_start3A_103 : memref<1x128xi32, #tpu.memory_space<vmem>> -> memref<128xi32, #tpu.memory_space<vmem>>
    %dma_start3A_105 = tpu.memref_slice %arg5[%multiple_of3A_91] : memref<327680xi32, #tpu.memory_space<hbm>> -> memref<128xi32, #tpu.memory_space<hbm>>
    %dma_start3A_106 = arith.constant 0 : i32
    %dma_start3A_107 = tpu.memref_slice %arg13[%dma_start3A_101, %dma_start3A_106] : memref<8x128xi32, #tpu.memory_space<vmem>> -> memref<1x128xi32, #tpu.memory_space<vmem>>
    %dma_start3A_108 = tpu.memref_squeeze %dma_start3A_107 : memref<1x128xi32, #tpu.memory_space<vmem>> -> memref<128xi32, #tpu.memory_space<vmem>>
    %dma_start3A_109 = tpu.memref_slice %arg5[%multiple_of3A_91] : memref<327680xi32, #tpu.memory_space<hbm>> -> memref<128xi32, #tpu.memory_space<hbm>>
    tpu.enqueue_dma source(%dma_start3A_109 : memref<128xi32, #tpu.memory_space<hbm>>) target(%dma_start3A_108 : memref<128xi32, #tpu.memory_space<vmem>>) target_semaphore(%arg21 : memref<!tpu.dma_semaphore, #tpu.memory_space<semaphore_mem>>)
    %add3A_110 = arith.constant 640 : i32
    %add3A_111 = arith.addi %mul3A_4, %add3A_110 : i32
    %multiple_of3A_112 = tpu.assume_multiple %add3A_111, 8 : i32
    %dma_start3A_113 = arith.constant 5 : i32
    %dma_start3A_114 = arith.constant 0 : i32
    %dma_start3A_115 = tpu.memref_slice %arg12[%dma_start3A_113, %dma_start3A_114] : memref<8x128xi32, #tpu.memory_space<vmem>> -> memref<1x128xi32, #tpu.memory_space<vmem>>
    %dma_start3A_116 = tpu.memref_squeeze %dma_start3A_115 : memref<1x128xi32, #tpu.memory_space<vmem>> -> memref<128xi32, #tpu.memory_space<vmem>>
    %dma_start3A_117 = tpu.memref_slice %arg4[%multiple_of3A_112] : memref<327680xi32, #tpu.memory_space<hbm>> -> memref<128xi32, #tpu.memory_space<hbm>>
    %dma_start3A_118 = arith.constant 0 : i32
    %dma_start3A_119 = tpu.memref_slice %arg12[%dma_start3A_113, %dma_start3A_118] : memref<8x128xi32, #tpu.memory_space<vmem>> -> memref<1x128xi32, #tpu.memory_space<vmem>>
    %dma_start3A_120 = tpu.memref_squeeze %dma_start3A_119 : memref<1x128xi32, #tpu.memory_space<vmem>> -> memref<128xi32, #tpu.memory_space<vmem>>
    %dma_start3A_121 = tpu.memref_slice %arg4[%multiple_of3A_112] : memref<327680xi32, #tpu.memory_space<hbm>> -> memref<128xi32, #tpu.memory_space<hbm>>
    tpu.enqueue_dma source(%dma_start3A_121 : memref<128xi32, #tpu.memory_space<hbm>>) target(%dma_start3A_120 : memref<128xi32, #tpu.memory_space<vmem>>) target_semaphore(%arg22 : memref<!tpu.dma_semaphore, #tpu.memory_space<semaphore_mem>>)
    %dma_start3A_122 = arith.constant 5 : i32
    %dma_start3A_123 = arith.constant 0 : i32
    %dma_start3A_124 = tpu.memref_slice %arg13[%dma_start3A_122, %dma_start3A_123] : memref<8x128xi32, #tpu.memory_space<vmem>> -> memref<1x128xi32, #tpu.memory_space<vmem>>
    %dma_start3A_125 = tpu.memref_squeeze %dma_start3A_124 : memref<1x128xi32, #tpu.memory_space<vmem>> -> memref<128xi32, #tpu.memory_space<vmem>>
    %dma_start3A_126 = tpu.memref_slice %arg5[%multiple_of3A_112] : memref<327680xi32, #tpu.memory_space<hbm>> -> memref<128xi32, #tpu.memory_space<hbm>>
    %dma_start3A_127 = arith.constant 0 : i32
    %dma_start3A_128 = tpu.memref_slice %arg13[%dma_start3A_122, %dma_start3A_127] : memref<8x128xi32, #tpu.memory_space<vmem>> -> memref<1x128xi32, #tpu.memory_space<vmem>>
    %dma_start3A_129 = tpu.memref_squeeze %dma_start3A_128 : memref<1x128xi32, #tpu.memory_space<vmem>> -> memref<128xi32, #tpu.memory_space<vmem>>
    %dma_start3A_130 = tpu.memref_slice %arg5[%multiple_of3A_112] : memref<327680xi32, #tpu.memory_space<hbm>> -> memref<128xi32, #tpu.memory_space<hbm>>
    tpu.enqueue_dma source(%dma_start3A_130 : memref<128xi32, #tpu.memory_space<hbm>>) target(%dma_start3A_129 : memref<128xi32, #tpu.memory_space<vmem>>) target_semaphore(%arg22 : memref<!tpu.dma_semaphore, #tpu.memory_space<semaphore_mem>>)
    %dma_wait3A = arith.constant 0 : i32
    %dma_wait3A_131 = arith.constant 0 : i32
    %dma_wait3A_132 = tpu.memref_slice %arg12[%dma_wait3A, %dma_wait3A_131] : memref<8x128xi32, #tpu.memory_space<vmem>> -> memref<1x128xi32, #tpu.memory_space<vmem>>
    %dma_wait3A_133 = tpu.memref_squeeze %dma_wait3A_132 : memref<1x128xi32, #tpu.memory_space<vmem>> -> memref<128xi32, #tpu.memory_space<vmem>>
    %dma_wait3A_134 = arith.constant 0 : i32
    %dma_wait3A_135 = tpu.memref_slice %arg4[%dma_wait3A_134] : memref<327680xi32, #tpu.memory_space<hbm>> -> memref<128xi32, #tpu.memory_space<hbm>>
    %dma_wait3A_136 = arith.constant 0 : i32
    %dma_wait3A_137 = tpu.memref_slice %arg12[%dma_wait3A, %dma_wait3A_136] : memref<8x128xi32, #tpu.memory_space<vmem>> -> memref<1x128xi32, #tpu.memory_space<vmem>>
    %dma_wait3A_138 = tpu.memref_squeeze %dma_wait3A_137 : memref<1x128xi32, #tpu.memory_space<vmem>> -> memref<128xi32, #tpu.memory_space<vmem>>
    %dma_wait3A_139 = arith.constant 0 : i32
    %dma_wait3A_140 = tpu.memref_slice %arg4[%dma_wait3A_139] : memref<327680xi32, #tpu.memory_space<hbm>> -> memref<128xi32, #tpu.memory_space<hbm>>
    tpu.wait_dma2 semaphore(%arg17 : memref<!tpu.dma_semaphore, #tpu.memory_space<semaphore_mem>>) src(%dma_wait3A_140 : memref<128xi32, #tpu.memory_space<hbm>>) dst(%dma_wait3A_138 : memref<128xi32, #tpu.memory_space<vmem>>)
    %dma_wait3A_141 = arith.constant 0 : i32
    %dma_wait3A_142 = arith.constant 0 : i32
    %dma_wait3A_143 = tpu.memref_slice %arg13[%dma_wait3A_141, %dma_wait3A_142] : memref<8x128xi32, #tpu.memory_space<vmem>> -> memref<1x128xi32, #tpu.memory_space<vmem>>
    %dma_wait3A_144 = tpu.memref_squeeze %dma_wait3A_143 : memref<1x128xi32, #tpu.memory_space<vmem>> -> memref<128xi32, #tpu.memory_space<vmem>>
    %dma_wait3A_145 = arith.constant 0 : i32
    %dma_wait3A_146 = tpu.memref_slice %arg4[%dma_wait3A_145] : memref<327680xi32, #tpu.memory_space<hbm>> -> memref<128xi32, #tpu.memory_space<hbm>>
    %dma_wait3A_147 = arith.constant 0 : i32
    %dma_wait3A_148 = tpu.memref_slice %arg13[%dma_wait3A_141, %dma_wait3A_147] : memref<8x128xi32, #tpu.memory_space<vmem>> -> memref<1x128xi32, #tpu.memory_space<vmem>>
    %dma_wait3A_149 = tpu.memref_squeeze %dma_wait3A_148 : memref<1x128xi32, #tpu.memory_space<vmem>> -> memref<128xi32, #tpu.memory_space<vmem>>
    %dma_wait3A_150 = arith.constant 0 : i32
    %dma_wait3A_151 = tpu.memref_slice %arg4[%dma_wait3A_150] : memref<327680xi32, #tpu.memory_space<hbm>> -> memref<128xi32, #tpu.memory_space<hbm>>
    tpu.wait_dma2 semaphore(%arg17 : memref<!tpu.dma_semaphore, #tpu.memory_space<semaphore_mem>>) src(%dma_wait3A_151 : memref<128xi32, #tpu.memory_space<hbm>>) dst(%dma_wait3A_149 : memref<128xi32, #tpu.memory_space<vmem>>)
    %dma_start3A_152 = arith.constant 0 : i32
    %dma_start3A_153 = arith.constant 0 : i32
    %dma_start3A_154 = arith.constant 0 : i32
    %dma_start3A_155 = arith.constant 0 : i32
    %dma_start3A_156 = tpu.memref_slice %arg14[%dma_start3A_153, %dma_start3A_154, %dma_start3A_155] : memref<2x128x128xf32, #tpu.memory_space<vmem>> -> memref<1x128x128xf32, #tpu.memory_space<vmem>>
    %dma_start3A_157 = tpu.memref_squeeze %dma_start3A_156 : memref<1x128x128xf32, #tpu.memory_space<vmem>> -> memref<128x128xf32, #tpu.memory_space<vmem>>
    %dma_start3A_158 = arith.constant 0 : i32
    %dma_start3A_159 = tpu.memref_slice %arg12[%dma_start3A_152, %dma_start3A_158] : memref<8x128xi32, #tpu.memory_space<vmem>> -> memref<1x128xi32, #tpu.memory_space<vmem>>
    %dma_start3A_160 = tpu.memref_squeeze %dma_start3A_159 : memref<1x128xi32, #tpu.memory_space<vmem>> -> memref<128xi32, #tpu.memory_space<vmem>>
    %dma_start3A_161 = arith.constant 0 : i32
    %dma_start3A_162 = arith.constant 0 : i32
    %dma_start3A_163 = tpu.memref_slice %arg2[%dma_start3A_161, %dma_start3A_162] : memref<10000x128xf32, #tpu.memory_space<hbm>> -> memref<10000x128xf32, #tpu.memory_space<hbm>>
    tpu.enqueue_indirect_dma source(%dma_start3A_163 : memref<10000x128xf32, #tpu.memory_space<hbm>>) target(%dma_start3A_157 : memref<128x128xf32, #tpu.memory_space<vmem>>) offsets(%dma_start3A_160 : memref<128xi32, #tpu.memory_space<vmem>>) semaphore(%arg25 : memref<!tpu.dma_semaphore, #tpu.memory_space<semaphore_mem>>)
    %dma_wait3A_164 = arith.constant 1 : i32
    %dma_wait3A_165 = arith.constant 0 : i32
    %dma_wait3A_166 = tpu.memref_slice %arg12[%dma_wait3A_164, %dma_wait3A_165] : memref<8x128xi32, #tpu.memory_space<vmem>> -> memref<1x128xi32, #tpu.memory_space<vmem>>
    %dma_wait3A_167 = tpu.memref_squeeze %dma_wait3A_166 : memref<1x128xi32, #tpu.memory_space<vmem>> -> memref<128xi32, #tpu.memory_space<vmem>>
    %dma_wait3A_168 = arith.constant 0 : i32
    %dma_wait3A_169 = tpu.memref_slice %arg4[%dma_wait3A_168] : memref<327680xi32, #tpu.memory_space<hbm>> -> memref<128xi32, #tpu.memory_space<hbm>>
    %dma_wait3A_170 = arith.constant 0 : i32
    %dma_wait3A_171 = tpu.memref_slice %arg12[%dma_wait3A_164, %dma_wait3A_170] : memref<8x128xi32, #tpu.memory_space<vmem>> -> memref<1x128xi32, #tpu.memory_space<vmem>>
    %dma_wait3A_172 = tpu.memref_squeeze %dma_wait3A_171 : memref<1x128xi32, #tpu.memory_space<vmem>> -> memref<128xi32, #tpu.memory_space<vmem>>
    %dma_wait3A_173 = arith.constant 0 : i32
    %dma_wait3A_174 = tpu.memref_slice %arg4[%dma_wait3A_173] : memref<327680xi32, #tpu.memory_space<hbm>> -> memref<128xi32, #tpu.memory_space<hbm>>
    tpu.wait_dma2 semaphore(%arg18 : memref<!tpu.dma_semaphore, #tpu.memory_space<semaphore_mem>>) src(%dma_wait3A_174 : memref<128xi32, #tpu.memory_space<hbm>>) dst(%dma_wait3A_172 : memref<128xi32, #tpu.memory_space<vmem>>)
    %dma_wait3A_175 = arith.constant 1 : i32
    %dma_wait3A_176 = arith.constant 0 : i32
    %dma_wait3A_177 = tpu.memref_slice %arg13[%dma_wait3A_175, %dma_wait3A_176] : memref<8x128xi32, #tpu.memory_space<vmem>> -> memref<1x128xi32, #tpu.memory_space<vmem>>
    %dma_wait3A_178 = tpu.memref_squeeze %dma_wait3A_177 : memref<1x128xi32, #tpu.memory_space<vmem>> -> memref<128xi32, #tpu.memory_space<vmem>>
    %dma_wait3A_179 = arith.constant 0 : i32
    %dma_wait3A_180 = tpu.memref_slice %arg4[%dma_wait3A_179] : memref<327680xi32, #tpu.memory_space<hbm>> -> memref<128xi32, #tpu.memory_space<hbm>>
    %dma_wait3A_181 = arith.constant 0 : i32
    %dma_wait3A_182 = tpu.memref_slice %arg13[%dma_wait3A_175, %dma_wait3A_181] : memref<8x128xi32, #tpu.memory_space<vmem>> -> memref<1x128xi32, #tpu.memory_space<vmem>>
    %dma_wait3A_183 = tpu.memref_squeeze %dma_wait3A_182 : memref<1x128xi32, #tpu.memory_space<vmem>> -> memref<128xi32, #tpu.memory_space<vmem>>
    %dma_wait3A_184 = arith.constant 0 : i32
    %dma_wait3A_185 = tpu.memref_slice %arg4[%dma_wait3A_184] : memref<327680xi32, #tpu.memory_space<hbm>> -> memref<128xi32, #tpu.memory_space<hbm>>
    tpu.wait_dma2 semaphore(%arg18 : memref<!tpu.dma_semaphore, #tpu.memory_space<semaphore_mem>>) src(%dma_wait3A_185 : memref<128xi32, #tpu.memory_space<hbm>>) dst(%dma_wait3A_183 : memref<128xi32, #tpu.memory_space<vmem>>)
    %dma_start3A_186 = arith.constant 1 : i32
    %dma_start3A_187 = arith.constant 1 : i32
    %dma_start3A_188 = arith.constant 0 : i32
    %dma_start3A_189 = arith.constant 0 : i32
    %dma_start3A_190 = tpu.memref_slice %arg14[%dma_start3A_187, %dma_start3A_188, %dma_start3A_189] : memref<2x128x128xf32, #tpu.memory_space<vmem>> -> memref<1x128x128xf32, #tpu.memory_space<vmem>>
    %dma_start3A_191 = tpu.memref_squeeze %dma_start3A_190 : memref<1x128x128xf32, #tpu.memory_space<vmem>> -> memref<128x128xf32, #tpu.memory_space<vmem>>
    %dma_start3A_192 = arith.constant 0 : i32
    %dma_start3A_193 = tpu.memref_slice %arg12[%dma_start3A_186, %dma_start3A_192] : memref<8x128xi32, #tpu.memory_space<vmem>> -> memref<1x128xi32, #tpu.memory_space<vmem>>
    %dma_start3A_194 = tpu.memref_squeeze %dma_start3A_193 : memref<1x128xi32, #tpu.memory_space<vmem>> -> memref<128xi32, #tpu.memory_space<vmem>>
    %dma_start3A_195 = arith.constant 0 : i32
    %dma_start3A_196 = arith.constant 0 : i32
    %dma_start3A_197 = tpu.memref_slice %arg2[%dma_start3A_195, %dma_start3A_196] : memref<10000x128xf32, #tpu.memory_space<hbm>> -> memref<10000x128xf32, #tpu.memory_space<hbm>>
    tpu.enqueue_indirect_dma source(%dma_start3A_197 : memref<10000x128xf32, #tpu.memory_space<hbm>>) target(%dma_start3A_191 : memref<128x128xf32, #tpu.memory_space<vmem>>) offsets(%dma_start3A_194 : memref<128xi32, #tpu.memory_space<vmem>>) semaphore(%arg26 : memref<!tpu.dma_semaphore, #tpu.memory_space<semaphore_mem>>)
    %scan3A = arith.constant 0 : i32
    %scan3A_198 = arith.constant 0 : i32
    %scan3A_199 = arith.constant 10 : i32
    %scan3A_200 = arith.addi %scan3A_198, %scan3A_199 : i32
    %scan3A_201 = arith.constant 1 : i32
    scf.for %scan3A_488 = %scan3A_198 to %scan3A_200 step %scan3A_201  : i32 {
      %mul3A_489 = arith.constant 8 : i32
      %mul3A_490 = arith.muli %mul3A_489, %scan3A_488 : i32
      %add3A_491 = arith.constant 0 : i32
      %add3A_492 = arith.addi %mul3A_490, %add3A_491 : i32
      %add3A_493 = arith.constant 6 : i32
      %add3A_494 = arith.addi %add3A_492, %add3A_493 : i32
      %lt3A = arith.constant 80 : i32
      %lt3A_495 = arith.cmpi slt, %add3A_494, %lt3A : i32
      %convert_element_type3A = arith.extui %lt3A_495 : i1 to i32
      %cond3A = arith.constant 0 : i32
      %cond3A_496 = arith.cmpi ne, %convert_element_type3A, %cond3A : i32
      scf.if %cond3A_496 {
        %add3A_1101 = arith.constant 6 : i32
        %add3A_1102 = arith.addi %add3A_492, %add3A_1101 : i32
        %mul3A_1103 = arith.constant 128 : i32
        %mul3A_1104 = arith.muli %add3A_1102, %mul3A_1103 : i32
        %add3A_1105 = arith.addi %mul3A_4, %mul3A_1104 : i32
        %multiple_of3A_1106 = tpu.assume_multiple %add3A_1105, 8 : i32
        %dma_start3A_1107 = arith.constant 6 : i32
        %dma_start3A_1108 = arith.constant 0 : i32
        %dma_start3A_1109 = tpu.memref_slice %arg12[%dma_start3A_1107, %dma_start3A_1108] : memref<8x128xi32, #tpu.memory_space<vmem>> -> memref<1x128xi32, #tpu.memory_space<vmem>>
        %dma_start3A_1110 = tpu.memref_squeeze %dma_start3A_1109 : memref<1x128xi32, #tpu.memory_space<vmem>> -> memref<128xi32, #tpu.memory_space<vmem>>
        %dma_start3A_1111 = tpu.memref_slice %arg4[%multiple_of3A_1106] : memref<327680xi32, #tpu.memory_space<hbm>> -> memref<128xi32, #tpu.memory_space<hbm>>
        %dma_start3A_1112 = arith.constant 0 : i32
        %dma_start3A_1113 = tpu.memref_slice %arg12[%dma_start3A_1107, %dma_start3A_1112] : memref<8x128xi32, #tpu.memory_space<vmem>> -> memref<1x128xi32, #tpu.memory_space<vmem>>
        %dma_start3A_1114 = tpu.memref_squeeze %dma_start3A_1113 : memref<1x128xi32, #tpu.memory_space<vmem>> -> memref<128xi32, #tpu.memory_space<vmem>>
        %dma_start3A_1115 = tpu.memref_slice %arg4[%multiple_of3A_1106] : memref<327680xi32, #tpu.memory_space<hbm>> -> memref<128xi32, #tpu.memory_space<hbm>>
        tpu.enqueue_dma source(%dma_start3A_1115 : memref<128xi32, #tpu.memory_space<hbm>>) target(%dma_start3A_1114 : memref<128xi32, #tpu.memory_space<vmem>>) target_semaphore(%arg23 : memref<!tpu.dma_semaphore, #tpu.memory_space<semaphore_mem>>)
        %dma_start3A_1116 = arith.constant 6 : i32
        %dma_start3A_1117 = arith.constant 0 : i32
        %dma_start3A_1118 = tpu.memref_slice %arg13[%dma_start3A_1116, %dma_start3A_1117] : memref<8x128xi32, #tpu.memory_space<vmem>> -> memref<1x128xi32, #tpu.memory_space<vmem>>
        %dma_start3A_1119 = tpu.memref_squeeze %dma_start3A_1118 : memref<1x128xi32, #tpu.memory_space<vmem>> -> memref<128xi32, #tpu.memory_space<vmem>>
        %dma_start3A_1120 = tpu.memref_slice %arg5[%multiple_of3A_1106] : memref<327680xi32, #tpu.memory_space<hbm>> -> memref<128xi32, #tpu.memory_space<hbm>>
        %dma_start3A_1121 = arith.constant 0 : i32
        %dma_start3A_1122 = tpu.memref_slice %arg13[%dma_start3A_1116, %dma_start3A_1121] : memref<8x128xi32, #tpu.memory_space<vmem>> -> memref<1x128xi32, #tpu.memory_space<vmem>>
        %dma_start3A_1123 = tpu.memref_squeeze %dma_start3A_1122 : memref<1x128xi32, #tpu.memory_space<vmem>> -> memref<128xi32, #tpu.memory_space<vmem>>
        %dma_start3A_1124 = tpu.memref_slice %arg5[%multiple_of3A_1106] : memref<327680xi32, #tpu.memory_space<hbm>> -> memref<128xi32, #tpu.memory_space<hbm>>
        tpu.enqueue_dma source(%dma_start3A_1124 : memref<128xi32, #tpu.memory_space<hbm>>) target(%dma_start3A_1123 : memref<128xi32, #tpu.memory_space<vmem>>) target_semaphore(%arg23 : memref<!tpu.dma_semaphore, #tpu.memory_space<semaphore_mem>>)
      } else {
      }
      %dma_wait3A_497 = arith.constant 0 : i32
      %dma_wait3A_498 = arith.constant 0 : i32
      %dma_wait3A_499 = arith.constant 0 : i32
      %dma_wait3A_500 = tpu.memref_slice %arg14[%dma_wait3A_497, %dma_wait3A_498, %dma_wait3A_499] : memref<2x128x128xf32, #tpu.memory_space<vmem>> -> memref<1x128x128xf32, #tpu.memory_space<vmem>>
      %dma_wait3A_501 = tpu.memref_squeeze %dma_wait3A_500 : memref<1x128x128xf32, #tpu.memory_space<vmem>> -> memref<128x128xf32, #tpu.memory_space<vmem>>
      %dma_wait3A_502 = arith.constant 0 : i32
      %dma_wait3A_503 = arith.constant 0 : i32
      %dma_wait3A_504 = tpu.memref_slice %arg2[%dma_wait3A_502, %dma_wait3A_503] : memref<10000x128xf32, #tpu.memory_space<hbm>> -> memref<128x128xf32, #tpu.memory_space<hbm>>
      %dma_wait3A_505 = arith.constant 0 : i32
      %dma_wait3A_506 = arith.constant 0 : i32
      %dma_wait3A_507 = tpu.memref_slice %arg14[%dma_wait3A_497, %dma_wait3A_505, %dma_wait3A_506] : memref<2x128x128xf32, #tpu.memory_space<vmem>> -> memref<1x128x128xf32, #tpu.memory_space<vmem>>
      %dma_wait3A_508 = tpu.memref_squeeze %dma_wait3A_507 : memref<1x128x128xf32, #tpu.memory_space<vmem>> -> memref<128x128xf32, #tpu.memory_space<vmem>>
      %dma_wait3A_509 = arith.constant 0 : i32
      %dma_wait3A_510 = arith.constant 0 : i32
      %dma_wait3A_511 = tpu.memref_slice %arg2[%dma_wait3A_509, %dma_wait3A_510] : memref<10000x128xf32, #tpu.memory_space<hbm>> -> memref<128x128xf32, #tpu.memory_space<hbm>>
      tpu.wait_dma2 semaphore(%arg25 : memref<!tpu.dma_semaphore, #tpu.memory_space<semaphore_mem>>) src(%dma_wait3A_511 : memref<128x128xf32, #tpu.memory_space<hbm>>) dst(%dma_wait3A_508 : memref<128x128xf32, #tpu.memory_space<vmem>>)
      %dma_start3A_512 = arith.constant 0 : i32
      %dma_start3A_513 = arith.constant 0 : i32
      %dma_start3A_514 = arith.constant 0 : i32
      %dma_start3A_515 = arith.constant 0 : i32
      %dma_start3A_516 = tpu.memref_slice %arg14[%dma_start3A_512, %dma_start3A_514, %dma_start3A_515] : memref<2x128x128xf32, #tpu.memory_space<vmem>> -> memref<1x128x128xf32, #tpu.memory_space<vmem>>
      %dma_start3A_517 = tpu.memref_squeeze %dma_start3A_516 : memref<1x128x128xf32, #tpu.memory_space<vmem>> -> memref<128x128xf32, #tpu.memory_space<vmem>>
      %dma_start3A_518 = arith.constant 0 : i32
      %dma_start3A_519 = tpu.memref_slice %arg13[%dma_start3A_513, %dma_start3A_518] : memref<8x128xi32, #tpu.memory_space<vmem>> -> memref<1x128xi32, #tpu.memory_space<vmem>>
      %dma_start3A_520 = tpu.memref_squeeze %dma_start3A_519 : memref<1x128xi32, #tpu.memory_space<vmem>> -> memref<128xi32, #tpu.memory_space<vmem>>
      %dma_start3A_521 = arith.constant 0 : i32
      %dma_start3A_522 = arith.constant 0 : i32
      %dma_start3A_523 = tpu.memref_slice %arg16[%dma_start3A_521, %dma_start3A_522] : memref<10240x128xf32, #tpu.memory_space<vmem_shared>> -> memref<10240x128xf32, #tpu.memory_space<vmem_shared>>
      tpu.enqueue_indirect_dma source(%dma_start3A_517 : memref<128x128xf32, #tpu.memory_space<vmem>>) target(%dma_start3A_523 : memref<10240x128xf32, #tpu.memory_space<vmem_shared>>) offsets(%dma_start3A_520 : memref<128xi32, #tpu.memory_space<vmem>>) semaphore(%arg27 : memref<!tpu.dma_semaphore, #tpu.memory_space<semaphore_mem>>) {add = true}
      %get3A = arith.constant 0 : i32
      %get3A_524 = arith.index_cast %get3A : i32 to index
      %get3A_525 = arith.constant 0 : index
      %get3A_526 = tpu.vector_load %arg13[%get3A_524, %get3A_525] {strides = array<i32>} : memref<8x128xi32, #tpu.memory_space<vmem>>, vector<16xi32>,
      tpu.vector_store_idx %arg15[%get3A_526], %broadcast_in_dim3A_5 {add = true} : memref<10240xf32, #tpu.memory_space<vmem>>[vector<16xi32>], vector<16xf32>,
      %get3A_527 = arith.constant 0 : i32
      %get3A_528 = arith.index_cast %get3A_527 : i32 to index
      %get3A_529 = arith.constant 16 : index
      %get3A_530 = tpu.vector_load %arg13[%get3A_528, %get3A_529] {strides = array<i32>} : memref<8x128xi32, #tpu.memory_space<vmem>>, vector<16xi32>,
      tpu.vector_store_idx %arg15[%get3A_530], %broadcast_in_dim3A_5 {add = true} : memref<10240xf32, #tpu.memory_space<vmem>>[vector<16xi32>], vector<16xf32>,
      %get3A_531 = arith.constant 0 : i32
      %get3A_532 = arith.index_cast %get3A_531 : i32 to index
      %get3A_533 = arith.constant 32 : index
      %get3A_534 = tpu.vector_load %arg13[%get3A_532, %get3A_533] {strides = array<i32>} : memref<8x128xi32, #tpu.memory_space<vmem>>, vector<16xi32>,
      tpu.vector_store_idx %arg15[%get3A_534], %broadcast_in_dim3A_5 {add = true} : memref<10240xf32, #tpu.memory_space<vmem>>[vector<16xi32>], vector<16xf32>,
      %get3A_535 = arith.constant 0 : i32
      %get3A_536 = arith.index_cast %get3A_535 : i32 to index
      %get3A_537 = arith.constant 48 : index
      %get3A_538 = tpu.vector_load %arg13[%get3A_536, %get3A_537] {strides = array<i32>} : memref<8x128xi32, #tpu.memory_space<vmem>>, vector<16xi32>,
      tpu.vector_store_idx %arg15[%get3A_538], %broadcast_in_dim3A_5 {add = true} : memref<10240xf32, #tpu.memory_space<vmem>>[vector<16xi32>], vector<16xf32>,
      %get3A_539 = arith.constant 0 : i32
      %get3A_540 = arith.index_cast %get3A_539 : i32 to index
      %get3A_541 = arith.constant 64 : index
      %get3A_542 = tpu.vector_load %arg13[%get3A_540, %get3A_541] {strides = array<i32>} : memref<8x128xi32, #tpu.memory_space<vmem>>, vector<16xi32>,
      tpu.vector_store_idx %arg15[%get3A_542], %broadcast_in_dim3A_5 {add = true} : memref<10240xf32, #tpu.memory_space<vmem>>[vector<16xi32>], vector<16xf32>,
      %get3A_543 = arith.constant 0 : i32
      %get3A_544 = arith.index_cast %get3A_543 : i32 to index
      %get3A_545 = arith.constant 80 : index
      %get3A_546 = tpu.vector_load %arg13[%get3A_544, %get3A_545] {strides = array<i32>} : memref<8x128xi32, #tpu.memory_space<vmem>>, vector<16xi32>,
      tpu.vector_store_idx %arg15[%get3A_546], %broadcast_in_dim3A_5 {add = true} : memref<10240xf32, #tpu.memory_space<vmem>>[vector<16xi32>], vector<16xf32>,
      %get3A_547 = arith.constant 0 : i32
      %get3A_548 = arith.index_cast %get3A_547 : i32 to index
      %get3A_549 = arith.constant 96 : index
      %get3A_550 = tpu.vector_load %arg13[%get3A_548, %get3A_549] {strides = array<i32>} : memref<8x128xi32, #tpu.memory_space<vmem>>, vector<16xi32>,
      tpu.vector_store_idx %arg15[%get3A_550], %broadcast_in_dim3A_5 {add = true} : memref<10240xf32, #tpu.memory_space<vmem>>[vector<16xi32>], vector<16xf32>,
      %get3A_551 = arith.constant 0 : i32
      %get3A_552 = arith.index_cast %get3A_551 : i32 to index
      %get3A_553 = arith.constant 112 : index
      %get3A_554 = tpu.vector_load %arg13[%get3A_552, %get3A_553] {strides = array<i32>} : memref<8x128xi32, #tpu.memory_space<vmem>>, vector<16xi32>,
      tpu.vector_store_idx %arg15[%get3A_554], %broadcast_in_dim3A_5 {add = true} : memref<10240xf32, #tpu.memory_space<vmem>>[vector<16xi32>], vector<16xf32>,
      %add3A_555 = arith.constant 2 : i32
      %add3A_556 = arith.addi %add3A_492, %add3A_555 : i32
      %lt3A_557 = arith.constant 80 : i32
      %lt3A_558 = arith.cmpi slt, %add3A_556, %lt3A_557 : i32
      %convert_element_type3A_559 = arith.extui %lt3A_558 : i1 to i32
      %cond3A_560 = arith.constant 0 : i32
      %cond3A_561 = arith.cmpi ne, %convert_element_type3A_559, %cond3A_560 : i32
      scf.if %cond3A_561 {
        %dma_wait3A_1101 = arith.constant 0 : i32
        %dma_wait3A_1102 = arith.constant 0 : i32
        %dma_wait3A_1103 = arith.constant 0 : i32
        %dma_wait3A_1104 = tpu.memref_slice %arg14[%dma_wait3A_1101, %dma_wait3A_1102, %dma_wait3A_1103] : memref<2x128x128xf32, #tpu.memory_space<vmem>> -> memref<1x128x128xf32, #tpu.memory_space<vmem>>
        %dma_wait3A_1105 = tpu.memref_squeeze %dma_wait3A_1104 : memref<1x128x128xf32, #tpu.memory_space<vmem>> -> memref<128x128xf32, #tpu.memory_space<vmem>>
        %dma_wait3A_1106 = arith.constant 0 : i32
        %dma_wait3A_1107 = arith.constant 0 : i32
        %dma_wait3A_1108 = tpu.memref_slice %arg2[%dma_wait3A_1106, %dma_wait3A_1107] : memref<10000x128xf32, #tpu.memory_space<hbm>> -> memref<128x128xf32, #tpu.memory_space<hbm>>
        %dma_wait3A_1109 = arith.constant 0 : i32
        %dma_wait3A_1110 = arith.constant 0 : i32
        %dma_wait3A_1111 = tpu.memref_slice %arg14[%dma_wait3A_1101, %dma_wait3A_1109, %dma_wait3A_1110] : memref<2x128x128xf32, #tpu.memory_space<vmem>> -> memref<1x128x128xf32, #tpu.memory_space<vmem>>
        %dma_wait3A_1112 = tpu.memref_squeeze %dma_wait3A_1111 : memref<1x128x128xf32, #tpu.memory_space<vmem>> -> memref<128x128xf32, #tpu.memory_space<vmem>>
        %dma_wait3A_1113 = arith.constant 0 : i32
        %dma_wait3A_1114 = arith.constant 0 : i32
        %dma_wait3A_1115 = tpu.memref_slice %arg2[%dma_wait3A_1113, %dma_wait3A_1114] : memref<10000x128xf32, #tpu.memory_space<hbm>> -> memref<128x128xf32, #tpu.memory_space<hbm>>
        tpu.wait_dma2 semaphore(%arg27 : memref<!tpu.dma_semaphore, #tpu.memory_space<semaphore_mem>>) src(%dma_wait3A_1115 : memref<128x128xf32, #tpu.memory_space<hbm>>) dst(%dma_wait3A_1112 : memref<128x128xf32, #tpu.memory_space<vmem>>)
        %dma_wait3A_1116 = arith.constant 2 : i32
        %dma_wait3A_1117 = arith.constant 0 : i32
        %dma_wait3A_1118 = tpu.memref_slice %arg12[%dma_wait3A_1116, %dma_wait3A_1117] : memref<8x128xi32, #tpu.memory_space<vmem>> -> memref<1x128xi32, #tpu.memory_space<vmem>>
        %dma_wait3A_1119 = tpu.memref_squeeze %dma_wait3A_1118 : memref<1x128xi32, #tpu.memory_space<vmem>> -> memref<128xi32, #tpu.memory_space<vmem>>
        %dma_wait3A_1120 = arith.constant 0 : i32
        %dma_wait3A_1121 = tpu.memref_slice %arg4[%dma_wait3A_1120] : memref<327680xi32, #tpu.memory_space<hbm>> -> memref<128xi32, #tpu.memory_space<hbm>>
        %dma_wait3A_1122 = arith.constant 0 : i32
        %dma_wait3A_1123 = tpu.memref_slice %arg12[%dma_wait3A_1116, %dma_wait3A_1122] : memref<8x128xi32, #tpu.memory_space<vmem>> -> memref<1x128xi32, #tpu.memory_space<vmem>>
        %dma_wait3A_1124 = tpu.memref_squeeze %dma_wait3A_1123 : memref<1x128xi32, #tpu.memory_space<vmem>> -> memref<128xi32, #tpu.memory_space<vmem>>
        %dma_wait3A_1125 = arith.constant 0 : i32
        %dma_wait3A_1126 = tpu.memref_slice %arg4[%dma_wait3A_1125] : memref<327680xi32, #tpu.memory_space<hbm>> -> memref<128xi32, #tpu.memory_space<hbm>>
        tpu.wait_dma2 semaphore(%arg19 : memref<!tpu.dma_semaphore, #tpu.memory_space<semaphore_mem>>) src(%dma_wait3A_1126 : memref<128xi32, #tpu.memory_space<hbm>>) dst(%dma_wait3A_1124 : memref<128xi32, #tpu.memory_space<vmem>>)
        %dma_wait3A_1127 = arith.constant 2 : i32
        %dma_wait3A_1128 = arith.constant 0 : i32
        %dma_wait3A_1129 = tpu.memref_slice %arg13[%dma_wait3A_1127, %dma_wait3A_1128] : memref<8x128xi32, #tpu.memory_space<vmem>> -> memref<1x128xi32, #tpu.memory_space<vmem>>
        %dma_wait3A_1130 = tpu.memref_squeeze %dma_wait3A_1129 : memref<1x128xi32, #tpu.memory_space<vmem>> -> memref<128xi32, #tpu.memory_space<vmem>>
        %dma_wait3A_1131 = arith.constant 0 : i32
        %dma_wait3A_1132 = tpu.memref_slice %arg4[%dma_wait3A_1131] : memref<327680xi32, #tpu.memory_space<hbm>> -> memref<128xi32, #tpu.memory_space<hbm>>
        %dma_wait3A_1133 = arith.constant 0 : i32
        %dma_wait3A_1134 = tpu.memref_slice %arg13[%dma_wait3A_1127, %dma_wait3A_1133] : memref<8x128xi32, #tpu.memory_space<vmem>> -> memref<1x128xi32, #tpu.memory_space<vmem>>
        %dma_wait3A_1135 = tpu.memref_squeeze %dma_wait3A_1134 : memref<1x128xi32, #tpu.memory_space<vmem>> -> memref<128xi32, #tpu.memory_space<vmem>>
        %dma_wait3A_1136 = arith.constant 0 : i32
        %dma_wait3A_1137 = tpu.memref_slice %arg4[%dma_wait3A_1136] : memref<327680xi32, #tpu.memory_space<hbm>> -> memref<128xi32, #tpu.memory_space<hbm>>
        tpu.wait_dma2 semaphore(%arg19 : memref<!tpu.dma_semaphore, #tpu.memory_space<semaphore_mem>>) src(%dma_wait3A_1137 : memref<128xi32, #tpu.memory_space<hbm>>) dst(%dma_wait3A_1135 : memref<128xi32, #tpu.memory_space<vmem>>)
        %dma_start3A_1138 = arith.constant 2 : i32
        %dma_start3A_1139 = arith.constant 0 : i32
        %dma_start3A_1140 = arith.constant 0 : i32
        %dma_start3A_1141 = arith.constant 0 : i32
        %dma_start3A_1142 = tpu.memref_slice %arg14[%dma_start3A_1139, %dma_start3A_1140, %dma_start3A_1141] : memref<2x128x128xf32, #tpu.memory_space<vmem>> -> memref<1x128x128xf32, #tpu.memory_space<vmem>>
        %dma_start3A_1143 = tpu.memref_squeeze %dma_start3A_1142 : memref<1x128x128xf32, #tpu.memory_space<vmem>> -> memref<128x128xf32, #tpu.memory_space<vmem>>
        %dma_start3A_1144 = arith.constant 0 : i32
        %dma_start3A_1145 = tpu.memref_slice %arg12[%dma_start3A_1138, %dma_start3A_1144] : memref<8x128xi32, #tpu.memory_space<vmem>> -> memref<1x128xi32, #tpu.memory_space<vmem>>
        %dma_start3A_1146 = tpu.memref_squeeze %dma_start3A_1145 : memref<1x128xi32, #tpu.memory_space<vmem>> -> memref<128xi32, #tpu.memory_space<vmem>>
        %dma_start3A_1147 = arith.constant 0 : i32
        %dma_start3A_1148 = arith.constant 0 : i32
        %dma_start3A_1149 = tpu.memref_slice %arg2[%dma_start3A_1147, %dma_start3A_1148] : memref<10000x128xf32, #tpu.memory_space<hbm>> -> memref<10000x128xf32, #tpu.memory_space<hbm>>
        tpu.enqueue_indirect_dma source(%dma_start3A_1149 : memref<10000x128xf32, #tpu.memory_space<hbm>>) target(%dma_start3A_1143 : memref<128x128xf32, #tpu.memory_space<vmem>>) offsets(%dma_start3A_1146 : memref<128xi32, #tpu.memory_space<vmem>>) semaphore(%arg25 : memref<!tpu.dma_semaphore, #tpu.memory_space<semaphore_mem>>)
      } else {
      }
      %mul3A_562 = arith.constant 8 : i32
      %mul3A_563 = arith.muli %mul3A_562, %scan3A_488 : i32
      %add3A_564 = arith.constant 1 : i32
      %add3A_565 = arith.addi %mul3A_563, %add3A_564 : i32
      %add3A_566 = arith.constant 6 : i32
      %add3A_567 = arith.addi %add3A_565, %add3A_566 : i32
      %lt3A_568 = arith.constant 80 : i32
      %lt3A_569 = arith.cmpi slt, %add3A_567, %lt3A_568 : i32
      %convert_element_type3A_570 = arith.extui %lt3A_569 : i1 to i32
      %cond3A_571 = arith.constant 0 : i32
      %cond3A_572 = arith.cmpi ne, %convert_element_type3A_570, %cond3A_571 : i32
      scf.if %cond3A_572 {
        %add3A_1101 = arith.constant 6 : i32
        %add3A_1102 = arith.addi %add3A_565, %add3A_1101 : i32
        %mul3A_1103 = arith.constant 128 : i32
        %mul3A_1104 = arith.muli %add3A_1102, %mul3A_1103 : i32
        %add3A_1105 = arith.addi %mul3A_4, %mul3A_1104 : i32
        %multiple_of3A_1106 = tpu.assume_multiple %add3A_1105, 8 : i32
        %dma_start3A_1107 = arith.constant 7 : i32
        %dma_start3A_1108 = arith.constant 0 : i32
        %dma_start3A_1109 = tpu.memref_slice %arg12[%dma_start3A_1107, %dma_start3A_1108] : memref<8x128xi32, #tpu.memory_space<vmem>> -> memref<1x128xi32, #tpu.memory_space<vmem>>
        %dma_start3A_1110 = tpu.memref_squeeze %dma_start3A_1109 : memref<1x128xi32, #tpu.memory_space<vmem>> -> memref<128xi32, #tpu.memory_space<vmem>>
        %dma_start3A_1111 = tpu.memref_slice %arg4[%multiple_of3A_1106] : memref<327680xi32, #tpu.memory_space<hbm>> -> memref<128xi32, #tpu.memory_space<hbm>>
        %dma_start3A_1112 = arith.constant 0 : i32
        %dma_start3A_1113 = tpu.memref_slice %arg12[%dma_start3A_1107, %dma_start3A_1112] : memref<8x128xi32, #tpu.memory_space<vmem>> -> memref<1x128xi32, #tpu.memory_space<vmem>>
        %dma_start3A_1114 = tpu.memref_squeeze %dma_start3A_1113 : memref<1x128xi32, #tpu.memory_space<vmem>> -> memref<128xi32, #tpu.memory_space<vmem>>
        %dma_start3A_1115 = tpu.memref_slice %arg4[%multiple_of3A_1106] : memref<327680xi32, #tpu.memory_space<hbm>> -> memref<128xi32, #tpu.memory_space<hbm>>
        tpu.enqueue_dma source(%dma_start3A_1115 : memref<128xi32, #tpu.memory_space<hbm>>) target(%dma_start3A_1114 : memref<128xi32, #tpu.memory_space<vmem>>) target_semaphore(%arg24 : memref<!tpu.dma_semaphore, #tpu.memory_space<semaphore_mem>>)
        %dma_start3A_1116 = arith.constant 7 : i32
        %dma_start3A_1117 = arith.constant 0 : i32
        %dma_start3A_1118 = tpu.memref_slice %arg13[%dma_start3A_1116, %dma_start3A_1117] : memref<8x128xi32, #tpu.memory_space<vmem>> -> memref<1x128xi32, #tpu.memory_space<vmem>>
        %dma_start3A_1119 = tpu.memref_squeeze %dma_start3A_1118 : memref<1x128xi32, #tpu.memory_space<vmem>> -> memref<128xi32, #tpu.memory_space<vmem>>
        %dma_start3A_1120 = tpu.memref_slice %arg5[%multiple_of3A_1106] : memref<327680xi32, #tpu.memory_space<hbm>> -> memref<128xi32, #tpu.memory_space<hbm>>
        %dma_start3A_1121 = arith.constant 0 : i32
        %dma_start3A_1122 = tpu.memref_slice %arg13[%dma_start3A_1116, %dma_start3A_1121] : memref<8x128xi32, #tpu.memory_space<vmem>> -> memref<1x128xi32, #tpu.memory_space<vmem>>
        %dma_start3A_1123 = tpu.memref_squeeze %dma_start3A_1122 : memref<1x128xi32, #tpu.memory_space<vmem>> -> memref<128xi32, #tpu.memory_space<vmem>>
        %dma_start3A_1124 = tpu.memref_slice %arg5[%multiple_of3A_1106] : memref<327680xi32, #tpu.memory_space<hbm>> -> memref<128xi32, #tpu.memory_space<hbm>>
        tpu.enqueue_dma source(%dma_start3A_1124 : memref<128xi32, #tpu.memory_space<hbm>>) target(%dma_start3A_1123 : memref<128xi32, #tpu.memory_space<vmem>>) target_semaphore(%arg24 : memref<!tpu.dma_semaphore, #tpu.memory_space<semaphore_mem>>)
      } else {
      }
      %dma_wait3A_573 = arith.constant 1 : i32
      %dma_wait3A_574 = arith.constant 0 : i32
      %dma_wait3A_575 = arith.constant 0 : i32
      %dma_wait3A_576 = tpu.memref_slice %arg14[%dma_wait3A_573, %dma_wait3A_574, %dma_wait3A_575] : memref<2x128x128xf32, #tpu.memory_space<vmem>> -> memref<1x128x128xf32, #tpu.memory_space<vmem>>
      %dma_wait3A_577 = tpu.memref_squeeze %dma_wait3A_576 : memref<1x128x128xf32, #tpu.memory_space<vmem>> -> memref<128x128xf32, #tpu.memory_space<vmem>>
      %dma_wait3A_578 = arith.constant 0 : i32
      %dma_wait3A_579 = arith.constant 0 : i32
      %dma_wait3A_580 = tpu.memref_slice %arg2[%dma_wait3A_578, %dma_wait3A_579] : memref<10000x128xf32, #tpu.memory_space<hbm>> -> memref<128x128xf32, #tpu.memory_space<hbm>>
      %dma_wait3A_581 = arith.constant 0 : i32
      %dma_wait3A_582 = arith.constant 0 : i32
      %dma_wait3A_583 = tpu.memref_slice %arg14[%dma_wait3A_573, %dma_wait3A_581, %dma_wait3A_582] : memref<2x128x128xf32, #tpu.memory_space<vmem>> -> memref<1x128x128xf32, #tpu.memory_space<vmem>>
      %dma_wait3A_584 = tpu.memref_squeeze %dma_wait3A_583 : memref<1x128x128xf32, #tpu.memory_space<vmem>> -> memref<128x128xf32, #tpu.memory_space<vmem>>
      %dma_wait3A_585 = arith.constant 0 : i32
      %dma_wait3A_586 = arith.constant 0 : i32
      %dma_wait3A_587 = tpu.memref_slice %arg2[%dma_wait3A_585, %dma_wait3A_586] : memref<10000x128xf32, #tpu.memory_space<hbm>> -> memref<128x128xf32, #tpu.memory_space<hbm>>
      tpu.wait_dma2 semaphore(%arg26 : memref<!tpu.dma_semaphore, #tpu.memory_space<semaphore_mem>>) src(%dma_wait3A_587 : memref<128x128xf32, #tpu.memory_space<hbm>>) dst(%dma_wait3A_584 : memref<128x128xf32, #tpu.memory_space<vmem>>)
      %dma_start3A_588 = arith.constant 1 : i32
      %dma_start3A_589 = arith.constant 1 : i32
      %dma_start3A_590 = arith.constant 0 : i32
      %dma_start3A_591 = arith.constant 0 : i32
      %dma_start3A_592 = tpu.memref_slice %arg14[%dma_start3A_588, %dma_start3A_590, %dma_start3A_591] : memref<2x128x128xf32, #tpu.memory_space<vmem>> -> memref<1x128x128xf32, #tpu.memory_space<vmem>>
      %dma_start3A_593 = tpu.memref_squeeze %dma_start3A_592 : memref<1x128x128xf32, #tpu.memory_space<vmem>> -> memref<128x128xf32, #tpu.memory_space<vmem>>
      %dma_start3A_594 = arith.constant 0 : i32
      %dma_start3A_595 = tpu.memref_slice %arg13[%dma_start3A_589, %dma_start3A_594] : memref<8x128xi32, #tpu.memory_space<vmem>> -> memref<1x128xi32, #tpu.memory_space<vmem>>
      %dma_start3A_596 = tpu.memref_squeeze %dma_start3A_595 : memref<1x128xi32, #tpu.memory_space<vmem>> -> memref<128xi32, #tpu.memory_space<vmem>>
      %dma_start3A_597 = arith.constant 0 : i32
      %dma_start3A_598 = arith.constant 0 : i32
      %dma_start3A_599 = tpu.memref_slice %arg16[%dma_start3A_597, %dma_start3A_598] : memref<10240x128xf32, #tpu.memory_space<vmem_shared>> -> memref<10240x128xf32, #tpu.memory_space<vmem_shared>>
      tpu.enqueue_indirect_dma source(%dma_start3A_593 : memref<128x128xf32, #tpu.memory_space<vmem>>) target(%dma_start3A_599 : memref<10240x128xf32, #tpu.memory_space<vmem_shared>>) offsets(%dma_start3A_596 : memref<128xi32, #tpu.memory_space<vmem>>) semaphore(%arg28 : memref<!tpu.dma_semaphore, #tpu.memory_space<semaphore_mem>>) {add = true}
      %get3A_600 = arith.constant 1 : i32
      %get3A_601 = arith.index_cast %get3A_600 : i32 to index
      %get3A_602 = arith.constant 0 : index
      %get3A_603 = tpu.vector_load %arg13[%get3A_601, %get3A_602] {strides = array<i32>} : memref<8x128xi32, #tpu.memory_space<vmem>>, vector<16xi32>,
      tpu.vector_store_idx %arg15[%get3A_603], %broadcast_in_dim3A_5 {add = true} : memref<10240xf32, #tpu.memory_space<vmem>>[vector<16xi32>], vector<16xf32>,
      %get3A_604 = arith.constant 1 : i32
      %get3A_605 = arith.index_cast %get3A_604 : i32 to index
      %get3A_606 = arith.constant 16 : index
      %get3A_607 = tpu.vector_load %arg13[%get3A_605, %get3A_606] {strides = array<i32>} : memref<8x128xi32, #tpu.memory_space<vmem>>, vector<16xi32>,
      tpu.vector_store_idx %arg15[%get3A_607], %broadcast_in_dim3A_5 {add = true} : memref<10240xf32, #tpu.memory_space<vmem>>[vector<16xi32>], vector<16xf32>,
      %get3A_608 = arith.constant 1 : i32
      %get3A_609 = arith.index_cast %get3A_608 : i32 to index
      %get3A_610 = arith.constant 32 : index
      %get3A_611 = tpu.vector_load %arg13[%get3A_609, %get3A_610] {strides = array<i32>} : memref<8x128xi32, #tpu.memory_space<vmem>>, vector<16xi32>,
      tpu.vector_store_idx %arg15[%get3A_611], %broadcast_in_dim3A_5 {add = true} : memref<10240xf32, #tpu.memory_space<vmem>>[vector<16xi32>], vector<16xf32>,
      %get3A_612 = arith.constant 1 : i32
      %get3A_613 = arith.index_cast %get3A_612 : i32 to index
      %get3A_614 = arith.constant 48 : index
      %get3A_615 = tpu.vector_load %arg13[%get3A_613, %get3A_614] {strides = array<i32>} : memref<8x128xi32, #tpu.memory_space<vmem>>, vector<16xi32>,
      tpu.vector_store_idx %arg15[%get3A_615], %broadcast_in_dim3A_5 {add = true} : memref<10240xf32, #tpu.memory_space<vmem>>[vector<16xi32>], vector<16xf32>,
      %get3A_616 = arith.constant 1 : i32
      %get3A_617 = arith.index_cast %get3A_616 : i32 to index
      %get3A_618 = arith.constant 64 : index
      %get3A_619 = tpu.vector_load %arg13[%get3A_617, %get3A_618] {strides = array<i32>} : memref<8x128xi32, #tpu.memory_space<vmem>>, vector<16xi32>,
      tpu.vector_store_idx %arg15[%get3A_619], %broadcast_in_dim3A_5 {add = true} : memref<10240xf32, #tpu.memory_space<vmem>>[vector<16xi32>], vector<16xf32>,
      %get3A_620 = arith.constant 1 : i32
      %get3A_621 = arith.index_cast %get3A_620 : i32 to index
      %get3A_622 = arith.constant 80 : index
      %get3A_623 = tpu.vector_load %arg13[%get3A_621, %get3A_622] {strides = array<i32>} : memref<8x128xi32, #tpu.memory_space<vmem>>, vector<16xi32>,
      tpu.vector_store_idx %arg15[%get3A_623], %broadcast_in_dim3A_5 {add = true} : memref<10240xf32, #tpu.memory_space<vmem>>[vector<16xi32>], vector<16xf32>,
      %get3A_624 = arith.constant 1 : i32
      %get3A_625 = arith.index_cast %get3A_624 : i32 to index
      %get3A_626 = arith.constant 96 : index
      %get3A_627 = tpu.vector_load %arg13[%get3A_625, %get3A_626] {strides = array<i32>} : memref<8x128xi32, #tpu.memory_space<vmem>>, vector<16xi32>,
      tpu.vector_store_idx %arg15[%get3A_627], %broadcast_in_dim3A_5 {add = true} : memref<10240xf32, #tpu.memory_space<vmem>>[vector<16xi32>], vector<16xf32>,
      %get3A_628 = arith.constant 1 : i32
      %get3A_629 = arith.index_cast %get3A_628 : i32 to index
      %get3A_630 = arith.constant 112 : index
      %get3A_631 = tpu.vector_load %arg13[%get3A_629, %get3A_630] {strides = array<i32>} : memref<8x128xi32, #tpu.memory_space<vmem>>, vector<16xi32>,
      tpu.vector_store_idx %arg15[%get3A_631], %broadcast_in_dim3A_5 {add = true} : memref<10240xf32, #tpu.memory_space<vmem>>[vector<16xi32>], vector<16xf32>,
      %add3A_632 = arith.constant 2 : i32
      %add3A_633 = arith.addi %add3A_565, %add3A_632 : i32
      %lt3A_634 = arith.constant 80 : i32
      %lt3A_635 = arith.cmpi slt, %add3A_633, %lt3A_634 : i32
      %convert_element_type3A_636 = arith.extui %lt3A_635 : i1 to i32
      %cond3A_637 = arith.constant 0 : i32
      %cond3A_638 = arith.cmpi ne, %convert_element_type3A_636, %cond3A_637 : i32
      scf.if %cond3A_638 {
        %dma_wait3A_1101 = arith.constant 1 : i32
        %dma_wait3A_1102 = arith.constant 0 : i32
        %dma_wait3A_1103 = arith.constant 0 : i32
        %dma_wait3A_1104 = tpu.memref_slice %arg14[%dma_wait3A_1101, %dma_wait3A_1102, %dma_wait3A_1103] : memref<2x128x128xf32, #tpu.memory_space<vmem>> -> memref<1x128x128xf32, #tpu.memory_space<vmem>>
        %dma_wait3A_1105 = tpu.memref_squeeze %dma_wait3A_1104 : memref<1x128x128xf32, #tpu.memory_space<vmem>> -> memref<128x128xf32, #tpu.memory_space<vmem>>
        %dma_wait3A_1106 = arith.constant 0 : i32
        %dma_wait3A_1107 = arith.constant 0 : i32
        %dma_wait3A_1108 = tpu.memref_slice %arg2[%dma_wait3A_1106, %dma_wait3A_1107] : memref<10000x128xf32, #tpu.memory_space<hbm>> -> memref<128x128xf32, #tpu.memory_space<hbm>>
        %dma_wait3A_1109 = arith.constant 0 : i32
        %dma_wait3A_1110 = arith.constant 0 : i32
        %dma_wait3A_1111 = tpu.memref_slice %arg14[%dma_wait3A_1101, %dma_wait3A_1109, %dma_wait3A_1110] : memref<2x128x128xf32, #tpu.memory_space<vmem>> -> memref<1x128x128xf32, #tpu.memory_space<vmem>>
        %dma_wait3A_1112 = tpu.memref_squeeze %dma_wait3A_1111 : memref<1x128x128xf32, #tpu.memory_space<vmem>> -> memref<128x128xf32, #tpu.memory_space<vmem>>
        %dma_wait3A_1113 = arith.constant 0 : i32
        %dma_wait3A_1114 = arith.constant 0 : i32
        %dma_wait3A_1115 = tpu.memref_slice %arg2[%dma_wait3A_1113, %dma_wait3A_1114] : memref<10000x128xf32, #tpu.memory_space<hbm>> -> memref<128x128xf32, #tpu.memory_space<hbm>>
        tpu.wait_dma2 semaphore(%arg28 : memref<!tpu.dma_semaphore, #tpu.memory_space<semaphore_mem>>) src(%dma_wait3A_1115 : memref<128x128xf32, #tpu.memory_space<hbm>>) dst(%dma_wait3A_1112 : memref<128x128xf32, #tpu.memory_space<vmem>>)
        %dma_wait3A_1116 = arith.constant 3 : i32
        %dma_wait3A_1117 = arith.constant 0 : i32
        %dma_wait3A_1118 = tpu.memref_slice %arg12[%dma_wait3A_1116, %dma_wait3A_1117] : memref<8x128xi32, #tpu.memory_space<vmem>> -> memref<1x128xi32, #tpu.memory_space<vmem>>
        %dma_wait3A_1119 = tpu.memref_squeeze %dma_wait3A_1118 : memref<1x128xi32, #tpu.memory_space<vmem>> -> memref<128xi32, #tpu.memory_space<vmem>>
        %dma_wait3A_1120 = arith.constant 0 : i32
        %dma_wait3A_1121 = tpu.memref_slice %arg4[%dma_wait3A_1120] : memref<327680xi32, #tpu.memory_space<hbm>> -> memref<128xi32, #tpu.memory_space<hbm>>
        %dma_wait3A_1122 = arith.constant 0 : i32
        %dma_wait3A_1123 = tpu.memref_slice %arg12[%dma_wait3A_1116, %dma_wait3A_1122] : memref<8x128xi32, #tpu.memory_space<vmem>> -> memref<1x128xi32, #tpu.memory_space<vmem>>
        %dma_wait3A_1124 = tpu.memref_squeeze %dma_wait3A_1123 : memref<1x128xi32, #tpu.memory_space<vmem>> -> memref<128xi32, #tpu.memory_space<vmem>>
        %dma_wait3A_1125 = arith.constant 0 : i32
        %dma_wait3A_1126 = tpu.memref_slice %arg4[%dma_wait3A_1125] : memref<327680xi32, #tpu.memory_space<hbm>> -> memref<128xi32, #tpu.memory_space<hbm>>
        tpu.wait_dma2 semaphore(%arg20 : memref<!tpu.dma_semaphore, #tpu.memory_space<semaphore_mem>>) src(%dma_wait3A_1126 : memref<128xi32, #tpu.memory_space<hbm>>) dst(%dma_wait3A_1124 : memref<128xi32, #tpu.memory_space<vmem>>)
        %dma_wait3A_1127 = arith.constant 3 : i32
        %dma_wait3A_1128 = arith.constant 0 : i32
        %dma_wait3A_1129 = tpu.memref_slice %arg13[%dma_wait3A_1127, %dma_wait3A_1128] : memref<8x128xi32, #tpu.memory_space<vmem>> -> memref<1x128xi32, #tpu.memory_space<vmem>>
        %dma_wait3A_1130 = tpu.memref_squeeze %dma_wait3A_1129 : memref<1x128xi32, #tpu.memory_space<vmem>> -> memref<128xi32, #tpu.memory_space<vmem>>
        %dma_wait3A_1131 = arith.constant 0 : i32
        %dma_wait3A_1132 = tpu.memref_slice %arg4[%dma_wait3A_1131] : memref<327680xi32, #tpu.memory_space<hbm>> -> memref<128xi32, #tpu.memory_space<hbm>>
        %dma_wait3A_1133 = arith.constant 0 : i32
        %dma_wait3A_1134 = tpu.memref_slice %arg13[%dma_wait3A_1127, %dma_wait3A_1133] : memref<8x128xi32, #tpu.memory_space<vmem>> -> memref<1x128xi32, #tpu.memory_space<vmem>>
        %dma_wait3A_1135 = tpu.memref_squeeze %dma_wait3A_1134 : memref<1x128xi32, #tpu.memory_space<vmem>> -> memref<128xi32, #tpu.memory_space<vmem>>
        %dma_wait3A_1136 = arith.constant 0 : i32
        %dma_wait3A_1137 = tpu.memref_slice %arg4[%dma_wait3A_1136] : memref<327680xi32, #tpu.memory_space<hbm>> -> memref<128xi32, #tpu.memory_space<hbm>>
        tpu.wait_dma2 semaphore(%arg20 : memref<!tpu.dma_semaphore, #tpu.memory_space<semaphore_mem>>) src(%dma_wait3A_1137 : memref<128xi32, #tpu.memory_space<hbm>>) dst(%dma_wait3A_1135 : memref<128xi32, #tpu.memory_space<vmem>>)
        %dma_start3A_1138 = arith.constant 3 : i32
        %dma_start3A_1139 = arith.constant 1 : i32
        %dma_start3A_1140 = arith.constant 0 : i32
        %dma_start3A_1141 = arith.constant 0 : i32
        %dma_start3A_1142 = tpu.memref_slice %arg14[%dma_start3A_1139, %dma_start3A_1140, %dma_start3A_1141] : memref<2x128x128xf32, #tpu.memory_space<vmem>> -> memref<1x128x128xf32, #tpu.memory_space<vmem>>
        %dma_start3A_1143 = tpu.memref_squeeze %dma_start3A_1142 : memref<1x128x128xf32, #tpu.memory_space<vmem>> -> memref<128x128xf32, #tpu.memory_space<vmem>>
        %dma_start3A_1144 = arith.constant 0 : i32
        %dma_start3A_1145 = tpu.memref_slice %arg12[%dma_start3A_1138, %dma_start3A_1144] : memref<8x128xi32, #tpu.memory_space<vmem>> -> memref<1x128xi32, #tpu.memory_space<vmem>>
        %dma_start3A_1146 = tpu.memref_squeeze %dma_start3A_1145 : memref<1x128xi32, #tpu.memory_space<vmem>> -> memref<128xi32, #tpu.memory_space<vmem>>
        %dma_start3A_1147 = arith.constant 0 : i32
        %dma_start3A_1148 = arith.constant 0 : i32
        %dma_start3A_1149 = tpu.memref_slice %arg2[%dma_start3A_1147, %dma_start3A_1148] : memref<10000x128xf32, #tpu.memory_space<hbm>> -> memref<10000x128xf32, #tpu.memory_space<hbm>>
        tpu.enqueue_indirect_dma source(%dma_start3A_1149 : memref<10000x128xf32, #tpu.memory_space<hbm>>) target(%dma_start3A_1143 : memref<128x128xf32, #tpu.memory_space<vmem>>) offsets(%dma_start3A_1146 : memref<128xi32, #tpu.memory_space<vmem>>) semaphore(%arg26 : memref<!tpu.dma_semaphore, #tpu.memory_space<semaphore_mem>>)
      } else {
      }
      %mul3A_639 = arith.constant 8 : i32
      %mul3A_640 = arith.muli %mul3A_639, %scan3A_488 : i32
      %add3A_641 = arith.constant 2 : i32
      %add3A_642 = arith.addi %mul3A_640, %add3A_641 : i32
      %add3A_643 = arith.constant 6 : i32
      %add3A_644 = arith.addi %add3A_642, %add3A_643 : i32
      %lt3A_645 = arith.constant 80 : i32
      %lt3A_646 = arith.cmpi slt, %add3A_644, %lt3A_645 : i32
      %convert_element_type3A_647 = arith.extui %lt3A_646 : i1 to i32
      %cond3A_648 = arith.constant 0 : i32
      %cond3A_649 = arith.cmpi ne, %convert_element_type3A_647, %cond3A_648 : i32
      scf.if %cond3A_649 {
        %add3A_1101 = arith.constant 6 : i32
        %add3A_1102 = arith.addi %add3A_642, %add3A_1101 : i32
        %mul3A_1103 = arith.constant 128 : i32
        %mul3A_1104 = arith.muli %add3A_1102, %mul3A_1103 : i32
        %add3A_1105 = arith.addi %mul3A_4, %mul3A_1104 : i32
        %multiple_of3A_1106 = tpu.assume_multiple %add3A_1105, 8 : i32
        %dma_start3A_1107 = arith.constant 0 : i32
        %dma_start3A_1108 = arith.constant 0 : i32
        %dma_start3A_1109 = tpu.memref_slice %arg12[%dma_start3A_1107, %dma_start3A_1108] : memref<8x128xi32, #tpu.memory_space<vmem>> -> memref<1x128xi32, #tpu.memory_space<vmem>>
        %dma_start3A_1110 = tpu.memref_squeeze %dma_start3A_1109 : memref<1x128xi32, #tpu.memory_space<vmem>> -> memref<128xi32, #tpu.memory_space<vmem>>
        %dma_start3A_1111 = tpu.memref_slice %arg4[%multiple_of3A_1106] : memref<327680xi32, #tpu.memory_space<hbm>> -> memref<128xi32, #tpu.memory_space<hbm>>
        %dma_start3A_1112 = arith.constant 0 : i32
        %dma_start3A_1113 = tpu.memref_slice %arg12[%dma_start3A_1107, %dma_start3A_1112] : memref<8x128xi32, #tpu.memory_space<vmem>> -> memref<1x128xi32, #tpu.memory_space<vmem>>
        %dma_start3A_1114 = tpu.memref_squeeze %dma_start3A_1113 : memref<1x128xi32, #tpu.memory_space<vmem>> -> memref<128xi32, #tpu.memory_space<vmem>>
        %dma_start3A_1115 = tpu.memref_slice %arg4[%multiple_of3A_1106] : memref<327680xi32, #tpu.memory_space<hbm>> -> memref<128xi32, #tpu.memory_space<hbm>>
        tpu.enqueue_dma source(%dma_start3A_1115 : memref<128xi32, #tpu.memory_space<hbm>>) target(%dma_start3A_1114 : memref<128xi32, #tpu.memory_space<vmem>>) target_semaphore(%arg17 : memref<!tpu.dma_semaphore, #tpu.memory_space<semaphore_mem>>)
        %dma_start3A_1116 = arith.constant 0 : i32
        %dma_start3A_1117 = arith.constant 0 : i32
        %dma_start3A_1118 = tpu.memref_slice %arg13[%dma_start3A_1116, %dma_start3A_1117] : memref<8x128xi32, #tpu.memory_space<vmem>> -> memref<1x128xi32, #tpu.memory_space<vmem>>
        %dma_start3A_1119 = tpu.memref_squeeze %dma_start3A_1118 : memref<1x128xi32, #tpu.memory_space<vmem>> -> memref<128xi32, #tpu.memory_space<vmem>>
        %dma_start3A_1120 = tpu.memref_slice %arg5[%multiple_of3A_1106] : memref<327680xi32, #tpu.memory_space<hbm>> -> memref<128xi32, #tpu.memory_space<hbm>>
        %dma_start3A_1121 = arith.constant 0 : i32
        %dma_start3A_1122 = tpu.memref_slice %arg13[%dma_start3A_1116, %dma_start3A_1121] : memref<8x128xi32, #tpu.memory_space<vmem>> -> memref<1x128xi32, #tpu.memory_space<vmem>>
        %dma_start3A_1123 = tpu.memref_squeeze %dma_start3A_1122 : memref<1x128xi32, #tpu.memory_space<vmem>> -> memref<128xi32, #tpu.memory_space<vmem>>
        %dma_start3A_1124 = tpu.memref_slice %arg5[%multiple_of3A_1106] : memref<327680xi32, #tpu.memory_space<hbm>> -> memref<128xi32, #tpu.memory_space<hbm>>
        tpu.enqueue_dma source(%dma_start3A_1124 : memref<128xi32, #tpu.memory_space<hbm>>) target(%dma_start3A_1123 : memref<128xi32, #tpu.memory_space<vmem>>) target_semaphore(%arg17 : memref<!tpu.dma_semaphore, #tpu.memory_space<semaphore_mem>>)
      } else {
      }
      %dma_wait3A_650 = arith.constant 0 : i32
      %dma_wait3A_651 = arith.constant 0 : i32
      %dma_wait3A_652 = arith.constant 0 : i32
      %dma_wait3A_653 = tpu.memref_slice %arg14[%dma_wait3A_650, %dma_wait3A_651, %dma_wait3A_652] : memref<2x128x128xf32, #tpu.memory_space<vmem>> -> memref<1x128x128xf32, #tpu.memory_space<vmem>>
      %dma_wait3A_654 = tpu.memref_squeeze %dma_wait3A_653 : memref<1x128x128xf32, #tpu.memory_space<vmem>> -> memref<128x128xf32, #tpu.memory_space<vmem>>
      %dma_wait3A_655 = arith.constant 0 : i32
      %dma_wait3A_656 = arith.constant 0 : i32
      %dma_wait3A_657 = tpu.memref_slice %arg2[%dma_wait3A_655, %dma_wait3A_656] : memref<10000x128xf32, #tpu.memory_space<hbm>> -> memref<128x128xf32, #tpu.memory_space<hbm>>
      %dma_wait3A_658 = arith.constant 0 : i32
      %dma_wait3A_659 = arith.constant 0 : i32
      %dma_wait3A_660 = tpu.memref_slice %arg14[%dma_wait3A_650, %dma_wait3A_658, %dma_wait3A_659] : memref<2x128x128xf32, #tpu.memory_space<vmem>> -> memref<1x128x128xf32, #tpu.memory_space<vmem>>
      %dma_wait3A_661 = tpu.memref_squeeze %dma_wait3A_660 : memref<1x128x128xf32, #tpu.memory_space<vmem>> -> memref<128x128xf32, #tpu.memory_space<vmem>>
      %dma_wait3A_662 = arith.constant 0 : i32
      %dma_wait3A_663 = arith.constant 0 : i32
      %dma_wait3A_664 = tpu.memref_slice %arg2[%dma_wait3A_662, %dma_wait3A_663] : memref<10000x128xf32, #tpu.memory_space<hbm>> -> memref<128x128xf32, #tpu.memory_space<hbm>>
      tpu.wait_dma2 semaphore(%arg25 : memref<!tpu.dma_semaphore, #tpu.memory_space<semaphore_mem>>) src(%dma_wait3A_664 : memref<128x128xf32, #tpu.memory_space<hbm>>) dst(%dma_wait3A_661 : memref<128x128xf32, #tpu.memory_space<vmem>>)
      %dma_start3A_665 = arith.constant 0 : i32
      %dma_start3A_666 = arith.constant 2 : i32
      %dma_start3A_667 = arith.constant 0 : i32
      %dma_start3A_668 = arith.constant 0 : i32
      %dma_start3A_669 = tpu.memref_slice %arg14[%dma_start3A_665, %dma_start3A_667, %dma_start3A_668] : memref<2x128x128xf32, #tpu.memory_space<vmem>> -> memref<1x128x128xf32, #tpu.memory_space<vmem>>
      %dma_start3A_670 = tpu.memref_squeeze %dma_start3A_669 : memref<1x128x128xf32, #tpu.memory_space<vmem>> -> memref<128x128xf32, #tpu.memory_space<vmem>>
      %dma_start3A_671 = arith.constant 0 : i32
      %dma_start3A_672 = tpu.memref_slice %arg13[%dma_start3A_666, %dma_start3A_671] : memref<8x128xi32, #tpu.memory_space<vmem>> -> memref<1x128xi32, #tpu.memory_space<vmem>>
      %dma_start3A_673 = tpu.memref_squeeze %dma_start3A_672 : memref<1x128xi32, #tpu.memory_space<vmem>> -> memref<128xi32, #tpu.memory_space<vmem>>
      %dma_start3A_674 = arith.constant 0 : i32
      %dma_start3A_675 = arith.constant 0 : i32
      %dma_start3A_676 = tpu.memref_slice %arg16[%dma_start3A_674, %dma_start3A_675] : memref<10240x128xf32, #tpu.memory_space<vmem_shared>> -> memref<10240x128xf32, #tpu.memory_space<vmem_shared>>
      tpu.enqueue_indirect_dma source(%dma_start3A_670 : memref<128x128xf32, #tpu.memory_space<vmem>>) target(%dma_start3A_676 : memref<10240x128xf32, #tpu.memory_space<vmem_shared>>) offsets(%dma_start3A_673 : memref<128xi32, #tpu.memory_space<vmem>>) semaphore(%arg27 : memref<!tpu.dma_semaphore, #tpu.memory_space<semaphore_mem>>) {add = true}
      %get3A_677 = arith.constant 2 : i32
      %get3A_678 = arith.index_cast %get3A_677 : i32 to index
      %get3A_679 = arith.constant 0 : index
      %get3A_680 = tpu.vector_load %arg13[%get3A_678, %get3A_679] {strides = array<i32>} : memref<8x128xi32, #tpu.memory_space<vmem>>, vector<16xi32>,
      tpu.vector_store_idx %arg15[%get3A_680], %broadcast_in_dim3A_5 {add = true} : memref<10240xf32, #tpu.memory_space<vmem>>[vector<16xi32>], vector<16xf32>,
      %get3A_681 = arith.constant 2 : i32
      %get3A_682 = arith.index_cast %get3A_681 : i32 to index
      %get3A_683 = arith.constant 16 : index
      %get3A_684 = tpu.vector_load %arg13[%get3A_682, %get3A_683] {strides = array<i32>} : memref<8x128xi32, #tpu.memory_space<vmem>>, vector<16xi32>,
      tpu.vector_store_idx %arg15[%get3A_684], %broadcast_in_dim3A_5 {add = true} : memref<10240xf32, #tpu.memory_space<vmem>>[vector<16xi32>], vector<16xf32>,
      %get3A_685 = arith.constant 2 : i32
      %get3A_686 = arith.index_cast %get3A_685 : i32 to index
      %get3A_687 = arith.constant 32 : index
      %get3A_688 = tpu.vector_load %arg13[%get3A_686, %get3A_687] {strides = array<i32>} : memref<8x128xi32, #tpu.memory_space<vmem>>, vector<16xi32>,
      tpu.vector_store_idx %arg15[%get3A_688], %broadcast_in_dim3A_5 {add = true} : memref<10240xf32, #tpu.memory_space<vmem>>[vector<16xi32>], vector<16xf32>,
      %get3A_689 = arith.constant 2 : i32
      %get3A_690 = arith.index_cast %get3A_689 : i32 to index
      %get3A_691 = arith.constant 48 : index
      %get3A_692 = tpu.vector_load %arg13[%get3A_690, %get3A_691] {strides = array<i32>} : memref<8x128xi32, #tpu.memory_space<vmem>>, vector<16xi32>,
      tpu.vector_store_idx %arg15[%get3A_692], %broadcast_in_dim3A_5 {add = true} : memref<10240xf32, #tpu.memory_space<vmem>>[vector<16xi32>], vector<16xf32>,
      %get3A_693 = arith.constant 2 : i32
      %get3A_694 = arith.index_cast %get3A_693 : i32 to index
      %get3A_695 = arith.constant 64 : index
      %get3A_696 = tpu.vector_load %arg13[%get3A_694, %get3A_695] {strides = array<i32>} : memref<8x128xi32, #tpu.memory_space<vmem>>, vector<16xi32>,
      tpu.vector_store_idx %arg15[%get3A_696], %broadcast_in_dim3A_5 {add = true} : memref<10240xf32, #tpu.memory_space<vmem>>[vector<16xi32>], vector<16xf32>,
      %get3A_697 = arith.constant 2 : i32
      %get3A_698 = arith.index_cast %get3A_697 : i32 to index
      %get3A_699 = arith.constant 80 : index
      %get3A_700 = tpu.vector_load %arg13[%get3A_698, %get3A_699] {strides = array<i32>} : memref<8x128xi32, #tpu.memory_space<vmem>>, vector<16xi32>,
      tpu.vector_store_idx %arg15[%get3A_700], %broadcast_in_dim3A_5 {add = true} : memref<10240xf32, #tpu.memory_space<vmem>>[vector<16xi32>], vector<16xf32>,
      %get3A_701 = arith.constant 2 : i32
      %get3A_702 = arith.index_cast %get3A_701 : i32 to index
      %get3A_703 = arith.constant 96 : index
      %get3A_704 = tpu.vector_load %arg13[%get3A_702, %get3A_703] {strides = array<i32>} : memref<8x128xi32, #tpu.memory_space<vmem>>, vector<16xi32>,
      tpu.vector_store_idx %arg15[%get3A_704], %broadcast_in_dim3A_5 {add = true} : memref<10240xf32, #tpu.memory_space<vmem>>[vector<16xi32>], vector<16xf32>,
      %get3A_705 = arith.constant 2 : i32
      %get3A_706 = arith.index_cast %get3A_705 : i32 to index
      %get3A_707 = arith.constant 112 : index
      %get3A_708 = tpu.vector_load %arg13[%get3A_706, %get3A_707] {strides = array<i32>} : memref<8x128xi32, #tpu.memory_space<vmem>>, vector<16xi32>,
      tpu.vector_store_idx %arg15[%get3A_708], %broadcast_in_dim3A_5 {add = true} : memref<10240xf32, #tpu.memory_space<vmem>>[vector<16xi32>], vector<16xf32>,
      %add3A_709 = arith.constant 2 : i32
      %add3A_710 = arith.addi %add3A_642, %add3A_709 : i32
      %lt3A_711 = arith.constant 80 : i32
      %lt3A_712 = arith.cmpi slt, %add3A_710, %lt3A_711 : i32
      %convert_element_type3A_713 = arith.extui %lt3A_712 : i1 to i32
      %cond3A_714 = arith.constant 0 : i32
      %cond3A_715 = arith.cmpi ne, %convert_element_type3A_713, %cond3A_714 : i32
      scf.if %cond3A_715 {
        %dma_wait3A_1101 = arith.constant 0 : i32
        %dma_wait3A_1102 = arith.constant 0 : i32
        %dma_wait3A_1103 = arith.constant 0 : i32
        %dma_wait3A_1104 = tpu.memref_slice %arg14[%dma_wait3A_1101, %dma_wait3A_1102, %dma_wait3A_1103] : memref<2x128x128xf32, #tpu.memory_space<vmem>> -> memref<1x128x128xf32, #tpu.memory_space<vmem>>
        %dma_wait3A_1105 = tpu.memref_squeeze %dma_wait3A_1104 : memref<1x128x128xf32, #tpu.memory_space<vmem>> -> memref<128x128xf32, #tpu.memory_space<vmem>>
        %dma_wait3A_1106 = arith.constant 0 : i32
        %dma_wait3A_1107 = arith.constant 0 : i32
        %dma_wait3A_1108 = tpu.memref_slice %arg2[%dma_wait3A_1106, %dma_wait3A_1107] : memref<10000x128xf32, #tpu.memory_space<hbm>> -> memref<128x128xf32, #tpu.memory_space<hbm>>
        %dma_wait3A_1109 = arith.constant 0 : i32
        %dma_wait3A_1110 = arith.constant 0 : i32
        %dma_wait3A_1111 = tpu.memref_slice %arg14[%dma_wait3A_1101, %dma_wait3A_1109, %dma_wait3A_1110] : memref<2x128x128xf32, #tpu.memory_space<vmem>> -> memref<1x128x128xf32, #tpu.memory_space<vmem>>
        %dma_wait3A_1112 = tpu.memref_squeeze %dma_wait3A_1111 : memref<1x128x128xf32, #tpu.memory_space<vmem>> -> memref<128x128xf32, #tpu.memory_space<vmem>>
        %dma_wait3A_1113 = arith.constant 0 : i32
        %dma_wait3A_1114 = arith.constant 0 : i32
        %dma_wait3A_1115 = tpu.memref_slice %arg2[%dma_wait3A_1113, %dma_wait3A_1114] : memref<10000x128xf32, #tpu.memory_space<hbm>> -> memref<128x128xf32, #tpu.memory_space<hbm>>
        tpu.wait_dma2 semaphore(%arg27 : memref<!tpu.dma_semaphore, #tpu.memory_space<semaphore_mem>>) src(%dma_wait3A_1115 : memref<128x128xf32, #tpu.memory_space<hbm>>) dst(%dma_wait3A_1112 : memref<128x128xf32, #tpu.memory_space<vmem>>)
        %dma_wait3A_1116 = arith.constant 4 : i32
        %dma_wait3A_1117 = arith.constant 0 : i32
        %dma_wait3A_1118 = tpu.memref_slice %arg12[%dma_wait3A_1116, %dma_wait3A_1117] : memref<8x128xi32, #tpu.memory_space<vmem>> -> memref<1x128xi32, #tpu.memory_space<vmem>>
        %dma_wait3A_1119 = tpu.memref_squeeze %dma_wait3A_1118 : memref<1x128xi32, #tpu.memory_space<vmem>> -> memref<128xi32, #tpu.memory_space<vmem>>
        %dma_wait3A_1120 = arith.constant 0 : i32
        %dma_wait3A_1121 = tpu.memref_slice %arg4[%dma_wait3A_1120] : memref<327680xi32, #tpu.memory_space<hbm>> -> memref<128xi32, #tpu.memory_space<hbm>>
        %dma_wait3A_1122 = arith.constant 0 : i32
        %dma_wait3A_1123 = tpu.memref_slice %arg12[%dma_wait3A_1116, %dma_wait3A_1122] : memref<8x128xi32, #tpu.memory_space<vmem>> -> memref<1x128xi32, #tpu.memory_space<vmem>>
        %dma_wait3A_1124 = tpu.memref_squeeze %dma_wait3A_1123 : memref<1x128xi32, #tpu.memory_space<vmem>> -> memref<128xi32, #tpu.memory_space<vmem>>
        %dma_wait3A_1125 = arith.constant 0 : i32
        %dma_wait3A_1126 = tpu.memref_slice %arg4[%dma_wait3A_1125] : memref<327680xi32, #tpu.memory_space<hbm>> -> memref<128xi32, #tpu.memory_space<hbm>>
        tpu.wait_dma2 semaphore(%arg21 : memref<!tpu.dma_semaphore, #tpu.memory_space<semaphore_mem>>) src(%dma_wait3A_1126 : memref<128xi32, #tpu.memory_space<hbm>>) dst(%dma_wait3A_1124 : memref<128xi32, #tpu.memory_space<vmem>>)
        %dma_wait3A_1127 = arith.constant 4 : i32
        %dma_wait3A_1128 = arith.constant 0 : i32
        %dma_wait3A_1129 = tpu.memref_slice %arg13[%dma_wait3A_1127, %dma_wait3A_1128] : memref<8x128xi32, #tpu.memory_space<vmem>> -> memref<1x128xi32, #tpu.memory_space<vmem>>
        %dma_wait3A_1130 = tpu.memref_squeeze %dma_wait3A_1129 : memref<1x128xi32, #tpu.memory_space<vmem>> -> memref<128xi32, #tpu.memory_space<vmem>>
        %dma_wait3A_1131 = arith.constant 0 : i32
        %dma_wait3A_1132 = tpu.memref_slice %arg4[%dma_wait3A_1131] : memref<327680xi32, #tpu.memory_space<hbm>> -> memref<128xi32, #tpu.memory_space<hbm>>
        %dma_wait3A_1133 = arith.constant 0 : i32
        %dma_wait3A_1134 = tpu.memref_slice %arg13[%dma_wait3A_1127, %dma_wait3A_1133] : memref<8x128xi32, #tpu.memory_space<vmem>> -> memref<1x128xi32, #tpu.memory_space<vmem>>
        %dma_wait3A_1135 = tpu.memref_squeeze %dma_wait3A_1134 : memref<1x128xi32, #tpu.memory_space<vmem>> -> memref<128xi32, #tpu.memory_space<vmem>>
        %dma_wait3A_1136 = arith.constant 0 : i32
        %dma_wait3A_1137 = tpu.memref_slice %arg4[%dma_wait3A_1136] : memref<327680xi32, #tpu.memory_space<hbm>> -> memref<128xi32, #tpu.memory_space<hbm>>
        tpu.wait_dma2 semaphore(%arg21 : memref<!tpu.dma_semaphore, #tpu.memory_space<semaphore_mem>>) src(%dma_wait3A_1137 : memref<128xi32, #tpu.memory_space<hbm>>) dst(%dma_wait3A_1135 : memref<128xi32, #tpu.memory_space<vmem>>)
        %dma_start3A_1138 = arith.constant 4 : i32
        %dma_start3A_1139 = arith.constant 0 : i32
        %dma_start3A_1140 = arith.constant 0 : i32
        %dma_start3A_1141 = arith.constant 0 : i32
        %dma_start3A_1142 = tpu.memref_slice %arg14[%dma_start3A_1139, %dma_start3A_1140, %dma_start3A_1141] : memref<2x128x128xf32, #tpu.memory_space<vmem>> -> memref<1x128x128xf32, #tpu.memory_space<vmem>>
        %dma_start3A_1143 = tpu.memref_squeeze %dma_start3A_1142 : memref<1x128x128xf32, #tpu.memory_space<vmem>> -> memref<128x128xf32, #tpu.memory_space<vmem>>
        %dma_start3A_1144 = arith.constant 0 : i32
        %dma_start3A_1145 = tpu.memref_slice %arg12[%dma_start3A_1138, %dma_start3A_1144] : memref<8x128xi32, #tpu.memory_space<vmem>> -> memref<1x128xi32, #tpu.memory_space<vmem>>
        %dma_start3A_1146 = tpu.memref_squeeze %dma_start3A_1145 : memref<1x128xi32, #tpu.memory_space<vmem>> -> memref<128xi32, #tpu.memory_space<vmem>>
        %dma_start3A_1147 = arith.constant 0 : i32
        %dma_start3A_1148 = arith.constant 0 : i32
        %dma_start3A_1149 = tpu.memref_slice %arg2[%dma_start3A_1147, %dma_start3A_1148] : memref<10000x128xf32, #tpu.memory_space<hbm>> -> memref<10000x128xf32, #tpu.memory_space<hbm>>
        tpu.enqueue_indirect_dma source(%dma_start3A_1149 : memref<10000x128xf32, #tpu.memory_space<hbm>>) target(%dma_start3A_1143 : memref<128x128xf32, #tpu.memory_space<vmem>>) offsets(%dma_start3A_1146 : memref<128xi32, #tpu.memory_space<vmem>>) semaphore(%arg25 : memref<!tpu.dma_semaphore, #tpu.memory_space<semaphore_mem>>)
      } else {
      }
      %mul3A_716 = arith.constant 8 : i32
      %mul3A_717 = arith.muli %mul3A_716, %scan3A_488 : i32
      %add3A_718 = arith.constant 3 : i32
      %add3A_719 = arith.addi %mul3A_717, %add3A_718 : i32
      %add3A_720 = arith.constant 6 : i32
      %add3A_721 = arith.addi %add3A_719, %add3A_720 : i32
      %lt3A_722 = arith.constant 80 : i32
      %lt3A_723 = arith.cmpi slt, %add3A_721, %lt3A_722 : i32
      %convert_element_type3A_724 = arith.extui %lt3A_723 : i1 to i32
      %cond3A_725 = arith.constant 0 : i32
      %cond3A_726 = arith.cmpi ne, %convert_element_type3A_724, %cond3A_725 : i32
      scf.if %cond3A_726 {
        %add3A_1101 = arith.constant 6 : i32
        %add3A_1102 = arith.addi %add3A_719, %add3A_1101 : i32
        %mul3A_1103 = arith.constant 128 : i32
        %mul3A_1104 = arith.muli %add3A_1102, %mul3A_1103 : i32
        %add3A_1105 = arith.addi %mul3A_4, %mul3A_1104 : i32
        %multiple_of3A_1106 = tpu.assume_multiple %add3A_1105, 8 : i32
        %dma_start3A_1107 = arith.constant 1 : i32
        %dma_start3A_1108 = arith.constant 0 : i32
        %dma_start3A_1109 = tpu.memref_slice %arg12[%dma_start3A_1107, %dma_start3A_1108] : memref<8x128xi32, #tpu.memory_space<vmem>> -> memref<1x128xi32, #tpu.memory_space<vmem>>
        %dma_start3A_1110 = tpu.memref_squeeze %dma_start3A_1109 : memref<1x128xi32, #tpu.memory_space<vmem>> -> memref<128xi32, #tpu.memory_space<vmem>>
        %dma_start3A_1111 = tpu.memref_slice %arg4[%multiple_of3A_1106] : memref<327680xi32, #tpu.memory_space<hbm>> -> memref<128xi32, #tpu.memory_space<hbm>>
        %dma_start3A_1112 = arith.constant 0 : i32
        %dma_start3A_1113 = tpu.memref_slice %arg12[%dma_start3A_1107, %dma_start3A_1112] : memref<8x128xi32, #tpu.memory_space<vmem>> -> memref<1x128xi32, #tpu.memory_space<vmem>>
        %dma_start3A_1114 = tpu.memref_squeeze %dma_start3A_1113 : memref<1x128xi32, #tpu.memory_space<vmem>> -> memref<128xi32, #tpu.memory_space<vmem>>
        %dma_start3A_1115 = tpu.memref_slice %arg4[%multiple_of3A_1106] : memref<327680xi32, #tpu.memory_space<hbm>> -> memref<128xi32, #tpu.memory_space<hbm>>
        tpu.enqueue_dma source(%dma_start3A_1115 : memref<128xi32, #tpu.memory_space<hbm>>) target(%dma_start3A_1114 : memref<128xi32, #tpu.memory_space<vmem>>) target_semaphore(%arg18 : memref<!tpu.dma_semaphore, #tpu.memory_space<semaphore_mem>>)
        %dma_start3A_1116 = arith.constant 1 : i32
        %dma_start3A_1117 = arith.constant 0 : i32
        %dma_start3A_1118 = tpu.memref_slice %arg13[%dma_start3A_1116, %dma_start3A_1117] : memref<8x128xi32, #tpu.memory_space<vmem>> -> memref<1x128xi32, #tpu.memory_space<vmem>>
        %dma_start3A_1119 = tpu.memref_squeeze %dma_start3A_1118 : memref<1x128xi32, #tpu.memory_space<vmem>> -> memref<128xi32, #tpu.memory_space<vmem>>
        %dma_start3A_1120 = tpu.memref_slice %arg5[%multiple_of3A_1106] : memref<327680xi32, #tpu.memory_space<hbm>> -> memref<128xi32, #tpu.memory_space<hbm>>
        %dma_start3A_1121 = arith.constant 0 : i32
        %dma_start3A_1122 = tpu.memref_slice %arg13[%dma_start3A_1116, %dma_start3A_1121] : memref<8x128xi32, #tpu.memory_space<vmem>> -> memref<1x128xi32, #tpu.memory_space<vmem>>
        %dma_start3A_1123 = tpu.memref_squeeze %dma_start3A_1122 : memref<1x128xi32, #tpu.memory_space<vmem>> -> memref<128xi32, #tpu.memory_space<vmem>>
        %dma_start3A_1124 = tpu.memref_slice %arg5[%multiple_of3A_1106] : memref<327680xi32, #tpu.memory_space<hbm>> -> memref<128xi32, #tpu.memory_space<hbm>>
        tpu.enqueue_dma source(%dma_start3A_1124 : memref<128xi32, #tpu.memory_space<hbm>>) target(%dma_start3A_1123 : memref<128xi32, #tpu.memory_space<vmem>>) target_semaphore(%arg18 : memref<!tpu.dma_semaphore, #tpu.memory_space<semaphore_mem>>)
      } else {
      }
      %dma_wait3A_727 = arith.constant 1 : i32
      %dma_wait3A_728 = arith.constant 0 : i32
      %dma_wait3A_729 = arith.constant 0 : i32
      %dma_wait3A_730 = tpu.memref_slice %arg14[%dma_wait3A_727, %dma_wait3A_728, %dma_wait3A_729] : memref<2x128x128xf32, #tpu.memory_space<vmem>> -> memref<1x128x128xf32, #tpu.memory_space<vmem>>
      %dma_wait3A_731 = tpu.memref_squeeze %dma_wait3A_730 : memref<1x128x128xf32, #tpu.memory_space<vmem>> -> memref<128x128xf32, #tpu.memory_space<vmem>>
      %dma_wait3A_732 = arith.constant 0 : i32
      %dma_wait3A_733 = arith.constant 0 : i32
      %dma_wait3A_734 = tpu.memref_slice %arg2[%dma_wait3A_732, %dma_wait3A_733] : memref<10000x128xf32, #tpu.memory_space<hbm>> -> memref<128x128xf32, #tpu.memory_space<hbm>>
      %dma_wait3A_735 = arith.constant 0 : i32
      %dma_wait3A_736 = arith.constant 0 : i32
      %dma_wait3A_737 = tpu.memref_slice %arg14[%dma_wait3A_727, %dma_wait3A_735, %dma_wait3A_736] : memref<2x128x128xf32, #tpu.memory_space<vmem>> -> memref<1x128x128xf32, #tpu.memory_space<vmem>>
      %dma_wait3A_738 = tpu.memref_squeeze %dma_wait3A_737 : memref<1x128x128xf32, #tpu.memory_space<vmem>> -> memref<128x128xf32, #tpu.memory_space<vmem>>
      %dma_wait3A_739 = arith.constant 0 : i32
      %dma_wait3A_740 = arith.constant 0 : i32
      %dma_wait3A_741 = tpu.memref_slice %arg2[%dma_wait3A_739, %dma_wait3A_740] : memref<10000x128xf32, #tpu.memory_space<hbm>> -> memref<128x128xf32, #tpu.memory_space<hbm>>
      tpu.wait_dma2 semaphore(%arg26 : memref<!tpu.dma_semaphore, #tpu.memory_space<semaphore_mem>>) src(%dma_wait3A_741 : memref<128x128xf32, #tpu.memory_space<hbm>>) dst(%dma_wait3A_738 : memref<128x128xf32, #tpu.memory_space<vmem>>)
      %dma_start3A_742 = arith.constant 1 : i32
      %dma_start3A_743 = arith.constant 3 : i32
      %dma_start3A_744 = arith.constant 0 : i32
      %dma_start3A_745 = arith.constant 0 : i32
      %dma_start3A_746 = tpu.memref_slice %arg14[%dma_start3A_742, %dma_start3A_744, %dma_start3A_745] : memref<2x128x128xf32, #tpu.memory_space<vmem>> -> memref<1x128x128xf32, #tpu.memory_space<vmem>>
      %dma_start3A_747 = tpu.memref_squeeze %dma_start3A_746 : memref<1x128x128xf32, #tpu.memory_space<vmem>> -> memref<128x128xf32, #tpu.memory_space<vmem>>
      %dma_start3A_748 = arith.constant 0 : i32
      %dma_start3A_749 = tpu.memref_slice %arg13[%dma_start3A_743, %dma_start3A_748] : memref<8x128xi32, #tpu.memory_space<vmem>> -> memref<1x128xi32, #tpu.memory_space<vmem>>
      %dma_start3A_750 = tpu.memref_squeeze %dma_start3A_749 : memref<1x128xi32, #tpu.memory_space<vmem>> -> memref<128xi32, #tpu.memory_space<vmem>>
      %dma_start3A_751 = arith.constant 0 : i32
      %dma_start3A_752 = arith.constant 0 : i32
      %dma_start3A_753 = tpu.memref_slice %arg16[%dma_start3A_751, %dma_start3A_752] : memref<10240x128xf32, #tpu.memory_space<vmem_shared>> -> memref<10240x128xf32, #tpu.memory_space<vmem_shared>>
      tpu.enqueue_indirect_dma source(%dma_start3A_747 : memref<128x128xf32, #tpu.memory_space<vmem>>) target(%dma_start3A_753 : memref<10240x128xf32, #tpu.memory_space<vmem_shared>>) offsets(%dma_start3A_750 : memref<128xi32, #tpu.memory_space<vmem>>) semaphore(%arg28 : memref<!tpu.dma_semaphore, #tpu.memory_space<semaphore_mem>>) {add = true}
      %get3A_754 = arith.constant 3 : i32
      %get3A_755 = arith.index_cast %get3A_754 : i32 to index
      %get3A_756 = arith.constant 0 : index
      %get3A_757 = tpu.vector_load %arg13[%get3A_755, %get3A_756] {strides = array<i32>} : memref<8x128xi32, #tpu.memory_space<vmem>>, vector<16xi32>,
      tpu.vector_store_idx %arg15[%get3A_757], %broadcast_in_dim3A_5 {add = true} : memref<10240xf32, #tpu.memory_space<vmem>>[vector<16xi32>], vector<16xf32>,
      %get3A_758 = arith.constant 3 : i32
      %get3A_759 = arith.index_cast %get3A_758 : i32 to index
      %get3A_760 = arith.constant 16 : index
      %get3A_761 = tpu.vector_load %arg13[%get3A_759, %get3A_760] {strides = array<i32>} : memref<8x128xi32, #tpu.memory_space<vmem>>, vector<16xi32>,
      tpu.vector_store_idx %arg15[%get3A_761], %broadcast_in_dim3A_5 {add = true} : memref<10240xf32, #tpu.memory_space<vmem>>[vector<16xi32>], vector<16xf32>,
      %get3A_762 = arith.constant 3 : i32
      %get3A_763 = arith.index_cast %get3A_762 : i32 to index
      %get3A_764 = arith.constant 32 : index
      %get3A_765 = tpu.vector_load %arg13[%get3A_763, %get3A_764] {strides = array<i32>} : memref<8x128xi32, #tpu.memory_space<vmem>>, vector<16xi32>,
      tpu.vector_store_idx %arg15[%get3A_765], %broadcast_in_dim3A_5 {add = true} : memref<10240xf32, #tpu.memory_space<vmem>>[vector<16xi32>], vector<16xf32>,
      %get3A_766 = arith.constant 3 : i32
      %get3A_767 = arith.index_cast %get3A_766 : i32 to index
      %get3A_768 = arith.constant 48 : index
      %get3A_769 = tpu.vector_load %arg13[%get3A_767, %get3A_768] {strides = array<i32>} : memref<8x128xi32, #tpu.memory_space<vmem>>, vector<16xi32>,
      tpu.vector_store_idx %arg15[%get3A_769], %broadcast_in_dim3A_5 {add = true} : memref<10240xf32, #tpu.memory_space<vmem>>[vector<16xi32>], vector<16xf32>,
      %get3A_770 = arith.constant 3 : i32
      %get3A_771 = arith.index_cast %get3A_770 : i32 to index
      %get3A_772 = arith.constant 64 : index
      %get3A_773 = tpu.vector_load %arg13[%get3A_771, %get3A_772] {strides = array<i32>} : memref<8x128xi32, #tpu.memory_space<vmem>>, vector<16xi32>,
      tpu.vector_store_idx %arg15[%get3A_773], %broadcast_in_dim3A_5 {add = true} : memref<10240xf32, #tpu.memory_space<vmem>>[vector<16xi32>], vector<16xf32>,
      %get3A_774 = arith.constant 3 : i32
      %get3A_775 = arith.index_cast %get3A_774 : i32 to index
      %get3A_776 = arith.constant 80 : index
      %get3A_777 = tpu.vector_load %arg13[%get3A_775, %get3A_776] {strides = array<i32>} : memref<8x128xi32, #tpu.memory_space<vmem>>, vector<16xi32>,
      tpu.vector_store_idx %arg15[%get3A_777], %broadcast_in_dim3A_5 {add = true} : memref<10240xf32, #tpu.memory_space<vmem>>[vector<16xi32>], vector<16xf32>,
      %get3A_778 = arith.constant 3 : i32
      %get3A_779 = arith.index_cast %get3A_778 : i32 to index
      %get3A_780 = arith.constant 96 : index
      %get3A_781 = tpu.vector_load %arg13[%get3A_779, %get3A_780] {strides = array<i32>} : memref<8x128xi32, #tpu.memory_space<vmem>>, vector<16xi32>,
      tpu.vector_store_idx %arg15[%get3A_781], %broadcast_in_dim3A_5 {add = true} : memref<10240xf32, #tpu.memory_space<vmem>>[vector<16xi32>], vector<16xf32>,
      %get3A_782 = arith.constant 3 : i32
      %get3A_783 = arith.index_cast %get3A_782 : i32 to index
      %get3A_784 = arith.constant 112 : index
      %get3A_785 = tpu.vector_load %arg13[%get3A_783, %get3A_784] {strides = array<i32>} : memref<8x128xi32, #tpu.memory_space<vmem>>, vector<16xi32>,
      tpu.vector_store_idx %arg15[%get3A_785], %broadcast_in_dim3A_5 {add = true} : memref<10240xf32, #tpu.memory_space<vmem>>[vector<16xi32>], vector<16xf32>,
      %add3A_786 = arith.constant 2 : i32
      %add3A_787 = arith.addi %add3A_719, %add3A_786 : i32
      %lt3A_788 = arith.constant 80 : i32
      %lt3A_789 = arith.cmpi slt, %add3A_787, %lt3A_788 : i32
      %convert_element_type3A_790 = arith.extui %lt3A_789 : i1 to i32
      %cond3A_791 = arith.constant 0 : i32
      %cond3A_792 = arith.cmpi ne, %convert_element_type3A_790, %cond3A_791 : i32
      scf.if %cond3A_792 {
        %dma_wait3A_1101 = arith.constant 1 : i32
        %dma_wait3A_1102 = arith.constant 0 : i32
        %dma_wait3A_1103 = arith.constant 0 : i32
        %dma_wait3A_1104 = tpu.memref_slice %arg14[%dma_wait3A_1101, %dma_wait3A_1102, %dma_wait3A_1103] : memref<2x128x128xf32, #tpu.memory_space<vmem>> -> memref<1x128x128xf32, #tpu.memory_space<vmem>>
        %dma_wait3A_1105 = tpu.memref_squeeze %dma_wait3A_1104 : memref<1x128x128xf32, #tpu.memory_space<vmem>> -> memref<128x128xf32, #tpu.memory_space<vmem>>
        %dma_wait3A_1106 = arith.constant 0 : i32
        %dma_wait3A_1107 = arith.constant 0 : i32
        %dma_wait3A_1108 = tpu.memref_slice %arg2[%dma_wait3A_1106, %dma_wait3A_1107] : memref<10000x128xf32, #tpu.memory_space<hbm>> -> memref<128x128xf32, #tpu.memory_space<hbm>>
        %dma_wait3A_1109 = arith.constant 0 : i32
        %dma_wait3A_1110 = arith.constant 0 : i32
        %dma_wait3A_1111 = tpu.memref_slice %arg14[%dma_wait3A_1101, %dma_wait3A_1109, %dma_wait3A_1110] : memref<2x128x128xf32, #tpu.memory_space<vmem>> -> memref<1x128x128xf32, #tpu.memory_space<vmem>>
        %dma_wait3A_1112 = tpu.memref_squeeze %dma_wait3A_1111 : memref<1x128x128xf32, #tpu.memory_space<vmem>> -> memref<128x128xf32, #tpu.memory_space<vmem>>
        %dma_wait3A_1113 = arith.constant 0 : i32
        %dma_wait3A_1114 = arith.constant 0 : i32
        %dma_wait3A_1115 = tpu.memref_slice %arg2[%dma_wait3A_1113, %dma_wait3A_1114] : memref<10000x128xf32, #tpu.memory_space<hbm>> -> memref<128x128xf32, #tpu.memory_space<hbm>>
        tpu.wait_dma2 semaphore(%arg28 : memref<!tpu.dma_semaphore, #tpu.memory_space<semaphore_mem>>) src(%dma_wait3A_1115 : memref<128x128xf32, #tpu.memory_space<hbm>>) dst(%dma_wait3A_1112 : memref<128x128xf32, #tpu.memory_space<vmem>>)
        %dma_wait3A_1116 = arith.constant 5 : i32
        %dma_wait3A_1117 = arith.constant 0 : i32
        %dma_wait3A_1118 = tpu.memref_slice %arg12[%dma_wait3A_1116, %dma_wait3A_1117] : memref<8x128xi32, #tpu.memory_space<vmem>> -> memref<1x128xi32, #tpu.memory_space<vmem>>
        %dma_wait3A_1119 = tpu.memref_squeeze %dma_wait3A_1118 : memref<1x128xi32, #tpu.memory_space<vmem>> -> memref<128xi32, #tpu.memory_space<vmem>>
        %dma_wait3A_1120 = arith.constant 0 : i32
        %dma_wait3A_1121 = tpu.memref_slice %arg4[%dma_wait3A_1120] : memref<327680xi32, #tpu.memory_space<hbm>> -> memref<128xi32, #tpu.memory_space<hbm>>
        %dma_wait3A_1122 = arith.constant 0 : i32
        %dma_wait3A_1123 = tpu.memref_slice %arg12[%dma_wait3A_1116, %dma_wait3A_1122] : memref<8x128xi32, #tpu.memory_space<vmem>> -> memref<1x128xi32, #tpu.memory_space<vmem>>
        %dma_wait3A_1124 = tpu.memref_squeeze %dma_wait3A_1123 : memref<1x128xi32, #tpu.memory_space<vmem>> -> memref<128xi32, #tpu.memory_space<vmem>>
        %dma_wait3A_1125 = arith.constant 0 : i32
        %dma_wait3A_1126 = tpu.memref_slice %arg4[%dma_wait3A_1125] : memref<327680xi32, #tpu.memory_space<hbm>> -> memref<128xi32, #tpu.memory_space<hbm>>
        tpu.wait_dma2 semaphore(%arg22 : memref<!tpu.dma_semaphore, #tpu.memory_space<semaphore_mem>>) src(%dma_wait3A_1126 : memref<128xi32, #tpu.memory_space<hbm>>) dst(%dma_wait3A_1124 : memref<128xi32, #tpu.memory_space<vmem>>)
        %dma_wait3A_1127 = arith.constant 5 : i32
        %dma_wait3A_1128 = arith.constant 0 : i32
        %dma_wait3A_1129 = tpu.memref_slice %arg13[%dma_wait3A_1127, %dma_wait3A_1128] : memref<8x128xi32, #tpu.memory_space<vmem>> -> memref<1x128xi32, #tpu.memory_space<vmem>>
        %dma_wait3A_1130 = tpu.memref_squeeze %dma_wait3A_1129 : memref<1x128xi32, #tpu.memory_space<vmem>> -> memref<128xi32, #tpu.memory_space<vmem>>
        %dma_wait3A_1131 = arith.constant 0 : i32
        %dma_wait3A_1132 = tpu.memref_slice %arg4[%dma_wait3A_1131] : memref<327680xi32, #tpu.memory_space<hbm>> -> memref<128xi32, #tpu.memory_space<hbm>>
        %dma_wait3A_1133 = arith.constant 0 : i32
        %dma_wait3A_1134 = tpu.memref_slice %arg13[%dma_wait3A_1127, %dma_wait3A_1133] : memref<8x128xi32, #tpu.memory_space<vmem>> -> memref<1x128xi32, #tpu.memory_space<vmem>>
        %dma_wait3A_1135 = tpu.memref_squeeze %dma_wait3A_1134 : memref<1x128xi32, #tpu.memory_space<vmem>> -> memref<128xi32, #tpu.memory_space<vmem>>
        %dma_wait3A_1136 = arith.constant 0 : i32
        %dma_wait3A_1137 = tpu.memref_slice %arg4[%dma_wait3A_1136] : memref<327680xi32, #tpu.memory_space<hbm>> -> memref<128xi32, #tpu.memory_space<hbm>>
        tpu.wait_dma2 semaphore(%arg22 : memref<!tpu.dma_semaphore, #tpu.memory_space<semaphore_mem>>) src(%dma_wait3A_1137 : memref<128xi32, #tpu.memory_space<hbm>>) dst(%dma_wait3A_1135 : memref<128xi32, #tpu.memory_space<vmem>>)
        %dma_start3A_1138 = arith.constant 5 : i32
        %dma_start3A_1139 = arith.constant 1 : i32
        %dma_start3A_1140 = arith.constant 0 : i32
        %dma_start3A_1141 = arith.constant 0 : i32
        %dma_start3A_1142 = tpu.memref_slice %arg14[%dma_start3A_1139, %dma_start3A_1140, %dma_start3A_1141] : memref<2x128x128xf32, #tpu.memory_space<vmem>> -> memref<1x128x128xf32, #tpu.memory_space<vmem>>
        %dma_start3A_1143 = tpu.memref_squeeze %dma_start3A_1142 : memref<1x128x128xf32, #tpu.memory_space<vmem>> -> memref<128x128xf32, #tpu.memory_space<vmem>>
        %dma_start3A_1144 = arith.constant 0 : i32
        %dma_start3A_1145 = tpu.memref_slice %arg12[%dma_start3A_1138, %dma_start3A_1144] : memref<8x128xi32, #tpu.memory_space<vmem>> -> memref<1x128xi32, #tpu.memory_space<vmem>>
        %dma_start3A_1146 = tpu.memref_squeeze %dma_start3A_1145 : memref<1x128xi32, #tpu.memory_space<vmem>> -> memref<128xi32, #tpu.memory_space<vmem>>
        %dma_start3A_1147 = arith.constant 0 : i32
        %dma_start3A_1148 = arith.constant 0 : i32
        %dma_start3A_1149 = tpu.memref_slice %arg2[%dma_start3A_1147, %dma_start3A_1148] : memref<10000x128xf32, #tpu.memory_space<hbm>> -> memref<10000x128xf32, #tpu.memory_space<hbm>>
        tpu.enqueue_indirect_dma source(%dma_start3A_1149 : memref<10000x128xf32, #tpu.memory_space<hbm>>) target(%dma_start3A_1143 : memref<128x128xf32, #tpu.memory_space<vmem>>) offsets(%dma_start3A_1146 : memref<128xi32, #tpu.memory_space<vmem>>) semaphore(%arg26 : memref<!tpu.dma_semaphore, #tpu.memory_space<semaphore_mem>>)
      } else {
      }
      %mul3A_793 = arith.constant 8 : i32
      %mul3A_794 = arith.muli %mul3A_793, %scan3A_488 : i32
      %add3A_795 = arith.constant 4 : i32
      %add3A_796 = arith.addi %mul3A_794, %add3A_795 : i32
      %add3A_797 = arith.constant 6 : i32
      %add3A_798 = arith.addi %add3A_796, %add3A_797 : i32
      %lt3A_799 = arith.constant 80 : i32
      %lt3A_800 = arith.cmpi slt, %add3A_798, %lt3A_799 : i32
      %convert_element_type3A_801 = arith.extui %lt3A_800 : i1 to i32
      %cond3A_802 = arith.constant 0 : i32
      %cond3A_803 = arith.cmpi ne, %convert_element_type3A_801, %cond3A_802 : i32
      scf.if %cond3A_803 {
        %add3A_1101 = arith.constant 6 : i32
        %add3A_1102 = arith.addi %add3A_796, %add3A_1101 : i32
        %mul3A_1103 = arith.constant 128 : i32
        %mul3A_1104 = arith.muli %add3A_1102, %mul3A_1103 : i32
        %add3A_1105 = arith.addi %mul3A_4, %mul3A_1104 : i32
        %multiple_of3A_1106 = tpu.assume_multiple %add3A_1105, 8 : i32
        %dma_start3A_1107 = arith.constant 2 : i32
        %dma_start3A_1108 = arith.constant 0 : i32
        %dma_start3A_1109 = tpu.memref_slice %arg12[%dma_start3A_1107, %dma_start3A_1108] : memref<8x128xi32, #tpu.memory_space<vmem>> -> memref<1x128xi32, #tpu.memory_space<vmem>>
        %dma_start3A_1110 = tpu.memref_squeeze %dma_start3A_1109 : memref<1x128xi32, #tpu.memory_space<vmem>> -> memref<128xi32, #tpu.memory_space<vmem>>
        %dma_start3A_1111 = tpu.memref_slice %arg4[%multiple_of3A_1106] : memref<327680xi32, #tpu.memory_space<hbm>> -> memref<128xi32, #tpu.memory_space<hbm>>
        %dma_start3A_1112 = arith.constant 0 : i32
        %dma_start3A_1113 = tpu.memref_slice %arg12[%dma_start3A_1107, %dma_start3A_1112] : memref<8x128xi32, #tpu.memory_space<vmem>> -> memref<1x128xi32, #tpu.memory_space<vmem>>
        %dma_start3A_1114 = tpu.memref_squeeze %dma_start3A_1113 : memref<1x128xi32, #tpu.memory_space<vmem>> -> memref<128xi32, #tpu.memory_space<vmem>>
        %dma_start3A_1115 = tpu.memref_slice %arg4[%multiple_of3A_1106] : memref<327680xi32, #tpu.memory_space<hbm>> -> memref<128xi32, #tpu.memory_space<hbm>>
        tpu.enqueue_dma source(%dma_start3A_1115 : memref<128xi32, #tpu.memory_space<hbm>>) target(%dma_start3A_1114 : memref<128xi32, #tpu.memory_space<vmem>>) target_semaphore(%arg19 : memref<!tpu.dma_semaphore, #tpu.memory_space<semaphore_mem>>)
        %dma_start3A_1116 = arith.constant 2 : i32
        %dma_start3A_1117 = arith.constant 0 : i32
        %dma_start3A_1118 = tpu.memref_slice %arg13[%dma_start3A_1116, %dma_start3A_1117] : memref<8x128xi32, #tpu.memory_space<vmem>> -> memref<1x128xi32, #tpu.memory_space<vmem>>
        %dma_start3A_1119 = tpu.memref_squeeze %dma_start3A_1118 : memref<1x128xi32, #tpu.memory_space<vmem>> -> memref<128xi32, #tpu.memory_space<vmem>>
        %dma_start3A_1120 = tpu.memref_slice %arg5[%multiple_of3A_1106] : memref<327680xi32, #tpu.memory_space<hbm>> -> memref<128xi32, #tpu.memory_space<hbm>>
        %dma_start3A_1121 = arith.constant 0 : i32
        %dma_start3A_1122 = tpu.memref_slice %arg13[%dma_start3A_1116, %dma_start3A_1121] : memref<8x128xi32, #tpu.memory_space<vmem>> -> memref<1x128xi32, #tpu.memory_space<vmem>>
        %dma_start3A_1123 = tpu.memref_squeeze %dma_start3A_1122 : memref<1x128xi32, #tpu.memory_space<vmem>> -> memref<128xi32, #tpu.memory_space<vmem>>
        %dma_start3A_1124 = tpu.memref_slice %arg5[%multiple_of3A_1106] : memref<327680xi32, #tpu.memory_space<hbm>> -> memref<128xi32, #tpu.memory_space<hbm>>
        tpu.enqueue_dma source(%dma_start3A_1124 : memref<128xi32, #tpu.memory_space<hbm>>) target(%dma_start3A_1123 : memref<128xi32, #tpu.memory_space<vmem>>) target_semaphore(%arg19 : memref<!tpu.dma_semaphore, #tpu.memory_space<semaphore_mem>>)
      } else {
      }
      %dma_wait3A_804 = arith.constant 0 : i32
      %dma_wait3A_805 = arith.constant 0 : i32
      %dma_wait3A_806 = arith.constant 0 : i32
      %dma_wait3A_807 = tpu.memref_slice %arg14[%dma_wait3A_804, %dma_wait3A_805, %dma_wait3A_806] : memref<2x128x128xf32, #tpu.memory_space<vmem>> -> memref<1x128x128xf32, #tpu.memory_space<vmem>>
      %dma_wait3A_808 = tpu.memref_squeeze %dma_wait3A_807 : memref<1x128x128xf32, #tpu.memory_space<vmem>> -> memref<128x128xf32, #tpu.memory_space<vmem>>
      %dma_wait3A_809 = arith.constant 0 : i32
      %dma_wait3A_810 = arith.constant 0 : i32
      %dma_wait3A_811 = tpu.memref_slice %arg2[%dma_wait3A_809, %dma_wait3A_810] : memref<10000x128xf32, #tpu.memory_space<hbm>> -> memref<128x128xf32, #tpu.memory_space<hbm>>
      %dma_wait3A_812 = arith.constant 0 : i32
      %dma_wait3A_813 = arith.constant 0 : i32
      %dma_wait3A_814 = tpu.memref_slice %arg14[%dma_wait3A_804, %dma_wait3A_812, %dma_wait3A_813] : memref<2x128x128xf32, #tpu.memory_space<vmem>> -> memref<1x128x128xf32, #tpu.memory_space<vmem>>
      %dma_wait3A_815 = tpu.memref_squeeze %dma_wait3A_814 : memref<1x128x128xf32, #tpu.memory_space<vmem>> -> memref<128x128xf32, #tpu.memory_space<vmem>>
      %dma_wait3A_816 = arith.constant 0 : i32
      %dma_wait3A_817 = arith.constant 0 : i32
      %dma_wait3A_818 = tpu.memref_slice %arg2[%dma_wait3A_816, %dma_wait3A_817] : memref<10000x128xf32, #tpu.memory_space<hbm>> -> memref<128x128xf32, #tpu.memory_space<hbm>>
      tpu.wait_dma2 semaphore(%arg25 : memref<!tpu.dma_semaphore, #tpu.memory_space<semaphore_mem>>) src(%dma_wait3A_818 : memref<128x128xf32, #tpu.memory_space<hbm>>) dst(%dma_wait3A_815 : memref<128x128xf32, #tpu.memory_space<vmem>>)
      %dma_start3A_819 = arith.constant 0 : i32
      %dma_start3A_820 = arith.constant 4 : i32
      %dma_start3A_821 = arith.constant 0 : i32
      %dma_start3A_822 = arith.constant 0 : i32
      %dma_start3A_823 = tpu.memref_slice %arg14[%dma_start3A_819, %dma_start3A_821, %dma_start3A_822] : memref<2x128x128xf32, #tpu.memory_space<vmem>> -> memref<1x128x128xf32, #tpu.memory_space<vmem>>
      %dma_start3A_824 = tpu.memref_squeeze %dma_start3A_823 : memref<1x128x128xf32, #tpu.memory_space<vmem>> -> memref<128x128xf32, #tpu.memory_space<vmem>>
      %dma_start3A_825 = arith.constant 0 : i32
      %dma_start3A_826 = tpu.memref_slice %arg13[%dma_start3A_820, %dma_start3A_825] : memref<8x128xi32, #tpu.memory_space<vmem>> -> memref<1x128xi32, #tpu.memory_space<vmem>>
      %dma_start3A_827 = tpu.memref_squeeze %dma_start3A_826 : memref<1x128xi32, #tpu.memory_space<vmem>> -> memref<128xi32, #tpu.memory_space<vmem>>
      %dma_start3A_828 = arith.constant 0 : i32
      %dma_start3A_829 = arith.constant 0 : i32
      %dma_start3A_830 = tpu.memref_slice %arg16[%dma_start3A_828, %dma_start3A_829] : memref<10240x128xf32, #tpu.memory_space<vmem_shared>> -> memref<10240x128xf32, #tpu.memory_space<vmem_shared>>
      tpu.enqueue_indirect_dma source(%dma_start3A_824 : memref<128x128xf32, #tpu.memory_space<vmem>>) target(%dma_start3A_830 : memref<10240x128xf32, #tpu.memory_space<vmem_shared>>) offsets(%dma_start3A_827 : memref<128xi32, #tpu.memory_space<vmem>>) semaphore(%arg27 : memref<!tpu.dma_semaphore, #tpu.memory_space<semaphore_mem>>) {add = true}
      %get3A_831 = arith.constant 4 : i32
      %get3A_832 = arith.index_cast %get3A_831 : i32 to index
      %get3A_833 = arith.constant 0 : index
      %get3A_834 = tpu.vector_load %arg13[%get3A_832, %get3A_833] {strides = array<i32>} : memref<8x128xi32, #tpu.memory_space<vmem>>, vector<16xi32>,
      tpu.vector_store_idx %arg15[%get3A_834], %broadcast_in_dim3A_5 {add = true} : memref<10240xf32, #tpu.memory_space<vmem>>[vector<16xi32>], vector<16xf32>,
      %get3A_835 = arith.constant 4 : i32
      %get3A_836 = arith.index_cast %get3A_835 : i32 to index
      %get3A_837 = arith.constant 16 : index
      %get3A_838 = tpu.vector_load %arg13[%get3A_836, %get3A_837] {strides = array<i32>} : memref<8x128xi32, #tpu.memory_space<vmem>>, vector<16xi32>,
      tpu.vector_store_idx %arg15[%get3A_838], %broadcast_in_dim3A_5 {add = true} : memref<10240xf32, #tpu.memory_space<vmem>>[vector<16xi32>], vector<16xf32>,
      %get3A_839 = arith.constant 4 : i32
      %get3A_840 = arith.index_cast %get3A_839 : i32 to index
      %get3A_841 = arith.constant 32 : index
      %get3A_842 = tpu.vector_load %arg13[%get3A_840, %get3A_841] {strides = array<i32>} : memref<8x128xi32, #tpu.memory_space<vmem>>, vector<16xi32>,
      tpu.vector_store_idx %arg15[%get3A_842], %broadcast_in_dim3A_5 {add = true} : memref<10240xf32, #tpu.memory_space<vmem>>[vector<16xi32>], vector<16xf32>,
      %get3A_843 = arith.constant 4 : i32
      %get3A_844 = arith.index_cast %get3A_843 : i32 to index
      %get3A_845 = arith.constant 48 : index
      %get3A_846 = tpu.vector_load %arg13[%get3A_844, %get3A_845] {strides = array<i32>} : memref<8x128xi32, #tpu.memory_space<vmem>>, vector<16xi32>,
      tpu.vector_store_idx %arg15[%get3A_846], %broadcast_in_dim3A_5 {add = true} : memref<10240xf32, #tpu.memory_space<vmem>>[vector<16xi32>], vector<16xf32>,
      %get3A_847 = arith.constant 4 : i32
      %get3A_848 = arith.index_cast %get3A_847 : i32 to index
      %get3A_849 = arith.constant 64 : index
      %get3A_850 = tpu.vector_load %arg13[%get3A_848, %get3A_849] {strides = array<i32>} : memref<8x128xi32, #tpu.memory_space<vmem>>, vector<16xi32>,
      tpu.vector_store_idx %arg15[%get3A_850], %broadcast_in_dim3A_5 {add = true} : memref<10240xf32, #tpu.memory_space<vmem>>[vector<16xi32>], vector<16xf32>,
      %get3A_851 = arith.constant 4 : i32
      %get3A_852 = arith.index_cast %get3A_851 : i32 to index
      %get3A_853 = arith.constant 80 : index
      %get3A_854 = tpu.vector_load %arg13[%get3A_852, %get3A_853] {strides = array<i32>} : memref<8x128xi32, #tpu.memory_space<vmem>>, vector<16xi32>,
      tpu.vector_store_idx %arg15[%get3A_854], %broadcast_in_dim3A_5 {add = true} : memref<10240xf32, #tpu.memory_space<vmem>>[vector<16xi32>], vector<16xf32>,
      %get3A_855 = arith.constant 4 : i32
      %get3A_856 = arith.index_cast %get3A_855 : i32 to index
      %get3A_857 = arith.constant 96 : index
      %get3A_858 = tpu.vector_load %arg13[%get3A_856, %get3A_857] {strides = array<i32>} : memref<8x128xi32, #tpu.memory_space<vmem>>, vector<16xi32>,
      tpu.vector_store_idx %arg15[%get3A_858], %broadcast_in_dim3A_5 {add = true} : memref<10240xf32, #tpu.memory_space<vmem>>[vector<16xi32>], vector<16xf32>,
      %get3A_859 = arith.constant 4 : i32
      %get3A_860 = arith.index_cast %get3A_859 : i32 to index
      %get3A_861 = arith.constant 112 : index
      %get3A_862 = tpu.vector_load %arg13[%get3A_860, %get3A_861] {strides = array<i32>} : memref<8x128xi32, #tpu.memory_space<vmem>>, vector<16xi32>,
      tpu.vector_store_idx %arg15[%get3A_862], %broadcast_in_dim3A_5 {add = true} : memref<10240xf32, #tpu.memory_space<vmem>>[vector<16xi32>], vector<16xf32>,
      %add3A_863 = arith.constant 2 : i32
      %add3A_864 = arith.addi %add3A_796, %add3A_863 : i32
      %lt3A_865 = arith.constant 80 : i32
      %lt3A_866 = arith.cmpi slt, %add3A_864, %lt3A_865 : i32
      %convert_element_type3A_867 = arith.extui %lt3A_866 : i1 to i32
      %cond3A_868 = arith.constant 0 : i32
      %cond3A_869 = arith.cmpi ne, %convert_element_type3A_867, %cond3A_868 : i32
      scf.if %cond3A_869 {
        %dma_wait3A_1101 = arith.constant 0 : i32
        %dma_wait3A_1102 = arith.constant 0 : i32
        %dma_wait3A_1103 = arith.constant 0 : i32
        %dma_wait3A_1104 = tpu.memref_slice %arg14[%dma_wait3A_1101, %dma_wait3A_1102, %dma_wait3A_1103] : memref<2x128x128xf32, #tpu.memory_space<vmem>> -> memref<1x128x128xf32, #tpu.memory_space<vmem>>
        %dma_wait3A_1105 = tpu.memref_squeeze %dma_wait3A_1104 : memref<1x128x128xf32, #tpu.memory_space<vmem>> -> memref<128x128xf32, #tpu.memory_space<vmem>>
        %dma_wait3A_1106 = arith.constant 0 : i32
        %dma_wait3A_1107 = arith.constant 0 : i32
        %dma_wait3A_1108 = tpu.memref_slice %arg2[%dma_wait3A_1106, %dma_wait3A_1107] : memref<10000x128xf32, #tpu.memory_space<hbm>> -> memref<128x128xf32, #tpu.memory_space<hbm>>
        %dma_wait3A_1109 = arith.constant 0 : i32
        %dma_wait3A_1110 = arith.constant 0 : i32
        %dma_wait3A_1111 = tpu.memref_slice %arg14[%dma_wait3A_1101, %dma_wait3A_1109, %dma_wait3A_1110] : memref<2x128x128xf32, #tpu.memory_space<vmem>> -> memref<1x128x128xf32, #tpu.memory_space<vmem>>
        %dma_wait3A_1112 = tpu.memref_squeeze %dma_wait3A_1111 : memref<1x128x128xf32, #tpu.memory_space<vmem>> -> memref<128x128xf32, #tpu.memory_space<vmem>>
        %dma_wait3A_1113 = arith.constant 0 : i32
        %dma_wait3A_1114 = arith.constant 0 : i32
        %dma_wait3A_1115 = tpu.memref_slice %arg2[%dma_wait3A_1113, %dma_wait3A_1114] : memref<10000x128xf32, #tpu.memory_space<hbm>> -> memref<128x128xf32, #tpu.memory_space<hbm>>
        tpu.wait_dma2 semaphore(%arg27 : memref<!tpu.dma_semaphore, #tpu.memory_space<semaphore_mem>>) src(%dma_wait3A_1115 : memref<128x128xf32, #tpu.memory_space<hbm>>) dst(%dma_wait3A_1112 : memref<128x128xf32, #tpu.memory_space<vmem>>)
        %dma_wait3A_1116 = arith.constant 6 : i32
        %dma_wait3A_1117 = arith.constant 0 : i32
        %dma_wait3A_1118 = tpu.memref_slice %arg12[%dma_wait3A_1116, %dma_wait3A_1117] : memref<8x128xi32, #tpu.memory_space<vmem>> -> memref<1x128xi32, #tpu.memory_space<vmem>>
        %dma_wait3A_1119 = tpu.memref_squeeze %dma_wait3A_1118 : memref<1x128xi32, #tpu.memory_space<vmem>> -> memref<128xi32, #tpu.memory_space<vmem>>
        %dma_wait3A_1120 = arith.constant 0 : i32
        %dma_wait3A_1121 = tpu.memref_slice %arg4[%dma_wait3A_1120] : memref<327680xi32, #tpu.memory_space<hbm>> -> memref<128xi32, #tpu.memory_space<hbm>>
        %dma_wait3A_1122 = arith.constant 0 : i32
        %dma_wait3A_1123 = tpu.memref_slice %arg12[%dma_wait3A_1116, %dma_wait3A_1122] : memref<8x128xi32, #tpu.memory_space<vmem>> -> memref<1x128xi32, #tpu.memory_space<vmem>>
        %dma_wait3A_1124 = tpu.memref_squeeze %dma_wait3A_1123 : memref<1x128xi32, #tpu.memory_space<vmem>> -> memref<128xi32, #tpu.memory_space<vmem>>
        %dma_wait3A_1125 = arith.constant 0 : i32
        %dma_wait3A_1126 = tpu.memref_slice %arg4[%dma_wait3A_1125] : memref<327680xi32, #tpu.memory_space<hbm>> -> memref<128xi32, #tpu.memory_space<hbm>>
        tpu.wait_dma2 semaphore(%arg23 : memref<!tpu.dma_semaphore, #tpu.memory_space<semaphore_mem>>) src(%dma_wait3A_1126 : memref<128xi32, #tpu.memory_space<hbm>>) dst(%dma_wait3A_1124 : memref<128xi32, #tpu.memory_space<vmem>>)
        %dma_wait3A_1127 = arith.constant 6 : i32
        %dma_wait3A_1128 = arith.constant 0 : i32
        %dma_wait3A_1129 = tpu.memref_slice %arg13[%dma_wait3A_1127, %dma_wait3A_1128] : memref<8x128xi32, #tpu.memory_space<vmem>> -> memref<1x128xi32, #tpu.memory_space<vmem>>
        %dma_wait3A_1130 = tpu.memref_squeeze %dma_wait3A_1129 : memref<1x128xi32, #tpu.memory_space<vmem>> -> memref<128xi32, #tpu.memory_space<vmem>>
        %dma_wait3A_1131 = arith.constant 0 : i32
        %dma_wait3A_1132 = tpu.memref_slice %arg4[%dma_wait3A_1131] : memref<327680xi32, #tpu.memory_space<hbm>> -> memref<128xi32, #tpu.memory_space<hbm>>
        %dma_wait3A_1133 = arith.constant 0 : i32
        %dma_wait3A_1134 = tpu.memref_slice %arg13[%dma_wait3A_1127, %dma_wait3A_1133] : memref<8x128xi32, #tpu.memory_space<vmem>> -> memref<1x128xi32, #tpu.memory_space<vmem>>
        %dma_wait3A_1135 = tpu.memref_squeeze %dma_wait3A_1134 : memref<1x128xi32, #tpu.memory_space<vmem>> -> memref<128xi32, #tpu.memory_space<vmem>>
        %dma_wait3A_1136 = arith.constant 0 : i32
        %dma_wait3A_1137 = tpu.memref_slice %arg4[%dma_wait3A_1136] : memref<327680xi32, #tpu.memory_space<hbm>> -> memref<128xi32, #tpu.memory_space<hbm>>
        tpu.wait_dma2 semaphore(%arg23 : memref<!tpu.dma_semaphore, #tpu.memory_space<semaphore_mem>>) src(%dma_wait3A_1137 : memref<128xi32, #tpu.memory_space<hbm>>) dst(%dma_wait3A_1135 : memref<128xi32, #tpu.memory_space<vmem>>)
        %dma_start3A_1138 = arith.constant 6 : i32
        %dma_start3A_1139 = arith.constant 0 : i32
        %dma_start3A_1140 = arith.constant 0 : i32
        %dma_start3A_1141 = arith.constant 0 : i32
        %dma_start3A_1142 = tpu.memref_slice %arg14[%dma_start3A_1139, %dma_start3A_1140, %dma_start3A_1141] : memref<2x128x128xf32, #tpu.memory_space<vmem>> -> memref<1x128x128xf32, #tpu.memory_space<vmem>>
        %dma_start3A_1143 = tpu.memref_squeeze %dma_start3A_1142 : memref<1x128x128xf32, #tpu.memory_space<vmem>> -> memref<128x128xf32, #tpu.memory_space<vmem>>
        %dma_start3A_1144 = arith.constant 0 : i32
        %dma_start3A_1145 = tpu.memref_slice %arg12[%dma_start3A_1138, %dma_start3A_1144] : memref<8x128xi32, #tpu.memory_space<vmem>> -> memref<1x128xi32, #tpu.memory_space<vmem>>
        %dma_start3A_1146 = tpu.memref_squeeze %dma_start3A_1145 : memref<1x128xi32, #tpu.memory_space<vmem>> -> memref<128xi32, #tpu.memory_space<vmem>>
        %dma_start3A_1147 = arith.constant 0 : i32
        %dma_start3A_1148 = arith.constant 0 : i32
        %dma_start3A_1149 = tpu.memref_slice %arg2[%dma_start3A_1147, %dma_start3A_1148] : memref<10000x128xf32, #tpu.memory_space<hbm>> -> memref<10000x128xf32, #tpu.memory_space<hbm>>
        tpu.enqueue_indirect_dma source(%dma_start3A_1149 : memref<10000x128xf32, #tpu.memory_space<hbm>>) target(%dma_start3A_1143 : memref<128x128xf32, #tpu.memory_space<vmem>>) offsets(%dma_start3A_1146 : memref<128xi32, #tpu.memory_space<vmem>>) semaphore(%arg25 : memref<!tpu.dma_semaphore, #tpu.memory_space<semaphore_mem>>)
      } else {
      }
      %mul3A_870 = arith.constant 8 : i32
      %mul3A_871 = arith.muli %mul3A_870, %scan3A_488 : i32
      %add3A_872 = arith.constant 5 : i32
      %add3A_873 = arith.addi %mul3A_871, %add3A_872 : i32
      %add3A_874 = arith.constant 6 : i32
      %add3A_875 = arith.addi %add3A_873, %add3A_874 : i32
      %lt3A_876 = arith.constant 80 : i32
      %lt3A_877 = arith.cmpi slt, %add3A_875, %lt3A_876 : i32
      %convert_element_type3A_878 = arith.extui %lt3A_877 : i1 to i32
      %cond3A_879 = arith.constant 0 : i32
      %cond3A_880 = arith.cmpi ne, %convert_element_type3A_878, %cond3A_879 : i32
      scf.if %cond3A_880 {
        %add3A_1101 = arith.constant 6 : i32
        %add3A_1102 = arith.addi %add3A_873, %add3A_1101 : i32
        %mul3A_1103 = arith.constant 128 : i32
        %mul3A_1104 = arith.muli %add3A_1102, %mul3A_1103 : i32
        %add3A_1105 = arith.addi %mul3A_4, %mul3A_1104 : i32
        %multiple_of3A_1106 = tpu.assume_multiple %add3A_1105, 8 : i32
        %dma_start3A_1107 = arith.constant 3 : i32
        %dma_start3A_1108 = arith.constant 0 : i32
        %dma_start3A_1109 = tpu.memref_slice %arg12[%dma_start3A_1107, %dma_start3A_1108] : memref<8x128xi32, #tpu.memory_space<vmem>> -> memref<1x128xi32, #tpu.memory_space<vmem>>
        %dma_start3A_1110 = tpu.memref_squeeze %dma_start3A_1109 : memref<1x128xi32, #tpu.memory_space<vmem>> -> memref<128xi32, #tpu.memory_space<vmem>>
        %dma_start3A_1111 = tpu.memref_slice %arg4[%multiple_of3A_1106] : memref<327680xi32, #tpu.memory_space<hbm>> -> memref<128xi32, #tpu.memory_space<hbm>>
        %dma_start3A_1112 = arith.constant 0 : i32
        %dma_start3A_1113 = tpu.memref_slice %arg12[%dma_start3A_1107, %dma_start3A_1112] : memref<8x128xi32, #tpu.memory_space<vmem>> -> memref<1x128xi32, #tpu.memory_space<vmem>>
        %dma_start3A_1114 = tpu.memref_squeeze %dma_start3A_1113 : memref<1x128xi32, #tpu.memory_space<vmem>> -> memref<128xi32, #tpu.memory_space<vmem>>
        %dma_start3A_1115 = tpu.memref_slice %arg4[%multiple_of3A_1106] : memref<327680xi32, #tpu.memory_space<hbm>> -> memref<128xi32, #tpu.memory_space<hbm>>
        tpu.enqueue_dma source(%dma_start3A_1115 : memref<128xi32, #tpu.memory_space<hbm>>) target(%dma_start3A_1114 : memref<128xi32, #tpu.memory_space<vmem>>) target_semaphore(%arg20 : memref<!tpu.dma_semaphore, #tpu.memory_space<semaphore_mem>>)
        %dma_start3A_1116 = arith.constant 3 : i32
        %dma_start3A_1117 = arith.constant 0 : i32
        %dma_start3A_1118 = tpu.memref_slice %arg13[%dma_start3A_1116, %dma_start3A_1117] : memref<8x128xi32, #tpu.memory_space<vmem>> -> memref<1x128xi32, #tpu.memory_space<vmem>>
        %dma_start3A_1119 = tpu.memref_squeeze %dma_start3A_1118 : memref<1x128xi32, #tpu.memory_space<vmem>> -> memref<128xi32, #tpu.memory_space<vmem>>
        %dma_start3A_1120 = tpu.memref_slice %arg5[%multiple_of3A_1106] : memref<327680xi32, #tpu.memory_space<hbm>> -> memref<128xi32, #tpu.memory_space<hbm>>
        %dma_start3A_1121 = arith.constant 0 : i32
        %dma_start3A_1122 = tpu.memref_slice %arg13[%dma_start3A_1116, %dma_start3A_1121] : memref<8x128xi32, #tpu.memory_space<vmem>> -> memref<1x128xi32, #tpu.memory_space<vmem>>
        %dma_start3A_1123 = tpu.memref_squeeze %dma_start3A_1122 : memref<1x128xi32, #tpu.memory_space<vmem>> -> memref<128xi32, #tpu.memory_space<vmem>>
        %dma_start3A_1124 = tpu.memref_slice %arg5[%multiple_of3A_1106] : memref<327680xi32, #tpu.memory_space<hbm>> -> memref<128xi32, #tpu.memory_space<hbm>>
        tpu.enqueue_dma source(%dma_start3A_1124 : memref<128xi32, #tpu.memory_space<hbm>>) target(%dma_start3A_1123 : memref<128xi32, #tpu.memory_space<vmem>>) target_semaphore(%arg20 : memref<!tpu.dma_semaphore, #tpu.memory_space<semaphore_mem>>)
      } else {
      }
      %dma_wait3A_881 = arith.constant 1 : i32
      %dma_wait3A_882 = arith.constant 0 : i32
      %dma_wait3A_883 = arith.constant 0 : i32
      %dma_wait3A_884 = tpu.memref_slice %arg14[%dma_wait3A_881, %dma_wait3A_882, %dma_wait3A_883] : memref<2x128x128xf32, #tpu.memory_space<vmem>> -> memref<1x128x128xf32, #tpu.memory_space<vmem>>
      %dma_wait3A_885 = tpu.memref_squeeze %dma_wait3A_884 : memref<1x128x128xf32, #tpu.memory_space<vmem>> -> memref<128x128xf32, #tpu.memory_space<vmem>>
      %dma_wait3A_886 = arith.constant 0 : i32
      %dma_wait3A_887 = arith.constant 0 : i32
      %dma_wait3A_888 = tpu.memref_slice %arg2[%dma_wait3A_886, %dma_wait3A_887] : memref<10000x128xf32, #tpu.memory_space<hbm>> -> memref<128x128xf32, #tpu.memory_space<hbm>>
      %dma_wait3A_889 = arith.constant 0 : i32
      %dma_wait3A_890 = arith.constant 0 : i32
      %dma_wait3A_891 = tpu.memref_slice %arg14[%dma_wait3A_881, %dma_wait3A_889, %dma_wait3A_890] : memref<2x128x128xf32, #tpu.memory_space<vmem>> -> memref<1x128x128xf32, #tpu.memory_space<vmem>>
      %dma_wait3A_892 = tpu.memref_squeeze %dma_wait3A_891 : memref<1x128x128xf32, #tpu.memory_space<vmem>> -> memref<128x128xf32, #tpu.memory_space<vmem>>
      %dma_wait3A_893 = arith.constant 0 : i32
      %dma_wait3A_894 = arith.constant 0 : i32
      %dma_wait3A_895 = tpu.memref_slice %arg2[%dma_wait3A_893, %dma_wait3A_894] : memref<10000x128xf32, #tpu.memory_space<hbm>> -> memref<128x128xf32, #tpu.memory_space<hbm>>
      tpu.wait_dma2 semaphore(%arg26 : memref<!tpu.dma_semaphore, #tpu.memory_space<semaphore_mem>>) src(%dma_wait3A_895 : memref<128x128xf32, #tpu.memory_space<hbm>>) dst(%dma_wait3A_892 : memref<128x128xf32, #tpu.memory_space<vmem>>)
      %dma_start3A_896 = arith.constant 1 : i32
      %dma_start3A_897 = arith.constant 5 : i32
      %dma_start3A_898 = arith.constant 0 : i32
      %dma_start3A_899 = arith.constant 0 : i32
      %dma_start3A_900 = tpu.memref_slice %arg14[%dma_start3A_896, %dma_start3A_898, %dma_start3A_899] : memref<2x128x128xf32, #tpu.memory_space<vmem>> -> memref<1x128x128xf32, #tpu.memory_space<vmem>>
      %dma_start3A_901 = tpu.memref_squeeze %dma_start3A_900 : memref<1x128x128xf32, #tpu.memory_space<vmem>> -> memref<128x128xf32, #tpu.memory_space<vmem>>
      %dma_start3A_902 = arith.constant 0 : i32
      %dma_start3A_903 = tpu.memref_slice %arg13[%dma_start3A_897, %dma_start3A_902] : memref<8x128xi32, #tpu.memory_space<vmem>> -> memref<1x128xi32, #tpu.memory_space<vmem>>
      %dma_start3A_904 = tpu.memref_squeeze %dma_start3A_903 : memref<1x128xi32, #tpu.memory_space<vmem>> -> memref<128xi32, #tpu.memory_space<vmem>>
      %dma_start3A_905 = arith.constant 0 : i32
      %dma_start3A_906 = arith.constant 0 : i32
      %dma_start3A_907 = tpu.memref_slice %arg16[%dma_start3A_905, %dma_start3A_906] : memref<10240x128xf32, #tpu.memory_space<vmem_shared>> -> memref<10240x128xf32, #tpu.memory_space<vmem_shared>>
      tpu.enqueue_indirect_dma source(%dma_start3A_901 : memref<128x128xf32, #tpu.memory_space<vmem>>) target(%dma_start3A_907 : memref<10240x128xf32, #tpu.memory_space<vmem_shared>>) offsets(%dma_start3A_904 : memref<128xi32, #tpu.memory_space<vmem>>) semaphore(%arg28 : memref<!tpu.dma_semaphore, #tpu.memory_space<semaphore_mem>>) {add = true}
      %get3A_908 = arith.constant 5 : i32
      %get3A_909 = arith.index_cast %get3A_908 : i32 to index
      %get3A_910 = arith.constant 0 : index
      %get3A_911 = tpu.vector_load %arg13[%get3A_909, %get3A_910] {strides = array<i32>} : memref<8x128xi32, #tpu.memory_space<vmem>>, vector<16xi32>,
      tpu.vector_store_idx %arg15[%get3A_911], %broadcast_in_dim3A_5 {add = true} : memref<10240xf32, #tpu.memory_space<vmem>>[vector<16xi32>], vector<16xf32>,
      %get3A_912 = arith.constant 5 : i32
      %get3A_913 = arith.index_cast %get3A_912 : i32 to index
      %get3A_914 = arith.constant 16 : index
      %get3A_915 = tpu.vector_load %arg13[%get3A_913, %get3A_914] {strides = array<i32>} : memref<8x128xi32, #tpu.memory_space<vmem>>, vector<16xi32>,
      tpu.vector_store_idx %arg15[%get3A_915], %broadcast_in_dim3A_5 {add = true} : memref<10240xf32, #tpu.memory_space<vmem>>[vector<16xi32>], vector<16xf32>,
      %get3A_916 = arith.constant 5 : i32
      %get3A_917 = arith.index_cast %get3A_916 : i32 to index
      %get3A_918 = arith.constant 32 : index
      %get3A_919 = tpu.vector_load %arg13[%get3A_917, %get3A_918] {strides = array<i32>} : memref<8x128xi32, #tpu.memory_space<vmem>>, vector<16xi32>,
      tpu.vector_store_idx %arg15[%get3A_919], %broadcast_in_dim3A_5 {add = true} : memref<10240xf32, #tpu.memory_space<vmem>>[vector<16xi32>], vector<16xf32>,
      %get3A_920 = arith.constant 5 : i32
      %get3A_921 = arith.index_cast %get3A_920 : i32 to index
      %get3A_922 = arith.constant 48 : index
      %get3A_923 = tpu.vector_load %arg13[%get3A_921, %get3A_922] {strides = array<i32>} : memref<8x128xi32, #tpu.memory_space<vmem>>, vector<16xi32>,
      tpu.vector_store_idx %arg15[%get3A_923], %broadcast_in_dim3A_5 {add = true} : memref<10240xf32, #tpu.memory_space<vmem>>[vector<16xi32>], vector<16xf32>,
      %get3A_924 = arith.constant 5 : i32
      %get3A_925 = arith.index_cast %get3A_924 : i32 to index
      %get3A_926 = arith.constant 64 : index
      %get3A_927 = tpu.vector_load %arg13[%get3A_925, %get3A_926] {strides = array<i32>} : memref<8x128xi32, #tpu.memory_space<vmem>>, vector<16xi32>,
      tpu.vector_store_idx %arg15[%get3A_927], %broadcast_in_dim3A_5 {add = true} : memref<10240xf32, #tpu.memory_space<vmem>>[vector<16xi32>], vector<16xf32>,
      %get3A_928 = arith.constant 5 : i32
      %get3A_929 = arith.index_cast %get3A_928 : i32 to index
      %get3A_930 = arith.constant 80 : index
      %get3A_931 = tpu.vector_load %arg13[%get3A_929, %get3A_930] {strides = array<i32>} : memref<8x128xi32, #tpu.memory_space<vmem>>, vector<16xi32>,
      tpu.vector_store_idx %arg15[%get3A_931], %broadcast_in_dim3A_5 {add = true} : memref<10240xf32, #tpu.memory_space<vmem>>[vector<16xi32>], vector<16xf32>,
      %get3A_932 = arith.constant 5 : i32
      %get3A_933 = arith.index_cast %get3A_932 : i32 to index
      %get3A_934 = arith.constant 96 : index
      %get3A_935 = tpu.vector_load %arg13[%get3A_933, %get3A_934] {strides = array<i32>} : memref<8x128xi32, #tpu.memory_space<vmem>>, vector<16xi32>,
      tpu.vector_store_idx %arg15[%get3A_935], %broadcast_in_dim3A_5 {add = true} : memref<10240xf32, #tpu.memory_space<vmem>>[vector<16xi32>], vector<16xf32>,
      %get3A_936 = arith.constant 5 : i32
      %get3A_937 = arith.index_cast %get3A_936 : i32 to index
      %get3A_938 = arith.constant 112 : index
      %get3A_939 = tpu.vector_load %arg13[%get3A_937, %get3A_938] {strides = array<i32>} : memref<8x128xi32, #tpu.memory_space<vmem>>, vector<16xi32>,
      tpu.vector_store_idx %arg15[%get3A_939], %broadcast_in_dim3A_5 {add = true} : memref<10240xf32, #tpu.memory_space<vmem>>[vector<16xi32>], vector<16xf32>,
      %add3A_940 = arith.constant 2 : i32
      %add3A_941 = arith.addi %add3A_873, %add3A_940 : i32
      %lt3A_942 = arith.constant 80 : i32
      %lt3A_943 = arith.cmpi slt, %add3A_941, %lt3A_942 : i32
      %convert_element_type3A_944 = arith.extui %lt3A_943 : i1 to i32
      %cond3A_945 = arith.constant 0 : i32
      %cond3A_946 = arith.cmpi ne, %convert_element_type3A_944, %cond3A_945 : i32
      scf.if %cond3A_946 {
        %dma_wait3A_1101 = arith.constant 1 : i32
        %dma_wait3A_1102 = arith.constant 0 : i32
        %dma_wait3A_1103 = arith.constant 0 : i32
        %dma_wait3A_1104 = tpu.memref_slice %arg14[%dma_wait3A_1101, %dma_wait3A_1102, %dma_wait3A_1103] : memref<2x128x128xf32, #tpu.memory_space<vmem>> -> memref<1x128x128xf32, #tpu.memory_space<vmem>>
        %dma_wait3A_1105 = tpu.memref_squeeze %dma_wait3A_1104 : memref<1x128x128xf32, #tpu.memory_space<vmem>> -> memref<128x128xf32, #tpu.memory_space<vmem>>
        %dma_wait3A_1106 = arith.constant 0 : i32
        %dma_wait3A_1107 = arith.constant 0 : i32
        %dma_wait3A_1108 = tpu.memref_slice %arg2[%dma_wait3A_1106, %dma_wait3A_1107] : memref<10000x128xf32, #tpu.memory_space<hbm>> -> memref<128x128xf32, #tpu.memory_space<hbm>>
        %dma_wait3A_1109 = arith.constant 0 : i32
        %dma_wait3A_1110 = arith.constant 0 : i32
        %dma_wait3A_1111 = tpu.memref_slice %arg14[%dma_wait3A_1101, %dma_wait3A_1109, %dma_wait3A_1110] : memref<2x128x128xf32, #tpu.memory_space<vmem>> -> memref<1x128x128xf32, #tpu.memory_space<vmem>>
        %dma_wait3A_1112 = tpu.memref_squeeze %dma_wait3A_1111 : memref<1x128x128xf32, #tpu.memory_space<vmem>> -> memref<128x128xf32, #tpu.memory_space<vmem>>
        %dma_wait3A_1113 = arith.constant 0 : i32
        %dma_wait3A_1114 = arith.constant 0 : i32
        %dma_wait3A_1115 = tpu.memref_slice %arg2[%dma_wait3A_1113, %dma_wait3A_1114] : memref<10000x128xf32, #tpu.memory_space<hbm>> -> memref<128x128xf32, #tpu.memory_space<hbm>>
        tpu.wait_dma2 semaphore(%arg28 : memref<!tpu.dma_semaphore, #tpu.memory_space<semaphore_mem>>) src(%dma_wait3A_1115 : memref<128x128xf32, #tpu.memory_space<hbm>>) dst(%dma_wait3A_1112 : memref<128x128xf32, #tpu.memory_space<vmem>>)
        %dma_wait3A_1116 = arith.constant 7 : i32
        %dma_wait3A_1117 = arith.constant 0 : i32
        %dma_wait3A_1118 = tpu.memref_slice %arg12[%dma_wait3A_1116, %dma_wait3A_1117] : memref<8x128xi32, #tpu.memory_space<vmem>> -> memref<1x128xi32, #tpu.memory_space<vmem>>
        %dma_wait3A_1119 = tpu.memref_squeeze %dma_wait3A_1118 : memref<1x128xi32, #tpu.memory_space<vmem>> -> memref<128xi32, #tpu.memory_space<vmem>>
        %dma_wait3A_1120 = arith.constant 0 : i32
        %dma_wait3A_1121 = tpu.memref_slice %arg4[%dma_wait3A_1120] : memref<327680xi32, #tpu.memory_space<hbm>> -> memref<128xi32, #tpu.memory_space<hbm>>
        %dma_wait3A_1122 = arith.constant 0 : i32
        %dma_wait3A_1123 = tpu.memref_slice %arg12[%dma_wait3A_1116, %dma_wait3A_1122] : memref<8x128xi32, #tpu.memory_space<vmem>> -> memref<1x128xi32, #tpu.memory_space<vmem>>
        %dma_wait3A_1124 = tpu.memref_squeeze %dma_wait3A_1123 : memref<1x128xi32, #tpu.memory_space<vmem>> -> memref<128xi32, #tpu.memory_space<vmem>>
        %dma_wait3A_1125 = arith.constant 0 : i32
        %dma_wait3A_1126 = tpu.memref_slice %arg4[%dma_wait3A_1125] : memref<327680xi32, #tpu.memory_space<hbm>> -> memref<128xi32, #tpu.memory_space<hbm>>
        tpu.wait_dma2 semaphore(%arg24 : memref<!tpu.dma_semaphore, #tpu.memory_space<semaphore_mem>>) src(%dma_wait3A_1126 : memref<128xi32, #tpu.memory_space<hbm>>) dst(%dma_wait3A_1124 : memref<128xi32, #tpu.memory_space<vmem>>)
        %dma_wait3A_1127 = arith.constant 7 : i32
        %dma_wait3A_1128 = arith.constant 0 : i32
        %dma_wait3A_1129 = tpu.memref_slice %arg13[%dma_wait3A_1127, %dma_wait3A_1128] : memref<8x128xi32, #tpu.memory_space<vmem>> -> memref<1x128xi32, #tpu.memory_space<vmem>>
        %dma_wait3A_1130 = tpu.memref_squeeze %dma_wait3A_1129 : memref<1x128xi32, #tpu.memory_space<vmem>> -> memref<128xi32, #tpu.memory_space<vmem>>
        %dma_wait3A_1131 = arith.constant 0 : i32
        %dma_wait3A_1132 = tpu.memref_slice %arg4[%dma_wait3A_1131] : memref<327680xi32, #tpu.memory_space<hbm>> -> memref<128xi32, #tpu.memory_space<hbm>>
        %dma_wait3A_1133 = arith.constant 0 : i32
        %dma_wait3A_1134 = tpu.memref_slice %arg13[%dma_wait3A_1127, %dma_wait3A_1133] : memref<8x128xi32, #tpu.memory_space<vmem>> -> memref<1x128xi32, #tpu.memory_space<vmem>>
        %dma_wait3A_1135 = tpu.memref_squeeze %dma_wait3A_1134 : memref<1x128xi32, #tpu.memory_space<vmem>> -> memref<128xi32, #tpu.memory_space<vmem>>
        %dma_wait3A_1136 = arith.constant 0 : i32
        %dma_wait3A_1137 = tpu.memref_slice %arg4[%dma_wait3A_1136] : memref<327680xi32, #tpu.memory_space<hbm>> -> memref<128xi32, #tpu.memory_space<hbm>>
        tpu.wait_dma2 semaphore(%arg24 : memref<!tpu.dma_semaphore, #tpu.memory_space<semaphore_mem>>) src(%dma_wait3A_1137 : memref<128xi32, #tpu.memory_space<hbm>>) dst(%dma_wait3A_1135 : memref<128xi32, #tpu.memory_space<vmem>>)
        %dma_start3A_1138 = arith.constant 7 : i32
        %dma_start3A_1139 = arith.constant 1 : i32
        %dma_start3A_1140 = arith.constant 0 : i32
        %dma_start3A_1141 = arith.constant 0 : i32
        %dma_start3A_1142 = tpu.memref_slice %arg14[%dma_start3A_1139, %dma_start3A_1140, %dma_start3A_1141] : memref<2x128x128xf32, #tpu.memory_space<vmem>> -> memref<1x128x128xf32, #tpu.memory_space<vmem>>
        %dma_start3A_1143 = tpu.memref_squeeze %dma_start3A_1142 : memref<1x128x128xf32, #tpu.memory_space<vmem>> -> memref<128x128xf32, #tpu.memory_space<vmem>>
        %dma_start3A_1144 = arith.constant 0 : i32
        %dma_start3A_1145 = tpu.memref_slice %arg12[%dma_start3A_1138, %dma_start3A_1144] : memref<8x128xi32, #tpu.memory_space<vmem>> -> memref<1x128xi32, #tpu.memory_space<vmem>>
        %dma_start3A_1146 = tpu.memref_squeeze %dma_start3A_1145 : memref<1x128xi32, #tpu.memory_space<vmem>> -> memref<128xi32, #tpu.memory_space<vmem>>
        %dma_start3A_1147 = arith.constant 0 : i32
        %dma_start3A_1148 = arith.constant 0 : i32
        %dma_start3A_1149 = tpu.memref_slice %arg2[%dma_start3A_1147, %dma_start3A_1148] : memref<10000x128xf32, #tpu.memory_space<hbm>> -> memref<10000x128xf32, #tpu.memory_space<hbm>>
        tpu.enqueue_indirect_dma source(%dma_start3A_1149 : memref<10000x128xf32, #tpu.memory_space<hbm>>) target(%dma_start3A_1143 : memref<128x128xf32, #tpu.memory_space<vmem>>) offsets(%dma_start3A_1146 : memref<128xi32, #tpu.memory_space<vmem>>) semaphore(%arg26 : memref<!tpu.dma_semaphore, #tpu.memory_space<semaphore_mem>>)
      } else {
      }
      %mul3A_947 = arith.constant 8 : i32
      %mul3A_948 = arith.muli %mul3A_947, %scan3A_488 : i32
      %add3A_949 = arith.constant 6 : i32
      %add3A_950 = arith.addi %mul3A_948, %add3A_949 : i32
      %add3A_951 = arith.constant 6 : i32
      %add3A_952 = arith.addi %add3A_950, %add3A_951 : i32
      %lt3A_953 = arith.constant 80 : i32
      %lt3A_954 = arith.cmpi slt, %add3A_952, %lt3A_953 : i32
      %convert_element_type3A_955 = arith.extui %lt3A_954 : i1 to i32
      %cond3A_956 = arith.constant 0 : i32
      %cond3A_957 = arith.cmpi ne, %convert_element_type3A_955, %cond3A_956 : i32
      scf.if %cond3A_957 {
        %add3A_1101 = arith.constant 6 : i32
        %add3A_1102 = arith.addi %add3A_950, %add3A_1101 : i32
        %mul3A_1103 = arith.constant 128 : i32
        %mul3A_1104 = arith.muli %add3A_1102, %mul3A_1103 : i32
        %add3A_1105 = arith.addi %mul3A_4, %mul3A_1104 : i32
        %multiple_of3A_1106 = tpu.assume_multiple %add3A_1105, 8 : i32
        %dma_start3A_1107 = arith.constant 4 : i32
        %dma_start3A_1108 = arith.constant 0 : i32
        %dma_start3A_1109 = tpu.memref_slice %arg12[%dma_start3A_1107, %dma_start3A_1108] : memref<8x128xi32, #tpu.memory_space<vmem>> -> memref<1x128xi32, #tpu.memory_space<vmem>>
        %dma_start3A_1110 = tpu.memref_squeeze %dma_start3A_1109 : memref<1x128xi32, #tpu.memory_space<vmem>> -> memref<128xi32, #tpu.memory_space<vmem>>
        %dma_start3A_1111 = tpu.memref_slice %arg4[%multiple_of3A_1106] : memref<327680xi32, #tpu.memory_space<hbm>> -> memref<128xi32, #tpu.memory_space<hbm>>
        %dma_start3A_1112 = arith.constant 0 : i32
        %dma_start3A_1113 = tpu.memref_slice %arg12[%dma_start3A_1107, %dma_start3A_1112] : memref<8x128xi32, #tpu.memory_space<vmem>> -> memref<1x128xi32, #tpu.memory_space<vmem>>
        %dma_start3A_1114 = tpu.memref_squeeze %dma_start3A_1113 : memref<1x128xi32, #tpu.memory_space<vmem>> -> memref<128xi32, #tpu.memory_space<vmem>>
        %dma_start3A_1115 = tpu.memref_slice %arg4[%multiple_of3A_1106] : memref<327680xi32, #tpu.memory_space<hbm>> -> memref<128xi32, #tpu.memory_space<hbm>>
        tpu.enqueue_dma source(%dma_start3A_1115 : memref<128xi32, #tpu.memory_space<hbm>>) target(%dma_start3A_1114 : memref<128xi32, #tpu.memory_space<vmem>>) target_semaphore(%arg21 : memref<!tpu.dma_semaphore, #tpu.memory_space<semaphore_mem>>)
        %dma_start3A_1116 = arith.constant 4 : i32
        %dma_start3A_1117 = arith.constant 0 : i32
        %dma_start3A_1118 = tpu.memref_slice %arg13[%dma_start3A_1116, %dma_start3A_1117] : memref<8x128xi32, #tpu.memory_space<vmem>> -> memref<1x128xi32, #tpu.memory_space<vmem>>
        %dma_start3A_1119 = tpu.memref_squeeze %dma_start3A_1118 : memref<1x128xi32, #tpu.memory_space<vmem>> -> memref<128xi32, #tpu.memory_space<vmem>>
        %dma_start3A_1120 = tpu.memref_slice %arg5[%multiple_of3A_1106] : memref<327680xi32, #tpu.memory_space<hbm>> -> memref<128xi32, #tpu.memory_space<hbm>>
        %dma_start3A_1121 = arith.constant 0 : i32
        %dma_start3A_1122 = tpu.memref_slice %arg13[%dma_start3A_1116, %dma_start3A_1121] : memref<8x128xi32, #tpu.memory_space<vmem>> -> memref<1x128xi32, #tpu.memory_space<vmem>>
        %dma_start3A_1123 = tpu.memref_squeeze %dma_start3A_1122 : memref<1x128xi32, #tpu.memory_space<vmem>> -> memref<128xi32, #tpu.memory_space<vmem>>
        %dma_start3A_1124 = tpu.memref_slice %arg5[%multiple_of3A_1106] : memref<327680xi32, #tpu.memory_space<hbm>> -> memref<128xi32, #tpu.memory_space<hbm>>
        tpu.enqueue_dma source(%dma_start3A_1124 : memref<128xi32, #tpu.memory_space<hbm>>) target(%dma_start3A_1123 : memref<128xi32, #tpu.memory_space<vmem>>) target_semaphore(%arg21 : memref<!tpu.dma_semaphore, #tpu.memory_space<semaphore_mem>>)
      } else {
      }
      %dma_wait3A_958 = arith.constant 0 : i32
      %dma_wait3A_959 = arith.constant 0 : i32
      %dma_wait3A_960 = arith.constant 0 : i32
      %dma_wait3A_961 = tpu.memref_slice %arg14[%dma_wait3A_958, %dma_wait3A_959, %dma_wait3A_960] : memref<2x128x128xf32, #tpu.memory_space<vmem>> -> memref<1x128x128xf32, #tpu.memory_space<vmem>>
      %dma_wait3A_962 = tpu.memref_squeeze %dma_wait3A_961 : memref<1x128x128xf32, #tpu.memory_space<vmem>> -> memref<128x128xf32, #tpu.memory_space<vmem>>
      %dma_wait3A_963 = arith.constant 0 : i32
      %dma_wait3A_964 = arith.constant 0 : i32
      %dma_wait3A_965 = tpu.memref_slice %arg2[%dma_wait3A_963, %dma_wait3A_964] : memref<10000x128xf32, #tpu.memory_space<hbm>> -> memref<128x128xf32, #tpu.memory_space<hbm>>
      %dma_wait3A_966 = arith.constant 0 : i32
      %dma_wait3A_967 = arith.constant 0 : i32
      %dma_wait3A_968 = tpu.memref_slice %arg14[%dma_wait3A_958, %dma_wait3A_966, %dma_wait3A_967] : memref<2x128x128xf32, #tpu.memory_space<vmem>> -> memref<1x128x128xf32, #tpu.memory_space<vmem>>
      %dma_wait3A_969 = tpu.memref_squeeze %dma_wait3A_968 : memref<1x128x128xf32, #tpu.memory_space<vmem>> -> memref<128x128xf32, #tpu.memory_space<vmem>>
      %dma_wait3A_970 = arith.constant 0 : i32
      %dma_wait3A_971 = arith.constant 0 : i32
      %dma_wait3A_972 = tpu.memref_slice %arg2[%dma_wait3A_970, %dma_wait3A_971] : memref<10000x128xf32, #tpu.memory_space<hbm>> -> memref<128x128xf32, #tpu.memory_space<hbm>>
      tpu.wait_dma2 semaphore(%arg25 : memref<!tpu.dma_semaphore, #tpu.memory_space<semaphore_mem>>) src(%dma_wait3A_972 : memref<128x128xf32, #tpu.memory_space<hbm>>) dst(%dma_wait3A_969 : memref<128x128xf32, #tpu.memory_space<vmem>>)
      %dma_start3A_973 = arith.constant 0 : i32
      %dma_start3A_974 = arith.constant 6 : i32
      %dma_start3A_975 = arith.constant 0 : i32
      %dma_start3A_976 = arith.constant 0 : i32
      %dma_start3A_977 = tpu.memref_slice %arg14[%dma_start3A_973, %dma_start3A_975, %dma_start3A_976] : memref<2x128x128xf32, #tpu.memory_space<vmem>> -> memref<1x128x128xf32, #tpu.memory_space<vmem>>
      %dma_start3A_978 = tpu.memref_squeeze %dma_start3A_977 : memref<1x128x128xf32, #tpu.memory_space<vmem>> -> memref<128x128xf32, #tpu.memory_space<vmem>>
      %dma_start3A_979 = arith.constant 0 : i32
      %dma_start3A_980 = tpu.memref_slice %arg13[%dma_start3A_974, %dma_start3A_979] : memref<8x128xi32, #tpu.memory_space<vmem>> -> memref<1x128xi32, #tpu.memory_space<vmem>>
      %dma_start3A_981 = tpu.memref_squeeze %dma_start3A_980 : memref<1x128xi32, #tpu.memory_space<vmem>> -> memref<128xi32, #tpu.memory_space<vmem>>
      %dma_start3A_982 = arith.constant 0 : i32
      %dma_start3A_983 = arith.constant 0 : i32
      %dma_start3A_984 = tpu.memref_slice %arg16[%dma_start3A_982, %dma_start3A_983] : memref<10240x128xf32, #tpu.memory_space<vmem_shared>> -> memref<10240x128xf32, #tpu.memory_space<vmem_shared>>
      tpu.enqueue_indirect_dma source(%dma_start3A_978 : memref<128x128xf32, #tpu.memory_space<vmem>>) target(%dma_start3A_984 : memref<10240x128xf32, #tpu.memory_space<vmem_shared>>) offsets(%dma_start3A_981 : memref<128xi32, #tpu.memory_space<vmem>>) semaphore(%arg27 : memref<!tpu.dma_semaphore, #tpu.memory_space<semaphore_mem>>) {add = true}
      %get3A_985 = arith.constant 6 : i32
      %get3A_986 = arith.index_cast %get3A_985 : i32 to index
      %get3A_987 = arith.constant 0 : index
      %get3A_988 = tpu.vector_load %arg13[%get3A_986, %get3A_987] {strides = array<i32>} : memref<8x128xi32, #tpu.memory_space<vmem>>, vector<16xi32>,
      tpu.vector_store_idx %arg15[%get3A_988], %broadcast_in_dim3A_5 {add = true} : memref<10240xf32, #tpu.memory_space<vmem>>[vector<16xi32>], vector<16xf32>,
      %get3A_989 = arith.constant 6 : i32
      %get3A_990 = arith.index_cast %get3A_989 : i32 to index
      %get3A_991 = arith.constant 16 : index
      %get3A_992 = tpu.vector_load %arg13[%get3A_990, %get3A_991] {strides = array<i32>} : memref<8x128xi32, #tpu.memory_space<vmem>>, vector<16xi32>,
      tpu.vector_store_idx %arg15[%get3A_992], %broadcast_in_dim3A_5 {add = true} : memref<10240xf32, #tpu.memory_space<vmem>>[vector<16xi32>], vector<16xf32>,
      %get3A_993 = arith.constant 6 : i32
      %get3A_994 = arith.index_cast %get3A_993 : i32 to index
      %get3A_995 = arith.constant 32 : index
      %get3A_996 = tpu.vector_load %arg13[%get3A_994, %get3A_995] {strides = array<i32>} : memref<8x128xi32, #tpu.memory_space<vmem>>, vector<16xi32>,
      tpu.vector_store_idx %arg15[%get3A_996], %broadcast_in_dim3A_5 {add = true} : memref<10240xf32, #tpu.memory_space<vmem>>[vector<16xi32>], vector<16xf32>,
      %get3A_997 = arith.constant 6 : i32
      %get3A_998 = arith.index_cast %get3A_997 : i32 to index
      %get3A_999 = arith.constant 48 : index
      %get3A_1000 = tpu.vector_load %arg13[%get3A_998, %get3A_999] {strides = array<i32>} : memref<8x128xi32, #tpu.memory_space<vmem>>, vector<16xi32>,
      tpu.vector_store_idx %arg15[%get3A_1000], %broadcast_in_dim3A_5 {add = true} : memref<10240xf32, #tpu.memory_space<vmem>>[vector<16xi32>], vector<16xf32>,
      %get3A_1001 = arith.constant 6 : i32
      %get3A_1002 = arith.index_cast %get3A_1001 : i32 to index
      %get3A_1003 = arith.constant 64 : index
      %get3A_1004 = tpu.vector_load %arg13[%get3A_1002, %get3A_1003] {strides = array<i32>} : memref<8x128xi32, #tpu.memory_space<vmem>>, vector<16xi32>,
      tpu.vector_store_idx %arg15[%get3A_1004], %broadcast_in_dim3A_5 {add = true} : memref<10240xf32, #tpu.memory_space<vmem>>[vector<16xi32>], vector<16xf32>,
      %get3A_1005 = arith.constant 6 : i32
      %get3A_1006 = arith.index_cast %get3A_1005 : i32 to index
      %get3A_1007 = arith.constant 80 : index
      %get3A_1008 = tpu.vector_load %arg13[%get3A_1006, %get3A_1007] {strides = array<i32>} : memref<8x128xi32, #tpu.memory_space<vmem>>, vector<16xi32>,
      tpu.vector_store_idx %arg15[%get3A_1008], %broadcast_in_dim3A_5 {add = true} : memref<10240xf32, #tpu.memory_space<vmem>>[vector<16xi32>], vector<16xf32>,
      %get3A_1009 = arith.constant 6 : i32
      %get3A_1010 = arith.index_cast %get3A_1009 : i32 to index
      %get3A_1011 = arith.constant 96 : index
      %get3A_1012 = tpu.vector_load %arg13[%get3A_1010, %get3A_1011] {strides = array<i32>} : memref<8x128xi32, #tpu.memory_space<vmem>>, vector<16xi32>,
      tpu.vector_store_idx %arg15[%get3A_1012], %broadcast_in_dim3A_5 {add = true} : memref<10240xf32, #tpu.memory_space<vmem>>[vector<16xi32>], vector<16xf32>,
      %get3A_1013 = arith.constant 6 : i32
      %get3A_1014 = arith.index_cast %get3A_1013 : i32 to index
      %get3A_1015 = arith.constant 112 : index
      %get3A_1016 = tpu.vector_load %arg13[%get3A_1014, %get3A_1015] {strides = array<i32>} : memref<8x128xi32, #tpu.memory_space<vmem>>, vector<16xi32>,
      tpu.vector_store_idx %arg15[%get3A_1016], %broadcast_in_dim3A_5 {add = true} : memref<10240xf32, #tpu.memory_space<vmem>>[vector<16xi32>], vector<16xf32>,
      %add3A_1017 = arith.constant 2 : i32
      %add3A_1018 = arith.addi %add3A_950, %add3A_1017 : i32
      %lt3A_1019 = arith.constant 80 : i32
      %lt3A_1020 = arith.cmpi slt, %add3A_1018, %lt3A_1019 : i32
      %convert_element_type3A_1021 = arith.extui %lt3A_1020 : i1 to i32
      %cond3A_1022 = arith.constant 0 : i32
      %cond3A_1023 = arith.cmpi ne, %convert_element_type3A_1021, %cond3A_1022 : i32
      scf.if %cond3A_1023 {
        %dma_wait3A_1101 = arith.constant 0 : i32
        %dma_wait3A_1102 = arith.constant 0 : i32
        %dma_wait3A_1103 = arith.constant 0 : i32
        %dma_wait3A_1104 = tpu.memref_slice %arg14[%dma_wait3A_1101, %dma_wait3A_1102, %dma_wait3A_1103] : memref<2x128x128xf32, #tpu.memory_space<vmem>> -> memref<1x128x128xf32, #tpu.memory_space<vmem>>
        %dma_wait3A_1105 = tpu.memref_squeeze %dma_wait3A_1104 : memref<1x128x128xf32, #tpu.memory_space<vmem>> -> memref<128x128xf32, #tpu.memory_space<vmem>>
        %dma_wait3A_1106 = arith.constant 0 : i32
        %dma_wait3A_1107 = arith.constant 0 : i32
        %dma_wait3A_1108 = tpu.memref_slice %arg2[%dma_wait3A_1106, %dma_wait3A_1107] : memref<10000x128xf32, #tpu.memory_space<hbm>> -> memref<128x128xf32, #tpu.memory_space<hbm>>
        %dma_wait3A_1109 = arith.constant 0 : i32
        %dma_wait3A_1110 = arith.constant 0 : i32
        %dma_wait3A_1111 = tpu.memref_slice %arg14[%dma_wait3A_1101, %dma_wait3A_1109, %dma_wait3A_1110] : memref<2x128x128xf32, #tpu.memory_space<vmem>> -> memref<1x128x128xf32, #tpu.memory_space<vmem>>
        %dma_wait3A_1112 = tpu.memref_squeeze %dma_wait3A_1111 : memref<1x128x128xf32, #tpu.memory_space<vmem>> -> memref<128x128xf32, #tpu.memory_space<vmem>>
        %dma_wait3A_1113 = arith.constant 0 : i32
        %dma_wait3A_1114 = arith.constant 0 : i32
        %dma_wait3A_1115 = tpu.memref_slice %arg2[%dma_wait3A_1113, %dma_wait3A_1114] : memref<10000x128xf32, #tpu.memory_space<hbm>> -> memref<128x128xf32, #tpu.memory_space<hbm>>
        tpu.wait_dma2 semaphore(%arg27 : memref<!tpu.dma_semaphore, #tpu.memory_space<semaphore_mem>>) src(%dma_wait3A_1115 : memref<128x128xf32, #tpu.memory_space<hbm>>) dst(%dma_wait3A_1112 : memref<128x128xf32, #tpu.memory_space<vmem>>)
        %dma_wait3A_1116 = arith.constant 0 : i32
        %dma_wait3A_1117 = arith.constant 0 : i32
        %dma_wait3A_1118 = tpu.memref_slice %arg12[%dma_wait3A_1116, %dma_wait3A_1117] : memref<8x128xi32, #tpu.memory_space<vmem>> -> memref<1x128xi32, #tpu.memory_space<vmem>>
        %dma_wait3A_1119 = tpu.memref_squeeze %dma_wait3A_1118 : memref<1x128xi32, #tpu.memory_space<vmem>> -> memref<128xi32, #tpu.memory_space<vmem>>
        %dma_wait3A_1120 = arith.constant 0 : i32
        %dma_wait3A_1121 = tpu.memref_slice %arg4[%dma_wait3A_1120] : memref<327680xi32, #tpu.memory_space<hbm>> -> memref<128xi32, #tpu.memory_space<hbm>>
        %dma_wait3A_1122 = arith.constant 0 : i32
        %dma_wait3A_1123 = tpu.memref_slice %arg12[%dma_wait3A_1116, %dma_wait3A_1122] : memref<8x128xi32, #tpu.memory_space<vmem>> -> memref<1x128xi32, #tpu.memory_space<vmem>>
        %dma_wait3A_1124 = tpu.memref_squeeze %dma_wait3A_1123 : memref<1x128xi32, #tpu.memory_space<vmem>> -> memref<128xi32, #tpu.memory_space<vmem>>
        %dma_wait3A_1125 = arith.constant 0 : i32
        %dma_wait3A_1126 = tpu.memref_slice %arg4[%dma_wait3A_1125] : memref<327680xi32, #tpu.memory_space<hbm>> -> memref<128xi32, #tpu.memory_space<hbm>>
        tpu.wait_dma2 semaphore(%arg17 : memref<!tpu.dma_semaphore, #tpu.memory_space<semaphore_mem>>) src(%dma_wait3A_1126 : memref<128xi32, #tpu.memory_space<hbm>>) dst(%dma_wait3A_1124 : memref<128xi32, #tpu.memory_space<vmem>>)
        %dma_wait3A_1127 = arith.constant 0 : i32
        %dma_wait3A_1128 = arith.constant 0 : i32
        %dma_wait3A_1129 = tpu.memref_slice %arg13[%dma_wait3A_1127, %dma_wait3A_1128] : memref<8x128xi32, #tpu.memory_space<vmem>> -> memref<1x128xi32, #tpu.memory_space<vmem>>
        %dma_wait3A_1130 = tpu.memref_squeeze %dma_wait3A_1129 : memref<1x128xi32, #tpu.memory_space<vmem>> -> memref<128xi32, #tpu.memory_space<vmem>>
        %dma_wait3A_1131 = arith.constant 0 : i32
        %dma_wait3A_1132 = tpu.memref_slice %arg4[%dma_wait3A_1131] : memref<327680xi32, #tpu.memory_space<hbm>> -> memref<128xi32, #tpu.memory_space<hbm>>
        %dma_wait3A_1133 = arith.constant 0 : i32
        %dma_wait3A_1134 = tpu.memref_slice %arg13[%dma_wait3A_1127, %dma_wait3A_1133] : memref<8x128xi32, #tpu.memory_space<vmem>> -> memref<1x128xi32, #tpu.memory_space<vmem>>
        %dma_wait3A_1135 = tpu.memref_squeeze %dma_wait3A_1134 : memref<1x128xi32, #tpu.memory_space<vmem>> -> memref<128xi32, #tpu.memory_space<vmem>>
        %dma_wait3A_1136 = arith.constant 0 : i32
        %dma_wait3A_1137 = tpu.memref_slice %arg4[%dma_wait3A_1136] : memref<327680xi32, #tpu.memory_space<hbm>> -> memref<128xi32, #tpu.memory_space<hbm>>
        tpu.wait_dma2 semaphore(%arg17 : memref<!tpu.dma_semaphore, #tpu.memory_space<semaphore_mem>>) src(%dma_wait3A_1137 : memref<128xi32, #tpu.memory_space<hbm>>) dst(%dma_wait3A_1135 : memref<128xi32, #tpu.memory_space<vmem>>)
        %dma_start3A_1138 = arith.constant 0 : i32
        %dma_start3A_1139 = arith.constant 0 : i32
        %dma_start3A_1140 = arith.constant 0 : i32
        %dma_start3A_1141 = arith.constant 0 : i32
        %dma_start3A_1142 = tpu.memref_slice %arg14[%dma_start3A_1139, %dma_start3A_1140, %dma_start3A_1141] : memref<2x128x128xf32, #tpu.memory_space<vmem>> -> memref<1x128x128xf32, #tpu.memory_space<vmem>>
        %dma_start3A_1143 = tpu.memref_squeeze %dma_start3A_1142 : memref<1x128x128xf32, #tpu.memory_space<vmem>> -> memref<128x128xf32, #tpu.memory_space<vmem>>
        %dma_start3A_1144 = arith.constant 0 : i32
        %dma_start3A_1145 = tpu.memref_slice %arg12[%dma_start3A_1138, %dma_start3A_1144] : memref<8x128xi32, #tpu.memory_space<vmem>> -> memref<1x128xi32, #tpu.memory_space<vmem>>
        %dma_start3A_1146 = tpu.memref_squeeze %dma_start3A_1145 : memref<1x128xi32, #tpu.memory_space<vmem>> -> memref<128xi32, #tpu.memory_space<vmem>>
        %dma_start3A_1147 = arith.constant 0 : i32
        %dma_start3A_1148 = arith.constant 0 : i32
        %dma_start3A_1149 = tpu.memref_slice %arg2[%dma_start3A_1147, %dma_start3A_1148] : memref<10000x128xf32, #tpu.memory_space<hbm>> -> memref<10000x128xf32, #tpu.memory_space<hbm>>
        tpu.enqueue_indirect_dma source(%dma_start3A_1149 : memref<10000x128xf32, #tpu.memory_space<hbm>>) target(%dma_start3A_1143 : memref<128x128xf32, #tpu.memory_space<vmem>>) offsets(%dma_start3A_1146 : memref<128xi32, #tpu.memory_space<vmem>>) semaphore(%arg25 : memref<!tpu.dma_semaphore, #tpu.memory_space<semaphore_mem>>)
      } else {
      }
      %mul3A_1024 = arith.constant 8 : i32
      %mul3A_1025 = arith.muli %mul3A_1024, %scan3A_488 : i32
      %add3A_1026 = arith.constant 7 : i32
      %add3A_1027 = arith.addi %mul3A_1025, %add3A_1026 : i32
      %add3A_1028 = arith.constant 6 : i32
      %add3A_1029 = arith.addi %add3A_1027, %add3A_1028 : i32
      %lt3A_1030 = arith.constant 80 : i32
      %lt3A_1031 = arith.cmpi slt, %add3A_1029, %lt3A_1030 : i32
      %convert_element_type3A_1032 = arith.extui %lt3A_1031 : i1 to i32
      %cond3A_1033 = arith.constant 0 : i32
      %cond3A_1034 = arith.cmpi ne, %convert_element_type3A_1032, %cond3A_1033 : i32
      scf.if %cond3A_1034 {
        %add3A_1101 = arith.constant 6 : i32
        %add3A_1102 = arith.addi %add3A_1027, %add3A_1101 : i32
        %mul3A_1103 = arith.constant 128 : i32
        %mul3A_1104 = arith.muli %add3A_1102, %mul3A_1103 : i32
        %add3A_1105 = arith.addi %mul3A_4, %mul3A_1104 : i32
        %multiple_of3A_1106 = tpu.assume_multiple %add3A_1105, 8 : i32
        %dma_start3A_1107 = arith.constant 5 : i32
        %dma_start3A_1108 = arith.constant 0 : i32
        %dma_start3A_1109 = tpu.memref_slice %arg12[%dma_start3A_1107, %dma_start3A_1108] : memref<8x128xi32, #tpu.memory_space<vmem>> -> memref<1x128xi32, #tpu.memory_space<vmem>>
        %dma_start3A_1110 = tpu.memref_squeeze %dma_start3A_1109 : memref<1x128xi32, #tpu.memory_space<vmem>> -> memref<128xi32, #tpu.memory_space<vmem>>
        %dma_start3A_1111 = tpu.memref_slice %arg4[%multiple_of3A_1106] : memref<327680xi32, #tpu.memory_space<hbm>> -> memref<128xi32, #tpu.memory_space<hbm>>
        %dma_start3A_1112 = arith.constant 0 : i32
        %dma_start3A_1113 = tpu.memref_slice %arg12[%dma_start3A_1107, %dma_start3A_1112] : memref<8x128xi32, #tpu.memory_space<vmem>> -> memref<1x128xi32, #tpu.memory_space<vmem>>
        %dma_start3A_1114 = tpu.memref_squeeze %dma_start3A_1113 : memref<1x128xi32, #tpu.memory_space<vmem>> -> memref<128xi32, #tpu.memory_space<vmem>>
        %dma_start3A_1115 = tpu.memref_slice %arg4[%multiple_of3A_1106] : memref<327680xi32, #tpu.memory_space<hbm>> -> memref<128xi32, #tpu.memory_space<hbm>>
        tpu.enqueue_dma source(%dma_start3A_1115 : memref<128xi32, #tpu.memory_space<hbm>>) target(%dma_start3A_1114 : memref<128xi32, #tpu.memory_space<vmem>>) target_semaphore(%arg22 : memref<!tpu.dma_semaphore, #tpu.memory_space<semaphore_mem>>)
        %dma_start3A_1116 = arith.constant 5 : i32
        %dma_start3A_1117 = arith.constant 0 : i32
        %dma_start3A_1118 = tpu.memref_slice %arg13[%dma_start3A_1116, %dma_start3A_1117] : memref<8x128xi32, #tpu.memory_space<vmem>> -> memref<1x128xi32, #tpu.memory_space<vmem>>
        %dma_start3A_1119 = tpu.memref_squeeze %dma_start3A_1118 : memref<1x128xi32, #tpu.memory_space<vmem>> -> memref<128xi32, #tpu.memory_space<vmem>>
        %dma_start3A_1120 = tpu.memref_slice %arg5[%multiple_of3A_1106] : memref<327680xi32, #tpu.memory_space<hbm>> -> memref<128xi32, #tpu.memory_space<hbm>>
        %dma_start3A_1121 = arith.constant 0 : i32
        %dma_start3A_1122 = tpu.memref_slice %arg13[%dma_start3A_1116, %dma_start3A_1121] : memref<8x128xi32, #tpu.memory_space<vmem>> -> memref<1x128xi32, #tpu.memory_space<vmem>>
        %dma_start3A_1123 = tpu.memref_squeeze %dma_start3A_1122 : memref<1x128xi32, #tpu.memory_space<vmem>> -> memref<128xi32, #tpu.memory_space<vmem>>
        %dma_start3A_1124 = tpu.memref_slice %arg5[%multiple_of3A_1106] : memref<327680xi32, #tpu.memory_space<hbm>> -> memref<128xi32, #tpu.memory_space<hbm>>
        tpu.enqueue_dma source(%dma_start3A_1124 : memref<128xi32, #tpu.memory_space<hbm>>) target(%dma_start3A_1123 : memref<128xi32, #tpu.memory_space<vmem>>) target_semaphore(%arg22 : memref<!tpu.dma_semaphore, #tpu.memory_space<semaphore_mem>>)
      } else {
      }
      %dma_wait3A_1035 = arith.constant 1 : i32
      %dma_wait3A_1036 = arith.constant 0 : i32
      %dma_wait3A_1037 = arith.constant 0 : i32
      %dma_wait3A_1038 = tpu.memref_slice %arg14[%dma_wait3A_1035, %dma_wait3A_1036, %dma_wait3A_1037] : memref<2x128x128xf32, #tpu.memory_space<vmem>> -> memref<1x128x128xf32, #tpu.memory_space<vmem>>
      %dma_wait3A_1039 = tpu.memref_squeeze %dma_wait3A_1038 : memref<1x128x128xf32, #tpu.memory_space<vmem>> -> memref<128x128xf32, #tpu.memory_space<vmem>>
      %dma_wait3A_1040 = arith.constant 0 : i32
      %dma_wait3A_1041 = arith.constant 0 : i32
      %dma_wait3A_1042 = tpu.memref_slice %arg2[%dma_wait3A_1040, %dma_wait3A_1041] : memref<10000x128xf32, #tpu.memory_space<hbm>> -> memref<128x128xf32, #tpu.memory_space<hbm>>
      %dma_wait3A_1043 = arith.constant 0 : i32
      %dma_wait3A_1044 = arith.constant 0 : i32
      %dma_wait3A_1045 = tpu.memref_slice %arg14[%dma_wait3A_1035, %dma_wait3A_1043, %dma_wait3A_1044] : memref<2x128x128xf32, #tpu.memory_space<vmem>> -> memref<1x128x128xf32, #tpu.memory_space<vmem>>
      %dma_wait3A_1046 = tpu.memref_squeeze %dma_wait3A_1045 : memref<1x128x128xf32, #tpu.memory_space<vmem>> -> memref<128x128xf32, #tpu.memory_space<vmem>>
      %dma_wait3A_1047 = arith.constant 0 : i32
      %dma_wait3A_1048 = arith.constant 0 : i32
      %dma_wait3A_1049 = tpu.memref_slice %arg2[%dma_wait3A_1047, %dma_wait3A_1048] : memref<10000x128xf32, #tpu.memory_space<hbm>> -> memref<128x128xf32, #tpu.memory_space<hbm>>
      tpu.wait_dma2 semaphore(%arg26 : memref<!tpu.dma_semaphore, #tpu.memory_space<semaphore_mem>>) src(%dma_wait3A_1049 : memref<128x128xf32, #tpu.memory_space<hbm>>) dst(%dma_wait3A_1046 : memref<128x128xf32, #tpu.memory_space<vmem>>)
      %dma_start3A_1050 = arith.constant 1 : i32
      %dma_start3A_1051 = arith.constant 7 : i32
      %dma_start3A_1052 = arith.constant 0 : i32
      %dma_start3A_1053 = arith.constant 0 : i32
      %dma_start3A_1054 = tpu.memref_slice %arg14[%dma_start3A_1050, %dma_start3A_1052, %dma_start3A_1053] : memref<2x128x128xf32, #tpu.memory_space<vmem>> -> memref<1x128x128xf32, #tpu.memory_space<vmem>>
      %dma_start3A_1055 = tpu.memref_squeeze %dma_start3A_1054 : memref<1x128x128xf32, #tpu.memory_space<vmem>> -> memref<128x128xf32, #tpu.memory_space<vmem>>
      %dma_start3A_1056 = arith.constant 0 : i32
      %dma_start3A_1057 = tpu.memref_slice %arg13[%dma_start3A_1051, %dma_start3A_1056] : memref<8x128xi32, #tpu.memory_space<vmem>> -> memref<1x128xi32, #tpu.memory_space<vmem>>
      %dma_start3A_1058 = tpu.memref_squeeze %dma_start3A_1057 : memref<1x128xi32, #tpu.memory_space<vmem>> -> memref<128xi32, #tpu.memory_space<vmem>>
      %dma_start3A_1059 = arith.constant 0 : i32
      %dma_start3A_1060 = arith.constant 0 : i32
      %dma_start3A_1061 = tpu.memref_slice %arg16[%dma_start3A_1059, %dma_start3A_1060] : memref<10240x128xf32, #tpu.memory_space<vmem_shared>> -> memref<10240x128xf32, #tpu.memory_space<vmem_shared>>
      tpu.enqueue_indirect_dma source(%dma_start3A_1055 : memref<128x128xf32, #tpu.memory_space<vmem>>) target(%dma_start3A_1061 : memref<10240x128xf32, #tpu.memory_space<vmem_shared>>) offsets(%dma_start3A_1058 : memref<128xi32, #tpu.memory_space<vmem>>) semaphore(%arg28 : memref<!tpu.dma_semaphore, #tpu.memory_space<semaphore_mem>>) {add = true}
      %get3A_1062 = arith.constant 7 : i32
      %get3A_1063 = arith.index_cast %get3A_1062 : i32 to index
      %get3A_1064 = arith.constant 0 : index
      %get3A_1065 = tpu.vector_load %arg13[%get3A_1063, %get3A_1064] {strides = array<i32>} : memref<8x128xi32, #tpu.memory_space<vmem>>, vector<16xi32>,
      tpu.vector_store_idx %arg15[%get3A_1065], %broadcast_in_dim3A_5 {add = true} : memref<10240xf32, #tpu.memory_space<vmem>>[vector<16xi32>], vector<16xf32>,
      %get3A_1066 = arith.constant 7 : i32
      %get3A_1067 = arith.index_cast %get3A_1066 : i32 to index
      %get3A_1068 = arith.constant 16 : index
      %get3A_1069 = tpu.vector_load %arg13[%get3A_1067, %get3A_1068] {strides = array<i32>} : memref<8x128xi32, #tpu.memory_space<vmem>>, vector<16xi32>,
      tpu.vector_store_idx %arg15[%get3A_1069], %broadcast_in_dim3A_5 {add = true} : memref<10240xf32, #tpu.memory_space<vmem>>[vector<16xi32>], vector<16xf32>,
      %get3A_1070 = arith.constant 7 : i32
      %get3A_1071 = arith.index_cast %get3A_1070 : i32 to index
      %get3A_1072 = arith.constant 32 : index
      %get3A_1073 = tpu.vector_load %arg13[%get3A_1071, %get3A_1072] {strides = array<i32>} : memref<8x128xi32, #tpu.memory_space<vmem>>, vector<16xi32>,
      tpu.vector_store_idx %arg15[%get3A_1073], %broadcast_in_dim3A_5 {add = true} : memref<10240xf32, #tpu.memory_space<vmem>>[vector<16xi32>], vector<16xf32>,
      %get3A_1074 = arith.constant 7 : i32
      %get3A_1075 = arith.index_cast %get3A_1074 : i32 to index
      %get3A_1076 = arith.constant 48 : index
      %get3A_1077 = tpu.vector_load %arg13[%get3A_1075, %get3A_1076] {strides = array<i32>} : memref<8x128xi32, #tpu.memory_space<vmem>>, vector<16xi32>,
      tpu.vector_store_idx %arg15[%get3A_1077], %broadcast_in_dim3A_5 {add = true} : memref<10240xf32, #tpu.memory_space<vmem>>[vector<16xi32>], vector<16xf32>,
      %get3A_1078 = arith.constant 7 : i32
      %get3A_1079 = arith.index_cast %get3A_1078 : i32 to index
      %get3A_1080 = arith.constant 64 : index
      %get3A_1081 = tpu.vector_load %arg13[%get3A_1079, %get3A_1080] {strides = array<i32>} : memref<8x128xi32, #tpu.memory_space<vmem>>, vector<16xi32>,
      tpu.vector_store_idx %arg15[%get3A_1081], %broadcast_in_dim3A_5 {add = true} : memref<10240xf32, #tpu.memory_space<vmem>>[vector<16xi32>], vector<16xf32>,
      %get3A_1082 = arith.constant 7 : i32
      %get3A_1083 = arith.index_cast %get3A_1082 : i32 to index
      %get3A_1084 = arith.constant 80 : index
      %get3A_1085 = tpu.vector_load %arg13[%get3A_1083, %get3A_1084] {strides = array<i32>} : memref<8x128xi32, #tpu.memory_space<vmem>>, vector<16xi32>,
      tpu.vector_store_idx %arg15[%get3A_1085], %broadcast_in_dim3A_5 {add = true} : memref<10240xf32, #tpu.memory_space<vmem>>[vector<16xi32>], vector<16xf32>,
      %get3A_1086 = arith.constant 7 : i32
      %get3A_1087 = arith.index_cast %get3A_1086 : i32 to index
      %get3A_1088 = arith.constant 96 : index
      %get3A_1089 = tpu.vector_load %arg13[%get3A_1087, %get3A_1088] {strides = array<i32>} : memref<8x128xi32, #tpu.memory_space<vmem>>, vector<16xi32>,
      tpu.vector_store_idx %arg15[%get3A_1089], %broadcast_in_dim3A_5 {add = true} : memref<10240xf32, #tpu.memory_space<vmem>>[vector<16xi32>], vector<16xf32>,
      %get3A_1090 = arith.constant 7 : i32
      %get3A_1091 = arith.index_cast %get3A_1090 : i32 to index
      %get3A_1092 = arith.constant 112 : index
      %get3A_1093 = tpu.vector_load %arg13[%get3A_1091, %get3A_1092] {strides = array<i32>} : memref<8x128xi32, #tpu.memory_space<vmem>>, vector<16xi32>,
      tpu.vector_store_idx %arg15[%get3A_1093], %broadcast_in_dim3A_5 {add = true} : memref<10240xf32, #tpu.memory_space<vmem>>[vector<16xi32>], vector<16xf32>,
      %add3A_1094 = arith.constant 2 : i32
      %add3A_1095 = arith.addi %add3A_1027, %add3A_1094 : i32
      %lt3A_1096 = arith.constant 80 : i32
      %lt3A_1097 = arith.cmpi slt, %add3A_1095, %lt3A_1096 : i32
      %convert_element_type3A_1098 = arith.extui %lt3A_1097 : i1 to i32
      %cond3A_1099 = arith.constant 0 : i32
      %cond3A_1100 = arith.cmpi ne, %convert_element_type3A_1098, %cond3A_1099 : i32
      scf.if %cond3A_1100 {
        %dma_wait3A_1101 = arith.constant 1 : i32
        %dma_wait3A_1102 = arith.constant 0 : i32
        %dma_wait3A_1103 = arith.constant 0 : i32
        %dma_wait3A_1104 = tpu.memref_slice %arg14[%dma_wait3A_1101, %dma_wait3A_1102, %dma_wait3A_1103] : memref<2x128x128xf32, #tpu.memory_space<vmem>> -> memref<1x128x128xf32, #tpu.memory_space<vmem>>
        %dma_wait3A_1105 = tpu.memref_squeeze %dma_wait3A_1104 : memref<1x128x128xf32, #tpu.memory_space<vmem>> -> memref<128x128xf32, #tpu.memory_space<vmem>>
        %dma_wait3A_1106 = arith.constant 0 : i32
        %dma_wait3A_1107 = arith.constant 0 : i32
        %dma_wait3A_1108 = tpu.memref_slice %arg2[%dma_wait3A_1106, %dma_wait3A_1107] : memref<10000x128xf32, #tpu.memory_space<hbm>> -> memref<128x128xf32, #tpu.memory_space<hbm>>
        %dma_wait3A_1109 = arith.constant 0 : i32
        %dma_wait3A_1110 = arith.constant 0 : i32
        %dma_wait3A_1111 = tpu.memref_slice %arg14[%dma_wait3A_1101, %dma_wait3A_1109, %dma_wait3A_1110] : memref<2x128x128xf32, #tpu.memory_space<vmem>> -> memref<1x128x128xf32, #tpu.memory_space<vmem>>
        %dma_wait3A_1112 = tpu.memref_squeeze %dma_wait3A_1111 : memref<1x128x128xf32, #tpu.memory_space<vmem>> -> memref<128x128xf32, #tpu.memory_space<vmem>>
        %dma_wait3A_1113 = arith.constant 0 : i32
        %dma_wait3A_1114 = arith.constant 0 : i32
        %dma_wait3A_1115 = tpu.memref_slice %arg2[%dma_wait3A_1113, %dma_wait3A_1114] : memref<10000x128xf32, #tpu.memory_space<hbm>> -> memref<128x128xf32, #tpu.memory_space<hbm>>
        tpu.wait_dma2 semaphore(%arg28 : memref<!tpu.dma_semaphore, #tpu.memory_space<semaphore_mem>>) src(%dma_wait3A_1115 : memref<128x128xf32, #tpu.memory_space<hbm>>) dst(%dma_wait3A_1112 : memref<128x128xf32, #tpu.memory_space<vmem>>)
        %dma_wait3A_1116 = arith.constant 1 : i32
        %dma_wait3A_1117 = arith.constant 0 : i32
        %dma_wait3A_1118 = tpu.memref_slice %arg12[%dma_wait3A_1116, %dma_wait3A_1117] : memref<8x128xi32, #tpu.memory_space<vmem>> -> memref<1x128xi32, #tpu.memory_space<vmem>>
        %dma_wait3A_1119 = tpu.memref_squeeze %dma_wait3A_1118 : memref<1x128xi32, #tpu.memory_space<vmem>> -> memref<128xi32, #tpu.memory_space<vmem>>
        %dma_wait3A_1120 = arith.constant 0 : i32
        %dma_wait3A_1121 = tpu.memref_slice %arg4[%dma_wait3A_1120] : memref<327680xi32, #tpu.memory_space<hbm>> -> memref<128xi32, #tpu.memory_space<hbm>>
        %dma_wait3A_1122 = arith.constant 0 : i32
        %dma_wait3A_1123 = tpu.memref_slice %arg12[%dma_wait3A_1116, %dma_wait3A_1122] : memref<8x128xi32, #tpu.memory_space<vmem>> -> memref<1x128xi32, #tpu.memory_space<vmem>>
        %dma_wait3A_1124 = tpu.memref_squeeze %dma_wait3A_1123 : memref<1x128xi32, #tpu.memory_space<vmem>> -> memref<128xi32, #tpu.memory_space<vmem>>
        %dma_wait3A_1125 = arith.constant 0 : i32
        %dma_wait3A_1126 = tpu.memref_slice %arg4[%dma_wait3A_1125] : memref<327680xi32, #tpu.memory_space<hbm>> -> memref<128xi32, #tpu.memory_space<hbm>>
        tpu.wait_dma2 semaphore(%arg18 : memref<!tpu.dma_semaphore, #tpu.memory_space<semaphore_mem>>) src(%dma_wait3A_1126 : memref<128xi32, #tpu.memory_space<hbm>>) dst(%dma_wait3A_1124 : memref<128xi32, #tpu.memory_space<vmem>>)
        %dma_wait3A_1127 = arith.constant 1 : i32
        %dma_wait3A_1128 = arith.constant 0 : i32
        %dma_wait3A_1129 = tpu.memref_slice %arg13[%dma_wait3A_1127, %dma_wait3A_1128] : memref<8x128xi32, #tpu.memory_space<vmem>> -> memref<1x128xi32, #tpu.memory_space<vmem>>
        %dma_wait3A_1130 = tpu.memref_squeeze %dma_wait3A_1129 : memref<1x128xi32, #tpu.memory_space<vmem>> -> memref<128xi32, #tpu.memory_space<vmem>>
        %dma_wait3A_1131 = arith.constant 0 : i32
        %dma_wait3A_1132 = tpu.memref_slice %arg4[%dma_wait3A_1131] : memref<327680xi32, #tpu.memory_space<hbm>> -> memref<128xi32, #tpu.memory_space<hbm>>
        %dma_wait3A_1133 = arith.constant 0 : i32
        %dma_wait3A_1134 = tpu.memref_slice %arg13[%dma_wait3A_1127, %dma_wait3A_1133] : memref<8x128xi32, #tpu.memory_space<vmem>> -> memref<1x128xi32, #tpu.memory_space<vmem>>
        %dma_wait3A_1135 = tpu.memref_squeeze %dma_wait3A_1134 : memref<1x128xi32, #tpu.memory_space<vmem>> -> memref<128xi32, #tpu.memory_space<vmem>>
        %dma_wait3A_1136 = arith.constant 0 : i32
        %dma_wait3A_1137 = tpu.memref_slice %arg4[%dma_wait3A_1136] : memref<327680xi32, #tpu.memory_space<hbm>> -> memref<128xi32, #tpu.memory_space<hbm>>
        tpu.wait_dma2 semaphore(%arg18 : memref<!tpu.dma_semaphore, #tpu.memory_space<semaphore_mem>>) src(%dma_wait3A_1137 : memref<128xi32, #tpu.memory_space<hbm>>) dst(%dma_wait3A_1135 : memref<128xi32, #tpu.memory_space<vmem>>)
        %dma_start3A_1138 = arith.constant 1 : i32
        %dma_start3A_1139 = arith.constant 1 : i32
        %dma_start3A_1140 = arith.constant 0 : i32
        %dma_start3A_1141 = arith.constant 0 : i32
        %dma_start3A_1142 = tpu.memref_slice %arg14[%dma_start3A_1139, %dma_start3A_1140, %dma_start3A_1141] : memref<2x128x128xf32, #tpu.memory_space<vmem>> -> memref<1x128x128xf32, #tpu.memory_space<vmem>>
        %dma_start3A_1143 = tpu.memref_squeeze %dma_start3A_1142 : memref<1x128x128xf32, #tpu.memory_space<vmem>> -> memref<128x128xf32, #tpu.memory_space<vmem>>
        %dma_start3A_1144 = arith.constant 0 : i32
        %dma_start3A_1145 = tpu.memref_slice %arg12[%dma_start3A_1138, %dma_start3A_1144] : memref<8x128xi32, #tpu.memory_space<vmem>> -> memref<1x128xi32, #tpu.memory_space<vmem>>
        %dma_start3A_1146 = tpu.memref_squeeze %dma_start3A_1145 : memref<1x128xi32, #tpu.memory_space<vmem>> -> memref<128xi32, #tpu.memory_space<vmem>>
        %dma_start3A_1147 = arith.constant 0 : i32
        %dma_start3A_1148 = arith.constant 0 : i32
        %dma_start3A_1149 = tpu.memref_slice %arg2[%dma_start3A_1147, %dma_start3A_1148] : memref<10000x128xf32, #tpu.memory_space<hbm>> -> memref<10000x128xf32, #tpu.memory_space<hbm>>
        tpu.enqueue_indirect_dma source(%dma_start3A_1149 : memref<10000x128xf32, #tpu.memory_space<hbm>>) target(%dma_start3A_1143 : memref<128x128xf32, #tpu.memory_space<vmem>>) offsets(%dma_start3A_1146 : memref<128xi32, #tpu.memory_space<vmem>>) semaphore(%arg26 : memref<!tpu.dma_semaphore, #tpu.memory_space<semaphore_mem>>)
      } else {
      }
    }
    %scan3A_202 = arith.constant 10 : i32
    %dma_wait3A_203 = arith.constant 0 : i32
    %dma_wait3A_204 = arith.constant 0 : i32
    %dma_wait3A_205 = arith.constant 0 : i32
    %dma_wait3A_206 = tpu.memref_slice %arg14[%dma_wait3A_203, %dma_wait3A_204, %dma_wait3A_205] : memref<2x128x128xf32, #tpu.memory_space<vmem>> -> memref<1x128x128xf32, #tpu.memory_space<vmem>>
    %dma_wait3A_207 = tpu.memref_squeeze %dma_wait3A_206 : memref<1x128x128xf32, #tpu.memory_space<vmem>> -> memref<128x128xf32, #tpu.memory_space<vmem>>
    %dma_wait3A_208 = arith.constant 0 : i32
    %dma_wait3A_209 = arith.constant 0 : i32
    %dma_wait3A_210 = tpu.memref_slice %arg2[%dma_wait3A_208, %dma_wait3A_209] : memref<10000x128xf32, #tpu.memory_space<hbm>> -> memref<128x128xf32, #tpu.memory_space<hbm>>
    %dma_wait3A_211 = arith.constant 0 : i32
    %dma_wait3A_212 = arith.constant 0 : i32
    %dma_wait3A_213 = tpu.memref_slice %arg14[%dma_wait3A_203, %dma_wait3A_211, %dma_wait3A_212] : memref<2x128x128xf32, #tpu.memory_space<vmem>> -> memref<1x128x128xf32, #tpu.memory_space<vmem>>
    %dma_wait3A_214 = tpu.memref_squeeze %dma_wait3A_213 : memref<1x128x128xf32, #tpu.memory_space<vmem>> -> memref<128x128xf32, #tpu.memory_space<vmem>>
    %dma_wait3A_215 = arith.constant 0 : i32
    %dma_wait3A_216 = arith.constant 0 : i32
    %dma_wait3A_217 = tpu.memref_slice %arg2[%dma_wait3A_215, %dma_wait3A_216] : memref<10000x128xf32, #tpu.memory_space<hbm>> -> memref<128x128xf32, #tpu.memory_space<hbm>>
    tpu.wait_dma2 semaphore(%arg27 : memref<!tpu.dma_semaphore, #tpu.memory_space<semaphore_mem>>) src(%dma_wait3A_217 : memref<128x128xf32, #tpu.memory_space<hbm>>) dst(%dma_wait3A_214 : memref<128x128xf32, #tpu.memory_space<vmem>>)
    %dma_wait3A_218 = arith.constant 1 : i32
    %dma_wait3A_219 = arith.constant 0 : i32
    %dma_wait3A_220 = arith.constant 0 : i32
    %dma_wait3A_221 = tpu.memref_slice %arg14[%dma_wait3A_218, %dma_wait3A_219, %dma_wait3A_220] : memref<2x128x128xf32, #tpu.memory_space<vmem>> -> memref<1x128x128xf32, #tpu.memory_space<vmem>>
    %dma_wait3A_222 = tpu.memref_squeeze %dma_wait3A_221 : memref<1x128x128xf32, #tpu.memory_space<vmem>> -> memref<128x128xf32, #tpu.memory_space<vmem>>
    %dma_wait3A_223 = arith.constant 0 : i32
    %dma_wait3A_224 = arith.constant 0 : i32
    %dma_wait3A_225 = tpu.memref_slice %arg2[%dma_wait3A_223, %dma_wait3A_224] : memref<10000x128xf32, #tpu.memory_space<hbm>> -> memref<128x128xf32, #tpu.memory_space<hbm>>
    %dma_wait3A_226 = arith.constant 0 : i32
    %dma_wait3A_227 = arith.constant 0 : i32
    %dma_wait3A_228 = tpu.memref_slice %arg14[%dma_wait3A_218, %dma_wait3A_226, %dma_wait3A_227] : memref<2x128x128xf32, #tpu.memory_space<vmem>> -> memref<1x128x128xf32, #tpu.memory_space<vmem>>
    %dma_wait3A_229 = tpu.memref_squeeze %dma_wait3A_228 : memref<1x128x128xf32, #tpu.memory_space<vmem>> -> memref<128x128xf32, #tpu.memory_space<vmem>>
    %dma_wait3A_230 = arith.constant 0 : i32
    %dma_wait3A_231 = arith.constant 0 : i32
    %dma_wait3A_232 = tpu.memref_slice %arg2[%dma_wait3A_230, %dma_wait3A_231] : memref<10000x128xf32, #tpu.memory_space<hbm>> -> memref<128x128xf32, #tpu.memory_space<hbm>>
    tpu.wait_dma2 semaphore(%arg28 : memref<!tpu.dma_semaphore, #tpu.memory_space<semaphore_mem>>) src(%dma_wait3A_232 : memref<128x128xf32, #tpu.memory_space<hbm>>) dst(%dma_wait3A_229 : memref<128x128xf32, #tpu.memory_space<vmem>>)
    %barrier3A_233 = arith.constant 0 : index
    tpu.barrier barrier_id(%barrier3A_233)
    %add3A_234 = arith.constant 0 : i32
    %add3A_235 = arith.addi %add3A_234, %arg0 : i32
    %mul3A_236 = arith.constant 10240 : i32
    %mul3A_237 = arith.muli %add3A_235, %mul3A_236 : i32
    %add3A_238 = arith.addi %mul3A_237, %multiple_of3A : i32
    %multiple_of3A_239 = tpu.assume_multiple %add3A_238, 8 : i32
    "tpu.region"() ({
      %run_scoped3A = tpu.sem_alloc : memref<!tpu.dma_semaphore, #tpu.memory_space<semaphore_mem>>
      %dma_start3A_488 = arith.constant 0 : i32
      %dma_start3A_489 = tpu.memref_slice %arg10[%multiple_of3A_239, %dma_start3A_488] : memref<40960x128xf32, #tpu.memory_space<hbm>> -> memref<640x128xf32, #tpu.memory_space<hbm>>
      %dma_start3A_490 = arith.constant 0 : i32
      %dma_start3A_491 = tpu.memref_slice %arg16[%multiple_of3A, %dma_start3A_490] : memref<10240x128xf32, #tpu.memory_space<vmem_shared>> -> memref<640x128xf32, #tpu.memory_space<vmem_shared>>
      tpu.enqueue_dma source(%dma_start3A_491 : memref<640x128xf32, #tpu.memory_space<vmem_shared>>) target(%dma_start3A_489 : memref<640x128xf32, #tpu.memory_space<hbm>>) target_semaphore(%run_scoped3A : memref<!tpu.dma_semaphore, #tpu.memory_space<semaphore_mem>>)
      %dma_wait3A_492 = arith.constant 0 : i32
      %dma_wait3A_493 = tpu.memref_slice %arg10[%multiple_of3A_239, %dma_wait3A_492] : memref<40960x128xf32, #tpu.memory_space<hbm>> -> memref<640x128xf32, #tpu.memory_space<hbm>>
      %dma_wait3A_494 = arith.constant 0 : i32
      %dma_wait3A_495 = tpu.memref_slice %arg16[%multiple_of3A, %dma_wait3A_494] : memref<10240x128xf32, #tpu.memory_space<vmem_shared>> -> memref<640x128xf32, #tpu.memory_space<vmem_shared>>
      tpu.wait_dma2 semaphore(%run_scoped3A : memref<!tpu.dma_semaphore, #tpu.memory_space<semaphore_mem>>) src(%dma_wait3A_495 : memref<640x128xf32, #tpu.memory_space<vmem_shared>>) dst(%dma_wait3A_493 : memref<640x128xf32, #tpu.memory_space<hbm>>)
      tpu.yield
    }) : () -> ()
    %add3A_240 = arith.constant 0 : i32
    %add3A_241 = arith.addi %add3A_240, %add3A : i32
    %mul3A_242 = arith.constant 10240 : i32
    %mul3A_243 = arith.muli %add3A_241, %mul3A_242 : i32
    %multiple_of3A_244 = tpu.assume_multiple %mul3A_243, 8 : i32
    "tpu.region"() ({
      %run_scoped3A = tpu.sem_alloc : memref<!tpu.dma_semaphore, #tpu.memory_space<semaphore_mem>>
      %dma_start3A_488 = tpu.memref_slice %arg11[%multiple_of3A_244] : memref<655360xf32, #tpu.memory_space<hbm>> -> memref<10240xf32, #tpu.memory_space<hbm>>
      %dma_start3A_489 = tpu.memref_slice %arg11[%multiple_of3A_244] : memref<655360xf32, #tpu.memory_space<hbm>> -> memref<10240xf32, #tpu.memory_space<hbm>>
      tpu.enqueue_dma source(%arg15 : memref<10240xf32, #tpu.memory_space<vmem>>) target(%dma_start3A_489 : memref<10240xf32, #tpu.memory_space<hbm>>) target_semaphore(%run_scoped3A : memref<!tpu.dma_semaphore, #tpu.memory_space<semaphore_mem>>)
      %dma_wait3A_490 = tpu.memref_slice %arg11[%multiple_of3A_244] : memref<655360xf32, #tpu.memory_space<hbm>> -> memref<10240xf32, #tpu.memory_space<hbm>>
      %dma_wait3A_491 = tpu.memref_slice %arg11[%multiple_of3A_244] : memref<655360xf32, #tpu.memory_space<hbm>> -> memref<10240xf32, #tpu.memory_space<hbm>>
      tpu.wait_dma2 semaphore(%run_scoped3A : memref<!tpu.dma_semaphore, #tpu.memory_space<semaphore_mem>>) src(%arg15 : memref<10240xf32, #tpu.memory_space<vmem>>) dst(%dma_wait3A_491 : memref<10240xf32, #tpu.memory_space<hbm>>)
      tpu.yield
    }) : () -> ()
    "tpu.region"() ({
      %run_scoped3A = tpu.sem_alloc : memref<!tpu.dma_semaphore, #tpu.memory_space<semaphore_mem>>
      %dma_start3A_488 = arith.constant 0 : i32
      %dma_start3A_489 = tpu.memref_slice %arg16[%multiple_of3A, %dma_start3A_488] : memref<10240x128xf32, #tpu.memory_space<vmem_shared>> -> memref<640x128xf32, #tpu.memory_space<vmem_shared>>
      tpu.enqueue_dma source(%arg8 : memref<640x128xf32, #tpu.memory_space<hbm>>) target(%dma_start3A_489 : memref<640x128xf32, #tpu.memory_space<vmem_shared>>) target_semaphore(%run_scoped3A : memref<!tpu.dma_semaphore, #tpu.memory_space<semaphore_mem>>)
      %dma_wait3A_490 = arith.constant 0 : i32
      %dma_wait3A_491 = tpu.memref_slice %arg16[%multiple_of3A, %dma_wait3A_490] : memref<10240x128xf32, #tpu.memory_space<vmem_shared>> -> memref<640x128xf32, #tpu.memory_space<vmem_shared>>
      tpu.wait_dma2 semaphore(%run_scoped3A : memref<!tpu.dma_semaphore, #tpu.memory_space<semaphore_mem>>) src(%arg8 : memref<640x128xf32, #tpu.memory_space<hbm>>) dst(%dma_wait3A_491 : memref<640x128xf32, #tpu.memory_space<vmem_shared>>)
      tpu.yield
    }) : () -> ()
    "tpu.region"() ({
      %run_scoped3A = tpu.sem_alloc : memref<!tpu.dma_semaphore, #tpu.memory_space<semaphore_mem>>
      tpu.enqueue_dma source(%arg9 : memref<10240xf32, #tpu.memory_space<hbm>>) target(%arg15 : memref<10240xf32, #tpu.memory_space<vmem>>) target_semaphore(%run_scoped3A : memref<!tpu.dma_semaphore, #tpu.memory_space<semaphore_mem>>)
      tpu.wait_dma2 semaphore(%run_scoped3A : memref<!tpu.dma_semaphore, #tpu.memory_space<semaphore_mem>>) src(%arg9 : memref<10240xf32, #tpu.memory_space<hbm>>) dst(%arg15 : memref<10240xf32, #tpu.memory_space<vmem>>)
      tpu.yield
    }) : () -> ()
    %barrier3A_245 = arith.constant 0 : index
    tpu.barrier barrier_id(%barrier3A_245)
    %add3A_246 = arith.constant 0 : i32
    %add3A_247 = arith.addi %mul3A_4, %add3A_246 : i32
    %multiple_of3A_248 = tpu.assume_multiple %add3A_247, 8 : i32
    %dma_start3A_249 = arith.constant 0 : i32
    %dma_start3A_250 = arith.constant 0 : i32
    %dma_start3A_251 = tpu.memref_slice %arg12[%dma_start3A_249, %dma_start3A_250] : memref<8x128xi32, #tpu.memory_space<vmem>> -> memref<1x128xi32, #tpu.memory_space<vmem>>
    %dma_start3A_252 = tpu.memref_squeeze %dma_start3A_251 : memref<1x128xi32, #tpu.memory_space<vmem>> -> memref<128xi32, #tpu.memory_space<vmem>>
    %dma_start3A_253 = tpu.memref_slice %arg6[%multiple_of3A_248] : memref<327680xi32, #tpu.memory_space<hbm>> -> memref<128xi32, #tpu.memory_space<hbm>>
    %dma_start3A_254 = arith.constant 0 : i32
    %dma_start3A_255 = tpu.memref_slice %arg12[%dma_start3A_249, %dma_start3A_254] : memref<8x128xi32, #tpu.memory_space<vmem>> -> memref<1x128xi32, #tpu.memory_space<vmem>>
    %dma_start3A_256 = tpu.memref_squeeze %dma_start3A_255 : memref<1x128xi32, #tpu.memory_space<vmem>> -> memref<128xi32, #tpu.memory_space<vmem>>
    %dma_start3A_257 = tpu.memref_slice %arg6[%multiple_of3A_248] : memref<327680xi32, #tpu.memory_space<hbm>> -> memref<128xi32, #tpu.memory_space<hbm>>
    tpu.enqueue_dma source(%dma_start3A_257 : memref<128xi32, #tpu.memory_space<hbm>>) target(%dma_start3A_256 : memref<128xi32, #tpu.memory_space<vmem>>) target_semaphore(%arg17 : memref<!tpu.dma_semaphore, #tpu.memory_space<semaphore_mem>>)
    %dma_start3A_258 = arith.constant 0 : i32
    %dma_start3A_259 = arith.constant 0 : i32
    %dma_start3A_260 = tpu.memref_slice %arg13[%dma_start3A_258, %dma_start3A_259] : memref<8x128xi32, #tpu.memory_space<vmem>> -> memref<1x128xi32, #tpu.memory_space<vmem>>
    %dma_start3A_261 = tpu.memref_squeeze %dma_start3A_260 : memref<1x128xi32, #tpu.memory_space<vmem>> -> memref<128xi32, #tpu.memory_space<vmem>>
    %dma_start3A_262 = tpu.memref_slice %arg7[%multiple_of3A_248] : memref<327680xi32, #tpu.memory_space<hbm>> -> memref<128xi32, #tpu.memory_space<hbm>>
    %dma_start3A_263 = arith.constant 0 : i32
    %dma_start3A_264 = tpu.memref_slice %arg13[%dma_start3A_258, %dma_start3A_263] : memref<8x128xi32, #tpu.memory_space<vmem>> -> memref<1x128xi32, #tpu.memory_space<vmem>>
    %dma_start3A_265 = tpu.memref_squeeze %dma_start3A_264 : memref<1x128xi32, #tpu.memory_space<vmem>> -> memref<128xi32, #tpu.memory_space<vmem>>
    %dma_start3A_266 = tpu.memref_slice %arg7[%multiple_of3A_248] : memref<327680xi32, #tpu.memory_space<hbm>> -> memref<128xi32, #tpu.memory_space<hbm>>
    tpu.enqueue_dma source(%dma_start3A_266 : memref<128xi32, #tpu.memory_space<hbm>>) target(%dma_start3A_265 : memref<128xi32, #tpu.memory_space<vmem>>) target_semaphore(%arg17 : memref<!tpu.dma_semaphore, #tpu.memory_space<semaphore_mem>>)
    %add3A_267 = arith.constant 128 : i32
    %add3A_268 = arith.addi %mul3A_4, %add3A_267 : i32
    %multiple_of3A_269 = tpu.assume_multiple %add3A_268, 8 : i32
    %dma_start3A_270 = arith.constant 1 : i32
    %dma_start3A_271 = arith.constant 0 : i32
    %dma_start3A_272 = tpu.memref_slice %arg12[%dma_start3A_270, %dma_start3A_271] : memref<8x128xi32, #tpu.memory_space<vmem>> -> memref<1x128xi32, #tpu.memory_space<vmem>>
    %dma_start3A_273 = tpu.memref_squeeze %dma_start3A_272 : memref<1x128xi32, #tpu.memory_space<vmem>> -> memref<128xi32, #tpu.memory_space<vmem>>
    %dma_start3A_274 = tpu.memref_slice %arg6[%multiple_of3A_269] : memref<327680xi32, #tpu.memory_space<hbm>> -> memref<128xi32, #tpu.memory_space<hbm>>
    %dma_start3A_275 = arith.constant 0 : i32
    %dma_start3A_276 = tpu.memref_slice %arg12[%dma_start3A_270, %dma_start3A_275] : memref<8x128xi32, #tpu.memory_space<vmem>> -> memref<1x128xi32, #tpu.memory_space<vmem>>
    %dma_start3A_277 = tpu.memref_squeeze %dma_start3A_276 : memref<1x128xi32, #tpu.memory_space<vmem>> -> memref<128xi32, #tpu.memory_space<vmem>>
    %dma_start3A_278 = tpu.memref_slice %arg6[%multiple_of3A_269] : memref<327680xi32, #tpu.memory_space<hbm>> -> memref<128xi32, #tpu.memory_space<hbm>>
    tpu.enqueue_dma source(%dma_start3A_278 : memref<128xi32, #tpu.memory_space<hbm>>) target(%dma_start3A_277 : memref<128xi32, #tpu.memory_space<vmem>>) target_semaphore(%arg18 : memref<!tpu.dma_semaphore, #tpu.memory_space<semaphore_mem>>)
    %dma_start3A_279 = arith.constant 1 : i32
    %dma_start3A_280 = arith.constant 0 : i32
    %dma_start3A_281 = tpu.memref_slice %arg13[%dma_start3A_279, %dma_start3A_280] : memref<8x128xi32, #tpu.memory_space<vmem>> -> memref<1x128xi32, #tpu.memory_space<vmem>>
    %dma_start3A_282 = tpu.memref_squeeze %dma_start3A_281 : memref<1x128xi32, #tpu.memory_space<vmem>> -> memref<128xi32, #tpu.memory_space<vmem>>
    %dma_start3A_283 = tpu.memref_slice %arg7[%multiple_of3A_269] : memref<327680xi32, #tpu.memory_space<hbm>> -> memref<128xi32, #tpu.memory_space<hbm>>
    %dma_start3A_284 = arith.constant 0 : i32
    %dma_start3A_285 = tpu.memref_slice %arg13[%dma_start3A_279, %dma_start3A_284] : memref<8x128xi32, #tpu.memory_space<vmem>> -> memref<1x128xi32, #tpu.memory_space<vmem>>
    %dma_start3A_286 = tpu.memref_squeeze %dma_start3A_285 : memref<1x128xi32, #tpu.memory_space<vmem>> -> memref<128xi32, #tpu.memory_space<vmem>>
    %dma_start3A_287 = tpu.memref_slice %arg7[%multiple_of3A_269] : memref<327680xi32, #tpu.memory_space<hbm>> -> memref<128xi32, #tpu.memory_space<hbm>>
    tpu.enqueue_dma source(%dma_start3A_287 : memref<128xi32, #tpu.memory_space<hbm>>) target(%dma_start3A_286 : memref<128xi32, #tpu.memory_space<vmem>>) target_semaphore(%arg18 : memref<!tpu.dma_semaphore, #tpu.memory_space<semaphore_mem>>)
    %add3A_288 = arith.constant 256 : i32
    %add3A_289 = arith.addi %mul3A_4, %add3A_288 : i32
    %multiple_of3A_290 = tpu.assume_multiple %add3A_289, 8 : i32
    %dma_start3A_291 = arith.constant 2 : i32
    %dma_start3A_292 = arith.constant 0 : i32
    %dma_start3A_293 = tpu.memref_slice %arg12[%dma_start3A_291, %dma_start3A_292] : memref<8x128xi32, #tpu.memory_space<vmem>> -> memref<1x128xi32, #tpu.memory_space<vmem>>
    %dma_start3A_294 = tpu.memref_squeeze %dma_start3A_293 : memref<1x128xi32, #tpu.memory_space<vmem>> -> memref<128xi32, #tpu.memory_space<vmem>>
    %dma_start3A_295 = tpu.memref_slice %arg6[%multiple_of3A_290] : memref<327680xi32, #tpu.memory_space<hbm>> -> memref<128xi32, #tpu.memory_space<hbm>>
    %dma_start3A_296 = arith.constant 0 : i32
    %dma_start3A_297 = tpu.memref_slice %arg12[%dma_start3A_291, %dma_start3A_296] : memref<8x128xi32, #tpu.memory_space<vmem>> -> memref<1x128xi32, #tpu.memory_space<vmem>>
    %dma_start3A_298 = tpu.memref_squeeze %dma_start3A_297 : memref<1x128xi32, #tpu.memory_space<vmem>> -> memref<128xi32, #tpu.memory_space<vmem>>
    %dma_start3A_299 = tpu.memref_slice %arg6[%multiple_of3A_290] : memref<327680xi32, #tpu.memory_space<hbm>> -> memref<128xi32, #tpu.memory_space<hbm>>
    tpu.enqueue_dma source(%dma_start3A_299 : memref<128xi32, #tpu.memory_space<hbm>>) target(%dma_start3A_298 : memref<128xi32, #tpu.memory_space<vmem>>) target_semaphore(%arg19 : memref<!tpu.dma_semaphore, #tpu.memory_space<semaphore_mem>>)
    %dma_start3A_300 = arith.constant 2 : i32
    %dma_start3A_301 = arith.constant 0 : i32
    %dma_start3A_302 = tpu.memref_slice %arg13[%dma_start3A_300, %dma_start3A_301] : memref<8x128xi32, #tpu.memory_space<vmem>> -> memref<1x128xi32, #tpu.memory_space<vmem>>
    %dma_start3A_303 = tpu.memref_squeeze %dma_start3A_302 : memref<1x128xi32, #tpu.memory_space<vmem>> -> memref<128xi32, #tpu.memory_space<vmem>>
    %dma_start3A_304 = tpu.memref_slice %arg7[%multiple_of3A_290] : memref<327680xi32, #tpu.memory_space<hbm>> -> memref<128xi32, #tpu.memory_space<hbm>>
    %dma_start3A_305 = arith.constant 0 : i32
    %dma_start3A_306 = tpu.memref_slice %arg13[%dma_start3A_300, %dma_start3A_305] : memref<8x128xi32, #tpu.memory_space<vmem>> -> memref<1x128xi32, #tpu.memory_space<vmem>>
    %dma_start3A_307 = tpu.memref_squeeze %dma_start3A_306 : memref<1x128xi32, #tpu.memory_space<vmem>> -> memref<128xi32, #tpu.memory_space<vmem>>
    %dma_start3A_308 = tpu.memref_slice %arg7[%multiple_of3A_290] : memref<327680xi32, #tpu.memory_space<hbm>> -> memref<128xi32, #tpu.memory_space<hbm>>
    tpu.enqueue_dma source(%dma_start3A_308 : memref<128xi32, #tpu.memory_space<hbm>>) target(%dma_start3A_307 : memref<128xi32, #tpu.memory_space<vmem>>) target_semaphore(%arg19 : memref<!tpu.dma_semaphore, #tpu.memory_space<semaphore_mem>>)
    %add3A_309 = arith.constant 384 : i32
    %add3A_310 = arith.addi %mul3A_4, %add3A_309 : i32
    %multiple_of3A_311 = tpu.assume_multiple %add3A_310, 8 : i32
    %dma_start3A_312 = arith.constant 3 : i32
    %dma_start3A_313 = arith.constant 0 : i32
    %dma_start3A_314 = tpu.memref_slice %arg12[%dma_start3A_312, %dma_start3A_313] : memref<8x128xi32, #tpu.memory_space<vmem>> -> memref<1x128xi32, #tpu.memory_space<vmem>>
    %dma_start3A_315 = tpu.memref_squeeze %dma_start3A_314 : memref<1x128xi32, #tpu.memory_space<vmem>> -> memref<128xi32, #tpu.memory_space<vmem>>
    %dma_start3A_316 = tpu.memref_slice %arg6[%multiple_of3A_311] : memref<327680xi32, #tpu.memory_space<hbm>> -> memref<128xi32, #tpu.memory_space<hbm>>
    %dma_start3A_317 = arith.constant 0 : i32
    %dma_start3A_318 = tpu.memref_slice %arg12[%dma_start3A_312, %dma_start3A_317] : memref<8x128xi32, #tpu.memory_space<vmem>> -> memref<1x128xi32, #tpu.memory_space<vmem>>
    %dma_start3A_319 = tpu.memref_squeeze %dma_start3A_318 : memref<1x128xi32, #tpu.memory_space<vmem>> -> memref<128xi32, #tpu.memory_space<vmem>>
    %dma_start3A_320 = tpu.memref_slice %arg6[%multiple_of3A_311] : memref<327680xi32, #tpu.memory_space<hbm>> -> memref<128xi32, #tpu.memory_space<hbm>>
    tpu.enqueue_dma source(%dma_start3A_320 : memref<128xi32, #tpu.memory_space<hbm>>) target(%dma_start3A_319 : memref<128xi32, #tpu.memory_space<vmem>>) target_semaphore(%arg20 : memref<!tpu.dma_semaphore, #tpu.memory_space<semaphore_mem>>)
    %dma_start3A_321 = arith.constant 3 : i32
    %dma_start3A_322 = arith.constant 0 : i32
    %dma_start3A_323 = tpu.memref_slice %arg13[%dma_start3A_321, %dma_start3A_322] : memref<8x128xi32, #tpu.memory_space<vmem>> -> memref<1x128xi32, #tpu.memory_space<vmem>>
    %dma_start3A_324 = tpu.memref_squeeze %dma_start3A_323 : memref<1x128xi32, #tpu.memory_space<vmem>> -> memref<128xi32, #tpu.memory_space<vmem>>
    %dma_start3A_325 = tpu.memref_slice %arg7[%multiple_of3A_311] : memref<327680xi32, #tpu.memory_space<hbm>> -> memref<128xi32, #tpu.memory_space<hbm>>
    %dma_start3A_326 = arith.constant 0 : i32
    %dma_start3A_327 = tpu.memref_slice %arg13[%dma_start3A_321, %dma_start3A_326] : memref<8x128xi32, #tpu.memory_space<vmem>> -> memref<1x128xi32, #tpu.memory_space<vmem>>
    %dma_start3A_328 = tpu.memref_squeeze %dma_start3A_327 : memref<1x128xi32, #tpu.memory_space<vmem>> -> memref<128xi32, #tpu.memory_space<vmem>>
    %dma_start3A_329 = tpu.memref_slice %arg7[%multiple_of3A_311] : memref<327680xi32, #tpu.memory_space<hbm>> -> memref<128xi32, #tpu.memory_space<hbm>>
    tpu.enqueue_dma source(%dma_start3A_329 : memref<128xi32, #tpu.memory_space<hbm>>) target(%dma_start3A_328 : memref<128xi32, #tpu.memory_space<vmem>>) target_semaphore(%arg20 : memref<!tpu.dma_semaphore, #tpu.memory_space<semaphore_mem>>)
    %add3A_330 = arith.constant 512 : i32
    %add3A_331 = arith.addi %mul3A_4, %add3A_330 : i32
    %multiple_of3A_332 = tpu.assume_multiple %add3A_331, 8 : i32
    %dma_start3A_333 = arith.constant 4 : i32
    %dma_start3A_334 = arith.constant 0 : i32
    %dma_start3A_335 = tpu.memref_slice %arg12[%dma_start3A_333, %dma_start3A_334] : memref<8x128xi32, #tpu.memory_space<vmem>> -> memref<1x128xi32, #tpu.memory_space<vmem>>
    %dma_start3A_336 = tpu.memref_squeeze %dma_start3A_335 : memref<1x128xi32, #tpu.memory_space<vmem>> -> memref<128xi32, #tpu.memory_space<vmem>>
    %dma_start3A_337 = tpu.memref_slice %arg6[%multiple_of3A_332] : memref<327680xi32, #tpu.memory_space<hbm>> -> memref<128xi32, #tpu.memory_space<hbm>>
    %dma_start3A_338 = arith.constant 0 : i32
    %dma_start3A_339 = tpu.memref_slice %arg12[%dma_start3A_333, %dma_start3A_338] : memref<8x128xi32, #tpu.memory_space<vmem>> -> memref<1x128xi32, #tpu.memory_space<vmem>>
    %dma_start3A_340 = tpu.memref_squeeze %dma_start3A_339 : memref<1x128xi32, #tpu.memory_space<vmem>> -> memref<128xi32, #tpu.memory_space<vmem>>
    %dma_start3A_341 = tpu.memref_slice %arg6[%multiple_of3A_332] : memref<327680xi32, #tpu.memory_space<hbm>> -> memref<128xi32, #tpu.memory_space<hbm>>
    tpu.enqueue_dma source(%dma_start3A_341 : memref<128xi32, #tpu.memory_space<hbm>>) target(%dma_start3A_340 : memref<128xi32, #tpu.memory_space<vmem>>) target_semaphore(%arg21 : memref<!tpu.dma_semaphore, #tpu.memory_space<semaphore_mem>>)
    %dma_start3A_342 = arith.constant 4 : i32
    %dma_start3A_343 = arith.constant 0 : i32
    %dma_start3A_344 = tpu.memref_slice %arg13[%dma_start3A_342, %dma_start3A_343] : memref<8x128xi32, #tpu.memory_space<vmem>> -> memref<1x128xi32, #tpu.memory_space<vmem>>
    %dma_start3A_345 = tpu.memref_squeeze %dma_start3A_344 : memref<1x128xi32, #tpu.memory_space<vmem>> -> memref<128xi32, #tpu.memory_space<vmem>>
    %dma_start3A_346 = tpu.memref_slice %arg7[%multiple_of3A_332] : memref<327680xi32, #tpu.memory_space<hbm>> -> memref<128xi32, #tpu.memory_space<hbm>>
    %dma_start3A_347 = arith.constant 0 : i32
    %dma_start3A_348 = tpu.memref_slice %arg13[%dma_start3A_342, %dma_start3A_347] : memref<8x128xi32, #tpu.memory_space<vmem>> -> memref<1x128xi32, #tpu.memory_space<vmem>>
    %dma_start3A_349 = tpu.memref_squeeze %dma_start3A_348 : memref<1x128xi32, #tpu.memory_space<vmem>> -> memref<128xi32, #tpu.memory_space<vmem>>
    %dma_start3A_350 = tpu.memref_slice %arg7[%multiple_of3A_332] : memref<327680xi32, #tpu.memory_space<hbm>> -> memref<128xi32, #tpu.memory_space<hbm>>
    tpu.enqueue_dma source(%dma_start3A_350 : memref<128xi32, #tpu.memory_space<hbm>>) target(%dma_start3A_349 : memref<128xi32, #tpu.memory_space<vmem>>) target_semaphore(%arg21 : memref<!tpu.dma_semaphore, #tpu.memory_space<semaphore_mem>>)
    %add3A_351 = arith.constant 640 : i32
    %add3A_352 = arith.addi %mul3A_4, %add3A_351 : i32
    %multiple_of3A_353 = tpu.assume_multiple %add3A_352, 8 : i32
    %dma_start3A_354 = arith.constant 5 : i32
    %dma_start3A_355 = arith.constant 0 : i32
    %dma_start3A_356 = tpu.memref_slice %arg12[%dma_start3A_354, %dma_start3A_355] : memref<8x128xi32, #tpu.memory_space<vmem>> -> memref<1x128xi32, #tpu.memory_space<vmem>>
    %dma_start3A_357 = tpu.memref_squeeze %dma_start3A_356 : memref<1x128xi32, #tpu.memory_space<vmem>> -> memref<128xi32, #tpu.memory_space<vmem>>
    %dma_start3A_358 = tpu.memref_slice %arg6[%multiple_of3A_353] : memref<327680xi32, #tpu.memory_space<hbm>> -> memref<128xi32, #tpu.memory_space<hbm>>
    %dma_start3A_359 = arith.constant 0 : i32
    %dma_start3A_360 = tpu.memref_slice %arg12[%dma_start3A_354, %dma_start3A_359] : memref<8x128xi32, #tpu.memory_space<vmem>> -> memref<1x128xi32, #tpu.memory_space<vmem>>
    %dma_start3A_361 = tpu.memref_squeeze %dma_start3A_360 : memref<1x128xi32, #tpu.memory_space<vmem>> -> memref<128xi32, #tpu.memory_space<vmem>>
    %dma_start3A_362 = tpu.memref_slice %arg6[%multiple_of3A_353] : memref<327680xi32, #tpu.memory_space<hbm>> -> memref<128xi32, #tpu.memory_space<hbm>>
    tpu.enqueue_dma source(%dma_start3A_362 : memref<128xi32, #tpu.memory_space<hbm>>) target(%dma_start3A_361 : memref<128xi32, #tpu.memory_space<vmem>>) target_semaphore(%arg22 : memref<!tpu.dma_semaphore, #tpu.memory_space<semaphore_mem>>)
    %dma_start3A_363 = arith.constant 5 : i32
    %dma_start3A_364 = arith.constant 0 : i32
    %dma_start3A_365 = tpu.memref_slice %arg13[%dma_start3A_363, %dma_start3A_364] : memref<8x128xi32, #tpu.memory_space<vmem>> -> memref<1x128xi32, #tpu.memory_space<vmem>>
    %dma_start3A_366 = tpu.memref_squeeze %dma_start3A_365 : memref<1x128xi32, #tpu.memory_space<vmem>> -> memref<128xi32, #tpu.memory_space<vmem>>
    %dma_start3A_367 = tpu.memref_slice %arg7[%multiple_of3A_353] : memref<327680xi32, #tpu.memory_space<hbm>> -> memref<128xi32, #tpu.memory_space<hbm>>
    %dma_start3A_368 = arith.constant 0 : i32
    %dma_start3A_369 = tpu.memref_slice %arg13[%dma_start3A_363, %dma_start3A_368] : memref<8x128xi32, #tpu.memory_space<vmem>> -> memref<1x128xi32, #tpu.memory_space<vmem>>
    %dma_start3A_370 = tpu.memref_squeeze %dma_start3A_369 : memref<1x128xi32, #tpu.memory_space<vmem>> -> memref<128xi32, #tpu.memory_space<vmem>>
    %dma_start3A_371 = tpu.memref_slice %arg7[%multiple_of3A_353] : memref<327680xi32, #tpu.memory_space<hbm>> -> memref<128xi32, #tpu.memory_space<hbm>>
    tpu.enqueue_dma source(%dma_start3A_371 : memref<128xi32, #tpu.memory_space<hbm>>) target(%dma_start3A_370 : memref<128xi32, #tpu.memory_space<vmem>>) target_semaphore(%arg22 : memref<!tpu.dma_semaphore, #tpu.memory_space<semaphore_mem>>)
    %dma_wait3A_372 = arith.constant 0 : i32
    %dma_wait3A_373 = arith.constant 0 : i32
    %dma_wait3A_374 = tpu.memref_slice %arg12[%dma_wait3A_372, %dma_wait3A_373] : memref<8x128xi32, #tpu.memory_space<vmem>> -> memref<1x128xi32, #tpu.memory_space<vmem>>
    %dma_wait3A_375 = tpu.memref_squeeze %dma_wait3A_374 : memref<1x128xi32, #tpu.memory_space<vmem>> -> memref<128xi32, #tpu.memory_space<vmem>>
    %dma_wait3A_376 = arith.constant 0 : i32
    %dma_wait3A_377 = tpu.memref_slice %arg6[%dma_wait3A_376] : memref<327680xi32, #tpu.memory_space<hbm>> -> memref<128xi32, #tpu.memory_space<hbm>>
    %dma_wait3A_378 = arith.constant 0 : i32
    %dma_wait3A_379 = tpu.memref_slice %arg12[%dma_wait3A_372, %dma_wait3A_378] : memref<8x128xi32, #tpu.memory_space<vmem>> -> memref<1x128xi32, #tpu.memory_space<vmem>>
    %dma_wait3A_380 = tpu.memref_squeeze %dma_wait3A_379 : memref<1x128xi32, #tpu.memory_space<vmem>> -> memref<128xi32, #tpu.memory_space<vmem>>
    %dma_wait3A_381 = arith.constant 0 : i32
    %dma_wait3A_382 = tpu.memref_slice %arg6[%dma_wait3A_381] : memref<327680xi32, #tpu.memory_space<hbm>> -> memref<128xi32, #tpu.memory_space<hbm>>
    tpu.wait_dma2 semaphore(%arg17 : memref<!tpu.dma_semaphore, #tpu.memory_space<semaphore_mem>>) src(%dma_wait3A_382 : memref<128xi32, #tpu.memory_space<hbm>>) dst(%dma_wait3A_380 : memref<128xi32, #tpu.memory_space<vmem>>)
    %dma_wait3A_383 = arith.constant 0 : i32
    %dma_wait3A_384 = arith.constant 0 : i32
    %dma_wait3A_385 = tpu.memref_slice %arg13[%dma_wait3A_383, %dma_wait3A_384] : memref<8x128xi32, #tpu.memory_space<vmem>> -> memref<1x128xi32, #tpu.memory_space<vmem>>
    %dma_wait3A_386 = tpu.memref_squeeze %dma_wait3A_385 : memref<1x128xi32, #tpu.memory_space<vmem>> -> memref<128xi32, #tpu.memory_space<vmem>>
    %dma_wait3A_387 = arith.constant 0 : i32
    %dma_wait3A_388 = tpu.memref_slice %arg6[%dma_wait3A_387] : memref<327680xi32, #tpu.memory_space<hbm>> -> memref<128xi32, #tpu.memory_space<hbm>>
    %dma_wait3A_389 = arith.constant 0 : i32
    %dma_wait3A_390 = tpu.memref_slice %arg13[%dma_wait3A_383, %dma_wait3A_389] : memref<8x128xi32, #tpu.memory_space<vmem>> -> memref<1x128xi32, #tpu.memory_space<vmem>>
    %dma_wait3A_391 = tpu.memref_squeeze %dma_wait3A_390 : memref<1x128xi32, #tpu.memory_space<vmem>> -> memref<128xi32, #tpu.memory_space<vmem>>
    %dma_wait3A_392 = arith.constant 0 : i32
    %dma_wait3A_393 = tpu.memref_slice %arg6[%dma_wait3A_392] : memref<327680xi32, #tpu.memory_space<hbm>> -> memref<128xi32, #tpu.memory_space<hbm>>
    tpu.wait_dma2 semaphore(%arg17 : memref<!tpu.dma_semaphore, #tpu.memory_space<semaphore_mem>>) src(%dma_wait3A_393 : memref<128xi32, #tpu.memory_space<hbm>>) dst(%dma_wait3A_391 : memref<128xi32, #tpu.memory_space<vmem>>)
    %dma_start3A_394 = arith.constant 0 : i32
    %dma_start3A_395 = arith.constant 0 : i32
    %dma_start3A_396 = arith.constant 0 : i32
    %dma_start3A_397 = arith.constant 0 : i32
    %dma_start3A_398 = tpu.memref_slice %arg14[%dma_start3A_395, %dma_start3A_396, %dma_start3A_397] : memref<2x128x128xf32, #tpu.memory_space<vmem>> -> memref<1x128x128xf32, #tpu.memory_space<vmem>>
    %dma_start3A_399 = tpu.memref_squeeze %dma_start3A_398 : memref<1x128x128xf32, #tpu.memory_space<vmem>> -> memref<128x128xf32, #tpu.memory_space<vmem>>
    %dma_start3A_400 = arith.constant 0 : i32
    %dma_start3A_401 = tpu.memref_slice %arg12[%dma_start3A_394, %dma_start3A_400] : memref<8x128xi32, #tpu.memory_space<vmem>> -> memref<1x128xi32, #tpu.memory_space<vmem>>
    %dma_start3A_402 = tpu.memref_squeeze %dma_start3A_401 : memref<1x128xi32, #tpu.memory_space<vmem>> -> memref<128xi32, #tpu.memory_space<vmem>>
    %dma_start3A_403 = arith.constant 0 : i32
    %dma_start3A_404 = arith.constant 0 : i32
    %dma_start3A_405 = tpu.memref_slice %arg3[%dma_start3A_403, %dma_start3A_404] : memref<10000x128xf32, #tpu.memory_space<hbm>> -> memref<10000x128xf32, #tpu.memory_space<hbm>>
    tpu.enqueue_indirect_dma source(%dma_start3A_405 : memref<10000x128xf32, #tpu.memory_space<hbm>>) target(%dma_start3A_399 : memref<128x128xf32, #tpu.memory_space<vmem>>) offsets(%dma_start3A_402 : memref<128xi32, #tpu.memory_space<vmem>>) semaphore(%arg25 : memref<!tpu.dma_semaphore, #tpu.memory_space<semaphore_mem>>)
    %dma_wait3A_406 = arith.constant 1 : i32
    %dma_wait3A_407 = arith.constant 0 : i32
    %dma_wait3A_408 = tpu.memref_slice %arg12[%dma_wait3A_406, %dma_wait3A_407] : memref<8x128xi32, #tpu.memory_space<vmem>> -> memref<1x128xi32, #tpu.memory_space<vmem>>
    %dma_wait3A_409 = tpu.memref_squeeze %dma_wait3A_408 : memref<1x128xi32, #tpu.memory_space<vmem>> -> memref<128xi32, #tpu.memory_space<vmem>>
    %dma_wait3A_410 = arith.constant 0 : i32
    %dma_wait3A_411 = tpu.memref_slice %arg6[%dma_wait3A_410] : memref<327680xi32, #tpu.memory_space<hbm>> -> memref<128xi32, #tpu.memory_space<hbm>>
    %dma_wait3A_412 = arith.constant 0 : i32
    %dma_wait3A_413 = tpu.memref_slice %arg12[%dma_wait3A_406, %dma_wait3A_412] : memref<8x128xi32, #tpu.memory_space<vmem>> -> memref<1x128xi32, #tpu.memory_space<vmem>>
    %dma_wait3A_414 = tpu.memref_squeeze %dma_wait3A_413 : memref<1x128xi32, #tpu.memory_space<vmem>> -> memref<128xi32, #tpu.memory_space<vmem>>
    %dma_wait3A_415 = arith.constant 0 : i32
    %dma_wait3A_416 = tpu.memref_slice %arg6[%dma_wait3A_415] : memref<327680xi32, #tpu.memory_space<hbm>> -> memref<128xi32, #tpu.memory_space<hbm>>
    tpu.wait_dma2 semaphore(%arg18 : memref<!tpu.dma_semaphore, #tpu.memory_space<semaphore_mem>>) src(%dma_wait3A_416 : memref<128xi32, #tpu.memory_space<hbm>>) dst(%dma_wait3A_414 : memref<128xi32, #tpu.memory_space<vmem>>)
    %dma_wait3A_417 = arith.constant 1 : i32
    %dma_wait3A_418 = arith.constant 0 : i32
    %dma_wait3A_419 = tpu.memref_slice %arg13[%dma_wait3A_417, %dma_wait3A_418] : memref<8x128xi32, #tpu.memory_space<vmem>> -> memref<1x128xi32, #tpu.memory_space<vmem>>
    %dma_wait3A_420 = tpu.memref_squeeze %dma_wait3A_419 : memref<1x128xi32, #tpu.memory_space<vmem>> -> memref<128xi32, #tpu.memory_space<vmem>>
    %dma_wait3A_421 = arith.constant 0 : i32
    %dma_wait3A_422 = tpu.memref_slice %arg6[%dma_wait3A_421] : memref<327680xi32, #tpu.memory_space<hbm>> -> memref<128xi32, #tpu.memory_space<hbm>>
    %dma_wait3A_423 = arith.constant 0 : i32
    %dma_wait3A_424 = tpu.memref_slice %arg13[%dma_wait3A_417, %dma_wait3A_423] : memref<8x128xi32, #tpu.memory_space<vmem>> -> memref<1x128xi32, #tpu.memory_space<vmem>>
    %dma_wait3A_425 = tpu.memref_squeeze %dma_wait3A_424 : memref<1x128xi32, #tpu.memory_space<vmem>> -> memref<128xi32, #tpu.memory_space<vmem>>
    %dma_wait3A_426 = arith.constant 0 : i32
    %dma_wait3A_427 = tpu.memref_slice %arg6[%dma_wait3A_426] : memref<327680xi32, #tpu.memory_space<hbm>> -> memref<128xi32, #tpu.memory_space<hbm>>
    tpu.wait_dma2 semaphore(%arg18 : memref<!tpu.dma_semaphore, #tpu.memory_space<semaphore_mem>>) src(%dma_wait3A_427 : memref<128xi32, #tpu.memory_space<hbm>>) dst(%dma_wait3A_425 : memref<128xi32, #tpu.memory_space<vmem>>)
    %dma_start3A_428 = arith.constant 1 : i32
    %dma_start3A_429 = arith.constant 1 : i32
    %dma_start3A_430 = arith.constant 0 : i32
    %dma_start3A_431 = arith.constant 0 : i32
    %dma_start3A_432 = tpu.memref_slice %arg14[%dma_start3A_429, %dma_start3A_430, %dma_start3A_431] : memref<2x128x128xf32, #tpu.memory_space<vmem>> -> memref<1x128x128xf32, #tpu.memory_space<vmem>>
    %dma_start3A_433 = tpu.memref_squeeze %dma_start3A_432 : memref<1x128x128xf32, #tpu.memory_space<vmem>> -> memref<128x128xf32, #tpu.memory_space<vmem>>
    %dma_start3A_434 = arith.constant 0 : i32
    %dma_start3A_435 = tpu.memref_slice %arg12[%dma_start3A_428, %dma_start3A_434] : memref<8x128xi32, #tpu.memory_space<vmem>> -> memref<1x128xi32, #tpu.memory_space<vmem>>
    %dma_start3A_436 = tpu.memref_squeeze %dma_start3A_435 : memref<1x128xi32, #tpu.memory_space<vmem>> -> memref<128xi32, #tpu.memory_space<vmem>>
    %dma_start3A_437 = arith.constant 0 : i32
    %dma_start3A_438 = arith.constant 0 : i32
    %dma_start3A_439 = tpu.memref_slice %arg3[%dma_start3A_437, %dma_start3A_438] : memref<10000x128xf32, #tpu.memory_space<hbm>> -> memref<10000x128xf32, #tpu.memory_space<hbm>>
    tpu.enqueue_indirect_dma source(%dma_start3A_439 : memref<10000x128xf32, #tpu.memory_space<hbm>>) target(%dma_start3A_433 : memref<128x128xf32, #tpu.memory_space<vmem>>) offsets(%dma_start3A_436 : memref<128xi32, #tpu.memory_space<vmem>>) semaphore(%arg26 : memref<!tpu.dma_semaphore, #tpu.memory_space<semaphore_mem>>)
    %scan3A_440 = arith.constant 0 : i32
    %scan3A_441 = arith.constant 0 : i32
    %scan3A_442 = arith.constant 10 : i32
    %scan3A_443 = arith.addi %scan3A_441, %scan3A_442 : i32
    %scan3A_444 = arith.constant 1 : i32
    scf.for %scan3A_488 = %scan3A_441 to %scan3A_443 step %scan3A_444  : i32 {
      %mul3A_489 = arith.constant 8 : i32
      %mul3A_490 = arith.muli %mul3A_489, %scan3A_488 : i32
      %add3A_491 = arith.constant 0 : i32
      %add3A_492 = arith.addi %mul3A_490, %add3A_491 : i32
      %add3A_493 = arith.constant 6 : i32
      %add3A_494 = arith.addi %add3A_492, %add3A_493 : i32
      %lt3A = arith.constant 80 : i32
      %lt3A_495 = arith.cmpi slt, %add3A_494, %lt3A : i32
      %convert_element_type3A = arith.extui %lt3A_495 : i1 to i32
      %cond3A = arith.constant 0 : i32
      %cond3A_496 = arith.cmpi ne, %convert_element_type3A, %cond3A : i32
      scf.if %cond3A_496 {
        %add3A_1101 = arith.constant 6 : i32
        %add3A_1102 = arith.addi %add3A_492, %add3A_1101 : i32
        %mul3A_1103 = arith.constant 128 : i32
        %mul3A_1104 = arith.muli %add3A_1102, %mul3A_1103 : i32
        %add3A_1105 = arith.addi %mul3A_4, %mul3A_1104 : i32
        %multiple_of3A_1106 = tpu.assume_multiple %add3A_1105, 8 : i32
        %dma_start3A_1107 = arith.constant 6 : i32
        %dma_start3A_1108 = arith.constant 0 : i32
        %dma_start3A_1109 = tpu.memref_slice %arg12[%dma_start3A_1107, %dma_start3A_1108] : memref<8x128xi32, #tpu.memory_space<vmem>> -> memref<1x128xi32, #tpu.memory_space<vmem>>
        %dma_start3A_1110 = tpu.memref_squeeze %dma_start3A_1109 : memref<1x128xi32, #tpu.memory_space<vmem>> -> memref<128xi32, #tpu.memory_space<vmem>>
        %dma_start3A_1111 = tpu.memref_slice %arg6[%multiple_of3A_1106] : memref<327680xi32, #tpu.memory_space<hbm>> -> memref<128xi32, #tpu.memory_space<hbm>>
        %dma_start3A_1112 = arith.constant 0 : i32
        %dma_start3A_1113 = tpu.memref_slice %arg12[%dma_start3A_1107, %dma_start3A_1112] : memref<8x128xi32, #tpu.memory_space<vmem>> -> memref<1x128xi32, #tpu.memory_space<vmem>>
        %dma_start3A_1114 = tpu.memref_squeeze %dma_start3A_1113 : memref<1x128xi32, #tpu.memory_space<vmem>> -> memref<128xi32, #tpu.memory_space<vmem>>
        %dma_start3A_1115 = tpu.memref_slice %arg6[%multiple_of3A_1106] : memref<327680xi32, #tpu.memory_space<hbm>> -> memref<128xi32, #tpu.memory_space<hbm>>
        tpu.enqueue_dma source(%dma_start3A_1115 : memref<128xi32, #tpu.memory_space<hbm>>) target(%dma_start3A_1114 : memref<128xi32, #tpu.memory_space<vmem>>) target_semaphore(%arg23 : memref<!tpu.dma_semaphore, #tpu.memory_space<semaphore_mem>>)
        %dma_start3A_1116 = arith.constant 6 : i32
        %dma_start3A_1117 = arith.constant 0 : i32
        %dma_start3A_1118 = tpu.memref_slice %arg13[%dma_start3A_1116, %dma_start3A_1117] : memref<8x128xi32, #tpu.memory_space<vmem>> -> memref<1x128xi32, #tpu.memory_space<vmem>>
        %dma_start3A_1119 = tpu.memref_squeeze %dma_start3A_1118 : memref<1x128xi32, #tpu.memory_space<vmem>> -> memref<128xi32, #tpu.memory_space<vmem>>
        %dma_start3A_1120 = tpu.memref_slice %arg7[%multiple_of3A_1106] : memref<327680xi32, #tpu.memory_space<hbm>> -> memref<128xi32, #tpu.memory_space<hbm>>
        %dma_start3A_1121 = arith.constant 0 : i32
        %dma_start3A_1122 = tpu.memref_slice %arg13[%dma_start3A_1116, %dma_start3A_1121] : memref<8x128xi32, #tpu.memory_space<vmem>> -> memref<1x128xi32, #tpu.memory_space<vmem>>
        %dma_start3A_1123 = tpu.memref_squeeze %dma_start3A_1122 : memref<1x128xi32, #tpu.memory_space<vmem>> -> memref<128xi32, #tpu.memory_space<vmem>>
        %dma_start3A_1124 = tpu.memref_slice %arg7[%multiple_of3A_1106] : memref<327680xi32, #tpu.memory_space<hbm>> -> memref<128xi32, #tpu.memory_space<hbm>>
        tpu.enqueue_dma source(%dma_start3A_1124 : memref<128xi32, #tpu.memory_space<hbm>>) target(%dma_start3A_1123 : memref<128xi32, #tpu.memory_space<vmem>>) target_semaphore(%arg23 : memref<!tpu.dma_semaphore, #tpu.memory_space<semaphore_mem>>)
      } else {
      }
      %dma_wait3A_497 = arith.constant 0 : i32
      %dma_wait3A_498 = arith.constant 0 : i32
      %dma_wait3A_499 = arith.constant 0 : i32
      %dma_wait3A_500 = tpu.memref_slice %arg14[%dma_wait3A_497, %dma_wait3A_498, %dma_wait3A_499] : memref<2x128x128xf32, #tpu.memory_space<vmem>> -> memref<1x128x128xf32, #tpu.memory_space<vmem>>
      %dma_wait3A_501 = tpu.memref_squeeze %dma_wait3A_500 : memref<1x128x128xf32, #tpu.memory_space<vmem>> -> memref<128x128xf32, #tpu.memory_space<vmem>>
      %dma_wait3A_502 = arith.constant 0 : i32
      %dma_wait3A_503 = arith.constant 0 : i32
      %dma_wait3A_504 = tpu.memref_slice %arg3[%dma_wait3A_502, %dma_wait3A_503] : memref<10000x128xf32, #tpu.memory_space<hbm>> -> memref<128x128xf32, #tpu.memory_space<hbm>>
      %dma_wait3A_505 = arith.constant 0 : i32
      %dma_wait3A_506 = arith.constant 0 : i32
      %dma_wait3A_507 = tpu.memref_slice %arg14[%dma_wait3A_497, %dma_wait3A_505, %dma_wait3A_506] : memref<2x128x128xf32, #tpu.memory_space<vmem>> -> memref<1x128x128xf32, #tpu.memory_space<vmem>>
      %dma_wait3A_508 = tpu.memref_squeeze %dma_wait3A_507 : memref<1x128x128xf32, #tpu.memory_space<vmem>> -> memref<128x128xf32, #tpu.memory_space<vmem>>
      %dma_wait3A_509 = arith.constant 0 : i32
      %dma_wait3A_510 = arith.constant 0 : i32
      %dma_wait3A_511 = tpu.memref_slice %arg3[%dma_wait3A_509, %dma_wait3A_510] : memref<10000x128xf32, #tpu.memory_space<hbm>> -> memref<128x128xf32, #tpu.memory_space<hbm>>
      tpu.wait_dma2 semaphore(%arg25 : memref<!tpu.dma_semaphore, #tpu.memory_space<semaphore_mem>>) src(%dma_wait3A_511 : memref<128x128xf32, #tpu.memory_space<hbm>>) dst(%dma_wait3A_508 : memref<128x128xf32, #tpu.memory_space<vmem>>)
      %dma_start3A_512 = arith.constant 0 : i32
      %dma_start3A_513 = arith.constant 0 : i32
      %dma_start3A_514 = arith.constant 0 : i32
      %dma_start3A_515 = arith.constant 0 : i32
      %dma_start3A_516 = tpu.memref_slice %arg14[%dma_start3A_512, %dma_start3A_514, %dma_start3A_515] : memref<2x128x128xf32, #tpu.memory_space<vmem>> -> memref<1x128x128xf32, #tpu.memory_space<vmem>>
      %dma_start3A_517 = tpu.memref_squeeze %dma_start3A_516 : memref<1x128x128xf32, #tpu.memory_space<vmem>> -> memref<128x128xf32, #tpu.memory_space<vmem>>
      %dma_start3A_518 = arith.constant 0 : i32
      %dma_start3A_519 = tpu.memref_slice %arg13[%dma_start3A_513, %dma_start3A_518] : memref<8x128xi32, #tpu.memory_space<vmem>> -> memref<1x128xi32, #tpu.memory_space<vmem>>
      %dma_start3A_520 = tpu.memref_squeeze %dma_start3A_519 : memref<1x128xi32, #tpu.memory_space<vmem>> -> memref<128xi32, #tpu.memory_space<vmem>>
      %dma_start3A_521 = arith.constant 0 : i32
      %dma_start3A_522 = arith.constant 0 : i32
      %dma_start3A_523 = tpu.memref_slice %arg16[%dma_start3A_521, %dma_start3A_522] : memref<10240x128xf32, #tpu.memory_space<vmem_shared>> -> memref<10240x128xf32, #tpu.memory_space<vmem_shared>>
      tpu.enqueue_indirect_dma source(%dma_start3A_517 : memref<128x128xf32, #tpu.memory_space<vmem>>) target(%dma_start3A_523 : memref<10240x128xf32, #tpu.memory_space<vmem_shared>>) offsets(%dma_start3A_520 : memref<128xi32, #tpu.memory_space<vmem>>) semaphore(%arg27 : memref<!tpu.dma_semaphore, #tpu.memory_space<semaphore_mem>>) {add = true}
      %get3A = arith.constant 0 : i32
      %get3A_524 = arith.index_cast %get3A : i32 to index
      %get3A_525 = arith.constant 0 : index
      %get3A_526 = tpu.vector_load %arg13[%get3A_524, %get3A_525] {strides = array<i32>} : memref<8x128xi32, #tpu.memory_space<vmem>>, vector<16xi32>,
      tpu.vector_store_idx %arg15[%get3A_526], %broadcast_in_dim3A_5 {add = true} : memref<10240xf32, #tpu.memory_space<vmem>>[vector<16xi32>], vector<16xf32>,
      %get3A_527 = arith.constant 0 : i32
      %get3A_528 = arith.index_cast %get3A_527 : i32 to index
      %get3A_529 = arith.constant 16 : index
      %get3A_530 = tpu.vector_load %arg13[%get3A_528, %get3A_529] {strides = array<i32>} : memref<8x128xi32, #tpu.memory_space<vmem>>, vector<16xi32>,
      tpu.vector_store_idx %arg15[%get3A_530], %broadcast_in_dim3A_5 {add = true} : memref<10240xf32, #tpu.memory_space<vmem>>[vector<16xi32>], vector<16xf32>,
      %get3A_531 = arith.constant 0 : i32
      %get3A_532 = arith.index_cast %get3A_531 : i32 to index
      %get3A_533 = arith.constant 32 : index
      %get3A_534 = tpu.vector_load %arg13[%get3A_532, %get3A_533] {strides = array<i32>} : memref<8x128xi32, #tpu.memory_space<vmem>>, vector<16xi32>,
      tpu.vector_store_idx %arg15[%get3A_534], %broadcast_in_dim3A_5 {add = true} : memref<10240xf32, #tpu.memory_space<vmem>>[vector<16xi32>], vector<16xf32>,
      %get3A_535 = arith.constant 0 : i32
      %get3A_536 = arith.index_cast %get3A_535 : i32 to index
      %get3A_537 = arith.constant 48 : index
      %get3A_538 = tpu.vector_load %arg13[%get3A_536, %get3A_537] {strides = array<i32>} : memref<8x128xi32, #tpu.memory_space<vmem>>, vector<16xi32>,
      tpu.vector_store_idx %arg15[%get3A_538], %broadcast_in_dim3A_5 {add = true} : memref<10240xf32, #tpu.memory_space<vmem>>[vector<16xi32>], vector<16xf32>,
      %get3A_539 = arith.constant 0 : i32
      %get3A_540 = arith.index_cast %get3A_539 : i32 to index
      %get3A_541 = arith.constant 64 : index
      %get3A_542 = tpu.vector_load %arg13[%get3A_540, %get3A_541] {strides = array<i32>} : memref<8x128xi32, #tpu.memory_space<vmem>>, vector<16xi32>,
      tpu.vector_store_idx %arg15[%get3A_542], %broadcast_in_dim3A_5 {add = true} : memref<10240xf32, #tpu.memory_space<vmem>>[vector<16xi32>], vector<16xf32>,
      %get3A_543 = arith.constant 0 : i32
      %get3A_544 = arith.index_cast %get3A_543 : i32 to index
      %get3A_545 = arith.constant 80 : index
      %get3A_546 = tpu.vector_load %arg13[%get3A_544, %get3A_545] {strides = array<i32>} : memref<8x128xi32, #tpu.memory_space<vmem>>, vector<16xi32>,
      tpu.vector_store_idx %arg15[%get3A_546], %broadcast_in_dim3A_5 {add = true} : memref<10240xf32, #tpu.memory_space<vmem>>[vector<16xi32>], vector<16xf32>,
      %get3A_547 = arith.constant 0 : i32
      %get3A_548 = arith.index_cast %get3A_547 : i32 to index
      %get3A_549 = arith.constant 96 : index
      %get3A_550 = tpu.vector_load %arg13[%get3A_548, %get3A_549] {strides = array<i32>} : memref<8x128xi32, #tpu.memory_space<vmem>>, vector<16xi32>,
      tpu.vector_store_idx %arg15[%get3A_550], %broadcast_in_dim3A_5 {add = true} : memref<10240xf32, #tpu.memory_space<vmem>>[vector<16xi32>], vector<16xf32>,
      %get3A_551 = arith.constant 0 : i32
      %get3A_552 = arith.index_cast %get3A_551 : i32 to index
      %get3A_553 = arith.constant 112 : index
      %get3A_554 = tpu.vector_load %arg13[%get3A_552, %get3A_553] {strides = array<i32>} : memref<8x128xi32, #tpu.memory_space<vmem>>, vector<16xi32>,
      tpu.vector_store_idx %arg15[%get3A_554], %broadcast_in_dim3A_5 {add = true} : memref<10240xf32, #tpu.memory_space<vmem>>[vector<16xi32>], vector<16xf32>,
      %add3A_555 = arith.constant 2 : i32
      %add3A_556 = arith.addi %add3A_492, %add3A_555 : i32
      %lt3A_557 = arith.constant 80 : i32
      %lt3A_558 = arith.cmpi slt, %add3A_556, %lt3A_557 : i32
      %convert_element_type3A_559 = arith.extui %lt3A_558 : i1 to i32
      %cond3A_560 = arith.constant 0 : i32
      %cond3A_561 = arith.cmpi ne, %convert_element_type3A_559, %cond3A_560 : i32
      scf.if %cond3A_561 {
        %dma_wait3A_1101 = arith.constant 0 : i32
        %dma_wait3A_1102 = arith.constant 0 : i32
        %dma_wait3A_1103 = arith.constant 0 : i32
        %dma_wait3A_1104 = tpu.memref_slice %arg14[%dma_wait3A_1101, %dma_wait3A_1102, %dma_wait3A_1103] : memref<2x128x128xf32, #tpu.memory_space<vmem>> -> memref<1x128x128xf32, #tpu.memory_space<vmem>>
        %dma_wait3A_1105 = tpu.memref_squeeze %dma_wait3A_1104 : memref<1x128x128xf32, #tpu.memory_space<vmem>> -> memref<128x128xf32, #tpu.memory_space<vmem>>
        %dma_wait3A_1106 = arith.constant 0 : i32
        %dma_wait3A_1107 = arith.constant 0 : i32
        %dma_wait3A_1108 = tpu.memref_slice %arg3[%dma_wait3A_1106, %dma_wait3A_1107] : memref<10000x128xf32, #tpu.memory_space<hbm>> -> memref<128x128xf32, #tpu.memory_space<hbm>>
        %dma_wait3A_1109 = arith.constant 0 : i32
        %dma_wait3A_1110 = arith.constant 0 : i32
        %dma_wait3A_1111 = tpu.memref_slice %arg14[%dma_wait3A_1101, %dma_wait3A_1109, %dma_wait3A_1110] : memref<2x128x128xf32, #tpu.memory_space<vmem>> -> memref<1x128x128xf32, #tpu.memory_space<vmem>>
        %dma_wait3A_1112 = tpu.memref_squeeze %dma_wait3A_1111 : memref<1x128x128xf32, #tpu.memory_space<vmem>> -> memref<128x128xf32, #tpu.memory_space<vmem>>
        %dma_wait3A_1113 = arith.constant 0 : i32
        %dma_wait3A_1114 = arith.constant 0 : i32
        %dma_wait3A_1115 = tpu.memref_slice %arg3[%dma_wait3A_1113, %dma_wait3A_1114] : memref<10000x128xf32, #tpu.memory_space<hbm>> -> memref<128x128xf32, #tpu.memory_space<hbm>>
        tpu.wait_dma2 semaphore(%arg27 : memref<!tpu.dma_semaphore, #tpu.memory_space<semaphore_mem>>) src(%dma_wait3A_1115 : memref<128x128xf32, #tpu.memory_space<hbm>>) dst(%dma_wait3A_1112 : memref<128x128xf32, #tpu.memory_space<vmem>>)
        %dma_wait3A_1116 = arith.constant 2 : i32
        %dma_wait3A_1117 = arith.constant 0 : i32
        %dma_wait3A_1118 = tpu.memref_slice %arg12[%dma_wait3A_1116, %dma_wait3A_1117] : memref<8x128xi32, #tpu.memory_space<vmem>> -> memref<1x128xi32, #tpu.memory_space<vmem>>
        %dma_wait3A_1119 = tpu.memref_squeeze %dma_wait3A_1118 : memref<1x128xi32, #tpu.memory_space<vmem>> -> memref<128xi32, #tpu.memory_space<vmem>>
        %dma_wait3A_1120 = arith.constant 0 : i32
        %dma_wait3A_1121 = tpu.memref_slice %arg6[%dma_wait3A_1120] : memref<327680xi32, #tpu.memory_space<hbm>> -> memref<128xi32, #tpu.memory_space<hbm>>
        %dma_wait3A_1122 = arith.constant 0 : i32
        %dma_wait3A_1123 = tpu.memref_slice %arg12[%dma_wait3A_1116, %dma_wait3A_1122] : memref<8x128xi32, #tpu.memory_space<vmem>> -> memref<1x128xi32, #tpu.memory_space<vmem>>
        %dma_wait3A_1124 = tpu.memref_squeeze %dma_wait3A_1123 : memref<1x128xi32, #tpu.memory_space<vmem>> -> memref<128xi32, #tpu.memory_space<vmem>>
        %dma_wait3A_1125 = arith.constant 0 : i32
        %dma_wait3A_1126 = tpu.memref_slice %arg6[%dma_wait3A_1125] : memref<327680xi32, #tpu.memory_space<hbm>> -> memref<128xi32, #tpu.memory_space<hbm>>
        tpu.wait_dma2 semaphore(%arg19 : memref<!tpu.dma_semaphore, #tpu.memory_space<semaphore_mem>>) src(%dma_wait3A_1126 : memref<128xi32, #tpu.memory_space<hbm>>) dst(%dma_wait3A_1124 : memref<128xi32, #tpu.memory_space<vmem>>)
        %dma_wait3A_1127 = arith.constant 2 : i32
        %dma_wait3A_1128 = arith.constant 0 : i32
        %dma_wait3A_1129 = tpu.memref_slice %arg13[%dma_wait3A_1127, %dma_wait3A_1128] : memref<8x128xi32, #tpu.memory_space<vmem>> -> memref<1x128xi32, #tpu.memory_space<vmem>>
        %dma_wait3A_1130 = tpu.memref_squeeze %dma_wait3A_1129 : memref<1x128xi32, #tpu.memory_space<vmem>> -> memref<128xi32, #tpu.memory_space<vmem>>
        %dma_wait3A_1131 = arith.constant 0 : i32
        %dma_wait3A_1132 = tpu.memref_slice %arg6[%dma_wait3A_1131] : memref<327680xi32, #tpu.memory_space<hbm>> -> memref<128xi32, #tpu.memory_space<hbm>>
        %dma_wait3A_1133 = arith.constant 0 : i32
        %dma_wait3A_1134 = tpu.memref_slice %arg13[%dma_wait3A_1127, %dma_wait3A_1133] : memref<8x128xi32, #tpu.memory_space<vmem>> -> memref<1x128xi32, #tpu.memory_space<vmem>>
        %dma_wait3A_1135 = tpu.memref_squeeze %dma_wait3A_1134 : memref<1x128xi32, #tpu.memory_space<vmem>> -> memref<128xi32, #tpu.memory_space<vmem>>
        %dma_wait3A_1136 = arith.constant 0 : i32
        %dma_wait3A_1137 = tpu.memref_slice %arg6[%dma_wait3A_1136] : memref<327680xi32, #tpu.memory_space<hbm>> -> memref<128xi32, #tpu.memory_space<hbm>>
        tpu.wait_dma2 semaphore(%arg19 : memref<!tpu.dma_semaphore, #tpu.memory_space<semaphore_mem>>) src(%dma_wait3A_1137 : memref<128xi32, #tpu.memory_space<hbm>>) dst(%dma_wait3A_1135 : memref<128xi32, #tpu.memory_space<vmem>>)
        %dma_start3A_1138 = arith.constant 2 : i32
        %dma_start3A_1139 = arith.constant 0 : i32
        %dma_start3A_1140 = arith.constant 0 : i32
        %dma_start3A_1141 = arith.constant 0 : i32
        %dma_start3A_1142 = tpu.memref_slice %arg14[%dma_start3A_1139, %dma_start3A_1140, %dma_start3A_1141] : memref<2x128x128xf32, #tpu.memory_space<vmem>> -> memref<1x128x128xf32, #tpu.memory_space<vmem>>
        %dma_start3A_1143 = tpu.memref_squeeze %dma_start3A_1142 : memref<1x128x128xf32, #tpu.memory_space<vmem>> -> memref<128x128xf32, #tpu.memory_space<vmem>>
        %dma_start3A_1144 = arith.constant 0 : i32
        %dma_start3A_1145 = tpu.memref_slice %arg12[%dma_start3A_1138, %dma_start3A_1144] : memref<8x128xi32, #tpu.memory_space<vmem>> -> memref<1x128xi32, #tpu.memory_space<vmem>>
        %dma_start3A_1146 = tpu.memref_squeeze %dma_start3A_1145 : memref<1x128xi32, #tpu.memory_space<vmem>> -> memref<128xi32, #tpu.memory_space<vmem>>
        %dma_start3A_1147 = arith.constant 0 : i32
        %dma_start3A_1148 = arith.constant 0 : i32
        %dma_start3A_1149 = tpu.memref_slice %arg3[%dma_start3A_1147, %dma_start3A_1148] : memref<10000x128xf32, #tpu.memory_space<hbm>> -> memref<10000x128xf32, #tpu.memory_space<hbm>>
        tpu.enqueue_indirect_dma source(%dma_start3A_1149 : memref<10000x128xf32, #tpu.memory_space<hbm>>) target(%dma_start3A_1143 : memref<128x128xf32, #tpu.memory_space<vmem>>) offsets(%dma_start3A_1146 : memref<128xi32, #tpu.memory_space<vmem>>) semaphore(%arg25 : memref<!tpu.dma_semaphore, #tpu.memory_space<semaphore_mem>>)
      } else {
      }
      %mul3A_562 = arith.constant 8 : i32
      %mul3A_563 = arith.muli %mul3A_562, %scan3A_488 : i32
      %add3A_564 = arith.constant 1 : i32
      %add3A_565 = arith.addi %mul3A_563, %add3A_564 : i32
      %add3A_566 = arith.constant 6 : i32
      %add3A_567 = arith.addi %add3A_565, %add3A_566 : i32
      %lt3A_568 = arith.constant 80 : i32
      %lt3A_569 = arith.cmpi slt, %add3A_567, %lt3A_568 : i32
      %convert_element_type3A_570 = arith.extui %lt3A_569 : i1 to i32
      %cond3A_571 = arith.constant 0 : i32
      %cond3A_572 = arith.cmpi ne, %convert_element_type3A_570, %cond3A_571 : i32
      scf.if %cond3A_572 {
        %add3A_1101 = arith.constant 6 : i32
        %add3A_1102 = arith.addi %add3A_565, %add3A_1101 : i32
        %mul3A_1103 = arith.constant 128 : i32
        %mul3A_1104 = arith.muli %add3A_1102, %mul3A_1103 : i32
        %add3A_1105 = arith.addi %mul3A_4, %mul3A_1104 : i32
        %multiple_of3A_1106 = tpu.assume_multiple %add3A_1105, 8 : i32
        %dma_start3A_1107 = arith.constant 7 : i32
        %dma_start3A_1108 = arith.constant 0 : i32
        %dma_start3A_1109 = tpu.memref_slice %arg12[%dma_start3A_1107, %dma_start3A_1108] : memref<8x128xi32, #tpu.memory_space<vmem>> -> memref<1x128xi32, #tpu.memory_space<vmem>>
        %dma_start3A_1110 = tpu.memref_squeeze %dma_start3A_1109 : memref<1x128xi32, #tpu.memory_space<vmem>> -> memref<128xi32, #tpu.memory_space<vmem>>
        %dma_start3A_1111 = tpu.memref_slice %arg6[%multiple_of3A_1106] : memref<327680xi32, #tpu.memory_space<hbm>> -> memref<128xi32, #tpu.memory_space<hbm>>
        %dma_start3A_1112 = arith.constant 0 : i32
        %dma_start3A_1113 = tpu.memref_slice %arg12[%dma_start3A_1107, %dma_start3A_1112] : memref<8x128xi32, #tpu.memory_space<vmem>> -> memref<1x128xi32, #tpu.memory_space<vmem>>
        %dma_start3A_1114 = tpu.memref_squeeze %dma_start3A_1113 : memref<1x128xi32, #tpu.memory_space<vmem>> -> memref<128xi32, #tpu.memory_space<vmem>>
        %dma_start3A_1115 = tpu.memref_slice %arg6[%multiple_of3A_1106] : memref<327680xi32, #tpu.memory_space<hbm>> -> memref<128xi32, #tpu.memory_space<hbm>>
        tpu.enqueue_dma source(%dma_start3A_1115 : memref<128xi32, #tpu.memory_space<hbm>>) target(%dma_start3A_1114 : memref<128xi32, #tpu.memory_space<vmem>>) target_semaphore(%arg24 : memref<!tpu.dma_semaphore, #tpu.memory_space<semaphore_mem>>)
        %dma_start3A_1116 = arith.constant 7 : i32
        %dma_start3A_1117 = arith.constant 0 : i32
        %dma_start3A_1118 = tpu.memref_slice %arg13[%dma_start3A_1116, %dma_start3A_1117] : memref<8x128xi32, #tpu.memory_space<vmem>> -> memref<1x128xi32, #tpu.memory_space<vmem>>
        %dma_start3A_1119 = tpu.memref_squeeze %dma_start3A_1118 : memref<1x128xi32, #tpu.memory_space<vmem>> -> memref<128xi32, #tpu.memory_space<vmem>>
        %dma_start3A_1120 = tpu.memref_slice %arg7[%multiple_of3A_1106] : memref<327680xi32, #tpu.memory_space<hbm>> -> memref<128xi32, #tpu.memory_space<hbm>>
        %dma_start3A_1121 = arith.constant 0 : i32
        %dma_start3A_1122 = tpu.memref_slice %arg13[%dma_start3A_1116, %dma_start3A_1121] : memref<8x128xi32, #tpu.memory_space<vmem>> -> memref<1x128xi32, #tpu.memory_space<vmem>>
        %dma_start3A_1123 = tpu.memref_squeeze %dma_start3A_1122 : memref<1x128xi32, #tpu.memory_space<vmem>> -> memref<128xi32, #tpu.memory_space<vmem>>
        %dma_start3A_1124 = tpu.memref_slice %arg7[%multiple_of3A_1106] : memref<327680xi32, #tpu.memory_space<hbm>> -> memref<128xi32, #tpu.memory_space<hbm>>
        tpu.enqueue_dma source(%dma_start3A_1124 : memref<128xi32, #tpu.memory_space<hbm>>) target(%dma_start3A_1123 : memref<128xi32, #tpu.memory_space<vmem>>) target_semaphore(%arg24 : memref<!tpu.dma_semaphore, #tpu.memory_space<semaphore_mem>>)
      } else {
      }
      %dma_wait3A_573 = arith.constant 1 : i32
      %dma_wait3A_574 = arith.constant 0 : i32
      %dma_wait3A_575 = arith.constant 0 : i32
      %dma_wait3A_576 = tpu.memref_slice %arg14[%dma_wait3A_573, %dma_wait3A_574, %dma_wait3A_575] : memref<2x128x128xf32, #tpu.memory_space<vmem>> -> memref<1x128x128xf32, #tpu.memory_space<vmem>>
      %dma_wait3A_577 = tpu.memref_squeeze %dma_wait3A_576 : memref<1x128x128xf32, #tpu.memory_space<vmem>> -> memref<128x128xf32, #tpu.memory_space<vmem>>
      %dma_wait3A_578 = arith.constant 0 : i32
      %dma_wait3A_579 = arith.constant 0 : i32
      %dma_wait3A_580 = tpu.memref_slice %arg3[%dma_wait3A_578, %dma_wait3A_579] : memref<10000x128xf32, #tpu.memory_space<hbm>> -> memref<128x128xf32, #tpu.memory_space<hbm>>
      %dma_wait3A_581 = arith.constant 0 : i32
      %dma_wait3A_582 = arith.constant 0 : i32
      %dma_wait3A_583 = tpu.memref_slice %arg14[%dma_wait3A_573, %dma_wait3A_581, %dma_wait3A_582] : memref<2x128x128xf32, #tpu.memory_space<vmem>> -> memref<1x128x128xf32, #tpu.memory_space<vmem>>
      %dma_wait3A_584 = tpu.memref_squeeze %dma_wait3A_583 : memref<1x128x128xf32, #tpu.memory_space<vmem>> -> memref<128x128xf32, #tpu.memory_space<vmem>>
      %dma_wait3A_585 = arith.constant 0 : i32
      %dma_wait3A_586 = arith.constant 0 : i32
      %dma_wait3A_587 = tpu.memref_slice %arg3[%dma_wait3A_585, %dma_wait3A_586] : memref<10000x128xf32, #tpu.memory_space<hbm>> -> memref<128x128xf32, #tpu.memory_space<hbm>>
      tpu.wait_dma2 semaphore(%arg26 : memref<!tpu.dma_semaphore, #tpu.memory_space<semaphore_mem>>) src(%dma_wait3A_587 : memref<128x128xf32, #tpu.memory_space<hbm>>) dst(%dma_wait3A_584 : memref<128x128xf32, #tpu.memory_space<vmem>>)
      %dma_start3A_588 = arith.constant 1 : i32
      %dma_start3A_589 = arith.constant 1 : i32
      %dma_start3A_590 = arith.constant 0 : i32
      %dma_start3A_591 = arith.constant 0 : i32
      %dma_start3A_592 = tpu.memref_slice %arg14[%dma_start3A_588, %dma_start3A_590, %dma_start3A_591] : memref<2x128x128xf32, #tpu.memory_space<vmem>> -> memref<1x128x128xf32, #tpu.memory_space<vmem>>
      %dma_start3A_593 = tpu.memref_squeeze %dma_start3A_592 : memref<1x128x128xf32, #tpu.memory_space<vmem>> -> memref<128x128xf32, #tpu.memory_space<vmem>>
      %dma_start3A_594 = arith.constant 0 : i32
      %dma_start3A_595 = tpu.memref_slice %arg13[%dma_start3A_589, %dma_start3A_594] : memref<8x128xi32, #tpu.memory_space<vmem>> -> memref<1x128xi32, #tpu.memory_space<vmem>>
      %dma_start3A_596 = tpu.memref_squeeze %dma_start3A_595 : memref<1x128xi32, #tpu.memory_space<vmem>> -> memref<128xi32, #tpu.memory_space<vmem>>
      %dma_start3A_597 = arith.constant 0 : i32
      %dma_start3A_598 = arith.constant 0 : i32
      %dma_start3A_599 = tpu.memref_slice %arg16[%dma_start3A_597, %dma_start3A_598] : memref<10240x128xf32, #tpu.memory_space<vmem_shared>> -> memref<10240x128xf32, #tpu.memory_space<vmem_shared>>
      tpu.enqueue_indirect_dma source(%dma_start3A_593 : memref<128x128xf32, #tpu.memory_space<vmem>>) target(%dma_start3A_599 : memref<10240x128xf32, #tpu.memory_space<vmem_shared>>) offsets(%dma_start3A_596 : memref<128xi32, #tpu.memory_space<vmem>>) semaphore(%arg28 : memref<!tpu.dma_semaphore, #tpu.memory_space<semaphore_mem>>) {add = true}
      %get3A_600 = arith.constant 1 : i32
      %get3A_601 = arith.index_cast %get3A_600 : i32 to index
      %get3A_602 = arith.constant 0 : index
      %get3A_603 = tpu.vector_load %arg13[%get3A_601, %get3A_602] {strides = array<i32>} : memref<8x128xi32, #tpu.memory_space<vmem>>, vector<16xi32>,
      tpu.vector_store_idx %arg15[%get3A_603], %broadcast_in_dim3A_5 {add = true} : memref<10240xf32, #tpu.memory_space<vmem>>[vector<16xi32>], vector<16xf32>,
      %get3A_604 = arith.constant 1 : i32
      %get3A_605 = arith.index_cast %get3A_604 : i32 to index
      %get3A_606 = arith.constant 16 : index
      %get3A_607 = tpu.vector_load %arg13[%get3A_605, %get3A_606] {strides = array<i32>} : memref<8x128xi32, #tpu.memory_space<vmem>>, vector<16xi32>,
      tpu.vector_store_idx %arg15[%get3A_607], %broadcast_in_dim3A_5 {add = true} : memref<10240xf32, #tpu.memory_space<vmem>>[vector<16xi32>], vector<16xf32>,
      %get3A_608 = arith.constant 1 : i32
      %get3A_609 = arith.index_cast %get3A_608 : i32 to index
      %get3A_610 = arith.constant 32 : index
      %get3A_611 = tpu.vector_load %arg13[%get3A_609, %get3A_610] {strides = array<i32>} : memref<8x128xi32, #tpu.memory_space<vmem>>, vector<16xi32>,
      tpu.vector_store_idx %arg15[%get3A_611], %broadcast_in_dim3A_5 {add = true} : memref<10240xf32, #tpu.memory_space<vmem>>[vector<16xi32>], vector<16xf32>,
      %get3A_612 = arith.constant 1 : i32
      %get3A_613 = arith.index_cast %get3A_612 : i32 to index
      %get3A_614 = arith.constant 48 : index
      %get3A_615 = tpu.vector_load %arg13[%get3A_613, %get3A_614] {strides = array<i32>} : memref<8x128xi32, #tpu.memory_space<vmem>>, vector<16xi32>,
      tpu.vector_store_idx %arg15[%get3A_615], %broadcast_in_dim3A_5 {add = true} : memref<10240xf32, #tpu.memory_space<vmem>>[vector<16xi32>], vector<16xf32>,
      %get3A_616 = arith.constant 1 : i32
      %get3A_617 = arith.index_cast %get3A_616 : i32 to index
      %get3A_618 = arith.constant 64 : index
      %get3A_619 = tpu.vector_load %arg13[%get3A_617, %get3A_618] {strides = array<i32>} : memref<8x128xi32, #tpu.memory_space<vmem>>, vector<16xi32>,
      tpu.vector_store_idx %arg15[%get3A_619], %broadcast_in_dim3A_5 {add = true} : memref<10240xf32, #tpu.memory_space<vmem>>[vector<16xi32>], vector<16xf32>,
      %get3A_620 = arith.constant 1 : i32
      %get3A_621 = arith.index_cast %get3A_620 : i32 to index
      %get3A_622 = arith.constant 80 : index
      %get3A_623 = tpu.vector_load %arg13[%get3A_621, %get3A_622] {strides = array<i32>} : memref<8x128xi32, #tpu.memory_space<vmem>>, vector<16xi32>,
      tpu.vector_store_idx %arg15[%get3A_623], %broadcast_in_dim3A_5 {add = true} : memref<10240xf32, #tpu.memory_space<vmem>>[vector<16xi32>], vector<16xf32>,
      %get3A_624 = arith.constant 1 : i32
      %get3A_625 = arith.index_cast %get3A_624 : i32 to index
      %get3A_626 = arith.constant 96 : index
      %get3A_627 = tpu.vector_load %arg13[%get3A_625, %get3A_626] {strides = array<i32>} : memref<8x128xi32, #tpu.memory_space<vmem>>, vector<16xi32>,
      tpu.vector_store_idx %arg15[%get3A_627], %broadcast_in_dim3A_5 {add = true} : memref<10240xf32, #tpu.memory_space<vmem>>[vector<16xi32>], vector<16xf32>,
      %get3A_628 = arith.constant 1 : i32
      %get3A_629 = arith.index_cast %get3A_628 : i32 to index
      %get3A_630 = arith.constant 112 : index
      %get3A_631 = tpu.vector_load %arg13[%get3A_629, %get3A_630] {strides = array<i32>} : memref<8x128xi32, #tpu.memory_space<vmem>>, vector<16xi32>,
      tpu.vector_store_idx %arg15[%get3A_631], %broadcast_in_dim3A_5 {add = true} : memref<10240xf32, #tpu.memory_space<vmem>>[vector<16xi32>], vector<16xf32>,
      %add3A_632 = arith.constant 2 : i32
      %add3A_633 = arith.addi %add3A_565, %add3A_632 : i32
      %lt3A_634 = arith.constant 80 : i32
      %lt3A_635 = arith.cmpi slt, %add3A_633, %lt3A_634 : i32
      %convert_element_type3A_636 = arith.extui %lt3A_635 : i1 to i32
      %cond3A_637 = arith.constant 0 : i32
      %cond3A_638 = arith.cmpi ne, %convert_element_type3A_636, %cond3A_637 : i32
      scf.if %cond3A_638 {
        %dma_wait3A_1101 = arith.constant 1 : i32
        %dma_wait3A_1102 = arith.constant 0 : i32
        %dma_wait3A_1103 = arith.constant 0 : i32
        %dma_wait3A_1104 = tpu.memref_slice %arg14[%dma_wait3A_1101, %dma_wait3A_1102, %dma_wait3A_1103] : memref<2x128x128xf32, #tpu.memory_space<vmem>> -> memref<1x128x128xf32, #tpu.memory_space<vmem>>
        %dma_wait3A_1105 = tpu.memref_squeeze %dma_wait3A_1104 : memref<1x128x128xf32, #tpu.memory_space<vmem>> -> memref<128x128xf32, #tpu.memory_space<vmem>>
        %dma_wait3A_1106 = arith.constant 0 : i32
        %dma_wait3A_1107 = arith.constant 0 : i32
        %dma_wait3A_1108 = tpu.memref_slice %arg3[%dma_wait3A_1106, %dma_wait3A_1107] : memref<10000x128xf32, #tpu.memory_space<hbm>> -> memref<128x128xf32, #tpu.memory_space<hbm>>
        %dma_wait3A_1109 = arith.constant 0 : i32
        %dma_wait3A_1110 = arith.constant 0 : i32
        %dma_wait3A_1111 = tpu.memref_slice %arg14[%dma_wait3A_1101, %dma_wait3A_1109, %dma_wait3A_1110] : memref<2x128x128xf32, #tpu.memory_space<vmem>> -> memref<1x128x128xf32, #tpu.memory_space<vmem>>
        %dma_wait3A_1112 = tpu.memref_squeeze %dma_wait3A_1111 : memref<1x128x128xf32, #tpu.memory_space<vmem>> -> memref<128x128xf32, #tpu.memory_space<vmem>>
        %dma_wait3A_1113 = arith.constant 0 : i32
        %dma_wait3A_1114 = arith.constant 0 : i32
        %dma_wait3A_1115 = tpu.memref_slice %arg3[%dma_wait3A_1113, %dma_wait3A_1114] : memref<10000x128xf32, #tpu.memory_space<hbm>> -> memref<128x128xf32, #tpu.memory_space<hbm>>
        tpu.wait_dma2 semaphore(%arg28 : memref<!tpu.dma_semaphore, #tpu.memory_space<semaphore_mem>>) src(%dma_wait3A_1115 : memref<128x128xf32, #tpu.memory_space<hbm>>) dst(%dma_wait3A_1112 : memref<128x128xf32, #tpu.memory_space<vmem>>)
        %dma_wait3A_1116 = arith.constant 3 : i32
        %dma_wait3A_1117 = arith.constant 0 : i32
        %dma_wait3A_1118 = tpu.memref_slice %arg12[%dma_wait3A_1116, %dma_wait3A_1117] : memref<8x128xi32, #tpu.memory_space<vmem>> -> memref<1x128xi32, #tpu.memory_space<vmem>>
        %dma_wait3A_1119 = tpu.memref_squeeze %dma_wait3A_1118 : memref<1x128xi32, #tpu.memory_space<vmem>> -> memref<128xi32, #tpu.memory_space<vmem>>
        %dma_wait3A_1120 = arith.constant 0 : i32
        %dma_wait3A_1121 = tpu.memref_slice %arg6[%dma_wait3A_1120] : memref<327680xi32, #tpu.memory_space<hbm>> -> memref<128xi32, #tpu.memory_space<hbm>>
        %dma_wait3A_1122 = arith.constant 0 : i32
        %dma_wait3A_1123 = tpu.memref_slice %arg12[%dma_wait3A_1116, %dma_wait3A_1122] : memref<8x128xi32, #tpu.memory_space<vmem>> -> memref<1x128xi32, #tpu.memory_space<vmem>>
        %dma_wait3A_1124 = tpu.memref_squeeze %dma_wait3A_1123 : memref<1x128xi32, #tpu.memory_space<vmem>> -> memref<128xi32, #tpu.memory_space<vmem>>
        %dma_wait3A_1125 = arith.constant 0 : i32
        %dma_wait3A_1126 = tpu.memref_slice %arg6[%dma_wait3A_1125] : memref<327680xi32, #tpu.memory_space<hbm>> -> memref<128xi32, #tpu.memory_space<hbm>>
        tpu.wait_dma2 semaphore(%arg20 : memref<!tpu.dma_semaphore, #tpu.memory_space<semaphore_mem>>) src(%dma_wait3A_1126 : memref<128xi32, #tpu.memory_space<hbm>>) dst(%dma_wait3A_1124 : memref<128xi32, #tpu.memory_space<vmem>>)
        %dma_wait3A_1127 = arith.constant 3 : i32
        %dma_wait3A_1128 = arith.constant 0 : i32
        %dma_wait3A_1129 = tpu.memref_slice %arg13[%dma_wait3A_1127, %dma_wait3A_1128] : memref<8x128xi32, #tpu.memory_space<vmem>> -> memref<1x128xi32, #tpu.memory_space<vmem>>
        %dma_wait3A_1130 = tpu.memref_squeeze %dma_wait3A_1129 : memref<1x128xi32, #tpu.memory_space<vmem>> -> memref<128xi32, #tpu.memory_space<vmem>>
        %dma_wait3A_1131 = arith.constant 0 : i32
        %dma_wait3A_1132 = tpu.memref_slice %arg6[%dma_wait3A_1131] : memref<327680xi32, #tpu.memory_space<hbm>> -> memref<128xi32, #tpu.memory_space<hbm>>
        %dma_wait3A_1133 = arith.constant 0 : i32
        %dma_wait3A_1134 = tpu.memref_slice %arg13[%dma_wait3A_1127, %dma_wait3A_1133] : memref<8x128xi32, #tpu.memory_space<vmem>> -> memref<1x128xi32, #tpu.memory_space<vmem>>
        %dma_wait3A_1135 = tpu.memref_squeeze %dma_wait3A_1134 : memref<1x128xi32, #tpu.memory_space<vmem>> -> memref<128xi32, #tpu.memory_space<vmem>>
        %dma_wait3A_1136 = arith.constant 0 : i32
        %dma_wait3A_1137 = tpu.memref_slice %arg6[%dma_wait3A_1136] : memref<327680xi32, #tpu.memory_space<hbm>> -> memref<128xi32, #tpu.memory_space<hbm>>
        tpu.wait_dma2 semaphore(%arg20 : memref<!tpu.dma_semaphore, #tpu.memory_space<semaphore_mem>>) src(%dma_wait3A_1137 : memref<128xi32, #tpu.memory_space<hbm>>) dst(%dma_wait3A_1135 : memref<128xi32, #tpu.memory_space<vmem>>)
        %dma_start3A_1138 = arith.constant 3 : i32
        %dma_start3A_1139 = arith.constant 1 : i32
        %dma_start3A_1140 = arith.constant 0 : i32
        %dma_start3A_1141 = arith.constant 0 : i32
        %dma_start3A_1142 = tpu.memref_slice %arg14[%dma_start3A_1139, %dma_start3A_1140, %dma_start3A_1141] : memref<2x128x128xf32, #tpu.memory_space<vmem>> -> memref<1x128x128xf32, #tpu.memory_space<vmem>>
        %dma_start3A_1143 = tpu.memref_squeeze %dma_start3A_1142 : memref<1x128x128xf32, #tpu.memory_space<vmem>> -> memref<128x128xf32, #tpu.memory_space<vmem>>
        %dma_start3A_1144 = arith.constant 0 : i32
        %dma_start3A_1145 = tpu.memref_slice %arg12[%dma_start3A_1138, %dma_start3A_1144] : memref<8x128xi32, #tpu.memory_space<vmem>> -> memref<1x128xi32, #tpu.memory_space<vmem>>
        %dma_start3A_1146 = tpu.memref_squeeze %dma_start3A_1145 : memref<1x128xi32, #tpu.memory_space<vmem>> -> memref<128xi32, #tpu.memory_space<vmem>>
        %dma_start3A_1147 = arith.constant 0 : i32
        %dma_start3A_1148 = arith.constant 0 : i32
        %dma_start3A_1149 = tpu.memref_slice %arg3[%dma_start3A_1147, %dma_start3A_1148] : memref<10000x128xf32, #tpu.memory_space<hbm>> -> memref<10000x128xf32, #tpu.memory_space<hbm>>
        tpu.enqueue_indirect_dma source(%dma_start3A_1149 : memref<10000x128xf32, #tpu.memory_space<hbm>>) target(%dma_start3A_1143 : memref<128x128xf32, #tpu.memory_space<vmem>>) offsets(%dma_start3A_1146 : memref<128xi32, #tpu.memory_space<vmem>>) semaphore(%arg26 : memref<!tpu.dma_semaphore, #tpu.memory_space<semaphore_mem>>)
      } else {
      }
      %mul3A_639 = arith.constant 8 : i32
      %mul3A_640 = arith.muli %mul3A_639, %scan3A_488 : i32
      %add3A_641 = arith.constant 2 : i32
      %add3A_642 = arith.addi %mul3A_640, %add3A_641 : i32
      %add3A_643 = arith.constant 6 : i32
      %add3A_644 = arith.addi %add3A_642, %add3A_643 : i32
      %lt3A_645 = arith.constant 80 : i32
      %lt3A_646 = arith.cmpi slt, %add3A_644, %lt3A_645 : i32
      %convert_element_type3A_647 = arith.extui %lt3A_646 : i1 to i32
      %cond3A_648 = arith.constant 0 : i32
      %cond3A_649 = arith.cmpi ne, %convert_element_type3A_647, %cond3A_648 : i32
      scf.if %cond3A_649 {
        %add3A_1101 = arith.constant 6 : i32
        %add3A_1102 = arith.addi %add3A_642, %add3A_1101 : i32
        %mul3A_1103 = arith.constant 128 : i32
        %mul3A_1104 = arith.muli %add3A_1102, %mul3A_1103 : i32
        %add3A_1105 = arith.addi %mul3A_4, %mul3A_1104 : i32
        %multiple_of3A_1106 = tpu.assume_multiple %add3A_1105, 8 : i32
        %dma_start3A_1107 = arith.constant 0 : i32
        %dma_start3A_1108 = arith.constant 0 : i32
        %dma_start3A_1109 = tpu.memref_slice %arg12[%dma_start3A_1107, %dma_start3A_1108] : memref<8x128xi32, #tpu.memory_space<vmem>> -> memref<1x128xi32, #tpu.memory_space<vmem>>
        %dma_start3A_1110 = tpu.memref_squeeze %dma_start3A_1109 : memref<1x128xi32, #tpu.memory_space<vmem>> -> memref<128xi32, #tpu.memory_space<vmem>>
        %dma_start3A_1111 = tpu.memref_slice %arg6[%multiple_of3A_1106] : memref<327680xi32, #tpu.memory_space<hbm>> -> memref<128xi32, #tpu.memory_space<hbm>>
        %dma_start3A_1112 = arith.constant 0 : i32
        %dma_start3A_1113 = tpu.memref_slice %arg12[%dma_start3A_1107, %dma_start3A_1112] : memref<8x128xi32, #tpu.memory_space<vmem>> -> memref<1x128xi32, #tpu.memory_space<vmem>>
        %dma_start3A_1114 = tpu.memref_squeeze %dma_start3A_1113 : memref<1x128xi32, #tpu.memory_space<vmem>> -> memref<128xi32, #tpu.memory_space<vmem>>
        %dma_start3A_1115 = tpu.memref_slice %arg6[%multiple_of3A_1106] : memref<327680xi32, #tpu.memory_space<hbm>> -> memref<128xi32, #tpu.memory_space<hbm>>
        tpu.enqueue_dma source(%dma_start3A_1115 : memref<128xi32, #tpu.memory_space<hbm>>) target(%dma_start3A_1114 : memref<128xi32, #tpu.memory_space<vmem>>) target_semaphore(%arg17 : memref<!tpu.dma_semaphore, #tpu.memory_space<semaphore_mem>>)
        %dma_start3A_1116 = arith.constant 0 : i32
        %dma_start3A_1117 = arith.constant 0 : i32
        %dma_start3A_1118 = tpu.memref_slice %arg13[%dma_start3A_1116, %dma_start3A_1117] : memref<8x128xi32, #tpu.memory_space<vmem>> -> memref<1x128xi32, #tpu.memory_space<vmem>>
        %dma_start3A_1119 = tpu.memref_squeeze %dma_start3A_1118 : memref<1x128xi32, #tpu.memory_space<vmem>> -> memref<128xi32, #tpu.memory_space<vmem>>
        %dma_start3A_1120 = tpu.memref_slice %arg7[%multiple_of3A_1106] : memref<327680xi32, #tpu.memory_space<hbm>> -> memref<128xi32, #tpu.memory_space<hbm>>
        %dma_start3A_1121 = arith.constant 0 : i32
        %dma_start3A_1122 = tpu.memref_slice %arg13[%dma_start3A_1116, %dma_start3A_1121] : memref<8x128xi32, #tpu.memory_space<vmem>> -> memref<1x128xi32, #tpu.memory_space<vmem>>
        %dma_start3A_1123 = tpu.memref_squeeze %dma_start3A_1122 : memref<1x128xi32, #tpu.memory_space<vmem>> -> memref<128xi32, #tpu.memory_space<vmem>>
        %dma_start3A_1124 = tpu.memref_slice %arg7[%multiple_of3A_1106] : memref<327680xi32, #tpu.memory_space<hbm>> -> memref<128xi32, #tpu.memory_space<hbm>>
        tpu.enqueue_dma source(%dma_start3A_1124 : memref<128xi32, #tpu.memory_space<hbm>>) target(%dma_start3A_1123 : memref<128xi32, #tpu.memory_space<vmem>>) target_semaphore(%arg17 : memref<!tpu.dma_semaphore, #tpu.memory_space<semaphore_mem>>)
      } else {
      }
      %dma_wait3A_650 = arith.constant 0 : i32
      %dma_wait3A_651 = arith.constant 0 : i32
      %dma_wait3A_652 = arith.constant 0 : i32
      %dma_wait3A_653 = tpu.memref_slice %arg14[%dma_wait3A_650, %dma_wait3A_651, %dma_wait3A_652] : memref<2x128x128xf32, #tpu.memory_space<vmem>> -> memref<1x128x128xf32, #tpu.memory_space<vmem>>
      %dma_wait3A_654 = tpu.memref_squeeze %dma_wait3A_653 : memref<1x128x128xf32, #tpu.memory_space<vmem>> -> memref<128x128xf32, #tpu.memory_space<vmem>>
      %dma_wait3A_655 = arith.constant 0 : i32
      %dma_wait3A_656 = arith.constant 0 : i32
      %dma_wait3A_657 = tpu.memref_slice %arg3[%dma_wait3A_655, %dma_wait3A_656] : memref<10000x128xf32, #tpu.memory_space<hbm>> -> memref<128x128xf32, #tpu.memory_space<hbm>>
      %dma_wait3A_658 = arith.constant 0 : i32
      %dma_wait3A_659 = arith.constant 0 : i32
      %dma_wait3A_660 = tpu.memref_slice %arg14[%dma_wait3A_650, %dma_wait3A_658, %dma_wait3A_659] : memref<2x128x128xf32, #tpu.memory_space<vmem>> -> memref<1x128x128xf32, #tpu.memory_space<vmem>>
      %dma_wait3A_661 = tpu.memref_squeeze %dma_wait3A_660 : memref<1x128x128xf32, #tpu.memory_space<vmem>> -> memref<128x128xf32, #tpu.memory_space<vmem>>
      %dma_wait3A_662 = arith.constant 0 : i32
      %dma_wait3A_663 = arith.constant 0 : i32
      %dma_wait3A_664 = tpu.memref_slice %arg3[%dma_wait3A_662, %dma_wait3A_663] : memref<10000x128xf32, #tpu.memory_space<hbm>> -> memref<128x128xf32, #tpu.memory_space<hbm>>
      tpu.wait_dma2 semaphore(%arg25 : memref<!tpu.dma_semaphore, #tpu.memory_space<semaphore_mem>>) src(%dma_wait3A_664 : memref<128x128xf32, #tpu.memory_space<hbm>>) dst(%dma_wait3A_661 : memref<128x128xf32, #tpu.memory_space<vmem>>)
      %dma_start3A_665 = arith.constant 0 : i32
      %dma_start3A_666 = arith.constant 2 : i32
      %dma_start3A_667 = arith.constant 0 : i32
      %dma_start3A_668 = arith.constant 0 : i32
      %dma_start3A_669 = tpu.memref_slice %arg14[%dma_start3A_665, %dma_start3A_667, %dma_start3A_668] : memref<2x128x128xf32, #tpu.memory_space<vmem>> -> memref<1x128x128xf32, #tpu.memory_space<vmem>>
      %dma_start3A_670 = tpu.memref_squeeze %dma_start3A_669 : memref<1x128x128xf32, #tpu.memory_space<vmem>> -> memref<128x128xf32, #tpu.memory_space<vmem>>
      %dma_start3A_671 = arith.constant 0 : i32
      %dma_start3A_672 = tpu.memref_slice %arg13[%dma_start3A_666, %dma_start3A_671] : memref<8x128xi32, #tpu.memory_space<vmem>> -> memref<1x128xi32, #tpu.memory_space<vmem>>
      %dma_start3A_673 = tpu.memref_squeeze %dma_start3A_672 : memref<1x128xi32, #tpu.memory_space<vmem>> -> memref<128xi32, #tpu.memory_space<vmem>>
      %dma_start3A_674 = arith.constant 0 : i32
      %dma_start3A_675 = arith.constant 0 : i32
      %dma_start3A_676 = tpu.memref_slice %arg16[%dma_start3A_674, %dma_start3A_675] : memref<10240x128xf32, #tpu.memory_space<vmem_shared>> -> memref<10240x128xf32, #tpu.memory_space<vmem_shared>>
      tpu.enqueue_indirect_dma source(%dma_start3A_670 : memref<128x128xf32, #tpu.memory_space<vmem>>) target(%dma_start3A_676 : memref<10240x128xf32, #tpu.memory_space<vmem_shared>>) offsets(%dma_start3A_673 : memref<128xi32, #tpu.memory_space<vmem>>) semaphore(%arg27 : memref<!tpu.dma_semaphore, #tpu.memory_space<semaphore_mem>>) {add = true}
      %get3A_677 = arith.constant 2 : i32
      %get3A_678 = arith.index_cast %get3A_677 : i32 to index
      %get3A_679 = arith.constant 0 : index
      %get3A_680 = tpu.vector_load %arg13[%get3A_678, %get3A_679] {strides = array<i32>} : memref<8x128xi32, #tpu.memory_space<vmem>>, vector<16xi32>,
      tpu.vector_store_idx %arg15[%get3A_680], %broadcast_in_dim3A_5 {add = true} : memref<10240xf32, #tpu.memory_space<vmem>>[vector<16xi32>], vector<16xf32>,
      %get3A_681 = arith.constant 2 : i32
      %get3A_682 = arith.index_cast %get3A_681 : i32 to index
      %get3A_683 = arith.constant 16 : index
      %get3A_684 = tpu.vector_load %arg13[%get3A_682, %get3A_683] {strides = array<i32>} : memref<8x128xi32, #tpu.memory_space<vmem>>, vector<16xi32>,
      tpu.vector_store_idx %arg15[%get3A_684], %broadcast_in_dim3A_5 {add = true} : memref<10240xf32, #tpu.memory_space<vmem>>[vector<16xi32>], vector<16xf32>,
      %get3A_685 = arith.constant 2 : i32
      %get3A_686 = arith.index_cast %get3A_685 : i32 to index
      %get3A_687 = arith.constant 32 : index
      %get3A_688 = tpu.vector_load %arg13[%get3A_686, %get3A_687] {strides = array<i32>} : memref<8x128xi32, #tpu.memory_space<vmem>>, vector<16xi32>,
      tpu.vector_store_idx %arg15[%get3A_688], %broadcast_in_dim3A_5 {add = true} : memref<10240xf32, #tpu.memory_space<vmem>>[vector<16xi32>], vector<16xf32>,
      %get3A_689 = arith.constant 2 : i32
      %get3A_690 = arith.index_cast %get3A_689 : i32 to index
      %get3A_691 = arith.constant 48 : index
      %get3A_692 = tpu.vector_load %arg13[%get3A_690, %get3A_691] {strides = array<i32>} : memref<8x128xi32, #tpu.memory_space<vmem>>, vector<16xi32>,
      tpu.vector_store_idx %arg15[%get3A_692], %broadcast_in_dim3A_5 {add = true} : memref<10240xf32, #tpu.memory_space<vmem>>[vector<16xi32>], vector<16xf32>,
      %get3A_693 = arith.constant 2 : i32
      %get3A_694 = arith.index_cast %get3A_693 : i32 to index
      %get3A_695 = arith.constant 64 : index
      %get3A_696 = tpu.vector_load %arg13[%get3A_694, %get3A_695] {strides = array<i32>} : memref<8x128xi32, #tpu.memory_space<vmem>>, vector<16xi32>,
      tpu.vector_store_idx %arg15[%get3A_696], %broadcast_in_dim3A_5 {add = true} : memref<10240xf32, #tpu.memory_space<vmem>>[vector<16xi32>], vector<16xf32>,
      %get3A_697 = arith.constant 2 : i32
      %get3A_698 = arith.index_cast %get3A_697 : i32 to index
      %get3A_699 = arith.constant 80 : index
      %get3A_700 = tpu.vector_load %arg13[%get3A_698, %get3A_699] {strides = array<i32>} : memref<8x128xi32, #tpu.memory_space<vmem>>, vector<16xi32>,
      tpu.vector_store_idx %arg15[%get3A_700], %broadcast_in_dim3A_5 {add = true} : memref<10240xf32, #tpu.memory_space<vmem>>[vector<16xi32>], vector<16xf32>,
      %get3A_701 = arith.constant 2 : i32
      %get3A_702 = arith.index_cast %get3A_701 : i32 to index
      %get3A_703 = arith.constant 96 : index
      %get3A_704 = tpu.vector_load %arg13[%get3A_702, %get3A_703] {strides = array<i32>} : memref<8x128xi32, #tpu.memory_space<vmem>>, vector<16xi32>,
      tpu.vector_store_idx %arg15[%get3A_704], %broadcast_in_dim3A_5 {add = true} : memref<10240xf32, #tpu.memory_space<vmem>>[vector<16xi32>], vector<16xf32>,
      %get3A_705 = arith.constant 2 : i32
      %get3A_706 = arith.index_cast %get3A_705 : i32 to index
      %get3A_707 = arith.constant 112 : index
      %get3A_708 = tpu.vector_load %arg13[%get3A_706, %get3A_707] {strides = array<i32>} : memref<8x128xi32, #tpu.memory_space<vmem>>, vector<16xi32>,
      tpu.vector_store_idx %arg15[%get3A_708], %broadcast_in_dim3A_5 {add = true} : memref<10240xf32, #tpu.memory_space<vmem>>[vector<16xi32>], vector<16xf32>,
      %add3A_709 = arith.constant 2 : i32
      %add3A_710 = arith.addi %add3A_642, %add3A_709 : i32
      %lt3A_711 = arith.constant 80 : i32
      %lt3A_712 = arith.cmpi slt, %add3A_710, %lt3A_711 : i32
      %convert_element_type3A_713 = arith.extui %lt3A_712 : i1 to i32
      %cond3A_714 = arith.constant 0 : i32
      %cond3A_715 = arith.cmpi ne, %convert_element_type3A_713, %cond3A_714 : i32
      scf.if %cond3A_715 {
        %dma_wait3A_1101 = arith.constant 0 : i32
        %dma_wait3A_1102 = arith.constant 0 : i32
        %dma_wait3A_1103 = arith.constant 0 : i32
        %dma_wait3A_1104 = tpu.memref_slice %arg14[%dma_wait3A_1101, %dma_wait3A_1102, %dma_wait3A_1103] : memref<2x128x128xf32, #tpu.memory_space<vmem>> -> memref<1x128x128xf32, #tpu.memory_space<vmem>>
        %dma_wait3A_1105 = tpu.memref_squeeze %dma_wait3A_1104 : memref<1x128x128xf32, #tpu.memory_space<vmem>> -> memref<128x128xf32, #tpu.memory_space<vmem>>
        %dma_wait3A_1106 = arith.constant 0 : i32
        %dma_wait3A_1107 = arith.constant 0 : i32
        %dma_wait3A_1108 = tpu.memref_slice %arg3[%dma_wait3A_1106, %dma_wait3A_1107] : memref<10000x128xf32, #tpu.memory_space<hbm>> -> memref<128x128xf32, #tpu.memory_space<hbm>>
        %dma_wait3A_1109 = arith.constant 0 : i32
        %dma_wait3A_1110 = arith.constant 0 : i32
        %dma_wait3A_1111 = tpu.memref_slice %arg14[%dma_wait3A_1101, %dma_wait3A_1109, %dma_wait3A_1110] : memref<2x128x128xf32, #tpu.memory_space<vmem>> -> memref<1x128x128xf32, #tpu.memory_space<vmem>>
        %dma_wait3A_1112 = tpu.memref_squeeze %dma_wait3A_1111 : memref<1x128x128xf32, #tpu.memory_space<vmem>> -> memref<128x128xf32, #tpu.memory_space<vmem>>
        %dma_wait3A_1113 = arith.constant 0 : i32
        %dma_wait3A_1114 = arith.constant 0 : i32
        %dma_wait3A_1115 = tpu.memref_slice %arg3[%dma_wait3A_1113, %dma_wait3A_1114] : memref<10000x128xf32, #tpu.memory_space<hbm>> -> memref<128x128xf32, #tpu.memory_space<hbm>>
        tpu.wait_dma2 semaphore(%arg27 : memref<!tpu.dma_semaphore, #tpu.memory_space<semaphore_mem>>) src(%dma_wait3A_1115 : memref<128x128xf32, #tpu.memory_space<hbm>>) dst(%dma_wait3A_1112 : memref<128x128xf32, #tpu.memory_space<vmem>>)
        %dma_wait3A_1116 = arith.constant 4 : i32
        %dma_wait3A_1117 = arith.constant 0 : i32
        %dma_wait3A_1118 = tpu.memref_slice %arg12[%dma_wait3A_1116, %dma_wait3A_1117] : memref<8x128xi32, #tpu.memory_space<vmem>> -> memref<1x128xi32, #tpu.memory_space<vmem>>
        %dma_wait3A_1119 = tpu.memref_squeeze %dma_wait3A_1118 : memref<1x128xi32, #tpu.memory_space<vmem>> -> memref<128xi32, #tpu.memory_space<vmem>>
        %dma_wait3A_1120 = arith.constant 0 : i32
        %dma_wait3A_1121 = tpu.memref_slice %arg6[%dma_wait3A_1120] : memref<327680xi32, #tpu.memory_space<hbm>> -> memref<128xi32, #tpu.memory_space<hbm>>
        %dma_wait3A_1122 = arith.constant 0 : i32
        %dma_wait3A_1123 = tpu.memref_slice %arg12[%dma_wait3A_1116, %dma_wait3A_1122] : memref<8x128xi32, #tpu.memory_space<vmem>> -> memref<1x128xi32, #tpu.memory_space<vmem>>
        %dma_wait3A_1124 = tpu.memref_squeeze %dma_wait3A_1123 : memref<1x128xi32, #tpu.memory_space<vmem>> -> memref<128xi32, #tpu.memory_space<vmem>>
        %dma_wait3A_1125 = arith.constant 0 : i32
        %dma_wait3A_1126 = tpu.memref_slice %arg6[%dma_wait3A_1125] : memref<327680xi32, #tpu.memory_space<hbm>> -> memref<128xi32, #tpu.memory_space<hbm>>
        tpu.wait_dma2 semaphore(%arg21 : memref<!tpu.dma_semaphore, #tpu.memory_space<semaphore_mem>>) src(%dma_wait3A_1126 : memref<128xi32, #tpu.memory_space<hbm>>) dst(%dma_wait3A_1124 : memref<128xi32, #tpu.memory_space<vmem>>)
        %dma_wait3A_1127 = arith.constant 4 : i32
        %dma_wait3A_1128 = arith.constant 0 : i32
        %dma_wait3A_1129 = tpu.memref_slice %arg13[%dma_wait3A_1127, %dma_wait3A_1128] : memref<8x128xi32, #tpu.memory_space<vmem>> -> memref<1x128xi32, #tpu.memory_space<vmem>>
        %dma_wait3A_1130 = tpu.memref_squeeze %dma_wait3A_1129 : memref<1x128xi32, #tpu.memory_space<vmem>> -> memref<128xi32, #tpu.memory_space<vmem>>
        %dma_wait3A_1131 = arith.constant 0 : i32
        %dma_wait3A_1132 = tpu.memref_slice %arg6[%dma_wait3A_1131] : memref<327680xi32, #tpu.memory_space<hbm>> -> memref<128xi32, #tpu.memory_space<hbm>>
        %dma_wait3A_1133 = arith.constant 0 : i32
        %dma_wait3A_1134 = tpu.memref_slice %arg13[%dma_wait3A_1127, %dma_wait3A_1133] : memref<8x128xi32, #tpu.memory_space<vmem>> -> memref<1x128xi32, #tpu.memory_space<vmem>>
        %dma_wait3A_1135 = tpu.memref_squeeze %dma_wait3A_1134 : memref<1x128xi32, #tpu.memory_space<vmem>> -> memref<128xi32, #tpu.memory_space<vmem>>
        %dma_wait3A_1136 = arith.constant 0 : i32
        %dma_wait3A_1137 = tpu.memref_slice %arg6[%dma_wait3A_1136] : memref<327680xi32, #tpu.memory_space<hbm>> -> memref<128xi32, #tpu.memory_space<hbm>>
        tpu.wait_dma2 semaphore(%arg21 : memref<!tpu.dma_semaphore, #tpu.memory_space<semaphore_mem>>) src(%dma_wait3A_1137 : memref<128xi32, #tpu.memory_space<hbm>>) dst(%dma_wait3A_1135 : memref<128xi32, #tpu.memory_space<vmem>>)
        %dma_start3A_1138 = arith.constant 4 : i32
        %dma_start3A_1139 = arith.constant 0 : i32
        %dma_start3A_1140 = arith.constant 0 : i32
        %dma_start3A_1141 = arith.constant 0 : i32
        %dma_start3A_1142 = tpu.memref_slice %arg14[%dma_start3A_1139, %dma_start3A_1140, %dma_start3A_1141] : memref<2x128x128xf32, #tpu.memory_space<vmem>> -> memref<1x128x128xf32, #tpu.memory_space<vmem>>
        %dma_start3A_1143 = tpu.memref_squeeze %dma_start3A_1142 : memref<1x128x128xf32, #tpu.memory_space<vmem>> -> memref<128x128xf32, #tpu.memory_space<vmem>>
        %dma_start3A_1144 = arith.constant 0 : i32
        %dma_start3A_1145 = tpu.memref_slice %arg12[%dma_start3A_1138, %dma_start3A_1144] : memref<8x128xi32, #tpu.memory_space<vmem>> -> memref<1x128xi32, #tpu.memory_space<vmem>>
        %dma_start3A_1146 = tpu.memref_squeeze %dma_start3A_1145 : memref<1x128xi32, #tpu.memory_space<vmem>> -> memref<128xi32, #tpu.memory_space<vmem>>
        %dma_start3A_1147 = arith.constant 0 : i32
        %dma_start3A_1148 = arith.constant 0 : i32
        %dma_start3A_1149 = tpu.memref_slice %arg3[%dma_start3A_1147, %dma_start3A_1148] : memref<10000x128xf32, #tpu.memory_space<hbm>> -> memref<10000x128xf32, #tpu.memory_space<hbm>>
        tpu.enqueue_indirect_dma source(%dma_start3A_1149 : memref<10000x128xf32, #tpu.memory_space<hbm>>) target(%dma_start3A_1143 : memref<128x128xf32, #tpu.memory_space<vmem>>) offsets(%dma_start3A_1146 : memref<128xi32, #tpu.memory_space<vmem>>) semaphore(%arg25 : memref<!tpu.dma_semaphore, #tpu.memory_space<semaphore_mem>>)
      } else {
      }
      %mul3A_716 = arith.constant 8 : i32
      %mul3A_717 = arith.muli %mul3A_716, %scan3A_488 : i32
      %add3A_718 = arith.constant 3 : i32
      %add3A_719 = arith.addi %mul3A_717, %add3A_718 : i32
      %add3A_720 = arith.constant 6 : i32
      %add3A_721 = arith.addi %add3A_719, %add3A_720 : i32
      %lt3A_722 = arith.constant 80 : i32
      %lt3A_723 = arith.cmpi slt, %add3A_721, %lt3A_722 : i32
      %convert_element_type3A_724 = arith.extui %lt3A_723 : i1 to i32
      %cond3A_725 = arith.constant 0 : i32
      %cond3A_726 = arith.cmpi ne, %convert_element_type3A_724, %cond3A_725 : i32
      scf.if %cond3A_726 {
        %add3A_1101 = arith.constant 6 : i32
        %add3A_1102 = arith.addi %add3A_719, %add3A_1101 : i32
        %mul3A_1103 = arith.constant 128 : i32
        %mul3A_1104 = arith.muli %add3A_1102, %mul3A_1103 : i32
        %add3A_1105 = arith.addi %mul3A_4, %mul3A_1104 : i32
        %multiple_of3A_1106 = tpu.assume_multiple %add3A_1105, 8 : i32
        %dma_start3A_1107 = arith.constant 1 : i32
        %dma_start3A_1108 = arith.constant 0 : i32
        %dma_start3A_1109 = tpu.memref_slice %arg12[%dma_start3A_1107, %dma_start3A_1108] : memref<8x128xi32, #tpu.memory_space<vmem>> -> memref<1x128xi32, #tpu.memory_space<vmem>>
        %dma_start3A_1110 = tpu.memref_squeeze %dma_start3A_1109 : memref<1x128xi32, #tpu.memory_space<vmem>> -> memref<128xi32, #tpu.memory_space<vmem>>
        %dma_start3A_1111 = tpu.memref_slice %arg6[%multiple_of3A_1106] : memref<327680xi32, #tpu.memory_space<hbm>> -> memref<128xi32, #tpu.memory_space<hbm>>
        %dma_start3A_1112 = arith.constant 0 : i32
        %dma_start3A_1113 = tpu.memref_slice %arg12[%dma_start3A_1107, %dma_start3A_1112] : memref<8x128xi32, #tpu.memory_space<vmem>> -> memref<1x128xi32, #tpu.memory_space<vmem>>
        %dma_start3A_1114 = tpu.memref_squeeze %dma_start3A_1113 : memref<1x128xi32, #tpu.memory_space<vmem>> -> memref<128xi32, #tpu.memory_space<vmem>>
        %dma_start3A_1115 = tpu.memref_slice %arg6[%multiple_of3A_1106] : memref<327680xi32, #tpu.memory_space<hbm>> -> memref<128xi32, #tpu.memory_space<hbm>>
        tpu.enqueue_dma source(%dma_start3A_1115 : memref<128xi32, #tpu.memory_space<hbm>>) target(%dma_start3A_1114 : memref<128xi32, #tpu.memory_space<vmem>>) target_semaphore(%arg18 : memref<!tpu.dma_semaphore, #tpu.memory_space<semaphore_mem>>)
        %dma_start3A_1116 = arith.constant 1 : i32
        %dma_start3A_1117 = arith.constant 0 : i32
        %dma_start3A_1118 = tpu.memref_slice %arg13[%dma_start3A_1116, %dma_start3A_1117] : memref<8x128xi32, #tpu.memory_space<vmem>> -> memref<1x128xi32, #tpu.memory_space<vmem>>
        %dma_start3A_1119 = tpu.memref_squeeze %dma_start3A_1118 : memref<1x128xi32, #tpu.memory_space<vmem>> -> memref<128xi32, #tpu.memory_space<vmem>>
        %dma_start3A_1120 = tpu.memref_slice %arg7[%multiple_of3A_1106] : memref<327680xi32, #tpu.memory_space<hbm>> -> memref<128xi32, #tpu.memory_space<hbm>>
        %dma_start3A_1121 = arith.constant 0 : i32
        %dma_start3A_1122 = tpu.memref_slice %arg13[%dma_start3A_1116, %dma_start3A_1121] : memref<8x128xi32, #tpu.memory_space<vmem>> -> memref<1x128xi32, #tpu.memory_space<vmem>>
        %dma_start3A_1123 = tpu.memref_squeeze %dma_start3A_1122 : memref<1x128xi32, #tpu.memory_space<vmem>> -> memref<128xi32, #tpu.memory_space<vmem>>
        %dma_start3A_1124 = tpu.memref_slice %arg7[%multiple_of3A_1106] : memref<327680xi32, #tpu.memory_space<hbm>> -> memref<128xi32, #tpu.memory_space<hbm>>
        tpu.enqueue_dma source(%dma_start3A_1124 : memref<128xi32, #tpu.memory_space<hbm>>) target(%dma_start3A_1123 : memref<128xi32, #tpu.memory_space<vmem>>) target_semaphore(%arg18 : memref<!tpu.dma_semaphore, #tpu.memory_space<semaphore_mem>>)
      } else {
      }
      %dma_wait3A_727 = arith.constant 1 : i32
      %dma_wait3A_728 = arith.constant 0 : i32
      %dma_wait3A_729 = arith.constant 0 : i32
      %dma_wait3A_730 = tpu.memref_slice %arg14[%dma_wait3A_727, %dma_wait3A_728, %dma_wait3A_729] : memref<2x128x128xf32, #tpu.memory_space<vmem>> -> memref<1x128x128xf32, #tpu.memory_space<vmem>>
      %dma_wait3A_731 = tpu.memref_squeeze %dma_wait3A_730 : memref<1x128x128xf32, #tpu.memory_space<vmem>> -> memref<128x128xf32, #tpu.memory_space<vmem>>
      %dma_wait3A_732 = arith.constant 0 : i32
      %dma_wait3A_733 = arith.constant 0 : i32
      %dma_wait3A_734 = tpu.memref_slice %arg3[%dma_wait3A_732, %dma_wait3A_733] : memref<10000x128xf32, #tpu.memory_space<hbm>> -> memref<128x128xf32, #tpu.memory_space<hbm>>
      %dma_wait3A_735 = arith.constant 0 : i32
      %dma_wait3A_736 = arith.constant 0 : i32
      %dma_wait3A_737 = tpu.memref_slice %arg14[%dma_wait3A_727, %dma_wait3A_735, %dma_wait3A_736] : memref<2x128x128xf32, #tpu.memory_space<vmem>> -> memref<1x128x128xf32, #tpu.memory_space<vmem>>
      %dma_wait3A_738 = tpu.memref_squeeze %dma_wait3A_737 : memref<1x128x128xf32, #tpu.memory_space<vmem>> -> memref<128x128xf32, #tpu.memory_space<vmem>>
      %dma_wait3A_739 = arith.constant 0 : i32
      %dma_wait3A_740 = arith.constant 0 : i32
      %dma_wait3A_741 = tpu.memref_slice %arg3[%dma_wait3A_739, %dma_wait3A_740] : memref<10000x128xf32, #tpu.memory_space<hbm>> -> memref<128x128xf32, #tpu.memory_space<hbm>>
      tpu.wait_dma2 semaphore(%arg26 : memref<!tpu.dma_semaphore, #tpu.memory_space<semaphore_mem>>) src(%dma_wait3A_741 : memref<128x128xf32, #tpu.memory_space<hbm>>) dst(%dma_wait3A_738 : memref<128x128xf32, #tpu.memory_space<vmem>>)
      %dma_start3A_742 = arith.constant 1 : i32
      %dma_start3A_743 = arith.constant 3 : i32
      %dma_start3A_744 = arith.constant 0 : i32
      %dma_start3A_745 = arith.constant 0 : i32
      %dma_start3A_746 = tpu.memref_slice %arg14[%dma_start3A_742, %dma_start3A_744, %dma_start3A_745] : memref<2x128x128xf32, #tpu.memory_space<vmem>> -> memref<1x128x128xf32, #tpu.memory_space<vmem>>
      %dma_start3A_747 = tpu.memref_squeeze %dma_start3A_746 : memref<1x128x128xf32, #tpu.memory_space<vmem>> -> memref<128x128xf32, #tpu.memory_space<vmem>>
      %dma_start3A_748 = arith.constant 0 : i32
      %dma_start3A_749 = tpu.memref_slice %arg13[%dma_start3A_743, %dma_start3A_748] : memref<8x128xi32, #tpu.memory_space<vmem>> -> memref<1x128xi32, #tpu.memory_space<vmem>>
      %dma_start3A_750 = tpu.memref_squeeze %dma_start3A_749 : memref<1x128xi32, #tpu.memory_space<vmem>> -> memref<128xi32, #tpu.memory_space<vmem>>
      %dma_start3A_751 = arith.constant 0 : i32
      %dma_start3A_752 = arith.constant 0 : i32
      %dma_start3A_753 = tpu.memref_slice %arg16[%dma_start3A_751, %dma_start3A_752] : memref<10240x128xf32, #tpu.memory_space<vmem_shared>> -> memref<10240x128xf32, #tpu.memory_space<vmem_shared>>
      tpu.enqueue_indirect_dma source(%dma_start3A_747 : memref<128x128xf32, #tpu.memory_space<vmem>>) target(%dma_start3A_753 : memref<10240x128xf32, #tpu.memory_space<vmem_shared>>) offsets(%dma_start3A_750 : memref<128xi32, #tpu.memory_space<vmem>>) semaphore(%arg28 : memref<!tpu.dma_semaphore, #tpu.memory_space<semaphore_mem>>) {add = true}
      %get3A_754 = arith.constant 3 : i32
      %get3A_755 = arith.index_cast %get3A_754 : i32 to index
      %get3A_756 = arith.constant 0 : index
      %get3A_757 = tpu.vector_load %arg13[%get3A_755, %get3A_756] {strides = array<i32>} : memref<8x128xi32, #tpu.memory_space<vmem>>, vector<16xi32>,
      tpu.vector_store_idx %arg15[%get3A_757], %broadcast_in_dim3A_5 {add = true} : memref<10240xf32, #tpu.memory_space<vmem>>[vector<16xi32>], vector<16xf32>,
      %get3A_758 = arith.constant 3 : i32
      %get3A_759 = arith.index_cast %get3A_758 : i32 to index
      %get3A_760 = arith.constant 16 : index
      %get3A_761 = tpu.vector_load %arg13[%get3A_759, %get3A_760] {strides = array<i32>} : memref<8x128xi32, #tpu.memory_space<vmem>>, vector<16xi32>,
      tpu.vector_store_idx %arg15[%get3A_761], %broadcast_in_dim3A_5 {add = true} : memref<10240xf32, #tpu.memory_space<vmem>>[vector<16xi32>], vector<16xf32>,
      %get3A_762 = arith.constant 3 : i32
      %get3A_763 = arith.index_cast %get3A_762 : i32 to index
      %get3A_764 = arith.constant 32 : index
      %get3A_765 = tpu.vector_load %arg13[%get3A_763, %get3A_764] {strides = array<i32>} : memref<8x128xi32, #tpu.memory_space<vmem>>, vector<16xi32>,
      tpu.vector_store_idx %arg15[%get3A_765], %broadcast_in_dim3A_5 {add = true} : memref<10240xf32, #tpu.memory_space<vmem>>[vector<16xi32>], vector<16xf32>,
      %get3A_766 = arith.constant 3 : i32
      %get3A_767 = arith.index_cast %get3A_766 : i32 to index
      %get3A_768 = arith.constant 48 : index
      %get3A_769 = tpu.vector_load %arg13[%get3A_767, %get3A_768] {strides = array<i32>} : memref<8x128xi32, #tpu.memory_space<vmem>>, vector<16xi32>,
      tpu.vector_store_idx %arg15[%get3A_769], %broadcast_in_dim3A_5 {add = true} : memref<10240xf32, #tpu.memory_space<vmem>>[vector<16xi32>], vector<16xf32>,
      %get3A_770 = arith.constant 3 : i32
      %get3A_771 = arith.index_cast %get3A_770 : i32 to index
      %get3A_772 = arith.constant 64 : index
      %get3A_773 = tpu.vector_load %arg13[%get3A_771, %get3A_772] {strides = array<i32>} : memref<8x128xi32, #tpu.memory_space<vmem>>, vector<16xi32>,
      tpu.vector_store_idx %arg15[%get3A_773], %broadcast_in_dim3A_5 {add = true} : memref<10240xf32, #tpu.memory_space<vmem>>[vector<16xi32>], vector<16xf32>,
      %get3A_774 = arith.constant 3 : i32
      %get3A_775 = arith.index_cast %get3A_774 : i32 to index
      %get3A_776 = arith.constant 80 : index
      %get3A_777 = tpu.vector_load %arg13[%get3A_775, %get3A_776] {strides = array<i32>} : memref<8x128xi32, #tpu.memory_space<vmem>>, vector<16xi32>,
      tpu.vector_store_idx %arg15[%get3A_777], %broadcast_in_dim3A_5 {add = true} : memref<10240xf32, #tpu.memory_space<vmem>>[vector<16xi32>], vector<16xf32>,
      %get3A_778 = arith.constant 3 : i32
      %get3A_779 = arith.index_cast %get3A_778 : i32 to index
      %get3A_780 = arith.constant 96 : index
      %get3A_781 = tpu.vector_load %arg13[%get3A_779, %get3A_780] {strides = array<i32>} : memref<8x128xi32, #tpu.memory_space<vmem>>, vector<16xi32>,
      tpu.vector_store_idx %arg15[%get3A_781], %broadcast_in_dim3A_5 {add = true} : memref<10240xf32, #tpu.memory_space<vmem>>[vector<16xi32>], vector<16xf32>,
      %get3A_782 = arith.constant 3 : i32
      %get3A_783 = arith.index_cast %get3A_782 : i32 to index
      %get3A_784 = arith.constant 112 : index
      %get3A_785 = tpu.vector_load %arg13[%get3A_783, %get3A_784] {strides = array<i32>} : memref<8x128xi32, #tpu.memory_space<vmem>>, vector<16xi32>,
      tpu.vector_store_idx %arg15[%get3A_785], %broadcast_in_dim3A_5 {add = true} : memref<10240xf32, #tpu.memory_space<vmem>>[vector<16xi32>], vector<16xf32>,
      %add3A_786 = arith.constant 2 : i32
      %add3A_787 = arith.addi %add3A_719, %add3A_786 : i32
      %lt3A_788 = arith.constant 80 : i32
      %lt3A_789 = arith.cmpi slt, %add3A_787, %lt3A_788 : i32
      %convert_element_type3A_790 = arith.extui %lt3A_789 : i1 to i32
      %cond3A_791 = arith.constant 0 : i32
      %cond3A_792 = arith.cmpi ne, %convert_element_type3A_790, %cond3A_791 : i32
      scf.if %cond3A_792 {
        %dma_wait3A_1101 = arith.constant 1 : i32
        %dma_wait3A_1102 = arith.constant 0 : i32
        %dma_wait3A_1103 = arith.constant 0 : i32
        %dma_wait3A_1104 = tpu.memref_slice %arg14[%dma_wait3A_1101, %dma_wait3A_1102, %dma_wait3A_1103] : memref<2x128x128xf32, #tpu.memory_space<vmem>> -> memref<1x128x128xf32, #tpu.memory_space<vmem>>
        %dma_wait3A_1105 = tpu.memref_squeeze %dma_wait3A_1104 : memref<1x128x128xf32, #tpu.memory_space<vmem>> -> memref<128x128xf32, #tpu.memory_space<vmem>>
        %dma_wait3A_1106 = arith.constant 0 : i32
        %dma_wait3A_1107 = arith.constant 0 : i32
        %dma_wait3A_1108 = tpu.memref_slice %arg3[%dma_wait3A_1106, %dma_wait3A_1107] : memref<10000x128xf32, #tpu.memory_space<hbm>> -> memref<128x128xf32, #tpu.memory_space<hbm>>
        %dma_wait3A_1109 = arith.constant 0 : i32
        %dma_wait3A_1110 = arith.constant 0 : i32
        %dma_wait3A_1111 = tpu.memref_slice %arg14[%dma_wait3A_1101, %dma_wait3A_1109, %dma_wait3A_1110] : memref<2x128x128xf32, #tpu.memory_space<vmem>> -> memref<1x128x128xf32, #tpu.memory_space<vmem>>
        %dma_wait3A_1112 = tpu.memref_squeeze %dma_wait3A_1111 : memref<1x128x128xf32, #tpu.memory_space<vmem>> -> memref<128x128xf32, #tpu.memory_space<vmem>>
        %dma_wait3A_1113 = arith.constant 0 : i32
        %dma_wait3A_1114 = arith.constant 0 : i32
        %dma_wait3A_1115 = tpu.memref_slice %arg3[%dma_wait3A_1113, %dma_wait3A_1114] : memref<10000x128xf32, #tpu.memory_space<hbm>> -> memref<128x128xf32, #tpu.memory_space<hbm>>
        tpu.wait_dma2 semaphore(%arg28 : memref<!tpu.dma_semaphore, #tpu.memory_space<semaphore_mem>>) src(%dma_wait3A_1115 : memref<128x128xf32, #tpu.memory_space<hbm>>) dst(%dma_wait3A_1112 : memref<128x128xf32, #tpu.memory_space<vmem>>)
        %dma_wait3A_1116 = arith.constant 5 : i32
        %dma_wait3A_1117 = arith.constant 0 : i32
        %dma_wait3A_1118 = tpu.memref_slice %arg12[%dma_wait3A_1116, %dma_wait3A_1117] : memref<8x128xi32, #tpu.memory_space<vmem>> -> memref<1x128xi32, #tpu.memory_space<vmem>>
        %dma_wait3A_1119 = tpu.memref_squeeze %dma_wait3A_1118 : memref<1x128xi32, #tpu.memory_space<vmem>> -> memref<128xi32, #tpu.memory_space<vmem>>
        %dma_wait3A_1120 = arith.constant 0 : i32
        %dma_wait3A_1121 = tpu.memref_slice %arg6[%dma_wait3A_1120] : memref<327680xi32, #tpu.memory_space<hbm>> -> memref<128xi32, #tpu.memory_space<hbm>>
        %dma_wait3A_1122 = arith.constant 0 : i32
        %dma_wait3A_1123 = tpu.memref_slice %arg12[%dma_wait3A_1116, %dma_wait3A_1122] : memref<8x128xi32, #tpu.memory_space<vmem>> -> memref<1x128xi32, #tpu.memory_space<vmem>>
        %dma_wait3A_1124 = tpu.memref_squeeze %dma_wait3A_1123 : memref<1x128xi32, #tpu.memory_space<vmem>> -> memref<128xi32, #tpu.memory_space<vmem>>
        %dma_wait3A_1125 = arith.constant 0 : i32
        %dma_wait3A_1126 = tpu.memref_slice %arg6[%dma_wait3A_1125] : memref<327680xi32, #tpu.memory_space<hbm>> -> memref<128xi32, #tpu.memory_space<hbm>>
        tpu.wait_dma2 semaphore(%arg22 : memref<!tpu.dma_semaphore, #tpu.memory_space<semaphore_mem>>) src(%dma_wait3A_1126 : memref<128xi32, #tpu.memory_space<hbm>>) dst(%dma_wait3A_1124 : memref<128xi32, #tpu.memory_space<vmem>>)
        %dma_wait3A_1127 = arith.constant 5 : i32
        %dma_wait3A_1128 = arith.constant 0 : i32
        %dma_wait3A_1129 = tpu.memref_slice %arg13[%dma_wait3A_1127, %dma_wait3A_1128] : memref<8x128xi32, #tpu.memory_space<vmem>> -> memref<1x128xi32, #tpu.memory_space<vmem>>
        %dma_wait3A_1130 = tpu.memref_squeeze %dma_wait3A_1129 : memref<1x128xi32, #tpu.memory_space<vmem>> -> memref<128xi32, #tpu.memory_space<vmem>>
        %dma_wait3A_1131 = arith.constant 0 : i32
        %dma_wait3A_1132 = tpu.memref_slice %arg6[%dma_wait3A_1131] : memref<327680xi32, #tpu.memory_space<hbm>> -> memref<128xi32, #tpu.memory_space<hbm>>
        %dma_wait3A_1133 = arith.constant 0 : i32
        %dma_wait3A_1134 = tpu.memref_slice %arg13[%dma_wait3A_1127, %dma_wait3A_1133] : memref<8x128xi32, #tpu.memory_space<vmem>> -> memref<1x128xi32, #tpu.memory_space<vmem>>
        %dma_wait3A_1135 = tpu.memref_squeeze %dma_wait3A_1134 : memref<1x128xi32, #tpu.memory_space<vmem>> -> memref<128xi32, #tpu.memory_space<vmem>>
        %dma_wait3A_1136 = arith.constant 0 : i32
        %dma_wait3A_1137 = tpu.memref_slice %arg6[%dma_wait3A_1136] : memref<327680xi32, #tpu.memory_space<hbm>> -> memref<128xi32, #tpu.memory_space<hbm>>
        tpu.wait_dma2 semaphore(%arg22 : memref<!tpu.dma_semaphore, #tpu.memory_space<semaphore_mem>>) src(%dma_wait3A_1137 : memref<128xi32, #tpu.memory_space<hbm>>) dst(%dma_wait3A_1135 : memref<128xi32, #tpu.memory_space<vmem>>)
        %dma_start3A_1138 = arith.constant 5 : i32
        %dma_start3A_1139 = arith.constant 1 : i32
        %dma_start3A_1140 = arith.constant 0 : i32
        %dma_start3A_1141 = arith.constant 0 : i32
        %dma_start3A_1142 = tpu.memref_slice %arg14[%dma_start3A_1139, %dma_start3A_1140, %dma_start3A_1141] : memref<2x128x128xf32, #tpu.memory_space<vmem>> -> memref<1x128x128xf32, #tpu.memory_space<vmem>>
        %dma_start3A_1143 = tpu.memref_squeeze %dma_start3A_1142 : memref<1x128x128xf32, #tpu.memory_space<vmem>> -> memref<128x128xf32, #tpu.memory_space<vmem>>
        %dma_start3A_1144 = arith.constant 0 : i32
        %dma_start3A_1145 = tpu.memref_slice %arg12[%dma_start3A_1138, %dma_start3A_1144] : memref<8x128xi32, #tpu.memory_space<vmem>> -> memref<1x128xi32, #tpu.memory_space<vmem>>
        %dma_start3A_1146 = tpu.memref_squeeze %dma_start3A_1145 : memref<1x128xi32, #tpu.memory_space<vmem>> -> memref<128xi32, #tpu.memory_space<vmem>>
        %dma_start3A_1147 = arith.constant 0 : i32
        %dma_start3A_1148 = arith.constant 0 : i32
        %dma_start3A_1149 = tpu.memref_slice %arg3[%dma_start3A_1147, %dma_start3A_1148] : memref<10000x128xf32, #tpu.memory_space<hbm>> -> memref<10000x128xf32, #tpu.memory_space<hbm>>
        tpu.enqueue_indirect_dma source(%dma_start3A_1149 : memref<10000x128xf32, #tpu.memory_space<hbm>>) target(%dma_start3A_1143 : memref<128x128xf32, #tpu.memory_space<vmem>>) offsets(%dma_start3A_1146 : memref<128xi32, #tpu.memory_space<vmem>>) semaphore(%arg26 : memref<!tpu.dma_semaphore, #tpu.memory_space<semaphore_mem>>)
      } else {
      }
      %mul3A_793 = arith.constant 8 : i32
      %mul3A_794 = arith.muli %mul3A_793, %scan3A_488 : i32
      %add3A_795 = arith.constant 4 : i32
      %add3A_796 = arith.addi %mul3A_794, %add3A_795 : i32
      %add3A_797 = arith.constant 6 : i32
      %add3A_798 = arith.addi %add3A_796, %add3A_797 : i32
      %lt3A_799 = arith.constant 80 : i32
      %lt3A_800 = arith.cmpi slt, %add3A_798, %lt3A_799 : i32
      %convert_element_type3A_801 = arith.extui %lt3A_800 : i1 to i32
      %cond3A_802 = arith.constant 0 : i32
      %cond3A_803 = arith.cmpi ne, %convert_element_type3A_801, %cond3A_802 : i32
      scf.if %cond3A_803 {
        %add3A_1101 = arith.constant 6 : i32
        %add3A_1102 = arith.addi %add3A_796, %add3A_1101 : i32
        %mul3A_1103 = arith.constant 128 : i32
        %mul3A_1104 = arith.muli %add3A_1102, %mul3A_1103 : i32
        %add3A_1105 = arith.addi %mul3A_4, %mul3A_1104 : i32
        %multiple_of3A_1106 = tpu.assume_multiple %add3A_1105, 8 : i32
        %dma_start3A_1107 = arith.constant 2 : i32
        %dma_start3A_1108 = arith.constant 0 : i32
        %dma_start3A_1109 = tpu.memref_slice %arg12[%dma_start3A_1107, %dma_start3A_1108] : memref<8x128xi32, #tpu.memory_space<vmem>> -> memref<1x128xi32, #tpu.memory_space<vmem>>
        %dma_start3A_1110 = tpu.memref_squeeze %dma_start3A_1109 : memref<1x128xi32, #tpu.memory_space<vmem>> -> memref<128xi32, #tpu.memory_space<vmem>>
        %dma_start3A_1111 = tpu.memref_slice %arg6[%multiple_of3A_1106] : memref<327680xi32, #tpu.memory_space<hbm>> -> memref<128xi32, #tpu.memory_space<hbm>>
        %dma_start3A_1112 = arith.constant 0 : i32
        %dma_start3A_1113 = tpu.memref_slice %arg12[%dma_start3A_1107, %dma_start3A_1112] : memref<8x128xi32, #tpu.memory_space<vmem>> -> memref<1x128xi32, #tpu.memory_space<vmem>>
        %dma_start3A_1114 = tpu.memref_squeeze %dma_start3A_1113 : memref<1x128xi32, #tpu.memory_space<vmem>> -> memref<128xi32, #tpu.memory_space<vmem>>
        %dma_start3A_1115 = tpu.memref_slice %arg6[%multiple_of3A_1106] : memref<327680xi32, #tpu.memory_space<hbm>> -> memref<128xi32, #tpu.memory_space<hbm>>
        tpu.enqueue_dma source(%dma_start3A_1115 : memref<128xi32, #tpu.memory_space<hbm>>) target(%dma_start3A_1114 : memref<128xi32, #tpu.memory_space<vmem>>) target_semaphore(%arg19 : memref<!tpu.dma_semaphore, #tpu.memory_space<semaphore_mem>>)
        %dma_start3A_1116 = arith.constant 2 : i32
        %dma_start3A_1117 = arith.constant 0 : i32
        %dma_start3A_1118 = tpu.memref_slice %arg13[%dma_start3A_1116, %dma_start3A_1117] : memref<8x128xi32, #tpu.memory_space<vmem>> -> memref<1x128xi32, #tpu.memory_space<vmem>>
        %dma_start3A_1119 = tpu.memref_squeeze %dma_start3A_1118 : memref<1x128xi32, #tpu.memory_space<vmem>> -> memref<128xi32, #tpu.memory_space<vmem>>
        %dma_start3A_1120 = tpu.memref_slice %arg7[%multiple_of3A_1106] : memref<327680xi32, #tpu.memory_space<hbm>> -> memref<128xi32, #tpu.memory_space<hbm>>
        %dma_start3A_1121 = arith.constant 0 : i32
        %dma_start3A_1122 = tpu.memref_slice %arg13[%dma_start3A_1116, %dma_start3A_1121] : memref<8x128xi32, #tpu.memory_space<vmem>> -> memref<1x128xi32, #tpu.memory_space<vmem>>
        %dma_start3A_1123 = tpu.memref_squeeze %dma_start3A_1122 : memref<1x128xi32, #tpu.memory_space<vmem>> -> memref<128xi32, #tpu.memory_space<vmem>>
        %dma_start3A_1124 = tpu.memref_slice %arg7[%multiple_of3A_1106] : memref<327680xi32, #tpu.memory_space<hbm>> -> memref<128xi32, #tpu.memory_space<hbm>>
        tpu.enqueue_dma source(%dma_start3A_1124 : memref<128xi32, #tpu.memory_space<hbm>>) target(%dma_start3A_1123 : memref<128xi32, #tpu.memory_space<vmem>>) target_semaphore(%arg19 : memref<!tpu.dma_semaphore, #tpu.memory_space<semaphore_mem>>)
      } else {
      }
      %dma_wait3A_804 = arith.constant 0 : i32
      %dma_wait3A_805 = arith.constant 0 : i32
      %dma_wait3A_806 = arith.constant 0 : i32
      %dma_wait3A_807 = tpu.memref_slice %arg14[%dma_wait3A_804, %dma_wait3A_805, %dma_wait3A_806] : memref<2x128x128xf32, #tpu.memory_space<vmem>> -> memref<1x128x128xf32, #tpu.memory_space<vmem>>
      %dma_wait3A_808 = tpu.memref_squeeze %dma_wait3A_807 : memref<1x128x128xf32, #tpu.memory_space<vmem>> -> memref<128x128xf32, #tpu.memory_space<vmem>>
      %dma_wait3A_809 = arith.constant 0 : i32
      %dma_wait3A_810 = arith.constant 0 : i32
      %dma_wait3A_811 = tpu.memref_slice %arg3[%dma_wait3A_809, %dma_wait3A_810] : memref<10000x128xf32, #tpu.memory_space<hbm>> -> memref<128x128xf32, #tpu.memory_space<hbm>>
      %dma_wait3A_812 = arith.constant 0 : i32
      %dma_wait3A_813 = arith.constant 0 : i32
      %dma_wait3A_814 = tpu.memref_slice %arg14[%dma_wait3A_804, %dma_wait3A_812, %dma_wait3A_813] : memref<2x128x128xf32, #tpu.memory_space<vmem>> -> memref<1x128x128xf32, #tpu.memory_space<vmem>>
      %dma_wait3A_815 = tpu.memref_squeeze %dma_wait3A_814 : memref<1x128x128xf32, #tpu.memory_space<vmem>> -> memref<128x128xf32, #tpu.memory_space<vmem>>
      %dma_wait3A_816 = arith.constant 0 : i32
      %dma_wait3A_817 = arith.constant 0 : i32
      %dma_wait3A_818 = tpu.memref_slice %arg3[%dma_wait3A_816, %dma_wait3A_817] : memref<10000x128xf32, #tpu.memory_space<hbm>> -> memref<128x128xf32, #tpu.memory_space<hbm>>
      tpu.wait_dma2 semaphore(%arg25 : memref<!tpu.dma_semaphore, #tpu.memory_space<semaphore_mem>>) src(%dma_wait3A_818 : memref<128x128xf32, #tpu.memory_space<hbm>>) dst(%dma_wait3A_815 : memref<128x128xf32, #tpu.memory_space<vmem>>)
      %dma_start3A_819 = arith.constant 0 : i32
      %dma_start3A_820 = arith.constant 4 : i32
      %dma_start3A_821 = arith.constant 0 : i32
      %dma_start3A_822 = arith.constant 0 : i32
      %dma_start3A_823 = tpu.memref_slice %arg14[%dma_start3A_819, %dma_start3A_821, %dma_start3A_822] : memref<2x128x128xf32, #tpu.memory_space<vmem>> -> memref<1x128x128xf32, #tpu.memory_space<vmem>>
      %dma_start3A_824 = tpu.memref_squeeze %dma_start3A_823 : memref<1x128x128xf32, #tpu.memory_space<vmem>> -> memref<128x128xf32, #tpu.memory_space<vmem>>
      %dma_start3A_825 = arith.constant 0 : i32
      %dma_start3A_826 = tpu.memref_slice %arg13[%dma_start3A_820, %dma_start3A_825] : memref<8x128xi32, #tpu.memory_space<vmem>> -> memref<1x128xi32, #tpu.memory_space<vmem>>
      %dma_start3A_827 = tpu.memref_squeeze %dma_start3A_826 : memref<1x128xi32, #tpu.memory_space<vmem>> -> memref<128xi32, #tpu.memory_space<vmem>>
      %dma_start3A_828 = arith.constant 0 : i32
      %dma_start3A_829 = arith.constant 0 : i32
      %dma_start3A_830 = tpu.memref_slice %arg16[%dma_start3A_828, %dma_start3A_829] : memref<10240x128xf32, #tpu.memory_space<vmem_shared>> -> memref<10240x128xf32, #tpu.memory_space<vmem_shared>>
      tpu.enqueue_indirect_dma source(%dma_start3A_824 : memref<128x128xf32, #tpu.memory_space<vmem>>) target(%dma_start3A_830 : memref<10240x128xf32, #tpu.memory_space<vmem_shared>>) offsets(%dma_start3A_827 : memref<128xi32, #tpu.memory_space<vmem>>) semaphore(%arg27 : memref<!tpu.dma_semaphore, #tpu.memory_space<semaphore_mem>>) {add = true}
      %get3A_831 = arith.constant 4 : i32
      %get3A_832 = arith.index_cast %get3A_831 : i32 to index
      %get3A_833 = arith.constant 0 : index
      %get3A_834 = tpu.vector_load %arg13[%get3A_832, %get3A_833] {strides = array<i32>} : memref<8x128xi32, #tpu.memory_space<vmem>>, vector<16xi32>,
      tpu.vector_store_idx %arg15[%get3A_834], %broadcast_in_dim3A_5 {add = true} : memref<10240xf32, #tpu.memory_space<vmem>>[vector<16xi32>], vector<16xf32>,
      %get3A_835 = arith.constant 4 : i32
      %get3A_836 = arith.index_cast %get3A_835 : i32 to index
      %get3A_837 = arith.constant 16 : index
      %get3A_838 = tpu.vector_load %arg13[%get3A_836, %get3A_837] {strides = array<i32>} : memref<8x128xi32, #tpu.memory_space<vmem>>, vector<16xi32>,
      tpu.vector_store_idx %arg15[%get3A_838], %broadcast_in_dim3A_5 {add = true} : memref<10240xf32, #tpu.memory_space<vmem>>[vector<16xi32>], vector<16xf32>,
      %get3A_839 = arith.constant 4 : i32
      %get3A_840 = arith.index_cast %get3A_839 : i32 to index
      %get3A_841 = arith.constant 32 : index
      %get3A_842 = tpu.vector_load %arg13[%get3A_840, %get3A_841] {strides = array<i32>} : memref<8x128xi32, #tpu.memory_space<vmem>>, vector<16xi32>,
      tpu.vector_store_idx %arg15[%get3A_842], %broadcast_in_dim3A_5 {add = true} : memref<10240xf32, #tpu.memory_space<vmem>>[vector<16xi32>], vector<16xf32>,
      %get3A_843 = arith.constant 4 : i32
      %get3A_844 = arith.index_cast %get3A_843 : i32 to index
      %get3A_845 = arith.constant 48 : index
      %get3A_846 = tpu.vector_load %arg13[%get3A_844, %get3A_845] {strides = array<i32>} : memref<8x128xi32, #tpu.memory_space<vmem>>, vector<16xi32>,
      tpu.vector_store_idx %arg15[%get3A_846], %broadcast_in_dim3A_5 {add = true} : memref<10240xf32, #tpu.memory_space<vmem>>[vector<16xi32>], vector<16xf32>,
      %get3A_847 = arith.constant 4 : i32
      %get3A_848 = arith.index_cast %get3A_847 : i32 to index
      %get3A_849 = arith.constant 64 : index
      %get3A_850 = tpu.vector_load %arg13[%get3A_848, %get3A_849] {strides = array<i32>} : memref<8x128xi32, #tpu.memory_space<vmem>>, vector<16xi32>,
      tpu.vector_store_idx %arg15[%get3A_850], %broadcast_in_dim3A_5 {add = true} : memref<10240xf32, #tpu.memory_space<vmem>>[vector<16xi32>], vector<16xf32>,
      %get3A_851 = arith.constant 4 : i32
      %get3A_852 = arith.index_cast %get3A_851 : i32 to index
      %get3A_853 = arith.constant 80 : index
      %get3A_854 = tpu.vector_load %arg13[%get3A_852, %get3A_853] {strides = array<i32>} : memref<8x128xi32, #tpu.memory_space<vmem>>, vector<16xi32>,
      tpu.vector_store_idx %arg15[%get3A_854], %broadcast_in_dim3A_5 {add = true} : memref<10240xf32, #tpu.memory_space<vmem>>[vector<16xi32>], vector<16xf32>,
      %get3A_855 = arith.constant 4 : i32
      %get3A_856 = arith.index_cast %get3A_855 : i32 to index
      %get3A_857 = arith.constant 96 : index
      %get3A_858 = tpu.vector_load %arg13[%get3A_856, %get3A_857] {strides = array<i32>} : memref<8x128xi32, #tpu.memory_space<vmem>>, vector<16xi32>,
      tpu.vector_store_idx %arg15[%get3A_858], %broadcast_in_dim3A_5 {add = true} : memref<10240xf32, #tpu.memory_space<vmem>>[vector<16xi32>], vector<16xf32>,
      %get3A_859 = arith.constant 4 : i32
      %get3A_860 = arith.index_cast %get3A_859 : i32 to index
      %get3A_861 = arith.constant 112 : index
      %get3A_862 = tpu.vector_load %arg13[%get3A_860, %get3A_861] {strides = array<i32>} : memref<8x128xi32, #tpu.memory_space<vmem>>, vector<16xi32>,
      tpu.vector_store_idx %arg15[%get3A_862], %broadcast_in_dim3A_5 {add = true} : memref<10240xf32, #tpu.memory_space<vmem>>[vector<16xi32>], vector<16xf32>,
      %add3A_863 = arith.constant 2 : i32
      %add3A_864 = arith.addi %add3A_796, %add3A_863 : i32
      %lt3A_865 = arith.constant 80 : i32
      %lt3A_866 = arith.cmpi slt, %add3A_864, %lt3A_865 : i32
      %convert_element_type3A_867 = arith.extui %lt3A_866 : i1 to i32
      %cond3A_868 = arith.constant 0 : i32
      %cond3A_869 = arith.cmpi ne, %convert_element_type3A_867, %cond3A_868 : i32
      scf.if %cond3A_869 {
        %dma_wait3A_1101 = arith.constant 0 : i32
        %dma_wait3A_1102 = arith.constant 0 : i32
        %dma_wait3A_1103 = arith.constant 0 : i32
        %dma_wait3A_1104 = tpu.memref_slice %arg14[%dma_wait3A_1101, %dma_wait3A_1102, %dma_wait3A_1103] : memref<2x128x128xf32, #tpu.memory_space<vmem>> -> memref<1x128x128xf32, #tpu.memory_space<vmem>>
        %dma_wait3A_1105 = tpu.memref_squeeze %dma_wait3A_1104 : memref<1x128x128xf32, #tpu.memory_space<vmem>> -> memref<128x128xf32, #tpu.memory_space<vmem>>
        %dma_wait3A_1106 = arith.constant 0 : i32
        %dma_wait3A_1107 = arith.constant 0 : i32
        %dma_wait3A_1108 = tpu.memref_slice %arg3[%dma_wait3A_1106, %dma_wait3A_1107] : memref<10000x128xf32, #tpu.memory_space<hbm>> -> memref<128x128xf32, #tpu.memory_space<hbm>>
        %dma_wait3A_1109 = arith.constant 0 : i32
        %dma_wait3A_1110 = arith.constant 0 : i32
        %dma_wait3A_1111 = tpu.memref_slice %arg14[%dma_wait3A_1101, %dma_wait3A_1109, %dma_wait3A_1110] : memref<2x128x128xf32, #tpu.memory_space<vmem>> -> memref<1x128x128xf32, #tpu.memory_space<vmem>>
        %dma_wait3A_1112 = tpu.memref_squeeze %dma_wait3A_1111 : memref<1x128x128xf32, #tpu.memory_space<vmem>> -> memref<128x128xf32, #tpu.memory_space<vmem>>
        %dma_wait3A_1113 = arith.constant 0 : i32
        %dma_wait3A_1114 = arith.constant 0 : i32
        %dma_wait3A_1115 = tpu.memref_slice %arg3[%dma_wait3A_1113, %dma_wait3A_1114] : memref<10000x128xf32, #tpu.memory_space<hbm>> -> memref<128x128xf32, #tpu.memory_space<hbm>>
        tpu.wait_dma2 semaphore(%arg27 : memref<!tpu.dma_semaphore, #tpu.memory_space<semaphore_mem>>) src(%dma_wait3A_1115 : memref<128x128xf32, #tpu.memory_space<hbm>>) dst(%dma_wait3A_1112 : memref<128x128xf32, #tpu.memory_space<vmem>>)
        %dma_wait3A_1116 = arith.constant 6 : i32
        %dma_wait3A_1117 = arith.constant 0 : i32
        %dma_wait3A_1118 = tpu.memref_slice %arg12[%dma_wait3A_1116, %dma_wait3A_1117] : memref<8x128xi32, #tpu.memory_space<vmem>> -> memref<1x128xi32, #tpu.memory_space<vmem>>
        %dma_wait3A_1119 = tpu.memref_squeeze %dma_wait3A_1118 : memref<1x128xi32, #tpu.memory_space<vmem>> -> memref<128xi32, #tpu.memory_space<vmem>>
        %dma_wait3A_1120 = arith.constant 0 : i32
        %dma_wait3A_1121 = tpu.memref_slice %arg6[%dma_wait3A_1120] : memref<327680xi32, #tpu.memory_space<hbm>> -> memref<128xi32, #tpu.memory_space<hbm>>
        %dma_wait3A_1122 = arith.constant 0 : i32
        %dma_wait3A_1123 = tpu.memref_slice %arg12[%dma_wait3A_1116, %dma_wait3A_1122] : memref<8x128xi32, #tpu.memory_space<vmem>> -> memref<1x128xi32, #tpu.memory_space<vmem>>
        %dma_wait3A_1124 = tpu.memref_squeeze %dma_wait3A_1123 : memref<1x128xi32, #tpu.memory_space<vmem>> -> memref<128xi32, #tpu.memory_space<vmem>>
        %dma_wait3A_1125 = arith.constant 0 : i32
        %dma_wait3A_1126 = tpu.memref_slice %arg6[%dma_wait3A_1125] : memref<327680xi32, #tpu.memory_space<hbm>> -> memref<128xi32, #tpu.memory_space<hbm>>
        tpu.wait_dma2 semaphore(%arg23 : memref<!tpu.dma_semaphore, #tpu.memory_space<semaphore_mem>>) src(%dma_wait3A_1126 : memref<128xi32, #tpu.memory_space<hbm>>) dst(%dma_wait3A_1124 : memref<128xi32, #tpu.memory_space<vmem>>)
        %dma_wait3A_1127 = arith.constant 6 : i32
        %dma_wait3A_1128 = arith.constant 0 : i32
        %dma_wait3A_1129 = tpu.memref_slice %arg13[%dma_wait3A_1127, %dma_wait3A_1128] : memref<8x128xi32, #tpu.memory_space<vmem>> -> memref<1x128xi32, #tpu.memory_space<vmem>>
        %dma_wait3A_1130 = tpu.memref_squeeze %dma_wait3A_1129 : memref<1x128xi32, #tpu.memory_space<vmem>> -> memref<128xi32, #tpu.memory_space<vmem>>
        %dma_wait3A_1131 = arith.constant 0 : i32
        %dma_wait3A_1132 = tpu.memref_slice %arg6[%dma_wait3A_1131] : memref<327680xi32, #tpu.memory_space<hbm>> -> memref<128xi32, #tpu.memory_space<hbm>>
        %dma_wait3A_1133 = arith.constant 0 : i32
        %dma_wait3A_1134 = tpu.memref_slice %arg13[%dma_wait3A_1127, %dma_wait3A_1133] : memref<8x128xi32, #tpu.memory_space<vmem>> -> memref<1x128xi32, #tpu.memory_space<vmem>>
        %dma_wait3A_1135 = tpu.memref_squeeze %dma_wait3A_1134 : memref<1x128xi32, #tpu.memory_space<vmem>> -> memref<128xi32, #tpu.memory_space<vmem>>
        %dma_wait3A_1136 = arith.constant 0 : i32
        %dma_wait3A_1137 = tpu.memref_slice %arg6[%dma_wait3A_1136] : memref<327680xi32, #tpu.memory_space<hbm>> -> memref<128xi32, #tpu.memory_space<hbm>>
        tpu.wait_dma2 semaphore(%arg23 : memref<!tpu.dma_semaphore, #tpu.memory_space<semaphore_mem>>) src(%dma_wait3A_1137 : memref<128xi32, #tpu.memory_space<hbm>>) dst(%dma_wait3A_1135 : memref<128xi32, #tpu.memory_space<vmem>>)
        %dma_start3A_1138 = arith.constant 6 : i32
        %dma_start3A_1139 = arith.constant 0 : i32
        %dma_start3A_1140 = arith.constant 0 : i32
        %dma_start3A_1141 = arith.constant 0 : i32
        %dma_start3A_1142 = tpu.memref_slice %arg14[%dma_start3A_1139, %dma_start3A_1140, %dma_start3A_1141] : memref<2x128x128xf32, #tpu.memory_space<vmem>> -> memref<1x128x128xf32, #tpu.memory_space<vmem>>
        %dma_start3A_1143 = tpu.memref_squeeze %dma_start3A_1142 : memref<1x128x128xf32, #tpu.memory_space<vmem>> -> memref<128x128xf32, #tpu.memory_space<vmem>>
        %dma_start3A_1144 = arith.constant 0 : i32
        %dma_start3A_1145 = tpu.memref_slice %arg12[%dma_start3A_1138, %dma_start3A_1144] : memref<8x128xi32, #tpu.memory_space<vmem>> -> memref<1x128xi32, #tpu.memory_space<vmem>>
        %dma_start3A_1146 = tpu.memref_squeeze %dma_start3A_1145 : memref<1x128xi32, #tpu.memory_space<vmem>> -> memref<128xi32, #tpu.memory_space<vmem>>
        %dma_start3A_1147 = arith.constant 0 : i32
        %dma_start3A_1148 = arith.constant 0 : i32
        %dma_start3A_1149 = tpu.memref_slice %arg3[%dma_start3A_1147, %dma_start3A_1148] : memref<10000x128xf32, #tpu.memory_space<hbm>> -> memref<10000x128xf32, #tpu.memory_space<hbm>>
        tpu.enqueue_indirect_dma source(%dma_start3A_1149 : memref<10000x128xf32, #tpu.memory_space<hbm>>) target(%dma_start3A_1143 : memref<128x128xf32, #tpu.memory_space<vmem>>) offsets(%dma_start3A_1146 : memref<128xi32, #tpu.memory_space<vmem>>) semaphore(%arg25 : memref<!tpu.dma_semaphore, #tpu.memory_space<semaphore_mem>>)
      } else {
      }
      %mul3A_870 = arith.constant 8 : i32
      %mul3A_871 = arith.muli %mul3A_870, %scan3A_488 : i32
      %add3A_872 = arith.constant 5 : i32
      %add3A_873 = arith.addi %mul3A_871, %add3A_872 : i32
      %add3A_874 = arith.constant 6 : i32
      %add3A_875 = arith.addi %add3A_873, %add3A_874 : i32
      %lt3A_876 = arith.constant 80 : i32
      %lt3A_877 = arith.cmpi slt, %add3A_875, %lt3A_876 : i32
      %convert_element_type3A_878 = arith.extui %lt3A_877 : i1 to i32
      %cond3A_879 = arith.constant 0 : i32
      %cond3A_880 = arith.cmpi ne, %convert_element_type3A_878, %cond3A_879 : i32
      scf.if %cond3A_880 {
        %add3A_1101 = arith.constant 6 : i32
        %add3A_1102 = arith.addi %add3A_873, %add3A_1101 : i32
        %mul3A_1103 = arith.constant 128 : i32
        %mul3A_1104 = arith.muli %add3A_1102, %mul3A_1103 : i32
        %add3A_1105 = arith.addi %mul3A_4, %mul3A_1104 : i32
        %multiple_of3A_1106 = tpu.assume_multiple %add3A_1105, 8 : i32
        %dma_start3A_1107 = arith.constant 3 : i32
        %dma_start3A_1108 = arith.constant 0 : i32
        %dma_start3A_1109 = tpu.memref_slice %arg12[%dma_start3A_1107, %dma_start3A_1108] : memref<8x128xi32, #tpu.memory_space<vmem>> -> memref<1x128xi32, #tpu.memory_space<vmem>>
        %dma_start3A_1110 = tpu.memref_squeeze %dma_start3A_1109 : memref<1x128xi32, #tpu.memory_space<vmem>> -> memref<128xi32, #tpu.memory_space<vmem>>
        %dma_start3A_1111 = tpu.memref_slice %arg6[%multiple_of3A_1106] : memref<327680xi32, #tpu.memory_space<hbm>> -> memref<128xi32, #tpu.memory_space<hbm>>
        %dma_start3A_1112 = arith.constant 0 : i32
        %dma_start3A_1113 = tpu.memref_slice %arg12[%dma_start3A_1107, %dma_start3A_1112] : memref<8x128xi32, #tpu.memory_space<vmem>> -> memref<1x128xi32, #tpu.memory_space<vmem>>
        %dma_start3A_1114 = tpu.memref_squeeze %dma_start3A_1113 : memref<1x128xi32, #tpu.memory_space<vmem>> -> memref<128xi32, #tpu.memory_space<vmem>>
        %dma_start3A_1115 = tpu.memref_slice %arg6[%multiple_of3A_1106] : memref<327680xi32, #tpu.memory_space<hbm>> -> memref<128xi32, #tpu.memory_space<hbm>>
        tpu.enqueue_dma source(%dma_start3A_1115 : memref<128xi32, #tpu.memory_space<hbm>>) target(%dma_start3A_1114 : memref<128xi32, #tpu.memory_space<vmem>>) target_semaphore(%arg20 : memref<!tpu.dma_semaphore, #tpu.memory_space<semaphore_mem>>)
        %dma_start3A_1116 = arith.constant 3 : i32
        %dma_start3A_1117 = arith.constant 0 : i32
        %dma_start3A_1118 = tpu.memref_slice %arg13[%dma_start3A_1116, %dma_start3A_1117] : memref<8x128xi32, #tpu.memory_space<vmem>> -> memref<1x128xi32, #tpu.memory_space<vmem>>
        %dma_start3A_1119 = tpu.memref_squeeze %dma_start3A_1118 : memref<1x128xi32, #tpu.memory_space<vmem>> -> memref<128xi32, #tpu.memory_space<vmem>>
        %dma_start3A_1120 = tpu.memref_slice %arg7[%multiple_of3A_1106] : memref<327680xi32, #tpu.memory_space<hbm>> -> memref<128xi32, #tpu.memory_space<hbm>>
        %dma_start3A_1121 = arith.constant 0 : i32
        %dma_start3A_1122 = tpu.memref_slice %arg13[%dma_start3A_1116, %dma_start3A_1121] : memref<8x128xi32, #tpu.memory_space<vmem>> -> memref<1x128xi32, #tpu.memory_space<vmem>>
        %dma_start3A_1123 = tpu.memref_squeeze %dma_start3A_1122 : memref<1x128xi32, #tpu.memory_space<vmem>> -> memref<128xi32, #tpu.memory_space<vmem>>
        %dma_start3A_1124 = tpu.memref_slice %arg7[%multiple_of3A_1106] : memref<327680xi32, #tpu.memory_space<hbm>> -> memref<128xi32, #tpu.memory_space<hbm>>
        tpu.enqueue_dma source(%dma_start3A_1124 : memref<128xi32, #tpu.memory_space<hbm>>) target(%dma_start3A_1123 : memref<128xi32, #tpu.memory_space<vmem>>) target_semaphore(%arg20 : memref<!tpu.dma_semaphore, #tpu.memory_space<semaphore_mem>>)
      } else {
      }
      %dma_wait3A_881 = arith.constant 1 : i32
      %dma_wait3A_882 = arith.constant 0 : i32
      %dma_wait3A_883 = arith.constant 0 : i32
      %dma_wait3A_884 = tpu.memref_slice %arg14[%dma_wait3A_881, %dma_wait3A_882, %dma_wait3A_883] : memref<2x128x128xf32, #tpu.memory_space<vmem>> -> memref<1x128x128xf32, #tpu.memory_space<vmem>>
      %dma_wait3A_885 = tpu.memref_squeeze %dma_wait3A_884 : memref<1x128x128xf32, #tpu.memory_space<vmem>> -> memref<128x128xf32, #tpu.memory_space<vmem>>
      %dma_wait3A_886 = arith.constant 0 : i32
      %dma_wait3A_887 = arith.constant 0 : i32
      %dma_wait3A_888 = tpu.memref_slice %arg3[%dma_wait3A_886, %dma_wait3A_887] : memref<10000x128xf32, #tpu.memory_space<hbm>> -> memref<128x128xf32, #tpu.memory_space<hbm>>
      %dma_wait3A_889 = arith.constant 0 : i32
      %dma_wait3A_890 = arith.constant 0 : i32
      %dma_wait3A_891 = tpu.memref_slice %arg14[%dma_wait3A_881, %dma_wait3A_889, %dma_wait3A_890] : memref<2x128x128xf32, #tpu.memory_space<vmem>> -> memref<1x128x128xf32, #tpu.memory_space<vmem>>
      %dma_wait3A_892 = tpu.memref_squeeze %dma_wait3A_891 : memref<1x128x128xf32, #tpu.memory_space<vmem>> -> memref<128x128xf32, #tpu.memory_space<vmem>>
      %dma_wait3A_893 = arith.constant 0 : i32
      %dma_wait3A_894 = arith.constant 0 : i32
      %dma_wait3A_895 = tpu.memref_slice %arg3[%dma_wait3A_893, %dma_wait3A_894] : memref<10000x128xf32, #tpu.memory_space<hbm>> -> memref<128x128xf32, #tpu.memory_space<hbm>>
      tpu.wait_dma2 semaphore(%arg26 : memref<!tpu.dma_semaphore, #tpu.memory_space<semaphore_mem>>) src(%dma_wait3A_895 : memref<128x128xf32, #tpu.memory_space<hbm>>) dst(%dma_wait3A_892 : memref<128x128xf32, #tpu.memory_space<vmem>>)
      %dma_start3A_896 = arith.constant 1 : i32
      %dma_start3A_897 = arith.constant 5 : i32
      %dma_start3A_898 = arith.constant 0 : i32
      %dma_start3A_899 = arith.constant 0 : i32
      %dma_start3A_900 = tpu.memref_slice %arg14[%dma_start3A_896, %dma_start3A_898, %dma_start3A_899] : memref<2x128x128xf32, #tpu.memory_space<vmem>> -> memref<1x128x128xf32, #tpu.memory_space<vmem>>
      %dma_start3A_901 = tpu.memref_squeeze %dma_start3A_900 : memref<1x128x128xf32, #tpu.memory_space<vmem>> -> memref<128x128xf32, #tpu.memory_space<vmem>>
      %dma_start3A_902 = arith.constant 0 : i32
      %dma_start3A_903 = tpu.memref_slice %arg13[%dma_start3A_897, %dma_start3A_902] : memref<8x128xi32, #tpu.memory_space<vmem>> -> memref<1x128xi32, #tpu.memory_space<vmem>>
      %dma_start3A_904 = tpu.memref_squeeze %dma_start3A_903 : memref<1x128xi32, #tpu.memory_space<vmem>> -> memref<128xi32, #tpu.memory_space<vmem>>
      %dma_start3A_905 = arith.constant 0 : i32
      %dma_start3A_906 = arith.constant 0 : i32
      %dma_start3A_907 = tpu.memref_slice %arg16[%dma_start3A_905, %dma_start3A_906] : memref<10240x128xf32, #tpu.memory_space<vmem_shared>> -> memref<10240x128xf32, #tpu.memory_space<vmem_shared>>
      tpu.enqueue_indirect_dma source(%dma_start3A_901 : memref<128x128xf32, #tpu.memory_space<vmem>>) target(%dma_start3A_907 : memref<10240x128xf32, #tpu.memory_space<vmem_shared>>) offsets(%dma_start3A_904 : memref<128xi32, #tpu.memory_space<vmem>>) semaphore(%arg28 : memref<!tpu.dma_semaphore, #tpu.memory_space<semaphore_mem>>) {add = true}
      %get3A_908 = arith.constant 5 : i32
      %get3A_909 = arith.index_cast %get3A_908 : i32 to index
      %get3A_910 = arith.constant 0 : index
      %get3A_911 = tpu.vector_load %arg13[%get3A_909, %get3A_910] {strides = array<i32>} : memref<8x128xi32, #tpu.memory_space<vmem>>, vector<16xi32>,
      tpu.vector_store_idx %arg15[%get3A_911], %broadcast_in_dim3A_5 {add = true} : memref<10240xf32, #tpu.memory_space<vmem>>[vector<16xi32>], vector<16xf32>,
      %get3A_912 = arith.constant 5 : i32
      %get3A_913 = arith.index_cast %get3A_912 : i32 to index
      %get3A_914 = arith.constant 16 : index
      %get3A_915 = tpu.vector_load %arg13[%get3A_913, %get3A_914] {strides = array<i32>} : memref<8x128xi32, #tpu.memory_space<vmem>>, vector<16xi32>,
      tpu.vector_store_idx %arg15[%get3A_915], %broadcast_in_dim3A_5 {add = true} : memref<10240xf32, #tpu.memory_space<vmem>>[vector<16xi32>], vector<16xf32>,
      %get3A_916 = arith.constant 5 : i32
      %get3A_917 = arith.index_cast %get3A_916 : i32 to index
      %get3A_918 = arith.constant 32 : index
      %get3A_919 = tpu.vector_load %arg13[%get3A_917, %get3A_918] {strides = array<i32>} : memref<8x128xi32, #tpu.memory_space<vmem>>, vector<16xi32>,
      tpu.vector_store_idx %arg15[%get3A_919], %broadcast_in_dim3A_5 {add = true} : memref<10240xf32, #tpu.memory_space<vmem>>[vector<16xi32>], vector<16xf32>,
      %get3A_920 = arith.constant 5 : i32
      %get3A_921 = arith.index_cast %get3A_920 : i32 to index
      %get3A_922 = arith.constant 48 : index
      %get3A_923 = tpu.vector_load %arg13[%get3A_921, %get3A_922] {strides = array<i32>} : memref<8x128xi32, #tpu.memory_space<vmem>>, vector<16xi32>,
      tpu.vector_store_idx %arg15[%get3A_923], %broadcast_in_dim3A_5 {add = true} : memref<10240xf32, #tpu.memory_space<vmem>>[vector<16xi32>], vector<16xf32>,
      %get3A_924 = arith.constant 5 : i32
      %get3A_925 = arith.index_cast %get3A_924 : i32 to index
      %get3A_926 = arith.constant 64 : index
      %get3A_927 = tpu.vector_load %arg13[%get3A_925, %get3A_926] {strides = array<i32>} : memref<8x128xi32, #tpu.memory_space<vmem>>, vector<16xi32>,
      tpu.vector_store_idx %arg15[%get3A_927], %broadcast_in_dim3A_5 {add = true} : memref<10240xf32, #tpu.memory_space<vmem>>[vector<16xi32>], vector<16xf32>,
      %get3A_928 = arith.constant 5 : i32
      %get3A_929 = arith.index_cast %get3A_928 : i32 to index
      %get3A_930 = arith.constant 80 : index
      %get3A_931 = tpu.vector_load %arg13[%get3A_929, %get3A_930] {strides = array<i32>} : memref<8x128xi32, #tpu.memory_space<vmem>>, vector<16xi32>,
      tpu.vector_store_idx %arg15[%get3A_931], %broadcast_in_dim3A_5 {add = true} : memref<10240xf32, #tpu.memory_space<vmem>>[vector<16xi32>], vector<16xf32>,
      %get3A_932 = arith.constant 5 : i32
      %get3A_933 = arith.index_cast %get3A_932 : i32 to index
      %get3A_934 = arith.constant 96 : index
      %get3A_935 = tpu.vector_load %arg13[%get3A_933, %get3A_934] {strides = array<i32>} : memref<8x128xi32, #tpu.memory_space<vmem>>, vector<16xi32>,
      tpu.vector_store_idx %arg15[%get3A_935], %broadcast_in_dim3A_5 {add = true} : memref<10240xf32, #tpu.memory_space<vmem>>[vector<16xi32>], vector<16xf32>,
      %get3A_936 = arith.constant 5 : i32
      %get3A_937 = arith.index_cast %get3A_936 : i32 to index
      %get3A_938 = arith.constant 112 : index
      %get3A_939 = tpu.vector_load %arg13[%get3A_937, %get3A_938] {strides = array<i32>} : memref<8x128xi32, #tpu.memory_space<vmem>>, vector<16xi32>,
      tpu.vector_store_idx %arg15[%get3A_939], %broadcast_in_dim3A_5 {add = true} : memref<10240xf32, #tpu.memory_space<vmem>>[vector<16xi32>], vector<16xf32>,
      %add3A_940 = arith.constant 2 : i32
      %add3A_941 = arith.addi %add3A_873, %add3A_940 : i32
      %lt3A_942 = arith.constant 80 : i32
      %lt3A_943 = arith.cmpi slt, %add3A_941, %lt3A_942 : i32
      %convert_element_type3A_944 = arith.extui %lt3A_943 : i1 to i32
      %cond3A_945 = arith.constant 0 : i32
      %cond3A_946 = arith.cmpi ne, %convert_element_type3A_944, %cond3A_945 : i32
      scf.if %cond3A_946 {
        %dma_wait3A_1101 = arith.constant 1 : i32
        %dma_wait3A_1102 = arith.constant 0 : i32
        %dma_wait3A_1103 = arith.constant 0 : i32
        %dma_wait3A_1104 = tpu.memref_slice %arg14[%dma_wait3A_1101, %dma_wait3A_1102, %dma_wait3A_1103] : memref<2x128x128xf32, #tpu.memory_space<vmem>> -> memref<1x128x128xf32, #tpu.memory_space<vmem>>
        %dma_wait3A_1105 = tpu.memref_squeeze %dma_wait3A_1104 : memref<1x128x128xf32, #tpu.memory_space<vmem>> -> memref<128x128xf32, #tpu.memory_space<vmem>>
        %dma_wait3A_1106 = arith.constant 0 : i32
        %dma_wait3A_1107 = arith.constant 0 : i32
        %dma_wait3A_1108 = tpu.memref_slice %arg3[%dma_wait3A_1106, %dma_wait3A_1107] : memref<10000x128xf32, #tpu.memory_space<hbm>> -> memref<128x128xf32, #tpu.memory_space<hbm>>
        %dma_wait3A_1109 = arith.constant 0 : i32
        %dma_wait3A_1110 = arith.constant 0 : i32
        %dma_wait3A_1111 = tpu.memref_slice %arg14[%dma_wait3A_1101, %dma_wait3A_1109, %dma_wait3A_1110] : memref<2x128x128xf32, #tpu.memory_space<vmem>> -> memref<1x128x128xf32, #tpu.memory_space<vmem>>
        %dma_wait3A_1112 = tpu.memref_squeeze %dma_wait3A_1111 : memref<1x128x128xf32, #tpu.memory_space<vmem>> -> memref<128x128xf32, #tpu.memory_space<vmem>>
        %dma_wait3A_1113 = arith.constant 0 : i32
        %dma_wait3A_1114 = arith.constant 0 : i32
        %dma_wait3A_1115 = tpu.memref_slice %arg3[%dma_wait3A_1113, %dma_wait3A_1114] : memref<10000x128xf32, #tpu.memory_space<hbm>> -> memref<128x128xf32, #tpu.memory_space<hbm>>
        tpu.wait_dma2 semaphore(%arg28 : memref<!tpu.dma_semaphore, #tpu.memory_space<semaphore_mem>>) src(%dma_wait3A_1115 : memref<128x128xf32, #tpu.memory_space<hbm>>) dst(%dma_wait3A_1112 : memref<128x128xf32, #tpu.memory_space<vmem>>)
        %dma_wait3A_1116 = arith.constant 7 : i32
        %dma_wait3A_1117 = arith.constant 0 : i32
        %dma_wait3A_1118 = tpu.memref_slice %arg12[%dma_wait3A_1116, %dma_wait3A_1117] : memref<8x128xi32, #tpu.memory_space<vmem>> -> memref<1x128xi32, #tpu.memory_space<vmem>>
        %dma_wait3A_1119 = tpu.memref_squeeze %dma_wait3A_1118 : memref<1x128xi32, #tpu.memory_space<vmem>> -> memref<128xi32, #tpu.memory_space<vmem>>
        %dma_wait3A_1120 = arith.constant 0 : i32
        %dma_wait3A_1121 = tpu.memref_slice %arg6[%dma_wait3A_1120] : memref<327680xi32, #tpu.memory_space<hbm>> -> memref<128xi32, #tpu.memory_space<hbm>>
        %dma_wait3A_1122 = arith.constant 0 : i32
        %dma_wait3A_1123 = tpu.memref_slice %arg12[%dma_wait3A_1116, %dma_wait3A_1122] : memref<8x128xi32, #tpu.memory_space<vmem>> -> memref<1x128xi32, #tpu.memory_space<vmem>>
        %dma_wait3A_1124 = tpu.memref_squeeze %dma_wait3A_1123 : memref<1x128xi32, #tpu.memory_space<vmem>> -> memref<128xi32, #tpu.memory_space<vmem>>
        %dma_wait3A_1125 = arith.constant 0 : i32
        %dma_wait3A_1126 = tpu.memref_slice %arg6[%dma_wait3A_1125] : memref<327680xi32, #tpu.memory_space<hbm>> -> memref<128xi32, #tpu.memory_space<hbm>>
        tpu.wait_dma2 semaphore(%arg24 : memref<!tpu.dma_semaphore, #tpu.memory_space<semaphore_mem>>) src(%dma_wait3A_1126 : memref<128xi32, #tpu.memory_space<hbm>>) dst(%dma_wait3A_1124 : memref<128xi32, #tpu.memory_space<vmem>>)
        %dma_wait3A_1127 = arith.constant 7 : i32
        %dma_wait3A_1128 = arith.constant 0 : i32
        %dma_wait3A_1129 = tpu.memref_slice %arg13[%dma_wait3A_1127, %dma_wait3A_1128] : memref<8x128xi32, #tpu.memory_space<vmem>> -> memref<1x128xi32, #tpu.memory_space<vmem>>
        %dma_wait3A_1130 = tpu.memref_squeeze %dma_wait3A_1129 : memref<1x128xi32, #tpu.memory_space<vmem>> -> memref<128xi32, #tpu.memory_space<vmem>>
        %dma_wait3A_1131 = arith.constant 0 : i32
        %dma_wait3A_1132 = tpu.memref_slice %arg6[%dma_wait3A_1131] : memref<327680xi32, #tpu.memory_space<hbm>> -> memref<128xi32, #tpu.memory_space<hbm>>
        %dma_wait3A_1133 = arith.constant 0 : i32
        %dma_wait3A_1134 = tpu.memref_slice %arg13[%dma_wait3A_1127, %dma_wait3A_1133] : memref<8x128xi32, #tpu.memory_space<vmem>> -> memref<1x128xi32, #tpu.memory_space<vmem>>
        %dma_wait3A_1135 = tpu.memref_squeeze %dma_wait3A_1134 : memref<1x128xi32, #tpu.memory_space<vmem>> -> memref<128xi32, #tpu.memory_space<vmem>>
        %dma_wait3A_1136 = arith.constant 0 : i32
        %dma_wait3A_1137 = tpu.memref_slice %arg6[%dma_wait3A_1136] : memref<327680xi32, #tpu.memory_space<hbm>> -> memref<128xi32, #tpu.memory_space<hbm>>
        tpu.wait_dma2 semaphore(%arg24 : memref<!tpu.dma_semaphore, #tpu.memory_space<semaphore_mem>>) src(%dma_wait3A_1137 : memref<128xi32, #tpu.memory_space<hbm>>) dst(%dma_wait3A_1135 : memref<128xi32, #tpu.memory_space<vmem>>)
        %dma_start3A_1138 = arith.constant 7 : i32
        %dma_start3A_1139 = arith.constant 1 : i32
        %dma_start3A_1140 = arith.constant 0 : i32
        %dma_start3A_1141 = arith.constant 0 : i32
        %dma_start3A_1142 = tpu.memref_slice %arg14[%dma_start3A_1139, %dma_start3A_1140, %dma_start3A_1141] : memref<2x128x128xf32, #tpu.memory_space<vmem>> -> memref<1x128x128xf32, #tpu.memory_space<vmem>>
        %dma_start3A_1143 = tpu.memref_squeeze %dma_start3A_1142 : memref<1x128x128xf32, #tpu.memory_space<vmem>> -> memref<128x128xf32, #tpu.memory_space<vmem>>
        %dma_start3A_1144 = arith.constant 0 : i32
        %dma_start3A_1145 = tpu.memref_slice %arg12[%dma_start3A_1138, %dma_start3A_1144] : memref<8x128xi32, #tpu.memory_space<vmem>> -> memref<1x128xi32, #tpu.memory_space<vmem>>
        %dma_start3A_1146 = tpu.memref_squeeze %dma_start3A_1145 : memref<1x128xi32, #tpu.memory_space<vmem>> -> memref<128xi32, #tpu.memory_space<vmem>>
        %dma_start3A_1147 = arith.constant 0 : i32
        %dma_start3A_1148 = arith.constant 0 : i32
        %dma_start3A_1149 = tpu.memref_slice %arg3[%dma_start3A_1147, %dma_start3A_1148] : memref<10000x128xf32, #tpu.memory_space<hbm>> -> memref<10000x128xf32, #tpu.memory_space<hbm>>
        tpu.enqueue_indirect_dma source(%dma_start3A_1149 : memref<10000x128xf32, #tpu.memory_space<hbm>>) target(%dma_start3A_1143 : memref<128x128xf32, #tpu.memory_space<vmem>>) offsets(%dma_start3A_1146 : memref<128xi32, #tpu.memory_space<vmem>>) semaphore(%arg26 : memref<!tpu.dma_semaphore, #tpu.memory_space<semaphore_mem>>)
      } else {
      }
      %mul3A_947 = arith.constant 8 : i32
      %mul3A_948 = arith.muli %mul3A_947, %scan3A_488 : i32
      %add3A_949 = arith.constant 6 : i32
      %add3A_950 = arith.addi %mul3A_948, %add3A_949 : i32
      %add3A_951 = arith.constant 6 : i32
      %add3A_952 = arith.addi %add3A_950, %add3A_951 : i32
      %lt3A_953 = arith.constant 80 : i32
      %lt3A_954 = arith.cmpi slt, %add3A_952, %lt3A_953 : i32
      %convert_element_type3A_955 = arith.extui %lt3A_954 : i1 to i32
      %cond3A_956 = arith.constant 0 : i32
      %cond3A_957 = arith.cmpi ne, %convert_element_type3A_955, %cond3A_956 : i32
      scf.if %cond3A_957 {
        %add3A_1101 = arith.constant 6 : i32
        %add3A_1102 = arith.addi %add3A_950, %add3A_1101 : i32
        %mul3A_1103 = arith.constant 128 : i32
        %mul3A_1104 = arith.muli %add3A_1102, %mul3A_1103 : i32
        %add3A_1105 = arith.addi %mul3A_4, %mul3A_1104 : i32
        %multiple_of3A_1106 = tpu.assume_multiple %add3A_1105, 8 : i32
        %dma_start3A_1107 = arith.constant 4 : i32
        %dma_start3A_1108 = arith.constant 0 : i32
        %dma_start3A_1109 = tpu.memref_slice %arg12[%dma_start3A_1107, %dma_start3A_1108] : memref<8x128xi32, #tpu.memory_space<vmem>> -> memref<1x128xi32, #tpu.memory_space<vmem>>
        %dma_start3A_1110 = tpu.memref_squeeze %dma_start3A_1109 : memref<1x128xi32, #tpu.memory_space<vmem>> -> memref<128xi32, #tpu.memory_space<vmem>>
        %dma_start3A_1111 = tpu.memref_slice %arg6[%multiple_of3A_1106] : memref<327680xi32, #tpu.memory_space<hbm>> -> memref<128xi32, #tpu.memory_space<hbm>>
        %dma_start3A_1112 = arith.constant 0 : i32
        %dma_start3A_1113 = tpu.memref_slice %arg12[%dma_start3A_1107, %dma_start3A_1112] : memref<8x128xi32, #tpu.memory_space<vmem>> -> memref<1x128xi32, #tpu.memory_space<vmem>>
        %dma_start3A_1114 = tpu.memref_squeeze %dma_start3A_1113 : memref<1x128xi32, #tpu.memory_space<vmem>> -> memref<128xi32, #tpu.memory_space<vmem>>
        %dma_start3A_1115 = tpu.memref_slice %arg6[%multiple_of3A_1106] : memref<327680xi32, #tpu.memory_space<hbm>> -> memref<128xi32, #tpu.memory_space<hbm>>
        tpu.enqueue_dma source(%dma_start3A_1115 : memref<128xi32, #tpu.memory_space<hbm>>) target(%dma_start3A_1114 : memref<128xi32, #tpu.memory_space<vmem>>) target_semaphore(%arg21 : memref<!tpu.dma_semaphore, #tpu.memory_space<semaphore_mem>>)
        %dma_start3A_1116 = arith.constant 4 : i32
        %dma_start3A_1117 = arith.constant 0 : i32
        %dma_start3A_1118 = tpu.memref_slice %arg13[%dma_start3A_1116, %dma_start3A_1117] : memref<8x128xi32, #tpu.memory_space<vmem>> -> memref<1x128xi32, #tpu.memory_space<vmem>>
        %dma_start3A_1119 = tpu.memref_squeeze %dma_start3A_1118 : memref<1x128xi32, #tpu.memory_space<vmem>> -> memref<128xi32, #tpu.memory_space<vmem>>
        %dma_start3A_1120 = tpu.memref_slice %arg7[%multiple_of3A_1106] : memref<327680xi32, #tpu.memory_space<hbm>> -> memref<128xi32, #tpu.memory_space<hbm>>
        %dma_start3A_1121 = arith.constant 0 : i32
        %dma_start3A_1122 = tpu.memref_slice %arg13[%dma_start3A_1116, %dma_start3A_1121] : memref<8x128xi32, #tpu.memory_space<vmem>> -> memref<1x128xi32, #tpu.memory_space<vmem>>
        %dma_start3A_1123 = tpu.memref_squeeze %dma_start3A_1122 : memref<1x128xi32, #tpu.memory_space<vmem>> -> memref<128xi32, #tpu.memory_space<vmem>>
        %dma_start3A_1124 = tpu.memref_slice %arg7[%multiple_of3A_1106] : memref<327680xi32, #tpu.memory_space<hbm>> -> memref<128xi32, #tpu.memory_space<hbm>>
        tpu.enqueue_dma source(%dma_start3A_1124 : memref<128xi32, #tpu.memory_space<hbm>>) target(%dma_start3A_1123 : memref<128xi32, #tpu.memory_space<vmem>>) target_semaphore(%arg21 : memref<!tpu.dma_semaphore, #tpu.memory_space<semaphore_mem>>)
      } else {
      }
      %dma_wait3A_958 = arith.constant 0 : i32
      %dma_wait3A_959 = arith.constant 0 : i32
      %dma_wait3A_960 = arith.constant 0 : i32
      %dma_wait3A_961 = tpu.memref_slice %arg14[%dma_wait3A_958, %dma_wait3A_959, %dma_wait3A_960] : memref<2x128x128xf32, #tpu.memory_space<vmem>> -> memref<1x128x128xf32, #tpu.memory_space<vmem>>
      %dma_wait3A_962 = tpu.memref_squeeze %dma_wait3A_961 : memref<1x128x128xf32, #tpu.memory_space<vmem>> -> memref<128x128xf32, #tpu.memory_space<vmem>>
      %dma_wait3A_963 = arith.constant 0 : i32
      %dma_wait3A_964 = arith.constant 0 : i32
      %dma_wait3A_965 = tpu.memref_slice %arg3[%dma_wait3A_963, %dma_wait3A_964] : memref<10000x128xf32, #tpu.memory_space<hbm>> -> memref<128x128xf32, #tpu.memory_space<hbm>>
      %dma_wait3A_966 = arith.constant 0 : i32
      %dma_wait3A_967 = arith.constant 0 : i32
      %dma_wait3A_968 = tpu.memref_slice %arg14[%dma_wait3A_958, %dma_wait3A_966, %dma_wait3A_967] : memref<2x128x128xf32, #tpu.memory_space<vmem>> -> memref<1x128x128xf32, #tpu.memory_space<vmem>>
      %dma_wait3A_969 = tpu.memref_squeeze %dma_wait3A_968 : memref<1x128x128xf32, #tpu.memory_space<vmem>> -> memref<128x128xf32, #tpu.memory_space<vmem>>
      %dma_wait3A_970 = arith.constant 0 : i32
      %dma_wait3A_971 = arith.constant 0 : i32
      %dma_wait3A_972 = tpu.memref_slice %arg3[%dma_wait3A_970, %dma_wait3A_971] : memref<10000x128xf32, #tpu.memory_space<hbm>> -> memref<128x128xf32, #tpu.memory_space<hbm>>
      tpu.wait_dma2 semaphore(%arg25 : memref<!tpu.dma_semaphore, #tpu.memory_space<semaphore_mem>>) src(%dma_wait3A_972 : memref<128x128xf32, #tpu.memory_space<hbm>>) dst(%dma_wait3A_969 : memref<128x128xf32, #tpu.memory_space<vmem>>)
      %dma_start3A_973 = arith.constant 0 : i32
      %dma_start3A_974 = arith.constant 6 : i32
      %dma_start3A_975 = arith.constant 0 : i32
      %dma_start3A_976 = arith.constant 0 : i32
      %dma_start3A_977 = tpu.memref_slice %arg14[%dma_start3A_973, %dma_start3A_975, %dma_start3A_976] : memref<2x128x128xf32, #tpu.memory_space<vmem>> -> memref<1x128x128xf32, #tpu.memory_space<vmem>>
      %dma_start3A_978 = tpu.memref_squeeze %dma_start3A_977 : memref<1x128x128xf32, #tpu.memory_space<vmem>> -> memref<128x128xf32, #tpu.memory_space<vmem>>
      %dma_start3A_979 = arith.constant 0 : i32
      %dma_start3A_980 = tpu.memref_slice %arg13[%dma_start3A_974, %dma_start3A_979] : memref<8x128xi32, #tpu.memory_space<vmem>> -> memref<1x128xi32, #tpu.memory_space<vmem>>
      %dma_start3A_981 = tpu.memref_squeeze %dma_start3A_980 : memref<1x128xi32, #tpu.memory_space<vmem>> -> memref<128xi32, #tpu.memory_space<vmem>>
      %dma_start3A_982 = arith.constant 0 : i32
      %dma_start3A_983 = arith.constant 0 : i32
      %dma_start3A_984 = tpu.memref_slice %arg16[%dma_start3A_982, %dma_start3A_983] : memref<10240x128xf32, #tpu.memory_space<vmem_shared>> -> memref<10240x128xf32, #tpu.memory_space<vmem_shared>>
      tpu.enqueue_indirect_dma source(%dma_start3A_978 : memref<128x128xf32, #tpu.memory_space<vmem>>) target(%dma_start3A_984 : memref<10240x128xf32, #tpu.memory_space<vmem_shared>>) offsets(%dma_start3A_981 : memref<128xi32, #tpu.memory_space<vmem>>) semaphore(%arg27 : memref<!tpu.dma_semaphore, #tpu.memory_space<semaphore_mem>>) {add = true}
      %get3A_985 = arith.constant 6 : i32
      %get3A_986 = arith.index_cast %get3A_985 : i32 to index
      %get3A_987 = arith.constant 0 : index
      %get3A_988 = tpu.vector_load %arg13[%get3A_986, %get3A_987] {strides = array<i32>} : memref<8x128xi32, #tpu.memory_space<vmem>>, vector<16xi32>,
      tpu.vector_store_idx %arg15[%get3A_988], %broadcast_in_dim3A_5 {add = true} : memref<10240xf32, #tpu.memory_space<vmem>>[vector<16xi32>], vector<16xf32>,
      %get3A_989 = arith.constant 6 : i32
      %get3A_990 = arith.index_cast %get3A_989 : i32 to index
      %get3A_991 = arith.constant 16 : index
      %get3A_992 = tpu.vector_load %arg13[%get3A_990, %get3A_991] {strides = array<i32>} : memref<8x128xi32, #tpu.memory_space<vmem>>, vector<16xi32>,
      tpu.vector_store_idx %arg15[%get3A_992], %broadcast_in_dim3A_5 {add = true} : memref<10240xf32, #tpu.memory_space<vmem>>[vector<16xi32>], vector<16xf32>,
      %get3A_993 = arith.constant 6 : i32
      %get3A_994 = arith.index_cast %get3A_993 : i32 to index
      %get3A_995 = arith.constant 32 : index
      %get3A_996 = tpu.vector_load %arg13[%get3A_994, %get3A_995] {strides = array<i32>} : memref<8x128xi32, #tpu.memory_space<vmem>>, vector<16xi32>,
      tpu.vector_store_idx %arg15[%get3A_996], %broadcast_in_dim3A_5 {add = true} : memref<10240xf32, #tpu.memory_space<vmem>>[vector<16xi32>], vector<16xf32>,
      %get3A_997 = arith.constant 6 : i32
      %get3A_998 = arith.index_cast %get3A_997 : i32 to index
      %get3A_999 = arith.constant 48 : index
      %get3A_1000 = tpu.vector_load %arg13[%get3A_998, %get3A_999] {strides = array<i32>} : memref<8x128xi32, #tpu.memory_space<vmem>>, vector<16xi32>,
      tpu.vector_store_idx %arg15[%get3A_1000], %broadcast_in_dim3A_5 {add = true} : memref<10240xf32, #tpu.memory_space<vmem>>[vector<16xi32>], vector<16xf32>,
      %get3A_1001 = arith.constant 6 : i32
      %get3A_1002 = arith.index_cast %get3A_1001 : i32 to index
      %get3A_1003 = arith.constant 64 : index
      %get3A_1004 = tpu.vector_load %arg13[%get3A_1002, %get3A_1003] {strides = array<i32>} : memref<8x128xi32, #tpu.memory_space<vmem>>, vector<16xi32>,
      tpu.vector_store_idx %arg15[%get3A_1004], %broadcast_in_dim3A_5 {add = true} : memref<10240xf32, #tpu.memory_space<vmem>>[vector<16xi32>], vector<16xf32>,
      %get3A_1005 = arith.constant 6 : i32
      %get3A_1006 = arith.index_cast %get3A_1005 : i32 to index
      %get3A_1007 = arith.constant 80 : index
      %get3A_1008 = tpu.vector_load %arg13[%get3A_1006, %get3A_1007] {strides = array<i32>} : memref<8x128xi32, #tpu.memory_space<vmem>>, vector<16xi32>,
      tpu.vector_store_idx %arg15[%get3A_1008], %broadcast_in_dim3A_5 {add = true} : memref<10240xf32, #tpu.memory_space<vmem>>[vector<16xi32>], vector<16xf32>,
      %get3A_1009 = arith.constant 6 : i32
      %get3A_1010 = arith.index_cast %get3A_1009 : i32 to index
      %get3A_1011 = arith.constant 96 : index
      %get3A_1012 = tpu.vector_load %arg13[%get3A_1010, %get3A_1011] {strides = array<i32>} : memref<8x128xi32, #tpu.memory_space<vmem>>, vector<16xi32>,
      tpu.vector_store_idx %arg15[%get3A_1012], %broadcast_in_dim3A_5 {add = true} : memref<10240xf32, #tpu.memory_space<vmem>>[vector<16xi32>], vector<16xf32>,
      %get3A_1013 = arith.constant 6 : i32
      %get3A_1014 = arith.index_cast %get3A_1013 : i32 to index
      %get3A_1015 = arith.constant 112 : index
      %get3A_1016 = tpu.vector_load %arg13[%get3A_1014, %get3A_1015] {strides = array<i32>} : memref<8x128xi32, #tpu.memory_space<vmem>>, vector<16xi32>,
      tpu.vector_store_idx %arg15[%get3A_1016], %broadcast_in_dim3A_5 {add = true} : memref<10240xf32, #tpu.memory_space<vmem>>[vector<16xi32>], vector<16xf32>,
      %add3A_1017 = arith.constant 2 : i32
      %add3A_1018 = arith.addi %add3A_950, %add3A_1017 : i32
      %lt3A_1019 = arith.constant 80 : i32
      %lt3A_1020 = arith.cmpi slt, %add3A_1018, %lt3A_1019 : i32
      %convert_element_type3A_1021 = arith.extui %lt3A_1020 : i1 to i32
      %cond3A_1022 = arith.constant 0 : i32
      %cond3A_1023 = arith.cmpi ne, %convert_element_type3A_1021, %cond3A_1022 : i32
      scf.if %cond3A_1023 {
        %dma_wait3A_1101 = arith.constant 0 : i32
        %dma_wait3A_1102 = arith.constant 0 : i32
        %dma_wait3A_1103 = arith.constant 0 : i32
        %dma_wait3A_1104 = tpu.memref_slice %arg14[%dma_wait3A_1101, %dma_wait3A_1102, %dma_wait3A_1103] : memref<2x128x128xf32, #tpu.memory_space<vmem>> -> memref<1x128x128xf32, #tpu.memory_space<vmem>>
        %dma_wait3A_1105 = tpu.memref_squeeze %dma_wait3A_1104 : memref<1x128x128xf32, #tpu.memory_space<vmem>> -> memref<128x128xf32, #tpu.memory_space<vmem>>
        %dma_wait3A_1106 = arith.constant 0 : i32
        %dma_wait3A_1107 = arith.constant 0 : i32
        %dma_wait3A_1108 = tpu.memref_slice %arg3[%dma_wait3A_1106, %dma_wait3A_1107] : memref<10000x128xf32, #tpu.memory_space<hbm>> -> memref<128x128xf32, #tpu.memory_space<hbm>>
        %dma_wait3A_1109 = arith.constant 0 : i32
        %dma_wait3A_1110 = arith.constant 0 : i32
        %dma_wait3A_1111 = tpu.memref_slice %arg14[%dma_wait3A_1101, %dma_wait3A_1109, %dma_wait3A_1110] : memref<2x128x128xf32, #tpu.memory_space<vmem>> -> memref<1x128x128xf32, #tpu.memory_space<vmem>>
        %dma_wait3A_1112 = tpu.memref_squeeze %dma_wait3A_1111 : memref<1x128x128xf32, #tpu.memory_space<vmem>> -> memref<128x128xf32, #tpu.memory_space<vmem>>
        %dma_wait3A_1113 = arith.constant 0 : i32
        %dma_wait3A_1114 = arith.constant 0 : i32
        %dma_wait3A_1115 = tpu.memref_slice %arg3[%dma_wait3A_1113, %dma_wait3A_1114] : memref<10000x128xf32, #tpu.memory_space<hbm>> -> memref<128x128xf32, #tpu.memory_space<hbm>>
        tpu.wait_dma2 semaphore(%arg27 : memref<!tpu.dma_semaphore, #tpu.memory_space<semaphore_mem>>) src(%dma_wait3A_1115 : memref<128x128xf32, #tpu.memory_space<hbm>>) dst(%dma_wait3A_1112 : memref<128x128xf32, #tpu.memory_space<vmem>>)
        %dma_wait3A_1116 = arith.constant 0 : i32
        %dma_wait3A_1117 = arith.constant 0 : i32
        %dma_wait3A_1118 = tpu.memref_slice %arg12[%dma_wait3A_1116, %dma_wait3A_1117] : memref<8x128xi32, #tpu.memory_space<vmem>> -> memref<1x128xi32, #tpu.memory_space<vmem>>
        %dma_wait3A_1119 = tpu.memref_squeeze %dma_wait3A_1118 : memref<1x128xi32, #tpu.memory_space<vmem>> -> memref<128xi32, #tpu.memory_space<vmem>>
        %dma_wait3A_1120 = arith.constant 0 : i32
        %dma_wait3A_1121 = tpu.memref_slice %arg6[%dma_wait3A_1120] : memref<327680xi32, #tpu.memory_space<hbm>> -> memref<128xi32, #tpu.memory_space<hbm>>
        %dma_wait3A_1122 = arith.constant 0 : i32
        %dma_wait3A_1123 = tpu.memref_slice %arg12[%dma_wait3A_1116, %dma_wait3A_1122] : memref<8x128xi32, #tpu.memory_space<vmem>> -> memref<1x128xi32, #tpu.memory_space<vmem>>
        %dma_wait3A_1124 = tpu.memref_squeeze %dma_wait3A_1123 : memref<1x128xi32, #tpu.memory_space<vmem>> -> memref<128xi32, #tpu.memory_space<vmem>>
        %dma_wait3A_1125 = arith.constant 0 : i32
        %dma_wait3A_1126 = tpu.memref_slice %arg6[%dma_wait3A_1125] : memref<327680xi32, #tpu.memory_space<hbm>> -> memref<128xi32, #tpu.memory_space<hbm>>
        tpu.wait_dma2 semaphore(%arg17 : memref<!tpu.dma_semaphore, #tpu.memory_space<semaphore_mem>>) src(%dma_wait3A_1126 : memref<128xi32, #tpu.memory_space<hbm>>) dst(%dma_wait3A_1124 : memref<128xi32, #tpu.memory_space<vmem>>)
        %dma_wait3A_1127 = arith.constant 0 : i32
        %dma_wait3A_1128 = arith.constant 0 : i32
        %dma_wait3A_1129 = tpu.memref_slice %arg13[%dma_wait3A_1127, %dma_wait3A_1128] : memref<8x128xi32, #tpu.memory_space<vmem>> -> memref<1x128xi32, #tpu.memory_space<vmem>>
        %dma_wait3A_1130 = tpu.memref_squeeze %dma_wait3A_1129 : memref<1x128xi32, #tpu.memory_space<vmem>> -> memref<128xi32, #tpu.memory_space<vmem>>
        %dma_wait3A_1131 = arith.constant 0 : i32
        %dma_wait3A_1132 = tpu.memref_slice %arg6[%dma_wait3A_1131] : memref<327680xi32, #tpu.memory_space<hbm>> -> memref<128xi32, #tpu.memory_space<hbm>>
        %dma_wait3A_1133 = arith.constant 0 : i32
        %dma_wait3A_1134 = tpu.memref_slice %arg13[%dma_wait3A_1127, %dma_wait3A_1133] : memref<8x128xi32, #tpu.memory_space<vmem>> -> memref<1x128xi32, #tpu.memory_space<vmem>>
        %dma_wait3A_1135 = tpu.memref_squeeze %dma_wait3A_1134 : memref<1x128xi32, #tpu.memory_space<vmem>> -> memref<128xi32, #tpu.memory_space<vmem>>
        %dma_wait3A_1136 = arith.constant 0 : i32
        %dma_wait3A_1137 = tpu.memref_slice %arg6[%dma_wait3A_1136] : memref<327680xi32, #tpu.memory_space<hbm>> -> memref<128xi32, #tpu.memory_space<hbm>>
        tpu.wait_dma2 semaphore(%arg17 : memref<!tpu.dma_semaphore, #tpu.memory_space<semaphore_mem>>) src(%dma_wait3A_1137 : memref<128xi32, #tpu.memory_space<hbm>>) dst(%dma_wait3A_1135 : memref<128xi32, #tpu.memory_space<vmem>>)
        %dma_start3A_1138 = arith.constant 0 : i32
        %dma_start3A_1139 = arith.constant 0 : i32
        %dma_start3A_1140 = arith.constant 0 : i32
        %dma_start3A_1141 = arith.constant 0 : i32
        %dma_start3A_1142 = tpu.memref_slice %arg14[%dma_start3A_1139, %dma_start3A_1140, %dma_start3A_1141] : memref<2x128x128xf32, #tpu.memory_space<vmem>> -> memref<1x128x128xf32, #tpu.memory_space<vmem>>
        %dma_start3A_1143 = tpu.memref_squeeze %dma_start3A_1142 : memref<1x128x128xf32, #tpu.memory_space<vmem>> -> memref<128x128xf32, #tpu.memory_space<vmem>>
        %dma_start3A_1144 = arith.constant 0 : i32
        %dma_start3A_1145 = tpu.memref_slice %arg12[%dma_start3A_1138, %dma_start3A_1144] : memref<8x128xi32, #tpu.memory_space<vmem>> -> memref<1x128xi32, #tpu.memory_space<vmem>>
        %dma_start3A_1146 = tpu.memref_squeeze %dma_start3A_1145 : memref<1x128xi32, #tpu.memory_space<vmem>> -> memref<128xi32, #tpu.memory_space<vmem>>
        %dma_start3A_1147 = arith.constant 0 : i32
        %dma_start3A_1148 = arith.constant 0 : i32
        %dma_start3A_1149 = tpu.memref_slice %arg3[%dma_start3A_1147, %dma_start3A_1148] : memref<10000x128xf32, #tpu.memory_space<hbm>> -> memref<10000x128xf32, #tpu.memory_space<hbm>>
        tpu.enqueue_indirect_dma source(%dma_start3A_1149 : memref<10000x128xf32, #tpu.memory_space<hbm>>) target(%dma_start3A_1143 : memref<128x128xf32, #tpu.memory_space<vmem>>) offsets(%dma_start3A_1146 : memref<128xi32, #tpu.memory_space<vmem>>) semaphore(%arg25 : memref<!tpu.dma_semaphore, #tpu.memory_space<semaphore_mem>>)
      } else {
      }
      %mul3A_1024 = arith.constant 8 : i32
      %mul3A_1025 = arith.muli %mul3A_1024, %scan3A_488 : i32
      %add3A_1026 = arith.constant 7 : i32
      %add3A_1027 = arith.addi %mul3A_1025, %add3A_1026 : i32
      %add3A_1028 = arith.constant 6 : i32
      %add3A_1029 = arith.addi %add3A_1027, %add3A_1028 : i32
      %lt3A_1030 = arith.constant 80 : i32
      %lt3A_1031 = arith.cmpi slt, %add3A_1029, %lt3A_1030 : i32
      %convert_element_type3A_1032 = arith.extui %lt3A_1031 : i1 to i32
      %cond3A_1033 = arith.constant 0 : i32
      %cond3A_1034 = arith.cmpi ne, %convert_element_type3A_1032, %cond3A_1033 : i32
      scf.if %cond3A_1034 {
        %add3A_1101 = arith.constant 6 : i32
        %add3A_1102 = arith.addi %add3A_1027, %add3A_1101 : i32
        %mul3A_1103 = arith.constant 128 : i32
        %mul3A_1104 = arith.muli %add3A_1102, %mul3A_1103 : i32
        %add3A_1105 = arith.addi %mul3A_4, %mul3A_1104 : i32
        %multiple_of3A_1106 = tpu.assume_multiple %add3A_1105, 8 : i32
        %dma_start3A_1107 = arith.constant 5 : i32
        %dma_start3A_1108 = arith.constant 0 : i32
        %dma_start3A_1109 = tpu.memref_slice %arg12[%dma_start3A_1107, %dma_start3A_1108] : memref<8x128xi32, #tpu.memory_space<vmem>> -> memref<1x128xi32, #tpu.memory_space<vmem>>
        %dma_start3A_1110 = tpu.memref_squeeze %dma_start3A_1109 : memref<1x128xi32, #tpu.memory_space<vmem>> -> memref<128xi32, #tpu.memory_space<vmem>>
        %dma_start3A_1111 = tpu.memref_slice %arg6[%multiple_of3A_1106] : memref<327680xi32, #tpu.memory_space<hbm>> -> memref<128xi32, #tpu.memory_space<hbm>>
        %dma_start3A_1112 = arith.constant 0 : i32
        %dma_start3A_1113 = tpu.memref_slice %arg12[%dma_start3A_1107, %dma_start3A_1112] : memref<8x128xi32, #tpu.memory_space<vmem>> -> memref<1x128xi32, #tpu.memory_space<vmem>>
        %dma_start3A_1114 = tpu.memref_squeeze %dma_start3A_1113 : memref<1x128xi32, #tpu.memory_space<vmem>> -> memref<128xi32, #tpu.memory_space<vmem>>
        %dma_start3A_1115 = tpu.memref_slice %arg6[%multiple_of3A_1106] : memref<327680xi32, #tpu.memory_space<hbm>> -> memref<128xi32, #tpu.memory_space<hbm>>
        tpu.enqueue_dma source(%dma_start3A_1115 : memref<128xi32, #tpu.memory_space<hbm>>) target(%dma_start3A_1114 : memref<128xi32, #tpu.memory_space<vmem>>) target_semaphore(%arg22 : memref<!tpu.dma_semaphore, #tpu.memory_space<semaphore_mem>>)
        %dma_start3A_1116 = arith.constant 5 : i32
        %dma_start3A_1117 = arith.constant 0 : i32
        %dma_start3A_1118 = tpu.memref_slice %arg13[%dma_start3A_1116, %dma_start3A_1117] : memref<8x128xi32, #tpu.memory_space<vmem>> -> memref<1x128xi32, #tpu.memory_space<vmem>>
        %dma_start3A_1119 = tpu.memref_squeeze %dma_start3A_1118 : memref<1x128xi32, #tpu.memory_space<vmem>> -> memref<128xi32, #tpu.memory_space<vmem>>
        %dma_start3A_1120 = tpu.memref_slice %arg7[%multiple_of3A_1106] : memref<327680xi32, #tpu.memory_space<hbm>> -> memref<128xi32, #tpu.memory_space<hbm>>
        %dma_start3A_1121 = arith.constant 0 : i32
        %dma_start3A_1122 = tpu.memref_slice %arg13[%dma_start3A_1116, %dma_start3A_1121] : memref<8x128xi32, #tpu.memory_space<vmem>> -> memref<1x128xi32, #tpu.memory_space<vmem>>
        %dma_start3A_1123 = tpu.memref_squeeze %dma_start3A_1122 : memref<1x128xi32, #tpu.memory_space<vmem>> -> memref<128xi32, #tpu.memory_space<vmem>>
        %dma_start3A_1124 = tpu.memref_slice %arg7[%multiple_of3A_1106] : memref<327680xi32, #tpu.memory_space<hbm>> -> memref<128xi32, #tpu.memory_space<hbm>>
        tpu.enqueue_dma source(%dma_start3A_1124 : memref<128xi32, #tpu.memory_space<hbm>>) target(%dma_start3A_1123 : memref<128xi32, #tpu.memory_space<vmem>>) target_semaphore(%arg22 : memref<!tpu.dma_semaphore, #tpu.memory_space<semaphore_mem>>)
      } else {
      }
      %dma_wait3A_1035 = arith.constant 1 : i32
      %dma_wait3A_1036 = arith.constant 0 : i32
      %dma_wait3A_1037 = arith.constant 0 : i32
      %dma_wait3A_1038 = tpu.memref_slice %arg14[%dma_wait3A_1035, %dma_wait3A_1036, %dma_wait3A_1037] : memref<2x128x128xf32, #tpu.memory_space<vmem>> -> memref<1x128x128xf32, #tpu.memory_space<vmem>>
      %dma_wait3A_1039 = tpu.memref_squeeze %dma_wait3A_1038 : memref<1x128x128xf32, #tpu.memory_space<vmem>> -> memref<128x128xf32, #tpu.memory_space<vmem>>
      %dma_wait3A_1040 = arith.constant 0 : i32
      %dma_wait3A_1041 = arith.constant 0 : i32
      %dma_wait3A_1042 = tpu.memref_slice %arg3[%dma_wait3A_1040, %dma_wait3A_1041] : memref<10000x128xf32, #tpu.memory_space<hbm>> -> memref<128x128xf32, #tpu.memory_space<hbm>>
      %dma_wait3A_1043 = arith.constant 0 : i32
      %dma_wait3A_1044 = arith.constant 0 : i32
      %dma_wait3A_1045 = tpu.memref_slice %arg14[%dma_wait3A_1035, %dma_wait3A_1043, %dma_wait3A_1044] : memref<2x128x128xf32, #tpu.memory_space<vmem>> -> memref<1x128x128xf32, #tpu.memory_space<vmem>>
      %dma_wait3A_1046 = tpu.memref_squeeze %dma_wait3A_1045 : memref<1x128x128xf32, #tpu.memory_space<vmem>> -> memref<128x128xf32, #tpu.memory_space<vmem>>
      %dma_wait3A_1047 = arith.constant 0 : i32
      %dma_wait3A_1048 = arith.constant 0 : i32
      %dma_wait3A_1049 = tpu.memref_slice %arg3[%dma_wait3A_1047, %dma_wait3A_1048] : memref<10000x128xf32, #tpu.memory_space<hbm>> -> memref<128x128xf32, #tpu.memory_space<hbm>>
      tpu.wait_dma2 semaphore(%arg26 : memref<!tpu.dma_semaphore, #tpu.memory_space<semaphore_mem>>) src(%dma_wait3A_1049 : memref<128x128xf32, #tpu.memory_space<hbm>>) dst(%dma_wait3A_1046 : memref<128x128xf32, #tpu.memory_space<vmem>>)
      %dma_start3A_1050 = arith.constant 1 : i32
      %dma_start3A_1051 = arith.constant 7 : i32
      %dma_start3A_1052 = arith.constant 0 : i32
      %dma_start3A_1053 = arith.constant 0 : i32
      %dma_start3A_1054 = tpu.memref_slice %arg14[%dma_start3A_1050, %dma_start3A_1052, %dma_start3A_1053] : memref<2x128x128xf32, #tpu.memory_space<vmem>> -> memref<1x128x128xf32, #tpu.memory_space<vmem>>
      %dma_start3A_1055 = tpu.memref_squeeze %dma_start3A_1054 : memref<1x128x128xf32, #tpu.memory_space<vmem>> -> memref<128x128xf32, #tpu.memory_space<vmem>>
      %dma_start3A_1056 = arith.constant 0 : i32
      %dma_start3A_1057 = tpu.memref_slice %arg13[%dma_start3A_1051, %dma_start3A_1056] : memref<8x128xi32, #tpu.memory_space<vmem>> -> memref<1x128xi32, #tpu.memory_space<vmem>>
      %dma_start3A_1058 = tpu.memref_squeeze %dma_start3A_1057 : memref<1x128xi32, #tpu.memory_space<vmem>> -> memref<128xi32, #tpu.memory_space<vmem>>
      %dma_start3A_1059 = arith.constant 0 : i32
      %dma_start3A_1060 = arith.constant 0 : i32
      %dma_start3A_1061 = tpu.memref_slice %arg16[%dma_start3A_1059, %dma_start3A_1060] : memref<10240x128xf32, #tpu.memory_space<vmem_shared>> -> memref<10240x128xf32, #tpu.memory_space<vmem_shared>>
      tpu.enqueue_indirect_dma source(%dma_start3A_1055 : memref<128x128xf32, #tpu.memory_space<vmem>>) target(%dma_start3A_1061 : memref<10240x128xf32, #tpu.memory_space<vmem_shared>>) offsets(%dma_start3A_1058 : memref<128xi32, #tpu.memory_space<vmem>>) semaphore(%arg28 : memref<!tpu.dma_semaphore, #tpu.memory_space<semaphore_mem>>) {add = true}
      %get3A_1062 = arith.constant 7 : i32
      %get3A_1063 = arith.index_cast %get3A_1062 : i32 to index
      %get3A_1064 = arith.constant 0 : index
      %get3A_1065 = tpu.vector_load %arg13[%get3A_1063, %get3A_1064] {strides = array<i32>} : memref<8x128xi32, #tpu.memory_space<vmem>>, vector<16xi32>,
      tpu.vector_store_idx %arg15[%get3A_1065], %broadcast_in_dim3A_5 {add = true} : memref<10240xf32, #tpu.memory_space<vmem>>[vector<16xi32>], vector<16xf32>,
      %get3A_1066 = arith.constant 7 : i32
      %get3A_1067 = arith.index_cast %get3A_1066 : i32 to index
      %get3A_1068 = arith.constant 16 : index
      %get3A_1069 = tpu.vector_load %arg13[%get3A_1067, %get3A_1068] {strides = array<i32>} : memref<8x128xi32, #tpu.memory_space<vmem>>, vector<16xi32>,
      tpu.vector_store_idx %arg15[%get3A_1069], %broadcast_in_dim3A_5 {add = true} : memref<10240xf32, #tpu.memory_space<vmem>>[vector<16xi32>], vector<16xf32>,
      %get3A_1070 = arith.constant 7 : i32
      %get3A_1071 = arith.index_cast %get3A_1070 : i32 to index
      %get3A_1072 = arith.constant 32 : index
      %get3A_1073 = tpu.vector_load %arg13[%get3A_1071, %get3A_1072] {strides = array<i32>} : memref<8x128xi32, #tpu.memory_space<vmem>>, vector<16xi32>,
      tpu.vector_store_idx %arg15[%get3A_1073], %broadcast_in_dim3A_5 {add = true} : memref<10240xf32, #tpu.memory_space<vmem>>[vector<16xi32>], vector<16xf32>,
      %get3A_1074 = arith.constant 7 : i32
      %get3A_1075 = arith.index_cast %get3A_1074 : i32 to index
      %get3A_1076 = arith.constant 48 : index
      %get3A_1077 = tpu.vector_load %arg13[%get3A_1075, %get3A_1076] {strides = array<i32>} : memref<8x128xi32, #tpu.memory_space<vmem>>, vector<16xi32>,
      tpu.vector_store_idx %arg15[%get3A_1077], %broadcast_in_dim3A_5 {add = true} : memref<10240xf32, #tpu.memory_space<vmem>>[vector<16xi32>], vector<16xf32>,
      %get3A_1078 = arith.constant 7 : i32
      %get3A_1079 = arith.index_cast %get3A_1078 : i32 to index
      %get3A_1080 = arith.constant 64 : index
      %get3A_1081 = tpu.vector_load %arg13[%get3A_1079, %get3A_1080] {strides = array<i32>} : memref<8x128xi32, #tpu.memory_space<vmem>>, vector<16xi32>,
      tpu.vector_store_idx %arg15[%get3A_1081], %broadcast_in_dim3A_5 {add = true} : memref<10240xf32, #tpu.memory_space<vmem>>[vector<16xi32>], vector<16xf32>,
      %get3A_1082 = arith.constant 7 : i32
      %get3A_1083 = arith.index_cast %get3A_1082 : i32 to index
      %get3A_1084 = arith.constant 80 : index
      %get3A_1085 = tpu.vector_load %arg13[%get3A_1083, %get3A_1084] {strides = array<i32>} : memref<8x128xi32, #tpu.memory_space<vmem>>, vector<16xi32>,
      tpu.vector_store_idx %arg15[%get3A_1085], %broadcast_in_dim3A_5 {add = true} : memref<10240xf32, #tpu.memory_space<vmem>>[vector<16xi32>], vector<16xf32>,
      %get3A_1086 = arith.constant 7 : i32
      %get3A_1087 = arith.index_cast %get3A_1086 : i32 to index
      %get3A_1088 = arith.constant 96 : index
      %get3A_1089 = tpu.vector_load %arg13[%get3A_1087, %get3A_1088] {strides = array<i32>} : memref<8x128xi32, #tpu.memory_space<vmem>>, vector<16xi32>,
      tpu.vector_store_idx %arg15[%get3A_1089], %broadcast_in_dim3A_5 {add = true} : memref<10240xf32, #tpu.memory_space<vmem>>[vector<16xi32>], vector<16xf32>,
      %get3A_1090 = arith.constant 7 : i32
      %get3A_1091 = arith.index_cast %get3A_1090 : i32 to index
      %get3A_1092 = arith.constant 112 : index
      %get3A_1093 = tpu.vector_load %arg13[%get3A_1091, %get3A_1092] {strides = array<i32>} : memref<8x128xi32, #tpu.memory_space<vmem>>, vector<16xi32>,
      tpu.vector_store_idx %arg15[%get3A_1093], %broadcast_in_dim3A_5 {add = true} : memref<10240xf32, #tpu.memory_space<vmem>>[vector<16xi32>], vector<16xf32>,
      %add3A_1094 = arith.constant 2 : i32
      %add3A_1095 = arith.addi %add3A_1027, %add3A_1094 : i32
      %lt3A_1096 = arith.constant 80 : i32
      %lt3A_1097 = arith.cmpi slt, %add3A_1095, %lt3A_1096 : i32
      %convert_element_type3A_1098 = arith.extui %lt3A_1097 : i1 to i32
      %cond3A_1099 = arith.constant 0 : i32
      %cond3A_1100 = arith.cmpi ne, %convert_element_type3A_1098, %cond3A_1099 : i32
      scf.if %cond3A_1100 {
        %dma_wait3A_1101 = arith.constant 1 : i32
        %dma_wait3A_1102 = arith.constant 0 : i32
        %dma_wait3A_1103 = arith.constant 0 : i32
        %dma_wait3A_1104 = tpu.memref_slice %arg14[%dma_wait3A_1101, %dma_wait3A_1102, %dma_wait3A_1103] : memref<2x128x128xf32, #tpu.memory_space<vmem>> -> memref<1x128x128xf32, #tpu.memory_space<vmem>>
        %dma_wait3A_1105 = tpu.memref_squeeze %dma_wait3A_1104 : memref<1x128x128xf32, #tpu.memory_space<vmem>> -> memref<128x128xf32, #tpu.memory_space<vmem>>
        %dma_wait3A_1106 = arith.constant 0 : i32
        %dma_wait3A_1107 = arith.constant 0 : i32
        %dma_wait3A_1108 = tpu.memref_slice %arg3[%dma_wait3A_1106, %dma_wait3A_1107] : memref<10000x128xf32, #tpu.memory_space<hbm>> -> memref<128x128xf32, #tpu.memory_space<hbm>>
        %dma_wait3A_1109 = arith.constant 0 : i32
        %dma_wait3A_1110 = arith.constant 0 : i32
        %dma_wait3A_1111 = tpu.memref_slice %arg14[%dma_wait3A_1101, %dma_wait3A_1109, %dma_wait3A_1110] : memref<2x128x128xf32, #tpu.memory_space<vmem>> -> memref<1x128x128xf32, #tpu.memory_space<vmem>>
        %dma_wait3A_1112 = tpu.memref_squeeze %dma_wait3A_1111 : memref<1x128x128xf32, #tpu.memory_space<vmem>> -> memref<128x128xf32, #tpu.memory_space<vmem>>
        %dma_wait3A_1113 = arith.constant 0 : i32
        %dma_wait3A_1114 = arith.constant 0 : i32
        %dma_wait3A_1115 = tpu.memref_slice %arg3[%dma_wait3A_1113, %dma_wait3A_1114] : memref<10000x128xf32, #tpu.memory_space<hbm>> -> memref<128x128xf32, #tpu.memory_space<hbm>>
        tpu.wait_dma2 semaphore(%arg28 : memref<!tpu.dma_semaphore, #tpu.memory_space<semaphore_mem>>) src(%dma_wait3A_1115 : memref<128x128xf32, #tpu.memory_space<hbm>>) dst(%dma_wait3A_1112 : memref<128x128xf32, #tpu.memory_space<vmem>>)
        %dma_wait3A_1116 = arith.constant 1 : i32
        %dma_wait3A_1117 = arith.constant 0 : i32
        %dma_wait3A_1118 = tpu.memref_slice %arg12[%dma_wait3A_1116, %dma_wait3A_1117] : memref<8x128xi32, #tpu.memory_space<vmem>> -> memref<1x128xi32, #tpu.memory_space<vmem>>
        %dma_wait3A_1119 = tpu.memref_squeeze %dma_wait3A_1118 : memref<1x128xi32, #tpu.memory_space<vmem>> -> memref<128xi32, #tpu.memory_space<vmem>>
        %dma_wait3A_1120 = arith.constant 0 : i32
        %dma_wait3A_1121 = tpu.memref_slice %arg6[%dma_wait3A_1120] : memref<327680xi32, #tpu.memory_space<hbm>> -> memref<128xi32, #tpu.memory_space<hbm>>
        %dma_wait3A_1122 = arith.constant 0 : i32
        %dma_wait3A_1123 = tpu.memref_slice %arg12[%dma_wait3A_1116, %dma_wait3A_1122] : memref<8x128xi32, #tpu.memory_space<vmem>> -> memref<1x128xi32, #tpu.memory_space<vmem>>
        %dma_wait3A_1124 = tpu.memref_squeeze %dma_wait3A_1123 : memref<1x128xi32, #tpu.memory_space<vmem>> -> memref<128xi32, #tpu.memory_space<vmem>>
        %dma_wait3A_1125 = arith.constant 0 : i32
        %dma_wait3A_1126 = tpu.memref_slice %arg6[%dma_wait3A_1125] : memref<327680xi32, #tpu.memory_space<hbm>> -> memref<128xi32, #tpu.memory_space<hbm>>
        tpu.wait_dma2 semaphore(%arg18 : memref<!tpu.dma_semaphore, #tpu.memory_space<semaphore_mem>>) src(%dma_wait3A_1126 : memref<128xi32, #tpu.memory_space<hbm>>) dst(%dma_wait3A_1124 : memref<128xi32, #tpu.memory_space<vmem>>)
        %dma_wait3A_1127 = arith.constant 1 : i32
        %dma_wait3A_1128 = arith.constant 0 : i32
        %dma_wait3A_1129 = tpu.memref_slice %arg13[%dma_wait3A_1127, %dma_wait3A_1128] : memref<8x128xi32, #tpu.memory_space<vmem>> -> memref<1x128xi32, #tpu.memory_space<vmem>>
        %dma_wait3A_1130 = tpu.memref_squeeze %dma_wait3A_1129 : memref<1x128xi32, #tpu.memory_space<vmem>> -> memref<128xi32, #tpu.memory_space<vmem>>
        %dma_wait3A_1131 = arith.constant 0 : i32
        %dma_wait3A_1132 = tpu.memref_slice %arg6[%dma_wait3A_1131] : memref<327680xi32, #tpu.memory_space<hbm>> -> memref<128xi32, #tpu.memory_space<hbm>>
        %dma_wait3A_1133 = arith.constant 0 : i32
        %dma_wait3A_1134 = tpu.memref_slice %arg13[%dma_wait3A_1127, %dma_wait3A_1133] : memref<8x128xi32, #tpu.memory_space<vmem>> -> memref<1x128xi32, #tpu.memory_space<vmem>>
        %dma_wait3A_1135 = tpu.memref_squeeze %dma_wait3A_1134 : memref<1x128xi32, #tpu.memory_space<vmem>> -> memref<128xi32, #tpu.memory_space<vmem>>
        %dma_wait3A_1136 = arith.constant 0 : i32
        %dma_wait3A_1137 = tpu.memref_slice %arg6[%dma_wait3A_1136] : memref<327680xi32, #tpu.memory_space<hbm>> -> memref<128xi32, #tpu.memory_space<hbm>>
        tpu.wait_dma2 semaphore(%arg18 : memref<!tpu.dma_semaphore, #tpu.memory_space<semaphore_mem>>) src(%dma_wait3A_1137 : memref<128xi32, #tpu.memory_space<hbm>>) dst(%dma_wait3A_1135 : memref<128xi32, #tpu.memory_space<vmem>>)
        %dma_start3A_1138 = arith.constant 1 : i32
        %dma_start3A_1139 = arith.constant 1 : i32
        %dma_start3A_1140 = arith.constant 0 : i32
        %dma_start3A_1141 = arith.constant 0 : i32
        %dma_start3A_1142 = tpu.memref_slice %arg14[%dma_start3A_1139, %dma_start3A_1140, %dma_start3A_1141] : memref<2x128x128xf32, #tpu.memory_space<vmem>> -> memref<1x128x128xf32, #tpu.memory_space<vmem>>
        %dma_start3A_1143 = tpu.memref_squeeze %dma_start3A_1142 : memref<1x128x128xf32, #tpu.memory_space<vmem>> -> memref<128x128xf32, #tpu.memory_space<vmem>>
        %dma_start3A_1144 = arith.constant 0 : i32
        %dma_start3A_1145 = tpu.memref_slice %arg12[%dma_start3A_1138, %dma_start3A_1144] : memref<8x128xi32, #tpu.memory_space<vmem>> -> memref<1x128xi32, #tpu.memory_space<vmem>>
        %dma_start3A_1146 = tpu.memref_squeeze %dma_start3A_1145 : memref<1x128xi32, #tpu.memory_space<vmem>> -> memref<128xi32, #tpu.memory_space<vmem>>
        %dma_start3A_1147 = arith.constant 0 : i32
        %dma_start3A_1148 = arith.constant 0 : i32
        %dma_start3A_1149 = tpu.memref_slice %arg3[%dma_start3A_1147, %dma_start3A_1148] : memref<10000x128xf32, #tpu.memory_space<hbm>> -> memref<10000x128xf32, #tpu.memory_space<hbm>>
        tpu.enqueue_indirect_dma source(%dma_start3A_1149 : memref<10000x128xf32, #tpu.memory_space<hbm>>) target(%dma_start3A_1143 : memref<128x128xf32, #tpu.memory_space<vmem>>) offsets(%dma_start3A_1146 : memref<128xi32, #tpu.memory_space<vmem>>) semaphore(%arg26 : memref<!tpu.dma_semaphore, #tpu.memory_space<semaphore_mem>>)
      } else {
      }
    }
    %scan3A_445 = arith.constant 10 : i32
    %dma_wait3A_446 = arith.constant 0 : i32
    %dma_wait3A_447 = arith.constant 0 : i32
    %dma_wait3A_448 = arith.constant 0 : i32
    %dma_wait3A_449 = tpu.memref_slice %arg14[%dma_wait3A_446, %dma_wait3A_447, %dma_wait3A_448] : memref<2x128x128xf32, #tpu.memory_space<vmem>> -> memref<1x128x128xf32, #tpu.memory_space<vmem>>
    %dma_wait3A_450 = tpu.memref_squeeze %dma_wait3A_449 : memref<1x128x128xf32, #tpu.memory_space<vmem>> -> memref<128x128xf32, #tpu.memory_space<vmem>>
    %dma_wait3A_451 = arith.constant 0 : i32
    %dma_wait3A_452 = arith.constant 0 : i32
    %dma_wait3A_453 = tpu.memref_slice %arg3[%dma_wait3A_451, %dma_wait3A_452] : memref<10000x128xf32, #tpu.memory_space<hbm>> -> memref<128x128xf32, #tpu.memory_space<hbm>>
    %dma_wait3A_454 = arith.constant 0 : i32
    %dma_wait3A_455 = arith.constant 0 : i32
    %dma_wait3A_456 = tpu.memref_slice %arg14[%dma_wait3A_446, %dma_wait3A_454, %dma_wait3A_455] : memref<2x128x128xf32, #tpu.memory_space<vmem>> -> memref<1x128x128xf32, #tpu.memory_space<vmem>>
    %dma_wait3A_457 = tpu.memref_squeeze %dma_wait3A_456 : memref<1x128x128xf32, #tpu.memory_space<vmem>> -> memref<128x128xf32, #tpu.memory_space<vmem>>
    %dma_wait3A_458 = arith.constant 0 : i32
    %dma_wait3A_459 = arith.constant 0 : i32
    %dma_wait3A_460 = tpu.memref_slice %arg3[%dma_wait3A_458, %dma_wait3A_459] : memref<10000x128xf32, #tpu.memory_space<hbm>> -> memref<128x128xf32, #tpu.memory_space<hbm>>
    tpu.wait_dma2 semaphore(%arg27 : memref<!tpu.dma_semaphore, #tpu.memory_space<semaphore_mem>>) src(%dma_wait3A_460 : memref<128x128xf32, #tpu.memory_space<hbm>>) dst(%dma_wait3A_457 : memref<128x128xf32, #tpu.memory_space<vmem>>)
    %dma_wait3A_461 = arith.constant 1 : i32
    %dma_wait3A_462 = arith.constant 0 : i32
    %dma_wait3A_463 = arith.constant 0 : i32
    %dma_wait3A_464 = tpu.memref_slice %arg14[%dma_wait3A_461, %dma_wait3A_462, %dma_wait3A_463] : memref<2x128x128xf32, #tpu.memory_space<vmem>> -> memref<1x128x128xf32, #tpu.memory_space<vmem>>
    %dma_wait3A_465 = tpu.memref_squeeze %dma_wait3A_464 : memref<1x128x128xf32, #tpu.memory_space<vmem>> -> memref<128x128xf32, #tpu.memory_space<vmem>>
    %dma_wait3A_466 = arith.constant 0 : i32
    %dma_wait3A_467 = arith.constant 0 : i32
    %dma_wait3A_468 = tpu.memref_slice %arg3[%dma_wait3A_466, %dma_wait3A_467] : memref<10000x128xf32, #tpu.memory_space<hbm>> -> memref<128x128xf32, #tpu.memory_space<hbm>>
    %dma_wait3A_469 = arith.constant 0 : i32
    %dma_wait3A_470 = arith.constant 0 : i32
    %dma_wait3A_471 = tpu.memref_slice %arg14[%dma_wait3A_461, %dma_wait3A_469, %dma_wait3A_470] : memref<2x128x128xf32, #tpu.memory_space<vmem>> -> memref<1x128x128xf32, #tpu.memory_space<vmem>>
    %dma_wait3A_472 = tpu.memref_squeeze %dma_wait3A_471 : memref<1x128x128xf32, #tpu.memory_space<vmem>> -> memref<128x128xf32, #tpu.memory_space<vmem>>
    %dma_wait3A_473 = arith.constant 0 : i32
    %dma_wait3A_474 = arith.constant 0 : i32
    %dma_wait3A_475 = tpu.memref_slice %arg3[%dma_wait3A_473, %dma_wait3A_474] : memref<10000x128xf32, #tpu.memory_space<hbm>> -> memref<128x128xf32, #tpu.memory_space<hbm>>
    tpu.wait_dma2 semaphore(%arg28 : memref<!tpu.dma_semaphore, #tpu.memory_space<semaphore_mem>>) src(%dma_wait3A_475 : memref<128x128xf32, #tpu.memory_space<hbm>>) dst(%dma_wait3A_472 : memref<128x128xf32, #tpu.memory_space<vmem>>)
    %barrier3A_476 = arith.constant 0 : index
    tpu.barrier barrier_id(%barrier3A_476)
    %add3A_477 = arith.constant 2 : i32
    %add3A_478 = arith.addi %add3A_477, %arg0 : i32
    %mul3A_479 = arith.constant 10240 : i32
    %mul3A_480 = arith.muli %add3A_478, %mul3A_479 : i32
    %add3A_481 = arith.addi %mul3A_480, %multiple_of3A : i32
    %multiple_of3A_482 = tpu.assume_multiple %add3A_481, 8 : i32
    "tpu.region"() ({
      %run_scoped3A = tpu.sem_alloc : memref<!tpu.dma_semaphore, #tpu.memory_space<semaphore_mem>>
      %dma_start3A_488 = arith.constant 0 : i32
      %dma_start3A_489 = tpu.memref_slice %arg10[%multiple_of3A_482, %dma_start3A_488] : memref<40960x128xf32, #tpu.memory_space<hbm>> -> memref<640x128xf32, #tpu.memory_space<hbm>>
      %dma_start3A_490 = arith.constant 0 : i32
      %dma_start3A_491 = tpu.memref_slice %arg16[%multiple_of3A, %dma_start3A_490] : memref<10240x128xf32, #tpu.memory_space<vmem_shared>> -> memref<640x128xf32, #tpu.memory_space<vmem_shared>>
      tpu.enqueue_dma source(%dma_start3A_491 : memref<640x128xf32, #tpu.memory_space<vmem_shared>>) target(%dma_start3A_489 : memref<640x128xf32, #tpu.memory_space<hbm>>) target_semaphore(%run_scoped3A : memref<!tpu.dma_semaphore, #tpu.memory_space<semaphore_mem>>)
      %dma_wait3A_492 = arith.constant 0 : i32
      %dma_wait3A_493 = tpu.memref_slice %arg10[%multiple_of3A_482, %dma_wait3A_492] : memref<40960x128xf32, #tpu.memory_space<hbm>> -> memref<640x128xf32, #tpu.memory_space<hbm>>
      %dma_wait3A_494 = arith.constant 0 : i32
      %dma_wait3A_495 = tpu.memref_slice %arg16[%multiple_of3A, %dma_wait3A_494] : memref<10240x128xf32, #tpu.memory_space<vmem_shared>> -> memref<640x128xf32, #tpu.memory_space<vmem_shared>>
      tpu.wait_dma2 semaphore(%run_scoped3A : memref<!tpu.dma_semaphore, #tpu.memory_space<semaphore_mem>>) src(%dma_wait3A_495 : memref<640x128xf32, #tpu.memory_space<vmem_shared>>) dst(%dma_wait3A_493 : memref<640x128xf32, #tpu.memory_space<hbm>>)
      tpu.yield
    }) : () -> ()
    %add3A_483 = arith.constant 32 : i32
    %add3A_484 = arith.addi %add3A_483, %add3A : i32
    %mul3A_485 = arith.constant 10240 : i32
    %mul3A_486 = arith.muli %add3A_484, %mul3A_485 : i32
    %multiple_of3A_487 = tpu.assume_multiple %mul3A_486, 8 : i32
    "tpu.region"() ({
      %run_scoped3A = tpu.sem_alloc : memref<!tpu.dma_semaphore, #tpu.memory_space<semaphore_mem>>
      %dma_start3A_488 = tpu.memref_slice %arg11[%multiple_of3A_487] : memref<655360xf32, #tpu.memory_space<hbm>> -> memref<10240xf32, #tpu.memory_space<hbm>>
      %dma_start3A_489 = tpu.memref_slice %arg11[%multiple_of3A_487] : memref<655360xf32, #tpu.memory_space<hbm>> -> memref<10240xf32, #tpu.memory_space<hbm>>
      tpu.enqueue_dma source(%arg15 : memref<10240xf32, #tpu.memory_space<vmem>>) target(%dma_start3A_489 : memref<10240xf32, #tpu.memory_space<hbm>>) target_semaphore(%run_scoped3A : memref<!tpu.dma_semaphore, #tpu.memory_space<semaphore_mem>>)
      %dma_wait3A_490 = tpu.memref_slice %arg11[%multiple_of3A_487] : memref<655360xf32, #tpu.memory_space<hbm>> -> memref<10240xf32, #tpu.memory_space<hbm>>
      %dma_wait3A_491 = tpu.memref_slice %arg11[%multiple_of3A_487] : memref<655360xf32, #tpu.memory_space<hbm>> -> memref<10240xf32, #tpu.memory_space<hbm>>
      tpu.wait_dma2 semaphore(%run_scoped3A : memref<!tpu.dma_semaphore, #tpu.memory_space<semaphore_mem>>) src(%arg15 : memref<10240xf32, #tpu.memory_space<vmem>>) dst(%dma_wait3A_491 : memref<10240xf32, #tpu.memory_space<hbm>>)
      tpu.yield
    }) : () -> ()
    return
  }
}

module attributes {stable_mosaic.version = 14 : i64} {
  func.func @_lin_body(%arg0: i32, %arg1: memref<2048x128xf32, #tpu.memory_space<vmem>>, %arg2: memref<2048x128xf32, #tpu.memory_space<vmem>>, %arg3: memref<128x128xf32, #tpu.memory_space<vmem>>, %arg4: memref<1x128xf32, #tpu.memory_space<vmem>>, %arg5: memref<128x128xf32, #tpu.memory_space<vmem>>, %arg6: memref<1x128xf32, #tpu.memory_space<vmem>>, %arg7: memref<2048x128xf32, #tpu.memory_space<vmem>>, %arg8: memref<2048x128xf32, #tpu.memory_space<vmem>>) attributes {dimension_semantics = [#tpu.dimension_semantics<arbitrary>], iteration_bounds = array<i64: 5>, scalar_prefetch = 0 : i64, scratch_operands = 0 : i64, tpu.core_type = #tpu.core_type<tc>, window_params = [{transform_indices = @transform_0, window_bounds = array<i64: 2048, 128>}, {transform_indices = @transform_1, window_bounds = array<i64: 2048, 128>}, {pipeline_mode = #tpu.pipeline_mode<synchronous>, transform_indices = @transform_2, window_bounds = array<i64: 128, 128>}, {pipeline_mode = #tpu.pipeline_mode<synchronous>, transform_indices = @transform_3, window_bounds = array<i64: 1, 128>}, {pipeline_mode = #tpu.pipeline_mode<synchronous>, transform_indices = @transform_4, window_bounds = array<i64: 128, 128>}, {pipeline_mode = #tpu.pipeline_mode<synchronous>, transform_indices = @transform_5, window_bounds = array<i64: 1, 128>}, {transform_indices = @transform_6, window_bounds = array<i64: 2048, 128>}, {transform_indices = @transform_7, window_bounds = array<i64: 2048, 128>}]} {
    %get3A = arith.constant 0 : index
    %get3A_0 = arith.constant 0 : index
    %get3A_1 = vector.load %arg1[%get3A, %get3A_0] : memref<2048x128xf32, #tpu.memory_space<vmem>>, vector<2048x128xf32>
    %get3A_2 = arith.constant 0 : index
    %get3A_3 = arith.constant 0 : index
    %get3A_4 = vector.load %arg3[%get3A_2, %get3A_3] : memref<128x128xf32, #tpu.memory_space<vmem>>, vector<128x128xf32>
    %dot_general3A = arith.constant dense<0.000000e+00> : vector<2048x128xf32>
    %dot_general3A_5 = tpu.matmul %get3A_1, %get3A_4, %dot_general3A {dimension_numbers = #tpu.dot_dimension_numbers<[1], [1], [0], [0], [0, 0, 1, 0], [], []>, transpose_lhs_hint = false} : vector<2048x128xf32>, vector<128x128xf32>, vector<2048x128xf32> -> vector<2048x128xf32>
    %get3A_6 = arith.constant 0 : index
    %get3A_7 = arith.constant 0 : index
    %get3A_8 = vector.load %arg4[%get3A_6, %get3A_7] : memref<1x128xf32, #tpu.memory_space<vmem>>, vector<1x128xf32>
    %add3A = vector.broadcast %get3A_8 : vector<1x128xf32> to vector<2048x128xf32>
    %add3A_9 = arith.addf %dot_general3A_5, %add3A : vector<2048x128xf32>
    %swap3A = arith.constant 0 : index
    %swap3A_10 = arith.constant 0 : index
    %swap3A_11 = vector.load %arg7[%swap3A, %swap3A_10] : memref<2048x128xf32, #tpu.memory_space<vmem>>, vector<2048x128xf32>
    tpu.vector_store %arg7[%swap3A, %swap3A_10], %add3A_9 {strides = array<i32>} : memref<2048x128xf32, #tpu.memory_space<vmem>>, vector<2048x128xf32>,
    %get3A_12 = arith.constant 0 : index
    %get3A_13 = arith.constant 0 : index
    %get3A_14 = vector.load %arg2[%get3A_12, %get3A_13] : memref<2048x128xf32, #tpu.memory_space<vmem>>, vector<2048x128xf32>
    %get3A_15 = arith.constant 0 : index
    %get3A_16 = arith.constant 0 : index
    %get3A_17 = vector.load %arg5[%get3A_15, %get3A_16] : memref<128x128xf32, #tpu.memory_space<vmem>>, vector<128x128xf32>
    %dot_general3A_18 = arith.constant dense<0.000000e+00> : vector<2048x128xf32>
    %dot_general3A_19 = tpu.matmul %get3A_14, %get3A_17, %dot_general3A_18 {dimension_numbers = #tpu.dot_dimension_numbers<[1], [1], [0], [0], [0, 0, 1, 0], [], []>, transpose_lhs_hint = false} : vector<2048x128xf32>, vector<128x128xf32>, vector<2048x128xf32> -> vector<2048x128xf32>
    %get3A_20 = arith.constant 0 : index
    %get3A_21 = arith.constant 0 : index
    %get3A_22 = vector.load %arg6[%get3A_20, %get3A_21] : memref<1x128xf32, #tpu.memory_space<vmem>>, vector<1x128xf32>
    %add3A_23 = vector.broadcast %get3A_22 : vector<1x128xf32> to vector<2048x128xf32>
    %add3A_24 = arith.addf %dot_general3A_19, %add3A_23 : vector<2048x128xf32>
    %swap3A_25 = arith.constant 0 : index
    %swap3A_26 = arith.constant 0 : index
    %swap3A_27 = vector.load %arg8[%swap3A_25, %swap3A_26] : memref<2048x128xf32, #tpu.memory_space<vmem>>, vector<2048x128xf32>
    tpu.vector_store %arg8[%swap3A_25, %swap3A_26], %add3A_24 {strides = array<i32>} : memref<2048x128xf32, #tpu.memory_space<vmem>>, vector<2048x128xf32>,
    return
  }
  func.func @transform_0(%arg0: i32) -> (i32, i32) {
    %c0_i32 = arith.constant 0 : i32
    %c0_i32_0 = arith.constant 0 : i32
    return %arg0, %c0_i32 : i32, i32
  }
  func.func @transform_1(%arg0: i32) -> (i32, i32) {
    %c0_i32 = arith.constant 0 : i32
    %c0_i32_0 = arith.constant 0 : i32
    return %arg0, %c0_i32 : i32, i32
  }
  func.func @transform_2(%arg0: i32) -> (i32, i32) {
    %c0_i32 = arith.constant 0 : i32
    %c0_i32_0 = arith.constant 0 : i32
    %c0_i32_1 = arith.constant 0 : i32
    return %c0_i32, %c0_i32_0 : i32, i32
  }
  func.func @transform_3(%arg0: i32) -> (i32, i32) {
    %c0_i32 = arith.constant 0 : i32
    %c0_i32_0 = arith.constant 0 : i32
    %c0_i32_1 = arith.constant 0 : i32
    return %c0_i32, %c0_i32_0 : i32, i32
  }
  func.func @transform_4(%arg0: i32) -> (i32, i32) {
    %c0_i32 = arith.constant 0 : i32
    %c0_i32_0 = arith.constant 0 : i32
    %c0_i32_1 = arith.constant 0 : i32
    return %c0_i32, %c0_i32_0 : i32, i32
  }
  func.func @transform_5(%arg0: i32) -> (i32, i32) {
    %c0_i32 = arith.constant 0 : i32
    %c0_i32_0 = arith.constant 0 : i32
    %c0_i32_1 = arith.constant 0 : i32
    return %c0_i32, %c0_i32_0 : i32, i32
  }
  func.func @transform_6(%arg0: i32) -> (i32, i32) {
    %c0_i32 = arith.constant 0 : i32
    %c0_i32_0 = arith.constant 0 : i32
    return %arg0, %c0_i32 : i32, i32
  }
  func.func @transform_7(%arg0: i32) -> (i32, i32) {
    %c0_i32 = arith.constant 0 : i32
    %c0_i32_0 = arith.constant 0 : i32
    return %arg0, %c0_i32 : i32, i32
  }
}

module attributes {stable_mosaic.version = 14 : i64} {
  func.func @_post_body(%arg0: i32, %arg1: memref<2048x128xf32, #tpu.memory_space<vmem>>, %arg2: memref<2048x128xf32, #tpu.memory_space<vmem>>, %arg3: memref<1x1x2048x128xf32, #tpu.memory_space<vmem>>, %arg4: memref<1x1x2048x128xf32, #tpu.memory_space<vmem>>, %arg5: memref<1x1x2048x128xf32, #tpu.memory_space<vmem>>, %arg6: memref<1x1x2048x128xf32, #tpu.memory_space<vmem>>, %arg7: memref<1x32x2048xf32, #tpu.memory_space<vmem>>, %arg8: memref<1x32x2048xf32, #tpu.memory_space<vmem>>, %arg9: memref<128x128xf32, #tpu.memory_space<vmem>>, %arg10: memref<1x128xf32, #tpu.memory_space<vmem>>, %arg11: memref<128x128xf32, #tpu.memory_space<vmem>>, %arg12: memref<1x128xf32, #tpu.memory_space<vmem>>, %arg13: memref<1x128xf32, #tpu.memory_space<vmem>>, %arg14: memref<128x128xf32, #tpu.memory_space<vmem>>, %arg15: memref<1x128xf32, #tpu.memory_space<vmem>>, %arg16: memref<128x128xf32, #tpu.memory_space<vmem>>, %arg17: memref<1x128xf32, #tpu.memory_space<vmem>>, %arg18: memref<1x128xf32, #tpu.memory_space<vmem>>, %arg19: memref<2048x128xf32, #tpu.memory_space<vmem>>, %arg20: memref<2048x128xf32, #tpu.memory_space<vmem>>) attributes {dimension_semantics = [#tpu.dimension_semantics<arbitrary>], iteration_bounds = array<i64: 5>, scalar_prefetch = 0 : i64, scratch_operands = 0 : i64, tpu.core_type = #tpu.core_type<tc>, window_params = [{transform_indices = @transform_0, window_bounds = array<i64: 2048, 128>}, {transform_indices = @transform_1, window_bounds = array<i64: 2048, 128>}, {transform_indices = @transform_2, window_bounds = array<i64: 1, 1, 2048, 128>}, {transform_indices = @transform_3, window_bounds = array<i64: 1, 1, 2048, 128>}, {transform_indices = @transform_4, window_bounds = array<i64: 1, 1, 2048, 128>}, {transform_indices = @transform_5, window_bounds = array<i64: 1, 1, 2048, 128>}, {transform_indices = @transform_6, window_bounds = array<i64: 1, 32, 2048>}, {transform_indices = @transform_7, window_bounds = array<i64: 1, 32, 2048>}, {pipeline_mode = #tpu.pipeline_mode<synchronous>, transform_indices = @transform_8, window_bounds = array<i64: 128, 128>}, {pipeline_mode = #tpu.pipeline_mode<synchronous>, transform_indices = @transform_9, window_bounds = array<i64: 1, 128>}, {pipeline_mode = #tpu.pipeline_mode<synchronous>, transform_indices = @transform_10, window_bounds = array<i64: 128, 128>}, {pipeline_mode = #tpu.pipeline_mode<synchronous>, transform_indices = @transform_11, window_bounds = array<i64: 1, 128>}, {pipeline_mode = #tpu.pipeline_mode<synchronous>, transform_indices = @transform_12, window_bounds = array<i64: 1, 128>}, {pipeline_mode = #tpu.pipeline_mode<synchronous>, transform_indices = @transform_13, window_bounds = array<i64: 128, 128>}, {pipeline_mode = #tpu.pipeline_mode<synchronous>, transform_indices = @transform_14, window_bounds = array<i64: 1, 128>}, {pipeline_mode = #tpu.pipeline_mode<synchronous>, transform_indices = @transform_15, window_bounds = array<i64: 128, 128>}, {pipeline_mode = #tpu.pipeline_mode<synchronous>, transform_indices = @transform_16, window_bounds = array<i64: 1, 128>}, {pipeline_mode = #tpu.pipeline_mode<synchronous>, transform_indices = @transform_17, window_bounds = array<i64: 1, 128>}, {transform_indices = @transform_18, window_bounds = array<i64: 2048, 128>}, {transform_indices = @transform_19, window_bounds = array<i64: 2048, 128>}]} {
    %get3A = arith.constant 0 : index
    %get3A_0 = arith.constant 0 : index
    %get3A_1 = vector.load %arg1[%get3A, %get3A_0] : memref<2048x128xf32, #tpu.memory_space<vmem>>, vector<2048x128xf32>
    %get3A_2 = arith.constant 0 : index
    %get3A_3 = arith.constant 0 : index
    %get3A_4 = vector.load %arg9[%get3A_2, %get3A_3] : memref<128x128xf32, #tpu.memory_space<vmem>>, vector<128x128xf32>
    %get3A_5 = arith.constant 0 : index
    %get3A_6 = arith.constant 0 : index
    %get3A_7 = vector.load %arg10[%get3A_5, %get3A_6] : memref<1x128xf32, #tpu.memory_space<vmem>>, vector<1x128xf32>
    %get3A_8 = arith.constant 0 : index
    %get3A_9 = arith.constant 0 : index
    %get3A_10 = vector.load %arg11[%get3A_8, %get3A_9] : memref<128x128xf32, #tpu.memory_space<vmem>>, vector<128x128xf32>
    %get3A_11 = arith.constant 0 : index
    %get3A_12 = arith.constant 0 : index
    %get3A_13 = vector.load %arg12[%get3A_11, %get3A_12] : memref<1x128xf32, #tpu.memory_space<vmem>>, vector<1x128xf32>
    %get3A_14 = arith.constant 0 : index
    %get3A_15 = arith.constant 0 : index
    %get3A_16 = vector.load %arg13[%get3A_14, %get3A_15] : memref<1x128xf32, #tpu.memory_space<vmem>>, vector<1x128xf32>
    %get3A_17 = arith.constant 0 : index
    %get3A_18 = arith.constant 0 : index
    %get3A_19 = arith.constant 0 : index
    %get3A_20 = arith.constant 0 : index
    %get3A_21 = vector.load %arg3[%get3A_17, %get3A_18, %get3A_19, %get3A_20] : memref<1x1x2048x128xf32, #tpu.memory_space<vmem>>, vector<1x1x2048x128xf32>
    %get3A_22 = vector.shape_cast %get3A_21 : vector<1x1x2048x128xf32> to vector<2048x128xf32>
    %get3A_23 = arith.constant 0 : index
    %get3A_24 = arith.constant 0 : index
    %get3A_25 = arith.constant 0 : index
    %get3A_26 = arith.constant 0 : index
    %get3A_27 = vector.load %arg4[%get3A_23, %get3A_24, %get3A_25, %get3A_26] : memref<1x1x2048x128xf32, #tpu.memory_space<vmem>>, vector<1x1x2048x128xf32>
    %get3A_28 = vector.shape_cast %get3A_27 : vector<1x1x2048x128xf32> to vector<2048x128xf32>
    %add3A = arith.addf %get3A_22, %get3A_28 : vector<2048x128xf32>
    %get3A_29 = arith.constant 0 : index
    %get3A_30 = arith.constant 0 : index
    %get3A_31 = arith.constant 0 : index
    %get3A_32 = vector.load %arg7[%get3A_29, %get3A_30, %get3A_31] : memref<1x32x2048xf32, #tpu.memory_space<vmem>>, vector<1x32x2048xf32>
    %get3A_33 = vector.shape_cast %get3A_32 : vector<1x32x2048xf32> to vector<32x2048xf32>
    %reduce_sum3A = arith.constant dense<0.000000e+00> : vector<2048xf32>
    %reduce_sum3A_34 = vector.multi_reduction <add>, %get3A_33, %reduce_sum3A [0] : vector<32x2048xf32> to vector<2048xf32>
    %broadcast_in_dim3A = vector.shape_cast %reduce_sum3A_34 : vector<2048xf32> to vector<2048x1xf32>
    %max3A = arith.constant 1.000000e+00 : f32
    %max3A_35 = vector.broadcast %max3A : f32 to vector<2048x1xf32>
    %max3A_36 = arith.maximumf %broadcast_in_dim3A, %max3A_35 : vector<2048x1xf32>
    %div3A = vector.broadcast %max3A_36 : vector<2048x1xf32> to vector<2048x128xf32>
    %div3A_37 = arith.divf %add3A, %div3A : vector<2048x128xf32>
    %dot_general3A = arith.constant dense<0.000000e+00> : vector<2048x128xf32>
    %dot_general3A_38 = tpu.matmul %div3A_37, %get3A_4, %dot_general3A {dimension_numbers = #tpu.dot_dimension_numbers<[1], [1], [0], [0], [0, 0, 1, 0], [], []>, transpose_lhs_hint = false} : vector<2048x128xf32>, vector<128x128xf32>, vector<2048x128xf32> -> vector<2048x128xf32>
    %add3A_39 = vector.broadcast %get3A_7 : vector<1x128xf32> to vector<2048x128xf32>
    %add3A_40 = arith.addf %dot_general3A_38, %add3A_39 : vector<2048x128xf32>
    %dot_general3A_41 = arith.constant dense<0.000000e+00> : vector<2048x128xf32>
    %dot_general3A_42 = tpu.matmul %get3A_1, %get3A_10, %dot_general3A_41 {dimension_numbers = #tpu.dot_dimension_numbers<[1], [1], [0], [0], [0, 0, 1, 0], [], []>, transpose_lhs_hint = false} : vector<2048x128xf32>, vector<128x128xf32>, vector<2048x128xf32> -> vector<2048x128xf32>
    %add3A_43 = arith.addf %add3A_40, %dot_general3A_42 : vector<2048x128xf32>
    %mul3A = arith.mulf %add3A_43, %add3A_43 : vector<2048x128xf32>
    %reduce_sum3A_44 = arith.constant dense<0.000000e+00> : vector<2048xf32>
    %reduce_sum3A_45 = vector.multi_reduction <add>, %mul3A, %reduce_sum3A_44 [1] : vector<2048x128xf32> to vector<2048xf32>
    %broadcast_in_dim3A_46 = vector.shape_cast %reduce_sum3A_45 : vector<2048xf32> to vector<2048x1xf32>
    %sqrt3A = math.sqrt %broadcast_in_dim3A_46 : vector<2048x1xf32>
    %max3A_47 = arith.constant 9.99999996E-13 : f32
    %max3A_48 = vector.broadcast %max3A_47 : f32 to vector<2048x1xf32>
    %max3A_49 = arith.maximumf %sqrt3A, %max3A_48 : vector<2048x1xf32>
    %div3A_50 = vector.broadcast %max3A_49 : vector<2048x1xf32> to vector<2048x128xf32>
    %div3A_51 = arith.divf %add3A_43, %div3A_50 : vector<2048x128xf32>
    %add3A_52 = arith.addf %get3A_1, %div3A_51 : vector<2048x128xf32>
    %reduce_sum3A_53 = arith.constant dense<0.000000e+00> : vector<2048xf32>
    %reduce_sum3A_54 = vector.multi_reduction <add>, %add3A_52, %reduce_sum3A_53 [1] : vector<2048x128xf32> to vector<2048xf32>
    %broadcast_in_dim3A_55 = vector.shape_cast %reduce_sum3A_54 : vector<2048xf32> to vector<2048x1xf32>
    %div3A_56 = arith.constant 1.280000e+02 : f32
    %div3A_57 = vector.broadcast %div3A_56 : f32 to vector<2048x1xf32>
    %div3A_58 = arith.divf %broadcast_in_dim3A_55, %div3A_57 : vector<2048x1xf32>
    %sub3A = vector.broadcast %div3A_58 : vector<2048x1xf32> to vector<2048x128xf32>
    %sub3A_59 = arith.subf %add3A_52, %sub3A : vector<2048x128xf32>
    %integer_pow3A = arith.mulf %sub3A_59, %sub3A_59 : vector<2048x128xf32>
    %reduce_sum3A_60 = arith.constant dense<0.000000e+00> : vector<2048xf32>
    %reduce_sum3A_61 = vector.multi_reduction <add>, %integer_pow3A, %reduce_sum3A_60 [1] : vector<2048x128xf32> to vector<2048xf32>
    %broadcast_in_dim3A_62 = vector.shape_cast %reduce_sum3A_61 : vector<2048xf32> to vector<2048x1xf32>
    %div3A_63 = arith.constant 1.280000e+02 : f32
    %div3A_64 = vector.broadcast %div3A_63 : f32 to vector<2048x1xf32>
    %div3A_65 = arith.divf %broadcast_in_dim3A_62, %div3A_64 : vector<2048x1xf32>
    %sub3A_66 = vector.broadcast %div3A_58 : vector<2048x1xf32> to vector<2048x128xf32>
    %sub3A_67 = arith.subf %add3A_52, %sub3A_66 : vector<2048x128xf32>
    %add3A_68 = arith.constant 9.99999974E-6 : f32
    %add3A_69 = vector.broadcast %add3A_68 : f32 to vector<2048x1xf32>
    %add3A_70 = arith.addf %div3A_65, %add3A_69 : vector<2048x1xf32>
    %sqrt3A_71 = math.sqrt %add3A_70 : vector<2048x1xf32>
    %div3A_72 = vector.broadcast %sqrt3A_71 : vector<2048x1xf32> to vector<2048x128xf32>
    %div3A_73 = arith.divf %sub3A_67, %div3A_72 : vector<2048x128xf32>
    %mul3A_74 = vector.broadcast %get3A_13 : vector<1x128xf32> to vector<2048x128xf32>
    %mul3A_75 = arith.mulf %div3A_73, %mul3A_74 : vector<2048x128xf32>
    %add3A_76 = vector.broadcast %get3A_16 : vector<1x128xf32> to vector<2048x128xf32>
    %add3A_77 = arith.addf %mul3A_75, %add3A_76 : vector<2048x128xf32>
    %swap3A = arith.constant 0 : index
    %swap3A_78 = arith.constant 0 : index
    %swap3A_79 = vector.load %arg19[%swap3A, %swap3A_78] : memref<2048x128xf32, #tpu.memory_space<vmem>>, vector<2048x128xf32>
    tpu.vector_store %arg19[%swap3A, %swap3A_78], %add3A_77 {strides = array<i32>} : memref<2048x128xf32, #tpu.memory_space<vmem>>, vector<2048x128xf32>,
    %get3A_80 = arith.constant 0 : index
    %get3A_81 = arith.constant 0 : index
    %get3A_82 = vector.load %arg2[%get3A_80, %get3A_81] : memref<2048x128xf32, #tpu.memory_space<vmem>>, vector<2048x128xf32>
    %get3A_83 = arith.constant 0 : index
    %get3A_84 = arith.constant 0 : index
    %get3A_85 = vector.load %arg14[%get3A_83, %get3A_84] : memref<128x128xf32, #tpu.memory_space<vmem>>, vector<128x128xf32>
    %get3A_86 = arith.constant 0 : index
    %get3A_87 = arith.constant 0 : index
    %get3A_88 = vector.load %arg15[%get3A_86, %get3A_87] : memref<1x128xf32, #tpu.memory_space<vmem>>, vector<1x128xf32>
    %get3A_89 = arith.constant 0 : index
    %get3A_90 = arith.constant 0 : index
    %get3A_91 = vector.load %arg16[%get3A_89, %get3A_90] : memref<128x128xf32, #tpu.memory_space<vmem>>, vector<128x128xf32>
    %get3A_92 = arith.constant 0 : index
    %get3A_93 = arith.constant 0 : index
    %get3A_94 = vector.load %arg17[%get3A_92, %get3A_93] : memref<1x128xf32, #tpu.memory_space<vmem>>, vector<1x128xf32>
    %get3A_95 = arith.constant 0 : index
    %get3A_96 = arith.constant 0 : index
    %get3A_97 = vector.load %arg18[%get3A_95, %get3A_96] : memref<1x128xf32, #tpu.memory_space<vmem>>, vector<1x128xf32>
    %get3A_98 = arith.constant 0 : index
    %get3A_99 = arith.constant 0 : index
    %get3A_100 = arith.constant 0 : index
    %get3A_101 = arith.constant 0 : index
    %get3A_102 = vector.load %arg5[%get3A_98, %get3A_99, %get3A_100, %get3A_101] : memref<1x1x2048x128xf32, #tpu.memory_space<vmem>>, vector<1x1x2048x128xf32>
    %get3A_103 = vector.shape_cast %get3A_102 : vector<1x1x2048x128xf32> to vector<2048x128xf32>
    %get3A_104 = arith.constant 0 : index
    %get3A_105 = arith.constant 0 : index
    %get3A_106 = arith.constant 0 : index
    %get3A_107 = arith.constant 0 : index
    %get3A_108 = vector.load %arg6[%get3A_104, %get3A_105, %get3A_106, %get3A_107] : memref<1x1x2048x128xf32, #tpu.memory_space<vmem>>, vector<1x1x2048x128xf32>
    %get3A_109 = vector.shape_cast %get3A_108 : vector<1x1x2048x128xf32> to vector<2048x128xf32>
    %add3A_110 = arith.addf %get3A_103, %get3A_109 : vector<2048x128xf32>
    %get3A_111 = arith.constant 0 : index
    %get3A_112 = arith.constant 0 : index
    %get3A_113 = arith.constant 0 : index
    %get3A_114 = vector.load %arg8[%get3A_111, %get3A_112, %get3A_113] : memref<1x32x2048xf32, #tpu.memory_space<vmem>>, vector<1x32x2048xf32>
    %get3A_115 = vector.shape_cast %get3A_114 : vector<1x32x2048xf32> to vector<32x2048xf32>
    %reduce_sum3A_116 = arith.constant dense<0.000000e+00> : vector<2048xf32>
    %reduce_sum3A_117 = vector.multi_reduction <add>, %get3A_115, %reduce_sum3A_116 [0] : vector<32x2048xf32> to vector<2048xf32>
    %broadcast_in_dim3A_118 = vector.shape_cast %reduce_sum3A_117 : vector<2048xf32> to vector<2048x1xf32>
    %max3A_119 = arith.constant 1.000000e+00 : f32
    %max3A_120 = vector.broadcast %max3A_119 : f32 to vector<2048x1xf32>
    %max3A_121 = arith.maximumf %broadcast_in_dim3A_118, %max3A_120 : vector<2048x1xf32>
    %div3A_122 = vector.broadcast %max3A_121 : vector<2048x1xf32> to vector<2048x128xf32>
    %div3A_123 = arith.divf %add3A_110, %div3A_122 : vector<2048x128xf32>
    %dot_general3A_124 = arith.constant dense<0.000000e+00> : vector<2048x128xf32>
    %dot_general3A_125 = tpu.matmul %div3A_123, %get3A_85, %dot_general3A_124 {dimension_numbers = #tpu.dot_dimension_numbers<[1], [1], [0], [0], [0, 0, 1, 0], [], []>, transpose_lhs_hint = false} : vector<2048x128xf32>, vector<128x128xf32>, vector<2048x128xf32> -> vector<2048x128xf32>
    %add3A_126 = vector.broadcast %get3A_88 : vector<1x128xf32> to vector<2048x128xf32>
    %add3A_127 = arith.addf %dot_general3A_125, %add3A_126 : vector<2048x128xf32>
    %dot_general3A_128 = arith.constant dense<0.000000e+00> : vector<2048x128xf32>
    %dot_general3A_129 = tpu.matmul %get3A_82, %get3A_91, %dot_general3A_128 {dimension_numbers = #tpu.dot_dimension_numbers<[1], [1], [0], [0], [0, 0, 1, 0], [], []>, transpose_lhs_hint = false} : vector<2048x128xf32>, vector<128x128xf32>, vector<2048x128xf32> -> vector<2048x128xf32>
    %add3A_130 = arith.addf %add3A_127, %dot_general3A_129 : vector<2048x128xf32>
    %mul3A_131 = arith.mulf %add3A_130, %add3A_130 : vector<2048x128xf32>
    %reduce_sum3A_132 = arith.constant dense<0.000000e+00> : vector<2048xf32>
    %reduce_sum3A_133 = vector.multi_reduction <add>, %mul3A_131, %reduce_sum3A_132 [1] : vector<2048x128xf32> to vector<2048xf32>
    %broadcast_in_dim3A_134 = vector.shape_cast %reduce_sum3A_133 : vector<2048xf32> to vector<2048x1xf32>
    %sqrt3A_135 = math.sqrt %broadcast_in_dim3A_134 : vector<2048x1xf32>
    %max3A_136 = arith.constant 9.99999996E-13 : f32
    %max3A_137 = vector.broadcast %max3A_136 : f32 to vector<2048x1xf32>
    %max3A_138 = arith.maximumf %sqrt3A_135, %max3A_137 : vector<2048x1xf32>
    %div3A_139 = vector.broadcast %max3A_138 : vector<2048x1xf32> to vector<2048x128xf32>
    %div3A_140 = arith.divf %add3A_130, %div3A_139 : vector<2048x128xf32>
    %add3A_141 = arith.addf %get3A_82, %div3A_140 : vector<2048x128xf32>
    %reduce_sum3A_142 = arith.constant dense<0.000000e+00> : vector<2048xf32>
    %reduce_sum3A_143 = vector.multi_reduction <add>, %add3A_141, %reduce_sum3A_142 [1] : vector<2048x128xf32> to vector<2048xf32>
    %broadcast_in_dim3A_144 = vector.shape_cast %reduce_sum3A_143 : vector<2048xf32> to vector<2048x1xf32>
    %div3A_145 = arith.constant 1.280000e+02 : f32
    %div3A_146 = vector.broadcast %div3A_145 : f32 to vector<2048x1xf32>
    %div3A_147 = arith.divf %broadcast_in_dim3A_144, %div3A_146 : vector<2048x1xf32>
    %sub3A_148 = vector.broadcast %div3A_147 : vector<2048x1xf32> to vector<2048x128xf32>
    %sub3A_149 = arith.subf %add3A_141, %sub3A_148 : vector<2048x128xf32>
    %integer_pow3A_150 = arith.mulf %sub3A_149, %sub3A_149 : vector<2048x128xf32>
    %reduce_sum3A_151 = arith.constant dense<0.000000e+00> : vector<2048xf32>
    %reduce_sum3A_152 = vector.multi_reduction <add>, %integer_pow3A_150, %reduce_sum3A_151 [1] : vector<2048x128xf32> to vector<2048xf32>
    %broadcast_in_dim3A_153 = vector.shape_cast %reduce_sum3A_152 : vector<2048xf32> to vector<2048x1xf32>
    %div3A_154 = arith.constant 1.280000e+02 : f32
    %div3A_155 = vector.broadcast %div3A_154 : f32 to vector<2048x1xf32>
    %div3A_156 = arith.divf %broadcast_in_dim3A_153, %div3A_155 : vector<2048x1xf32>
    %sub3A_157 = vector.broadcast %div3A_147 : vector<2048x1xf32> to vector<2048x128xf32>
    %sub3A_158 = arith.subf %add3A_141, %sub3A_157 : vector<2048x128xf32>
    %add3A_159 = arith.constant 9.99999974E-6 : f32
    %add3A_160 = vector.broadcast %add3A_159 : f32 to vector<2048x1xf32>
    %add3A_161 = arith.addf %div3A_156, %add3A_160 : vector<2048x1xf32>
    %sqrt3A_162 = math.sqrt %add3A_161 : vector<2048x1xf32>
    %div3A_163 = vector.broadcast %sqrt3A_162 : vector<2048x1xf32> to vector<2048x128xf32>
    %div3A_164 = arith.divf %sub3A_158, %div3A_163 : vector<2048x128xf32>
    %mul3A_165 = vector.broadcast %get3A_94 : vector<1x128xf32> to vector<2048x128xf32>
    %mul3A_166 = arith.mulf %div3A_164, %mul3A_165 : vector<2048x128xf32>
    %add3A_167 = vector.broadcast %get3A_97 : vector<1x128xf32> to vector<2048x128xf32>
    %add3A_168 = arith.addf %mul3A_166, %add3A_167 : vector<2048x128xf32>
    %swap3A_169 = arith.constant 0 : index
    %swap3A_170 = arith.constant 0 : index
    %swap3A_171 = vector.load %arg20[%swap3A_169, %swap3A_170] : memref<2048x128xf32, #tpu.memory_space<vmem>>, vector<2048x128xf32>
    tpu.vector_store %arg20[%swap3A_169, %swap3A_170], %add3A_168 {strides = array<i32>} : memref<2048x128xf32, #tpu.memory_space<vmem>>, vector<2048x128xf32>,
    return
  }
  func.func @transform_0(%arg0: i32) -> (i32, i32) {
    %c0_i32 = arith.constant 0 : i32
    %c0_i32_0 = arith.constant 0 : i32
    return %arg0, %c0_i32 : i32, i32
  }
  func.func @transform_1(%arg0: i32) -> (i32, i32) {
    %c0_i32 = arith.constant 0 : i32
    %c0_i32_0 = arith.constant 0 : i32
    return %arg0, %c0_i32 : i32, i32
  }
  func.func @transform_2(%arg0: i32) -> (i32, i32, i32, i32) {
    %c1_i32 = arith.constant 1 : i32
    %c0_i32 = arith.constant 0 : i32
    %c0_i32_0 = arith.constant 0 : i32
    %c0_i32_1 = arith.constant 0 : i32
    return %c1_i32, %c0_i32, %arg0, %c0_i32_0 : i32, i32, i32, i32
  }
  func.func @transform_3(%arg0: i32) -> (i32, i32, i32, i32) {
    %c1_i32 = arith.constant 1 : i32
    %c1_i32_0 = arith.constant 1 : i32
    %c0_i32 = arith.constant 0 : i32
    %c0_i32_1 = arith.constant 0 : i32
    return %c1_i32, %c1_i32_0, %arg0, %c0_i32 : i32, i32, i32, i32
  }
  func.func @transform_4(%arg0: i32) -> (i32, i32, i32, i32) {
    %c0_i32 = arith.constant 0 : i32
    %c0_i32_0 = arith.constant 0 : i32
    %c0_i32_1 = arith.constant 0 : i32
    %c0_i32_2 = arith.constant 0 : i32
    return %c0_i32, %c0_i32_0, %arg0, %c0_i32_1 : i32, i32, i32, i32
  }
  func.func @transform_5(%arg0: i32) -> (i32, i32, i32, i32) {
    %c0_i32 = arith.constant 0 : i32
    %c1_i32 = arith.constant 1 : i32
    %c0_i32_0 = arith.constant 0 : i32
    %c0_i32_1 = arith.constant 0 : i32
    return %c0_i32, %c1_i32, %arg0, %c0_i32_0 : i32, i32, i32, i32
  }
  func.func @transform_6(%arg0: i32) -> (i32, i32, i32) {
    %c1_i32 = arith.constant 1 : i32
    %c0_i32 = arith.constant 0 : i32
    %c0_i32_0 = arith.constant 0 : i32
    return %c1_i32, %c0_i32, %arg0 : i32, i32, i32
  }
  func.func @transform_7(%arg0: i32) -> (i32, i32, i32) {
    %c0_i32 = arith.constant 0 : i32
    %c0_i32_0 = arith.constant 0 : i32
    %c0_i32_1 = arith.constant 0 : i32
    return %c0_i32, %c0_i32_0, %arg0 : i32, i32, i32
  }
  func.func @transform_8(%arg0: i32) -> (i32, i32) {
    %c0_i32 = arith.constant 0 : i32
    %c0_i32_0 = arith.constant 0 : i32
    %c0_i32_1 = arith.constant 0 : i32
    return %c0_i32, %c0_i32_0 : i32, i32
  }
  func.func @transform_9(%arg0: i32) -> (i32, i32) {
    %c0_i32 = arith.constant 0 : i32
    %c0_i32_0 = arith.constant 0 : i32
    %c0_i32_1 = arith.constant 0 : i32
    return %c0_i32, %c0_i32_0 : i32, i32
  }
  func.func @transform_10(%arg0: i32) -> (i32, i32) {
    %c0_i32 = arith.constant 0 : i32
    %c0_i32_0 = arith.constant 0 : i32
    %c0_i32_1 = arith.constant 0 : i32
    return %c0_i32, %c0_i32_0 : i32, i32
  }
  func.func @transform_11(%arg0: i32) -> (i32, i32) {
    %c0_i32 = arith.constant 0 : i32
    %c0_i32_0 = arith.constant 0 : i32
    %c0_i32_1 = arith.constant 0 : i32
    return %c0_i32, %c0_i32_0 : i32, i32
  }
  func.func @transform_12(%arg0: i32) -> (i32, i32) {
    %c0_i32 = arith.constant 0 : i32
    %c0_i32_0 = arith.constant 0 : i32
    %c0_i32_1 = arith.constant 0 : i32
    return %c0_i32, %c0_i32_0 : i32, i32
  }
  func.func @transform_13(%arg0: i32) -> (i32, i32) {
    %c0_i32 = arith.constant 0 : i32
    %c0_i32_0 = arith.constant 0 : i32
    %c0_i32_1 = arith.constant 0 : i32
    return %c0_i32, %c0_i32_0 : i32, i32
  }
  func.func @transform_14(%arg0: i32) -> (i32, i32) {
    %c0_i32 = arith.constant 0 : i32
    %c0_i32_0 = arith.constant 0 : i32
    %c0_i32_1 = arith.constant 0 : i32
    return %c0_i32, %c0_i32_0 : i32, i32
  }
  func.func @transform_15(%arg0: i32) -> (i32, i32) {
    %c0_i32 = arith.constant 0 : i32
    %c0_i32_0 = arith.constant 0 : i32
    %c0_i32_1 = arith.constant 0 : i32
    return %c0_i32, %c0_i32_0 : i32, i32
  }
  func.func @transform_16(%arg0: i32) -> (i32, i32) {
    %c0_i32 = arith.constant 0 : i32
    %c0_i32_0 = arith.constant 0 : i32
    %c0_i32_1 = arith.constant 0 : i32
    return %c0_i32, %c0_i32_0 : i32, i32
  }
  func.func @transform_17(%arg0: i32) -> (i32, i32) {
    %c0_i32 = arith.constant 0 : i32
    %c0_i32_0 = arith.constant 0 : i32
    %c0_i32_1 = arith.constant 0 : i32
    return %c0_i32, %c0_i32_0 : i32, i32
  }
  func.func @transform_18(%arg0: i32) -> (i32, i32) {
    %c0_i32 = arith.constant 0 : i32
    %c0_i32_0 = arith.constant 0 : i32
    return %arg0, %c0_i32 : i32, i32
  }
  func.func @transform_19(%arg0: i32) -> (i32, i32) {
    %c0_i32 = arith.constant 0 : i32
    %c0_i32_0 = arith.constant 0 : i32
    return %arg0, %c0_i32 : i32, i32
  }
}

</mosaic_0001>

<sc_bundles>
// kernel: kernel.5.cloned.1.call-start
scs
__scs_entry_jumppad:
0x0: {  	(pc) =	sbr.rel $0x88, $3  }
0x1: {  	(tag) =	ssettag $0x0;
	lr =	simm.s32 $0x1  }
0x2: {  	[smem:$0x3F8F] =	sst lr;
	_ =	strace $0xD0000000  }
0x3: {  	_ = 	snop  }
0x4: {  	_ = 	snop  }
0x5: {  	_ = 	snop  }
0x6: {  	_ = 	snop  }
0x7: {  	_ = 	snop  }
__scs_overlays_trampoline_lowered:
0x8: {  	[smem:$0x3F9E] =	sst s0  }
0x9: {  	[smem:$0x3F9F] =	sst s1  }
0xa: {  	[smem:$0x3FA0] =	sst s2  }
0xb: {  	[smem:$0x3FA1] =	sst s3  }
0xc: {  	[smem:$0x3FA2] =	sst s4  }
0xd: {  	[smem:$0x3FA3] =	sst s5  }
0xe: {  	[smem:$0x3FA4] =	sst s6  }
0xf: {  	[smem:$0x3FA5] =	sst s7  }
0x10: {  	[smem:$0x3FA6] =	sst s8  }
0x11: {  	[smem:$0x3FA7] =	sst s9;
	s0 =	simm.s32 @!p0 $0x0  }
0x12: {  	s1 =	sld [smem:$0x3F8D];
	s0 =	simm.s32 @p0 $0x1  }
0x13: {  	[smem:$0x3FA8] =	sst s0;
	s0 =	simm.s32 @!p1 $0x0  }
0x14: {  	s2 =	sld [smem:$0x3F8C];
	s0 =	simm.s32 @p1 $0x1  }
0x15: {  	[smem:$0x3FA9] =	sst s0;
	s0 =	simm.s32 @!p2 $0x0  }
0x16: {  	s3 =	sld [smem:$0x3FDB];
	s0 =	simm.s32 @p2 $0x1  }
0x17: {  	s4 =	simm.s32 $0x1BF5;
	[smem:$0x3FAB] =	sst s0  }
0x18: {  	s0 =	sld [smem:$0x3F8E];
	_ =	swait.ge [sflag:s4], $0x0  }
0x19: {  	s7 =	sld [smem:$0x3F8F]  }
0x1a: {  	s8 =	sadd.s32 $0xFFFFE003, lr  }
0x1b: {  	s9 =	sadd.s32 $0xFFFFFEF7, lr;
	s5 =	simm.s32 $0xFFFFFFFF;
	p2 =	slt.u32 s8, $0xFFFFF086  }
0x1c: {  	p1 =	slt.u32 s9, $0xF7A;
	s5 =	simm.s32 @!p2 $0x0  }
0x1d: {  	s5 =	simm.s32 @p1 $0x1;
	p0 =	seq.s32 s7, s2  }
0x1e: {  	s7 =	smul.u32 @!p0 $0xF7A, s2;
	p2 =	seq.s32 @!p0 s5, $0x0  }
0x1f: {  	s9 =	smul.u32 $0xF7A, s1;
	s8 =	simm.s32 @!p0 $0x1BF5;
	p2 =	por !p2, p0  }
0x20: {  	[sflag:s8] =	ssyncset.s32 @!p0 $0xFFFFF086;
	s6 =	sadd.s32 @!p0 s3, s7;
	s7 =	simm.s32 @!p0 $0x108  }
0x21: {  	s3 =	sadd.s32 s3, s9;
	s6 =	sadd.s32 @!p0 $0x88, s6;
	s7 =	simm.s32 @p2 $0x1082  }
0x22: {  	[simem:s7], [sflag:s8] =	dma.local @!p0 [hbm:s6], $0xF7A  }
0x23: {  	s9 =	sor.u32 $0xD0000000, s2;
	s6 =	simm.s32 $0x108;
	_ =	swait.ge @!p0 [sflag:s8], $0x0  }
0x24: {  	s3 =	sadd.s32 $0x88, s3;
	s6 =	simm.s32 @!p1 $0x1082;
	[sflag:s4] =	ssyncset.s32 $0xFFFFF086  }
0x25: {  	[simem:s6], [sflag:s4] =	dma.local [hbm:s3], $0xF7A  }
0x26: {  	[smem:$0x3F8F] =	sst s1;
	(tag) =	ssettag s2;
	_ =	strace s9  }
0x27: {  	s1 =	sld [smem:$0x3F9F]  }
0x28: {  	s2 =	sld [smem:$0x3FA0]  }
0x29: {  	s4 =	sld [smem:$0x3FA2]  }
0x2a: {  	p0 =	seq.s32 s5, $0x0;
	s5 =	sld [smem:$0x3FA3]  }
0x2b: {  	s6 =	sld [smem:$0x3FA4]  }
0x2c: {  	s7 =	sld [smem:$0x3FA5]  }
0x2d: {  	s3 =	simm.s32 $0x108;
	s8 =	sld [smem:$0x3FA6]  }
0x2e: {  	s3 =	simm.s32 @!p0 $0x1082;
	s9 =	sld [smem:$0x3FA7]  }
0x2f: {  	lr =	sadd.s32 s0, s3;
	s0 =	sld [smem:$0x3F9E]  }
0x30: {  	s3 =	sld [smem:$0x3FA1]  }
0x31: {  	[smem:$0x3FAA] =	sst s10  }
0x32: {  	s10 =	sld [smem:$0x3FA8];
	_ =	sdelay $0x3  }
0x33: {  	p0 =	seq.s32 s10, $0x1;
	s10 =	sld [smem:$0x3FAA];
	_ =	sdelay $0x3  }
0x34: {  	[smem:$0x3FAA] =	sst s10  }
0x35: {  	s10 =	sld [smem:$0x3FA9];
	_ =	sdelay $0x3  }
0x36: {  	p1 =	seq.s32 s10, $0x1;
	s10 =	sld [smem:$0x3FAA];
	_ =	sdelay $0x3  }
0x37: {  	[smem:$0x3FAA] =	sst s10  }
0x38: {  	s10 =	sld [smem:$0x3FAB]  }
0x39: {  	_ = 	snop;
	(pc) =	sbr.ind lr, $3  }
0x3a: {  	_ = 	snop  }
0x3b: {  	_ = 	snop  }
0x3c: {  	p2 =	seq.s32 s10, $0x1;
	s10 =	sld [smem:$0x3FAA]  }
0x3d: {  	_ =	shalt  }
0x3e: {  	_ =	shalt  }
0x3f: {  	_ =	shalt  }
0x40: {  	_ =	shalt  }
0x41: {  	_ =	shalt  }
0x42: {  	_ =	shalt  }
0x43: {  	_ =	shalt  }
0x44: {  	_ =	shalt  }
0x45: {  	_ =	shalt  }
0x46: {  	_ =	shalt  }
0x47: {  	_ =	shalt  }
0x48: {  	_ =	shalt  }
0x49: {  	_ =	shalt  }
0x4a: {  	_ =	shalt  }
0x4b: {  	_ =	shalt  }
0x4c: {  	_ =	shalt  }
0x4d: {  	_ =	shalt  }
0x4e: {  	_ =	shalt  }
0x4f: {  	_ =	shalt  }
0x50: {  	_ =	shalt  }
0x51: {  	_ =	shalt  }
0x52: {  	_ =	shalt  }
0x53: {  	_ =	shalt  }
0x54: {  	_ =	shalt  }
0x55: {  	_ =	shalt  }
0x56: {  	_ =	shalt  }
0x57: {  	_ =	shalt  }
0x58: {  	_ =	shalt  }
0x59: {  	_ =	shalt  }
0x5a: {  	_ =	shalt  }
0x5b: {  	_ =	shalt  }
0x5c: {  	_ =	shalt  }
0x5d: {  	_ =	shalt  }
0x5e: {  	_ =	shalt  }
0x5f: {  	_ =	shalt  }
0x60: {  	_ =	shalt  }
0x61: {  	_ =	shalt  }
0x62: {  	_ =	shalt  }
0x63: {  	_ =	shalt  }
0x64: {  	_ =	shalt  }
0x65: {  	_ =	shalt  }
0x66: {  	_ =	shalt  }
0x67: {  	_ =	shalt  }
0x68: {  	_ =	shalt  }
0x69: {  	_ =	shalt  }
0x6a: {  	_ =	shalt  }
0x6b: {  	_ =	shalt  }
0x6c: {  	_ =	shalt  }
0x6d: {  	_ =	shalt  }
0x6e: {  	_ =	shalt  }
0x6f: {  	_ =	shalt  }
0x70: {  	_ =	shalt  }
0x71: {  	_ =	shalt  }
0x72: {  	_ =	shalt  }
0x73: {  	_ =	shalt  }
0x74: {  	_ =	shalt  }
0x75: {  	_ =	shalt  }
0x76: {  	_ =	shalt  }
0x77: {  	_ =	shalt  }
0x78: {  	_ =	shalt  }
0x79: {  	_ =	shalt  }
0x7a: {  	_ =	shalt  }
0x7b: {  	_ =	shalt  }
0x7c: {  	_ =	shalt  }
0x7d: {  	_ =	shalt  }
0x7e: {  	_ =	shalt  }
0x7f: {  	_ =	shalt  }
0x80: {  	_ =	shalt  }
0x81: {  	_ =	shalt  }
0x82: {  	_ =	shalt  }
0x83: {  	_ =	shalt  }
0x84: {  	_ =	shalt  }
0x85: {  	_ =	shalt  }
0x86: {  	_ =	shalt  }
0x87: {  	_ =	shalt  }
.Lfunc_end0:
.L_simem_size_0:
called_computation_lowered:
.L_overlay_start_0:
0x88: {  	s2 =	sld [smem:$0x3FD9]  }
0x89: {  	s3 =	sld [smem:$0x3FFE];
	_ =	sdelay $0x1  }
0x8a: {  	s1 =	srdreg.scid  }
0x8b: {  	s0 =	sand.u32 $0x1, s1  }
0x8c: {  	s14 =	sshll.u32 s0, $0xA;
	s2 =	sadd.s32 s3, s2  }
0x8d: {  	s2 =	sadd.s32 s2, s14  }
0x8e: {  	[smem:$0x3FB6] =	sst s2  }
0x8f: {  	_ = 	snop  }
0x90: {  	s2 =	sld [smem:$0x3FD0];
	_ =	sdelay $0x2  }
0x91: {  	s15 =	simm.s32 $0xA;
	s4 =	simm.s32 $0x10  }
0x92: {  	[smem:s4], [sflag:s15] =	dma.local [hbm:s2], $0x1  }
0x93: {  	_ =	swait.eq [sflag:s15], $0x1  }
0x94: {  	[sflag:s15] =	ssyncset.done $0x0  }
0x95: {  	s16 =	sld [smem:$0x10];
	[sflag:s15] =	ssyncadd.s32 $0xFFFFFFFF  }
0x96: {  	s17 =	sld [smem:$0x11];
	(tm) =	ssettm $0x1  }
0x97: {  	s18 =	sld [smem:$0x3FFB];
	_ =	sdelay $0x3  }
0x98: {  	_ =	strace s18  }
0x99: {  	s4 =	sld [smem:$0x3FFC];
	_ =	sdelay $0x3  }
0x9a: {  	_ =	strace s4  }
0x9b: {  	s4 =	sld [smem:$0x3FFD];
	_ =	sdelay $0x3  }
0x9c: {  	_ =	strace s4  }
0x9d: {  	_ =	strace $0x8FFFFFFF  }
0x9e: {  	s19 =	sld [smem:$0x3FDB];
	_ =	sdelay $0x1  }
0x9f: {  	s5 =	simm.s32 $_scs_section_size  }
0xa0: {  	s6 =	simm.s32 $_size__tile_overlayer_lowered;
	s7 =	simm.s32 $_tile_overlayer_lowered  }
0xa1: {  	s22 =	simm.s32 $0x1BFF;
	s21 =	sshll.u32 s7, $0x1;
	s4 =	sadd.s32 s5, s19  }
0xa2: {  	s8 =	simm.s32 $0x0;
	s20 =	sshll.u32 s6, $0x1;
	s6 =	sadd.s32 s21, s4  }
0xa3: {  	[timem:s8], [sflag:s22] =	dma.local [hbm:s6], s20  }
0xa4: {  	_ =	swait.ge [sflag:s22], s20  }
0xa5: {  	s5 =	ssub.s32 $0x0, s20;
	[sflag:s22] =	ssyncset.done $0x0  }
0xa6: {  	[sflag:s22] =	ssyncadd.s32 s5;
	_ =	sdelay $0x1  }
0xa7: {  	s23 =	simm.s32 $0x1B8B  }
0xa8: {  	_ =	swait.ge [sflag:s23], $0x1  }
0xa9: {  	[sflag:s23] =	ssyncset.done $0x0  }
0xaa: {  	s25 =	simm.s32 $0x1B8E;
	s24 =	sld [smem:$0x3FFE];
	[sflag:s23] =	ssyncadd.s32 $0xFFFFFFFF  }
0xab: {  	s26 =	simm.s32 $execute0_lowered;
	[smem:$0x3FD2] =	sst s25  }
0xac: {  	s6 =	sshll.u32 s26, $0x1;
	_ =	strace $0x80000046;
	[dreg:$0x1] =	wrdreg $0xFFFFFFFF  }
0xad: {  	s28 =	simm.s32 $_size_execute0_lowered;
	s4 =	sadd.s32 s4, s6;
	[dreg:$0x0] =	wrdreg $0x0  }
0xae: {  	s6 =	sshll.u32 s28, $0x1;
	[dreg:$0x2] =	wrdreg s4  }
0xaf: {  	[dreg:$0x3] =	wrdreg s6  }
0xb0: {  	[dreg:$0x4] =	wrdreg $0xC0  }
0xb1: {  	_ =	task [dreg:s8], $0x5FFFF  }
0xb2: {  	[dreg:$0x1] =	wrdreg $0xFFFFFFFF  }
0xb3: {  	[dreg:$0x0] =	wrdreg $0x60  }
0xb4: {  	[dreg:$0x2] =	wrdreg s17  }
0xb5: {  	[dreg:$0x3] =	wrdreg s16  }
0xb6: {  	[dreg:$0x4] =	wrdreg s24  }
0xb7: {  	[dreg:$0x5] =	wrdreg $0xB0000  }
0xb8: {  	[dreg:$0x6] =	wrdreg $0x9  }
0xb9: {  	_ =	task.clear_ibuf [dreg:s8], $0x7FFFF;
	_ =	strace $0x90000046  }
0xba: {  	s29 =	simm.s32 $0x9;
	_ =	strace $0x80000048  }
0xbb: {  	_ =	swait.ge [sflag:s29], $0x1  }
0xbc: {  	[sflag:s29] =	ssyncadd.s32 $0xFFFFFFFF  }
0xbd: {  	_ =	strace $0x90000048  }
0xbe: {  	_ =	sfence  }
0xbf: {  	s30 =	sld [smem:$0x0];
	_ =	sdelay $0x2  }
0xc0: {  	s31 =	sshll.u32 s1, $0xD;
	s1 =	sshrl.u32 s1, $0x2  }
0xc1: {  	s3 =	sand.u32 $0x4000, s31;
	s1 =	sadd.s32 s1, s30  }
0xc2: {  	s0 =	sor.u32 s3, s0;
	s1 =	sshll.u32 s1, $0x11  }
0xc3: {  	s0 =	sor.u32 s1, s0  }
0xc4: {  	s0 =	sadd.s32 $0x8F2B, s0  }
0xc5: {  	[sflag:s0] =	ssyncadd.remote.s32 $0x1  }
0xc6: {  	_ =	sfence.sel $0xFFFF  }
0xc7: {  	[dreg:$0x0] =	wrdreg $0xFFFFFFFF;
	(pc) =	sbr.abs _section_cstart, $3  }
0xc8: {  	[dreg:$0x1] =	wrdreg $0xFFFFFFFF  }
0xc9: {  	_ =	task.clear_ibuf [dreg:s8], $0x2FFFF;
	_ =	strace $0x9FFFFFFF  }
0xca: {  	(tm) =	ssettm $0x7FFFFFFF  }
0xcb: {  	_ =	shalt  }
tec
execute0_lowered:
.L_overlay_start_1:
0x0: {  	(tag) =	ssettag $0x1  }
0x1: {  	s3 =	srdreg.scid  }
0x2: {  	s1 =	rddreg [dreg:$0x0];
	s20 =	stileid.u32;
	s11 =	sand.u32 $0x1, s3  }
0x3: {  	s2 =	rddreg [dreg:$0x1];
	s23 =	smul.u32 $0x280, s20;
	s6 =	sshll.u32 s11, $0x4  }
0x4: {  	s0 =	rddreg [dreg:$0x2];
	s8 =	smul.u32 $0x2800, s11;
	s6 =	sor.u32 s20, s6  }
0x5: {  	s4 =	rddreg [dreg:$0x3];
	s5 =	simm.s32 $0x0;
	s6 =	smul.u32 $0x2800, s6  }
0x6: {  	[smem:$0x7FF] =	sst s5;
	s10 =	sadd.s32 $0xD600, s0  }
0x7: {  	s12 =	sadd.s32 $0x17600, s0;
	s3 =	sadd.s32 s23, s8;
	s8 =	sshrl.u32 s6, $0x3  }
0x8: {  	s9 =	sadd.s32 $0x3600, s0;
	s7 =	sadd.s32 $0x21600, s0;
	s15 =	sor.u32 $0x10, s8  }
0x9: {  	s16 =	smul.u32 $0x2800, s20;
	_ =	strace $0x80000047;
	s24 =	sadd.s32 s10, s15  }
0xa: {  	s26 =	sor.u32 $0x20, s8;
	s25 =	sadd.s32 s12, s15;
	[dreg:$0x5] =	wrdreg s24  }
0xb: {  	s18 =	sor.u32 $0x30, s8;
	s17 =	sadd.s32 s10, s26;
	[dreg:$0x6] =	wrdreg s25  }
0xc: {  	s13 =	ssub.s32 $0x2, s11;
	s19 =	sadd.s32 s10, s18;
	[dreg:$0x7] =	wrdreg s17  }
0xd: {  	s11 =	smul.u32 $0x28000, s11;
	s21 =	sadd.s32 s12, s18;
	[dreg:$0x9] =	wrdreg s19  }
0xe: {  	s14 =	sshrl.u32 s13, $0x1;
	s22 =	sadd.s32 s9, s15;
	[dreg:$0xa] =	wrdreg s21  }
0xf: {  	s3 =	sshll.u32 s3, $0x4;
	s15 =	sadd.s32 s7, s15;
	[dreg:$0xb] =	wrdreg s22  }
0x10: {  	s6 =	sadd.s32 s3, s0;
	s23 =	sadd.s32 s9, s26;
	[dreg:$0xc] =	wrdreg s15  }
0x11: {  	s3 =	ssub.s32 s13, s14;
	s13 =	sadd.s32 s7, s26;
	[dreg:$0xd] =	wrdreg s23  }
0x12: {  	s14 =	sadd.s32 s7, s18;
	[dreg:$0xe] =	wrdreg s13  }
0x13: {  	s11 =	sadd.s32 s16, s11;
	s17 =	sadd.s32 s12, s26;
	[dreg:$0x10] =	wrdreg s14  }
0x14: {  	s16 =	sor.u32 $0x50, s8;
	s25 =	sadd.s32 s9, s18;
	[dreg:$0x8] =	wrdreg s17  }
0x15: {  	s18 =	sadd.s32 s10, s16;
	[dreg:$0xf] =	wrdreg s25  }
0x16: {  	s19 =	sadd.s32 s12, s16;
	[dreg:$0x15] =	wrdreg s18  }
0x17: {  	s24 =	sor.u32 $0x40, s8;
	s21 =	sadd.s32 s9, s16;
	[dreg:$0x16] =	wrdreg s19  }
0x18: {  	s22 =	sor.u32 $0x680, s11;
	s14 =	sadd.s32 s7, s16;
	[dreg:$0x17] =	wrdreg s21  }
0x19: {  	s23 =	sor.u32 $0x600, s11;
	s26 =	sadd.s32 s10, s24;
	[dreg:$0x18] =	wrdreg s14  }
0x1a: {  	s16 =	sor.u32 $0x500, s11;
	s15 =	sadd.s32 s12, s24;
	[dreg:$0x11] =	wrdreg s26  }
0x1b: {  	s17 =	sadd.s32 s9, s24;
	s13 =	sadd.s32 s7, s24;
	[dreg:$0x12] =	wrdreg s15  }
0x1c: {  	s14 =	sshrl.u32 s23, $0x3;
	s24 =	sor.u32 $0x580, s11;
	[dreg:$0x13] =	wrdreg s17  }
0x1d: {  	s16 =	sshrl.u32 s16, $0x3;
	s21 =	sadd.s32 s12, s8;
	[dreg:$0x14] =	wrdreg s13  }
0x1e: {  	s13 =	sshrl.u32 s22, $0x3;
	[dreg:$0x19] =	wrdreg s21;
	s22 =	sadd.s32 s14, s12  }
0x1f: {  	s15 =	sshrl.u32 s24, $0x3;
	s24 =	sadd.s32 s16, s12;
	[dreg:$0x1b] =	wrdreg s22  }
0x20: {  	s25 =	sor.u32 $0x480, s11;
	s21 =	sadd.s32 s16, s10;
	[dreg:$0x1d] =	wrdreg s24  }
0x21: {  	s19 =	sor.u32 $0x380, s11;
	s26 =	sadd.s32 s13, s12;
	[smem:$0x7DE] =	sst s21  }
0x22: {  	s17 =	sshrl.u32 s25, $0x3;
	s23 =	sadd.s32 s15, s12;
	[dreg:$0x1a] =	wrdreg s26  }
0x23: {  	s19 =	sshrl.u32 s19, $0x3;
	s25 =	sadd.s32 s17, s12;
	[dreg:$0x1c] =	wrdreg s23  }
0x24: {  	s18 =	sor.u32 $0x400, s11;
	s22 =	sadd.s32 s19, s12;
	[dreg:$0x1e] =	wrdreg s25  }
0x25: {  	s11 =	sor.u32 $0x300, s11;
	s24 =	sadd.s32 s13, s10;
	[smem:$0x7D8] =	sst s22  }
0x26: {  	s18 =	sshrl.u32 s18, $0x3;
	s21 =	sadd.s32 s16, s7;
	[smem:$0x7DB] =	sst s24  }
0x27: {  	s11 =	sshrl.u32 s11, $0x3;
	s26 =	sadd.s32 s18, s12;
	[smem:$0x7E9] =	sst s21  }
0x28: {  	s12 =	sadd.s32 s11, s12;
	[dreg:$0x1f] =	wrdreg s26  }
0x29: {  	s23 =	sadd.s32 s10, s8;
	[smem:$0x7D9] =	sst s12  }
0x2a: {  	s25 =	sadd.s32 s14, s10;
	[smem:$0x7DA] =	sst s23  }
0x2b: {  	s22 =	sadd.s32 s17, s10;
	[smem:$0x7DC] =	sst s25  }
0x2c: {  	s24 =	sadd.s32 s19, s10;
	[smem:$0x7DF] =	sst s22  }
0x2d: {  	s26 =	sadd.s32 s15, s10;
	[smem:$0x7E1] =	sst s24  }
0x2e: {  	s23 =	sadd.s32 s18, s10;
	[smem:$0x7DD] =	sst s26  }
0x2f: {  	s10 =	sadd.s32 s11, s10;
	[smem:$0x7E0] =	sst s23  }
0x30: {  	s25 =	sadd.s32 s13, s7;
	[smem:$0x7E2] =	sst s10  }
0x31: {  	s12 =	sadd.s32 s14, s7;
	[smem:$0x7E3] =	sst s25  }
0x32: {  	s22 =	sadd.s32 s16, s9;
	[smem:$0x7E5] =	sst s12  }
0x33: {  	s24 =	sadd.s32 s17, s9;
	[smem:$0x7EA] =	sst s22  }
0x34: {  	s26 =	sadd.s32 s13, s9;
	[smem:$0x7EC] =	sst s24  }
0x35: {  	s28 =	simm.s32 $0xA;
	s13 =	sadd.s32 s14, s9;
	[smem:$0x7E4] =	sst s26  }
0x36: {  	s29 =	simm.s32 $0xC;
	s14 =	sadd.s32 s15, s7;
	[smem:$0x7E6] =	sst s13  }
0x37: {  	s30 =	simm.s32 $0x4;
	s15 =	sadd.s32 s15, s9;
	[smem:$0x7E7] =	sst s14  }
0x38: {  	s31 =	simm.s32 $0x5;
	s23 =	sadd.s32 s17, s7;
	[smem:$0x7E8] =	sst s15  }
0x39: {  	s21 =	sshll.u32 s20, $0x6;
	s25 =	sadd.s32 s18, s7;
	[smem:$0x7EB] =	sst s23  }
0x3a: {  	s16 =	smul.u32 $0x50000, s20;
	s12 =	sadd.s32 s19, s7;
	[smem:$0x7ED] =	sst s25  }
0x3b: {  	s20 =	simm.s32 $0x4800;
	s22 =	sadd.s32 $0x42400, s6;
	[smem:$0x7EF] =	sst s12  }
0x3c: {  	s17 =	sadd.s32 s8, s0;
	s26 =	sadd.s32 s18, s9;
	[smem:$0x7F8] =	sst s22  }
0x3d: {  	s13 =	sadd.s32 s19, s9;
	s14 =	sadd.s32 s9, s8;
	[smem:$0x7EE] =	sst s26  }
0x3e: {  	s9 =	sadd.s32 s11, s9;
	s15 =	sadd.s32 s11, s7;
	[smem:$0x7F0] =	sst s13  }
0x3f: {  	s7 =	sadd.s32 s7, s8;
	s18 =	sadd.s32 $0x2BC00, s0;
	[smem:$0x7F1] =	sst s14  }
0x40: {  	s0 =	sadd.s32 $0x2B600, s0;
	s19 =	sshrl.u32 s16, $0x2;
	[smem:$0x7F2] =	sst s9  }
0x41: {  	s11 =	sor.u32 $0x1C0D, s21;
	s23 =	sadd.s32 $0x92400, s6;
	[smem:$0x7F3] =	sst s15  }
0x42: {  	s24 =	sadd.s32 $0x2E400, s17;
	s25 =	sadd.s32 $0x38400, s17;
	[smem:$0x7F4] =	sst s7  }
0x43: {  	s12 =	simm.s32 $0xD;
	s16 =	simm.s32 $0x280;
	[smem:$0x7F5] =	sst s18  }
0x44: {  	s17 =	simm.s32 $0x680;
	s21 =	simm.s32 $0x300;
	[smem:$0x7F6] =	sst s0  }
0x45: {  	s22 =	simm.s32 $0x700;
	s8 =	simm.s32 $0x780;
	[smem:$0x7F9] =	sst s23  }
0x46: {  	s6 =	simm.s32 $0x7;
	s0 =	sadd.s32 s19, s4;
	[smem:$0x7FA] =	sst s24  }
0x47: {  	[smem:$0x7FB] =	sst s25;
	s26 =	smax.u32 s3, $0x1;
	s3 =	simm.s32 $0x8800  }
.Ltmp0:
0x48: {  	s7 =	simm.s32 $0x80;
	s15 =	simm.s32 $0x600;
	(pc) =	sbr.rel .LBB2_1-.Ltmp0, $4  }
0x49: {  	s18 =	simm.s32 $0x800;
	s19 =	simm.s32 $0x2;
	s23 =	simm.s32 $0x9  }
0x4a: {  	s24 =	simm.s32 $0xB;
	s25 =	simm.s32 $0x3;
	[smem:$0x7FD] =	sst s11  }
0x4b: {  	s9 =	simm.s32 $0x8;
	s13 =	simm.s32 $0x0;
	[smem:$0x7F7] =	sst s0  }
0x4c: {  	v0 =	vimm.f32 $1.000000000e+00;
	[smem:$0x7FC] =	sst s26;
	s26 =	simm.s32 $0x380;
	s0 =	simm.s32 $0x6  }
.LBB2_7:
0x4d: {  	_ =	swait.ge [sflag:s24], $0x4000  }
0x4e: {  	[sflag:s24] =	ssyncset.done $0x0  }
0x4f: {  	[sflag:s24] =	ssyncadd.s32 $0xFFFFC000  }
0x50: {  	_ =	swait.ge [sflag:s29], $0x4000  }
0x51: {  	[sflag:s29] =	ssyncset.done $0x0  }
0x52: {  	[sflag:s29] =	ssyncadd.s32 $0xFFFFC000  }
0x53: {  	[bflag:$0x0] =	sbarrier.arrive $0xFFFF  }
0x54: {  	s11 =	sld [smem:$0x7FD]  }
0x55: {  	s10 =	sld [smem:$0x7F9]  }
0x56: {  	s12 =	sld [smem:$0x7D7];
	_ =	sdelay $0x2  }
0x57: {  	[hbm:s10], [sflag:s11] =	dma.local [spmem:s12], $0x2800  }
0x58: {  	s12 =	simm.s32 $0xD  }
0x59: {  	_ =	swait.ge [sflag:s12], $0x2800  }
0x5a: {  	s13 =	sld [smem:$0x7FB]  }
0x5b: {  	[sflag:s12] =	ssyncset.done $0x0  }
0x5c: {  	[sflag:s12] =	ssyncadd.s32 $0xFFFFD800  }
0x5d: {  	[hbm4b:s13+s5] =	stream.linear.scatter [tilespmem:s3], [sflag:$0xD], $0x2800, $0x38;
	[tilespmem:$0x1F000] =	vst v63  }
0x5e: {  	_ =	swait.ge [sflag:s12], $0x2800  }
0x5f: {  	s13 =	sld [smem:$0x7D6]  }
0x60: {  	s14 =	sld [smem:$0x7FC];
	_ =	sdelay $0x1  }
0x61: {  	s13 =	sadd.s32 $0x1, s13  }
0x62: {  	p0 =	sne.s32 s13, s14  }
.Ltmp1:
0x63: {  	_ = 	snop;
	(pc) =	sbr.rel @!p0 .LBB2_8-.Ltmp1, $3  }
0x64: {  	_ =	sdelay $0x1  }
0x65: {  	[sflag:s12] =	ssyncset.done $0x0  }
0x66: {  	[sflag:s12] =	ssyncadd.s32 $0xFFFFD800  }
.LBB2_1:
0x67: {  	s10 =	sld [smem:$0x7F7];
	_ =	sdelay $0x1  }
0x68: {  	s14 =	sld [smem:$0x7F5]  }
0x69: {  	[smem:$0x7D6] =	sst s13;
	s10 =	sshrl.u32 s10, $0x3  }
0x6a: {  	[smem:$0x7D7] =	sst s10  }
0x6b: {  	[spmem:s10], [sflag:s11] =	dma.local [hbm:s14], $0x2800  }
0x6c: {  	_ =	swait.ge [sflag:s12], $0x2800  }
0x6d: {  	s14 =	sld [smem:$0x7F6]  }
0x6e: {  	[sflag:s12] =	ssyncset.done $0x0  }
0x6f: {  	[sflag:s12] =	ssyncadd.s32 $0xFFFFD800  }
0x70: {  	[tilespmem:s3], [sflag:$0xD] =	stream.linear.gather [hbm4b:s14+s5], $0x2800, $0x38;
	[tilespmem:$0x1F000] =	vst v63  }
0x71: {  	_ =	swait.ge [sflag:s12], $0x2800  }
0x72: {  	[sflag:s12] =	ssyncset.done $0x0  }
0x73: {  	[sflag:s12] =	ssyncadd.s32 $0xFFFFD800  }
0x74: {  	[bflag:$0x0] =	sbarrier.arrive $0xFFFF  }
0x75: {  	s11 =	sld [smem:$0x7DA];
	_ =	sdelay $0x2  }
0x76: {  	[tilespmem:s5], [sflag:$0x1] =	stream.linear.gather [hbm4b:s11+s5], $0x80, $0x38;
	[tilespmem:$0x1F000] =	vst v63  }
0x77: {  	s13 =	simm.s32 $0x400;
	s12 =	rddreg [dreg:$0x19]  }
0x78: {  	[tilespmem:s13], [sflag:$0x1] =	stream.linear.gather [hbm4b:s12+s5], $0x80, $0x38;
	[tilespmem:$0x1F000] =	vst v63  }
0x79: {  	s14 =	rddreg [dreg:$0x5]  }
0x7a: {  	[tilespmem:s7], [sflag:$0x2] =	stream.linear.gather [hbm4b:s14+s5], $0x80, $0x38;
	[tilespmem:$0x1F000] =	vst v63  }
0x7b: {  	s11 =	rddreg [dreg:$0x6];
	s12 =	simm.s32 $0x480  }
0x7c: {  	[tilespmem:s12], [sflag:$0x2] =	stream.linear.gather [hbm4b:s11+s5], $0x80, $0x38;
	[tilespmem:$0x1F000] =	vst v63  }
0x7d: {  	s13 =	rddreg [dreg:$0x7];
	s14 =	simm.s32 $0x100  }
0x7e: {  	[tilespmem:s14], [sflag:$0x3] =	stream.linear.gather [hbm4b:s13+s5], $0x80, $0x38;
	[tilespmem:$0x1F000] =	vst v63  }
0x7f: {  	s11 =	rddreg [dreg:$0x8];
	s12 =	simm.s32 $0x500  }
0x80: {  	[tilespmem:s12], [sflag:$0x3] =	stream.linear.gather [hbm4b:s11+s5], $0x80, $0x38;
	[tilespmem:$0x1F000] =	vst v63  }
0x81: {  	s13 =	rddreg [dreg:$0x9];
	s14 =	simm.s32 $0x180  }
0x82: {  	[tilespmem:s14], [sflag:$0x4] =	stream.linear.gather [hbm4b:s13+s5], $0x80, $0x38;
	[tilespmem:$0x1F000] =	vst v63  }
0x83: {  	s11 =	rddreg [dreg:$0xa];
	s12 =	simm.s32 $0x580  }
0x84: {  	[tilespmem:s12], [sflag:$0x4] =	stream.linear.gather [hbm4b:s11+s5], $0x80, $0x38;
	[tilespmem:$0x1F000] =	vst v63  }
0x85: {  	s13 =	rddreg [dreg:$0x11];
	s14 =	simm.s32 $0x200  }
0x86: {  	[tilespmem:s14], [sflag:$0x5] =	stream.linear.gather [hbm4b:s13+s5], $0x80, $0x38;
	[tilespmem:$0x1F000] =	vst v63  }
0x87: {  	s11 =	rddreg [dreg:$0x12]  }
0x88: {  	[tilespmem:s15], [sflag:$0x5] =	stream.linear.gather [hbm4b:s11+s5], $0x80, $0x38;
	[tilespmem:$0x1F000] =	vst v63  }
0x89: {  	s12 =	rddreg [dreg:$0x15]  }
0x8a: {  	[tilespmem:s16], [sflag:$0x6] =	stream.linear.gather [hbm4b:s12+s5], $0x80, $0x38;
	[tilespmem:$0x1F000] =	vst v63  }
0x8b: {  	s13 =	rddreg [dreg:$0x16];
	s14 =	simm.s32 $0x1  }
0x8c: {  	[tilespmem:s17], [sflag:$0x6] =	stream.linear.gather [hbm4b:s13+s5], $0x80, $0x38;
	[tilespmem:$0x1F000] =	vst v63  }
0x8d: {  	_ =	swait.ge [sflag:s14], $0x80  }
0x8e: {  	[sflag:s14] =	ssyncset.done $0x0  }
0x8f: {  	[sflag:s14] =	ssyncadd.s32 $0xFFFFFF80  }
0x90: {  	_ =	swait.ge [sflag:s14], $0x80  }
0x91: {  	[sflag:s14] =	ssyncset.done $0x0  }
0x92: {  	[sflag:s14] =	ssyncadd.s32 $0xFFFFFF80  }
0x93: {  	[tilespmem:s18], [sflag:$0x9] =	stream.indirect.gather [hbm4b:s1+s7], $0x80, s5, s7, $0xb8;
	[tilespmem:$0x1F000] =	vst v63  }
0x94: {  	_ =	swait.ge [sflag:s19], $0x80  }
0x95: {  	[sflag:s19] =	ssyncset.done $0x0  }
0x96: {  	[sflag:s19] =	ssyncadd.s32 $0xFFFFFF80  }
0x97: {  	_ =	swait.ge [sflag:s19], $0x80  }
0x98: {  	[sflag:s19] =	ssyncset.done $0x0  }
0x99: {  	s10 =	simm.s32 $0x0;
	[sflag:s19] =	ssyncadd.s32 $0xFFFFFF80  }
0x9a: {  	[tilespmem:s20], [sflag:$0xA] =	stream.indirect.gather [hbm4b:s1+s7], $0x80, s7, s7, $0xb8;
	[tilespmem:$0x1F000] =	vst v63  }
.LBB2_2:
0x9b: {  	s11 =	sld [smem:$0x7E2];
	_ =	sdelay $0x1  }
0x9c: {  	s13 =	sld [smem:$0x7D9]  }
0x9d: {  	s11 =	sadd.s32 s10, s11  }
0x9e: {  	[tilespmem:s21], [sflag:$0x7] =	stream.linear.gather [hbm4b:s11+s5], $0x80, $0x38;
	[tilespmem:$0x1F000] =	vst v63  }
0x9f: {  	s11 =	sadd.s32 s10, s13  }
0xa0: {  	[tilespmem:s22], [sflag:$0x7] =	stream.linear.gather [hbm4b:s11+s5], $0x80, $0x38;
	[tilespmem:$0x1F000] =	vst v63  }
0xa1: {  	_ =	swait.ge [sflag:s23], $0x4000  }
0xa2: {  	[sflag:s23] =	ssyncset.done $0x0  }
0xa3: {  	s14 =	simm.s32 $0x400;
	[sflag:s23] =	ssyncadd.s32 $0xFFFFC000  }
0xa4: {  	[spmem:s4] =	stream.indirect.scatter.add.f32 [tilespmem:s18], [sflag:$0xB], $0x80, s14, s7, $0xb8;
	[tilespmem:$0x1F000] =	vst v63  }
0xa5: {  	v1 =	vld [tilespmem:$0x400];
	_ =	sdelay $0x7  }
0xa6: {  	[tilespmem:v1+s3+$0x0] =	vst.idx.add.f32.msk $0xffff, v0  }
0xa7: {  	v1 =	vld [tilespmem:$0x410];
	_ =	sdelay $0x7  }
0xa8: {  	[tilespmem:v1+s3+$0x0] =	vst.idx.add.f32.msk $0xffff, v0  }
0xa9: {  	v1 =	vld [tilespmem:$0x420];
	_ =	sdelay $0x7  }
0xaa: {  	[tilespmem:v1+s3+$0x0] =	vst.idx.add.f32.msk $0xffff, v0  }
0xab: {  	v1 =	vld [tilespmem:$0x430];
	_ =	sdelay $0x7  }
0xac: {  	[tilespmem:v1+s3+$0x0] =	vst.idx.add.f32.msk $0xffff, v0  }
0xad: {  	v1 =	vld [tilespmem:$0x440];
	_ =	sdelay $0x7  }
0xae: {  	[tilespmem:v1+s3+$0x0] =	vst.idx.add.f32.msk $0xffff, v0  }
0xaf: {  	v1 =	vld [tilespmem:$0x450];
	_ =	sdelay $0x7  }
0xb0: {  	[tilespmem:v1+s3+$0x0] =	vst.idx.add.f32.msk $0xffff, v0  }
0xb1: {  	v1 =	vld [tilespmem:$0x460];
	_ =	sdelay $0x7  }
0xb2: {  	[tilespmem:v1+s3+$0x0] =	vst.idx.add.f32.msk $0xffff, v0  }
0xb3: {  	v1 =	vld [tilespmem:$0x470];
	_ =	sdelay $0x7  }
0xb4: {  	[tilespmem:v1+s3+$0x0] =	vst.idx.add.f32.msk $0xffff, v0  }
0xb5: {  	_ =	swait.ge [sflag:s24], $0x4000  }
0xb6: {  	[sflag:s24] =	ssyncset.done $0x0  }
0xb7: {  	[sflag:s24] =	ssyncadd.s32 $0xFFFFC000  }
0xb8: {  	_ =	swait.ge [sflag:s25], $0x80  }
0xb9: {  	[sflag:s25] =	ssyncset.done $0x0  }
0xba: {  	[sflag:s25] =	ssyncadd.s32 $0xFFFFFF80  }
0xbb: {  	_ =	swait.ge [sflag:s25], $0x80  }
0xbc: {  	[sflag:s25] =	ssyncset.done $0x0;
	s13 =	sld [smem:$0x7E1]  }
0xbd: {  	s12 =	simm.s32 $0x100;
	s14 =	sld [smem:$0x7D8];
	[sflag:s25] =	ssyncadd.s32 $0xFFFFFF80  }
0xbe: {  	[tilespmem:s18], [sflag:$0x9] =	stream.indirect.gather [hbm4b:s1+s7], $0x80, s12, s7, $0xb8;
	[tilespmem:$0x1F000] =	vst v63  }
0xbf: {  	s11 =	sadd.s32 s10, s13  }
0xc0: {  	[tilespmem:s26], [sflag:$0x8] =	stream.linear.gather [hbm4b:s11+s5], $0x80, $0x38;
	[tilespmem:$0x1F000] =	vst v63  }
0xc1: {  	s11 =	sadd.s32 s10, s14  }
0xc2: {  	[tilespmem:s8], [sflag:$0x8] =	stream.linear.gather [hbm4b:s11+s5], $0x80, $0x38;
	[tilespmem:$0x1F000] =	vst v63  }
0xc3: {  	_ =	swait.ge [sflag:s28], $0x4000  }
0xc4: {  	[sflag:s28] =	ssyncset.done $0x0  }
0xc5: {  	s12 =	simm.s32 $0x480;
	[sflag:s28] =	ssyncadd.s32 $0xFFFFC000  }
0xc6: {  	[spmem:s4] =	stream.indirect.scatter.add.f32 [tilespmem:s20], [sflag:$0xC], $0x80, s12, s7, $0xb8;
	[tilespmem:$0x1F000] =	vst v63  }
0xc7: {  	v1 =	vld [tilespmem:$0x480];
	_ =	sdelay $0x7  }
0xc8: {  	[tilespmem:v1+s3+$0x0] =	vst.idx.add.f32.msk $0xffff, v0  }
0xc9: {  	v1 =	vld [tilespmem:$0x490];
	_ =	sdelay $0x7  }
0xca: {  	[tilespmem:v1+s3+$0x0] =	vst.idx.add.f32.msk $0xffff, v0  }
0xcb: {  	v1 =	vld [tilespmem:$0x4A0];
	_ =	sdelay $0x7  }
0xcc: {  	[tilespmem:v1+s3+$0x0] =	vst.idx.add.f32.msk $0xffff, v0  }
0xcd: {  	v1 =	vld [tilespmem:$0x4B0];
	_ =	sdelay $0x7  }
0xce: {  	[tilespmem:v1+s3+$0x0] =	vst.idx.add.f32.msk $0xffff, v0  }
0xcf: {  	v1 =	vld [tilespmem:$0x4C0];
	_ =	sdelay $0x7  }
0xd0: {  	[tilespmem:v1+s3+$0x0] =	vst.idx.add.f32.msk $0xffff, v0  }
0xd1: {  	v1 =	vld [tilespmem:$0x4D0];
	_ =	sdelay $0x7  }
0xd2: {  	[tilespmem:v1+s3+$0x0] =	vst.idx.add.f32.msk $0xffff, v0  }
0xd3: {  	v1 =	vld [tilespmem:$0x4E0];
	_ =	sdelay $0x7  }
0xd4: {  	[tilespmem:v1+s3+$0x0] =	vst.idx.add.f32.msk $0xffff, v0  }
0xd5: {  	v1 =	vld [tilespmem:$0x4F0];
	_ =	sdelay $0x7  }
0xd6: {  	[tilespmem:v1+s3+$0x0] =	vst.idx.add.f32.msk $0xffff, v0  }
0xd7: {  	_ =	swait.ge [sflag:s29], $0x4000  }
0xd8: {  	[sflag:s29] =	ssyncset.done $0x0  }
0xd9: {  	[sflag:s29] =	ssyncadd.s32 $0xFFFFC000  }
0xda: {  	_ =	swait.ge [sflag:s30], $0x80  }
0xdb: {  	[sflag:s30] =	ssyncset.done $0x0  }
0xdc: {  	[sflag:s30] =	ssyncadd.s32 $0xFFFFFF80  }
0xdd: {  	_ =	swait.ge [sflag:s30], $0x80  }
0xde: {  	[sflag:s30] =	ssyncset.done $0x0;
	s11 =	sld [smem:$0x7E0]  }
0xdf: {  	p0 =	seq.s32 s10, $0x480;
	s13 =	simm.s32 $0x180;
	[sflag:s30] =	ssyncadd.s32 $0xFFFFFF80  }
0xe0: {  	[tilespmem:s20], [sflag:$0xA] =	stream.indirect.gather [hbm4b:s1+s7], $0x80, s13, s7, $0xb8;
	[tilespmem:$0x1F000] =	vst v63  }
0xe1: {  	s12 =	sadd.s32 @!p0 s10, s11;
	s11 =	simm.s32 @!p0 $0x0  }
0xe2: {  	[tilespmem:s11], [sflag:$0x1] =	stream.linear.gather @!p0 [hbm4b:s12+s11], $0x80, $0x38;
	[tilespmem:$0x1F000] =	vst v63  }
0xe3: {  	s12 =	rddreg [dreg:$0x1f]  }
0xe4: {  	s13 =	simm.s32 @!p0 $0x400;
	s12 =	sadd.s32 @!p0 s10, s12  }
0xe5: {  	[tilespmem:s13], [sflag:$0x1] =	stream.linear.gather @!p0 [hbm4b:s12+s11], $0x80, $0x38;
	[tilespmem:$0x1F000] =	vst v63  }
0xe6: {  	_ =	swait.ge [sflag:s23], $0x4000  }
0xe7: {  	[sflag:s23] =	ssyncset.done $0x0  }
0xe8: {  	s14 =	simm.s32 $0x500;
	[sflag:s23] =	ssyncadd.s32 $0xFFFFC000  }
0xe9: {  	[spmem:s4] =	stream.indirect.scatter.add.f32 [tilespmem:s18], [sflag:$0xB], $0x80, s14, s7, $0xb8;
	[tilespmem:$0x1F000] =	vst v63  }
0xea: {  	v1 =	vld [tilespmem:$0x500];
	_ =	sdelay $0x7  }
0xeb: {  	[tilespmem:v1+s3+$0x0] =	vst.idx.add.f32.msk $0xffff, v0  }
0xec: {  	v1 =	vld [tilespmem:$0x510];
	_ =	sdelay $0x7  }
0xed: {  	[tilespmem:v1+s3+$0x0] =	vst.idx.add.f32.msk $0xffff, v0  }
0xee: {  	v1 =	vld [tilespmem:$0x520];
	_ =	sdelay $0x7  }
0xef: {  	[tilespmem:v1+s3+$0x0] =	vst.idx.add.f32.msk $0xffff, v0  }
0xf0: {  	v1 =	vld [tilespmem:$0x530];
	_ =	sdelay $0x7  }
0xf1: {  	[tilespmem:v1+s3+$0x0] =	vst.idx.add.f32.msk $0xffff, v0  }
0xf2: {  	v1 =	vld [tilespmem:$0x540];
	_ =	sdelay $0x7  }
0xf3: {  	[tilespmem:v1+s3+$0x0] =	vst.idx.add.f32.msk $0xffff, v0  }
0xf4: {  	v1 =	vld [tilespmem:$0x550];
	_ =	sdelay $0x7  }
0xf5: {  	[tilespmem:v1+s3+$0x0] =	vst.idx.add.f32.msk $0xffff, v0  }
0xf6: {  	v1 =	vld [tilespmem:$0x560];
	_ =	sdelay $0x7  }
0xf7: {  	[tilespmem:v1+s3+$0x0] =	vst.idx.add.f32.msk $0xffff, v0  }
0xf8: {  	v1 =	vld [tilespmem:$0x570];
	_ =	sdelay $0x7  }
0xf9: {  	[tilespmem:v1+s3+$0x0] =	vst.idx.add.f32.msk $0xffff, v0  }
0xfa: {  	_ =	swait.ge [sflag:s24], $0x4000  }
0xfb: {  	[sflag:s24] =	ssyncset.done $0x0  }
0xfc: {  	[sflag:s24] =	ssyncadd.s32 $0xFFFFC000  }
0xfd: {  	_ =	swait.ge [sflag:s31], $0x80  }
0xfe: {  	[sflag:s31] =	ssyncset.done $0x0  }
0xff: {  	[sflag:s31] =	ssyncadd.s32 $0xFFFFFF80  }
0x100: {  	_ =	swait.ge [sflag:s31], $0x80  }
0x101: {  	[sflag:s31] =	ssyncset.done $0x0;
	s12 =	sld [smem:$0x7DF]  }
0x102: {  	s13 =	simm.s32 $0x200;
	[sflag:s31] =	ssyncadd.s32 $0xFFFFFF80  }
0x103: {  	[tilespmem:s18], [sflag:$0x9] =	stream.indirect.gather [hbm4b:s1+s7], $0x80, s13, s7, $0xb8;
	[tilespmem:$0x1F000] =	vst v63  }
0x104: {  	s13 =	sadd.s32 @!p0 s10, s12;
	s12 =	simm.s32 @!p0 $0x80  }
0x105: {  	[tilespmem:s12], [sflag:$0x2] =	stream.linear.gather @!p0 [hbm4b:s13+s11], $0x80, $0x38;
	[tilespmem:$0x1F000] =	vst v63  }
0x106: {  	s13 =	rddreg [dreg:$0x1e]  }
0x107: {  	s14 =	simm.s32 @!p0 $0x480;
	s13 =	sadd.s32 @!p0 s10, s13  }
0x108: {  	[tilespmem:s14], [sflag:$0x2] =	stream.linear.gather @!p0 [hbm4b:s13+s11], $0x80, $0x38;
	[tilespmem:$0x1F000] =	vst v63  }
0x109: {  	_ =	swait.ge [sflag:s28], $0x4000  }
0x10a: {  	[sflag:s28] =	ssyncset.done $0x0  }
0x10b: {  	s14 =	simm.s32 $0x580;
	[sflag:s28] =	ssyncadd.s32 $0xFFFFC000  }
0x10c: {  	[spmem:s4] =	stream.indirect.scatter.add.f32 [tilespmem:s20], [sflag:$0xC], $0x80, s14, s7, $0xb8;
	[tilespmem:$0x1F000] =	vst v63  }
0x10d: {  	v1 =	vld [tilespmem:$0x580];
	_ =	sdelay $0x7  }
0x10e: {  	[tilespmem:v1+s3+$0x0] =	vst.idx.add.f32.msk $0xffff, v0  }
0x10f: {  	v1 =	vld [tilespmem:$0x590];
	_ =	sdelay $0x7  }
0x110: {  	[tilespmem:v1+s3+$0x0] =	vst.idx.add.f32.msk $0xffff, v0  }
0x111: {  	v1 =	vld [tilespmem:$0x5A0];
	_ =	sdelay $0x7  }
0x112: {  	[tilespmem:v1+s3+$0x0] =	vst.idx.add.f32.msk $0xffff, v0  }
0x113: {  	v1 =	vld [tilespmem:$0x5B0];
	_ =	sdelay $0x7  }
0x114: {  	[tilespmem:v1+s3+$0x0] =	vst.idx.add.f32.msk $0xffff, v0  }
0x115: {  	v1 =	vld [tilespmem:$0x5C0];
	_ =	sdelay $0x7  }
0x116: {  	[tilespmem:v1+s3+$0x0] =	vst.idx.add.f32.msk $0xffff, v0  }
0x117: {  	v1 =	vld [tilespmem:$0x5D0];
	_ =	sdelay $0x7  }
0x118: {  	[tilespmem:v1+s3+$0x0] =	vst.idx.add.f32.msk $0xffff, v0  }
0x119: {  	v1 =	vld [tilespmem:$0x5E0];
	_ =	sdelay $0x7  }
0x11a: {  	[tilespmem:v1+s3+$0x0] =	vst.idx.add.f32.msk $0xffff, v0  }
0x11b: {  	v1 =	vld [tilespmem:$0x5F0];
	_ =	sdelay $0x7  }
0x11c: {  	[tilespmem:v1+s3+$0x0] =	vst.idx.add.f32.msk $0xffff, v0  }
0x11d: {  	_ =	swait.ge [sflag:s29], $0x4000  }
0x11e: {  	[sflag:s29] =	ssyncset.done $0x0  }
0x11f: {  	[sflag:s29] =	ssyncadd.s32 $0xFFFFC000  }
0x120: {  	_ =	swait.ge [sflag:s0], $0x80  }
0x121: {  	[sflag:s0] =	ssyncset.done $0x0  }
0x122: {  	[sflag:s0] =	ssyncadd.s32 $0xFFFFFF80  }
0x123: {  	_ =	swait.ge [sflag:s0], $0x80  }
0x124: {  	[sflag:s0] =	ssyncset.done $0x0;
	s13 =	sld [smem:$0x7DE]  }
0x125: {  	[sflag:s0] =	ssyncadd.s32 $0xFFFFFF80  }
0x126: {  	[tilespmem:s20], [sflag:$0xA] =	stream.indirect.gather [hbm4b:s1+s7], $0x80, s16, s7, $0xb8;
	[tilespmem:$0x1F000] =	vst v63  }
0x127: {  	s14 =	simm.s32 @!p0 $0x100;
	s13 =	sadd.s32 @!p0 s10, s13  }
0x128: {  	[tilespmem:s14], [sflag:$0x3] =	stream.linear.gather @!p0 [hbm4b:s13+s11], $0x80, $0x38;
	[tilespmem:$0x1F000] =	vst v63  }
0x129: {  	s13 =	rddreg [dreg:$0x1d]  }
0x12a: {  	s14 =	simm.s32 @!p0 $0x500;
	s13 =	sadd.s32 @!p0 s10, s13  }
0x12b: {  	[tilespmem:s14], [sflag:$0x3] =	stream.linear.gather @!p0 [hbm4b:s13+s11], $0x80, $0x38;
	[tilespmem:$0x1F000] =	vst v63  }
0x12c: {  	_ =	swait.ge [sflag:s23], $0x4000  }
0x12d: {  	[sflag:s23] =	ssyncset.done $0x0  }
0x12e: {  	[sflag:s23] =	ssyncadd.s32 $0xFFFFC000  }
0x12f: {  	[spmem:s4] =	stream.indirect.scatter.add.f32 [tilespmem:s18], [sflag:$0xB], $0x80, s15, s7, $0xb8;
	[tilespmem:$0x1F000] =	vst v63  }
0x130: {  	v1 =	vld [tilespmem:$0x600];
	_ =	sdelay $0x7  }
0x131: {  	[tilespmem:v1+s3+$0x0] =	vst.idx.add.f32.msk $0xffff, v0  }
0x132: {  	v1 =	vld [tilespmem:$0x610];
	_ =	sdelay $0x7  }
0x133: {  	[tilespmem:v1+s3+$0x0] =	vst.idx.add.f32.msk $0xffff, v0  }
0x134: {  	v1 =	vld [tilespmem:$0x620];
	_ =	sdelay $0x7  }
0x135: {  	[tilespmem:v1+s3+$0x0] =	vst.idx.add.f32.msk $0xffff, v0  }
0x136: {  	v1 =	vld [tilespmem:$0x630];
	_ =	sdelay $0x7  }
0x137: {  	[tilespmem:v1+s3+$0x0] =	vst.idx.add.f32.msk $0xffff, v0  }
0x138: {  	v1 =	vld [tilespmem:$0x640];
	_ =	sdelay $0x7  }
0x139: {  	[tilespmem:v1+s3+$0x0] =	vst.idx.add.f32.msk $0xffff, v0  }
0x13a: {  	v1 =	vld [tilespmem:$0x650];
	_ =	sdelay $0x7  }
0x13b: {  	[tilespmem:v1+s3+$0x0] =	vst.idx.add.f32.msk $0xffff, v0  }
0x13c: {  	v1 =	vld [tilespmem:$0x660];
	_ =	sdelay $0x7  }
0x13d: {  	[tilespmem:v1+s3+$0x0] =	vst.idx.add.f32.msk $0xffff, v0  }
0x13e: {  	v1 =	vld [tilespmem:$0x670];
	_ =	sdelay $0x7  }
0x13f: {  	[tilespmem:v1+s3+$0x0] =	vst.idx.add.f32.msk $0xffff, v0  }
0x140: {  	_ =	swait.ge [sflag:s24], $0x4000  }
0x141: {  	[sflag:s24] =	ssyncset.done $0x0  }
0x142: {  	[sflag:s24] =	ssyncadd.s32 $0xFFFFC000  }
0x143: {  	_ =	swait.ge [sflag:s6], $0x80  }
0x144: {  	[sflag:s6] =	ssyncset.done $0x0  }
0x145: {  	[sflag:s6] =	ssyncadd.s32 $0xFFFFFF80  }
0x146: {  	_ =	swait.ge [sflag:s6], $0x80  }
0x147: {  	[sflag:s6] =	ssyncset.done $0x0;
	s13 =	sld [smem:$0x7DD]  }
0x148: {  	[sflag:s6] =	ssyncadd.s32 $0xFFFFFF80  }
0x149: {  	[tilespmem:s18], [sflag:$0x9] =	stream.indirect.gather [hbm4b:s1+s7], $0x80, s21, s7, $0xb8;
	[tilespmem:$0x1F000] =	vst v63  }
0x14a: {  	s14 =	simm.s32 @!p0 $0x180;
	s13 =	sadd.s32 @!p0 s10, s13  }
0x14b: {  	[tilespmem:s14], [sflag:$0x4] =	stream.linear.gather @!p0 [hbm4b:s13+s11], $0x80, $0x38;
	[tilespmem:$0x1F000] =	vst v63  }
0x14c: {  	s13 =	rddreg [dreg:$0x1c]  }
0x14d: {  	s14 =	simm.s32 @!p0 $0x580;
	s13 =	sadd.s32 @!p0 s10, s13  }
0x14e: {  	[tilespmem:s14], [sflag:$0x4] =	stream.linear.gather @!p0 [hbm4b:s13+s11], $0x80, $0x38;
	[tilespmem:$0x1F000] =	vst v63  }
0x14f: {  	_ =	swait.ge [sflag:s28], $0x4000  }
0x150: {  	[sflag:s28] =	ssyncset.done $0x0  }
0x151: {  	[sflag:s28] =	ssyncadd.s32 $0xFFFFC000  }
0x152: {  	[spmem:s4] =	stream.indirect.scatter.add.f32 [tilespmem:s20], [sflag:$0xC], $0x80, s17, s7, $0xb8;
	[tilespmem:$0x1F000] =	vst v63  }
0x153: {  	v1 =	vld [tilespmem:$0x680];
	_ =	sdelay $0x7  }
0x154: {  	[tilespmem:v1+s3+$0x0] =	vst.idx.add.f32.msk $0xffff, v0  }
0x155: {  	v1 =	vld [tilespmem:$0x690];
	_ =	sdelay $0x7  }
0x156: {  	[tilespmem:v1+s3+$0x0] =	vst.idx.add.f32.msk $0xffff, v0  }
0x157: {  	v1 =	vld [tilespmem:$0x6A0];
	_ =	sdelay $0x7  }
0x158: {  	[tilespmem:v1+s3+$0x0] =	vst.idx.add.f32.msk $0xffff, v0  }
0x159: {  	v1 =	vld [tilespmem:$0x6B0];
	_ =	sdelay $0x7  }
0x15a: {  	[tilespmem:v1+s3+$0x0] =	vst.idx.add.f32.msk $0xffff, v0  }
0x15b: {  	v1 =	vld [tilespmem:$0x6C0];
	_ =	sdelay $0x7  }
0x15c: {  	[tilespmem:v1+s3+$0x0] =	vst.idx.add.f32.msk $0xffff, v0  }
0x15d: {  	v1 =	vld [tilespmem:$0x6D0];
	_ =	sdelay $0x7  }
0x15e: {  	[tilespmem:v1+s3+$0x0] =	vst.idx.add.f32.msk $0xffff, v0  }
0x15f: {  	v1 =	vld [tilespmem:$0x6E0];
	_ =	sdelay $0x7  }
0x160: {  	[tilespmem:v1+s3+$0x0] =	vst.idx.add.f32.msk $0xffff, v0  }
0x161: {  	v1 =	vld [tilespmem:$0x6F0];
	_ =	sdelay $0x7  }
0x162: {  	[tilespmem:v1+s3+$0x0] =	vst.idx.add.f32.msk $0xffff, v0  }
0x163: {  	_ =	swait.ge [sflag:s29], $0x4000  }
0x164: {  	[sflag:s29] =	ssyncset.done $0x0  }
0x165: {  	[sflag:s29] =	ssyncadd.s32 $0xFFFFC000  }
0x166: {  	_ =	swait.ge [sflag:s9], $0x80  }
0x167: {  	[sflag:s9] =	ssyncset.done $0x0  }
0x168: {  	[sflag:s9] =	ssyncadd.s32 $0xFFFFFF80  }
0x169: {  	_ =	swait.ge [sflag:s9], $0x80  }
0x16a: {  	[sflag:s9] =	ssyncset.done $0x0;
	s13 =	sld [smem:$0x7DC]  }
0x16b: {  	[sflag:s9] =	ssyncadd.s32 $0xFFFFFF80  }
0x16c: {  	[tilespmem:s20], [sflag:$0xA] =	stream.indirect.gather [hbm4b:s1+s7], $0x80, s26, s7, $0xb8;
	[tilespmem:$0x1F000] =	vst v63  }
0x16d: {  	s14 =	simm.s32 @!p0 $0x200;
	s13 =	sadd.s32 @!p0 s10, s13  }
0x16e: {  	[tilespmem:s14], [sflag:$0x5] =	stream.linear.gather @!p0 [hbm4b:s13+s11], $0x80, $0x38;
	[tilespmem:$0x1F000] =	vst v63  }
0x16f: {  	s13 =	rddreg [dreg:$0x1b]  }
0x170: {  	s14 =	simm.s32 @!p0 $0x600;
	s13 =	sadd.s32 @!p0 s10, s13  }
0x171: {  	[tilespmem:s14], [sflag:$0x5] =	stream.linear.gather @!p0 [hbm4b:s13+s11], $0x80, $0x38;
	[tilespmem:$0x1F000] =	vst v63  }
0x172: {  	_ =	swait.ge [sflag:s23], $0x4000  }
0x173: {  	[sflag:s23] =	ssyncset.done $0x0  }
0x174: {  	[sflag:s23] =	ssyncadd.s32 $0xFFFFC000  }
0x175: {  	[spmem:s4] =	stream.indirect.scatter.add.f32 [tilespmem:s18], [sflag:$0xB], $0x80, s22, s7, $0xb8;
	[tilespmem:$0x1F000] =	vst v63  }
0x176: {  	v1 =	vld [tilespmem:$0x700];
	_ =	sdelay $0x7  }
0x177: {  	[tilespmem:v1+s3+$0x0] =	vst.idx.add.f32.msk $0xffff, v0  }
0x178: {  	v1 =	vld [tilespmem:$0x710];
	_ =	sdelay $0x7  }
0x179: {  	[tilespmem:v1+s3+$0x0] =	vst.idx.add.f32.msk $0xffff, v0  }
0x17a: {  	v1 =	vld [tilespmem:$0x720];
	_ =	sdelay $0x7  }
0x17b: {  	[tilespmem:v1+s3+$0x0] =	vst.idx.add.f32.msk $0xffff, v0  }
0x17c: {  	v1 =	vld [tilespmem:$0x730];
	_ =	sdelay $0x7  }
0x17d: {  	[tilespmem:v1+s3+$0x0] =	vst.idx.add.f32.msk $0xffff, v0  }
0x17e: {  	v1 =	vld [tilespmem:$0x740];
	_ =	sdelay $0x7  }
0x17f: {  	[tilespmem:v1+s3+$0x0] =	vst.idx.add.f32.msk $0xffff, v0  }
0x180: {  	v1 =	vld [tilespmem:$0x750];
	_ =	sdelay $0x7  }
0x181: {  	[tilespmem:v1+s3+$0x0] =	vst.idx.add.f32.msk $0xffff, v0  }
0x182: {  	v1 =	vld [tilespmem:$0x760];
	_ =	sdelay $0x7  }
0x183: {  	[tilespmem:v1+s3+$0x0] =	vst.idx.add.f32.msk $0xffff, v0  }
0x184: {  	v1 =	vld [tilespmem:$0x770];
	_ =	sdelay $0x7  }
0x185: {  	s13 =	simm.s32 @!p0 $0xB;
	[tilespmem:v1+s3+$0x0] =	vst.idx.add.f32.msk $0xffff, v0  }
0x186: {  	_ =	swait.ge @!p0 [sflag:s13], $0x4000  }
0x187: {  	[sflag:s13] =	ssyncset.done @!p0 $0x0  }
0x188: {  	[sflag:s13] =	ssyncadd.s32 @!p0 $0xFFFFC000;
	s13 =	simm.s32 @!p0 $0x1  }
0x189: {  	_ =	swait.ge @!p0 [sflag:s13], $0x80  }
0x18a: {  	[sflag:s13] =	ssyncset.done @!p0 $0x0  }
0x18b: {  	[sflag:s13] =	ssyncadd.s32 @!p0 $0xFFFFFF80  }
0x18c: {  	_ =	swait.ge @!p0 [sflag:s13], $0x80  }
0x18d: {  	[sflag:s13] =	ssyncset.done @!p0 $0x0  }
0x18e: {  	[sflag:s13] =	ssyncadd.s32 @!p0 $0xFFFFFF80;
	s13 =	simm.s32 @!p0 $0x800  }
0x18f: {  	[tilespmem:s13], [sflag:$0x9] =	stream.indirect.gather @!p0 [hbm4b:s1+s12], $0x80, s11, s12, $0xb8;
	[tilespmem:$0x1F000] =	vst v63  }
0x190: {  	s12 =	sld [smem:$0x7DB];
	_ =	sdelay $0x2  }
0x191: {  	s13 =	simm.s32 @!p0 $0x280;
	s12 =	sadd.s32 @!p0 s10, s12  }
0x192: {  	[tilespmem:s13], [sflag:$0x6] =	stream.linear.gather @!p0 [hbm4b:s12+s11], $0x80, $0x38;
	[tilespmem:$0x1F000] =	vst v63  }
0x193: {  	s12 =	rddreg [dreg:$0x1a]  }
0x194: {  	s13 =	simm.s32 @!p0 $0x680;
	s12 =	sadd.s32 @!p0 s10, s12  }
0x195: {  	[tilespmem:s13], [sflag:$0x6] =	stream.linear.gather @!p0 [hbm4b:s12+s11], $0x80, $0x38;
	[tilespmem:$0x1F000] =	vst v63  }
0x196: {  	_ =	swait.ge [sflag:s28], $0x4000  }
0x197: {  	[sflag:s28] =	ssyncset.done $0x0  }
0x198: {  	[sflag:s28] =	ssyncadd.s32 $0xFFFFC000  }
0x199: {  	[spmem:s4] =	stream.indirect.scatter.add.f32 [tilespmem:s20], [sflag:$0xC], $0x80, s8, s7, $0xb8;
	[tilespmem:$0x1F000] =	vst v63  }
0x19a: {  	v1 =	vld [tilespmem:$0x780];
	_ =	sdelay $0x7  }
0x19b: {  	[tilespmem:v1+s3+$0x0] =	vst.idx.add.f32.msk $0xffff, v0  }
0x19c: {  	v1 =	vld [tilespmem:$0x790];
	_ =	sdelay $0x7  }
0x19d: {  	[tilespmem:v1+s3+$0x0] =	vst.idx.add.f32.msk $0xffff, v0  }
0x19e: {  	v1 =	vld [tilespmem:$0x7A0];
	_ =	sdelay $0x7  }
0x19f: {  	[tilespmem:v1+s3+$0x0] =	vst.idx.add.f32.msk $0xffff, v0  }
0x1a0: {  	v1 =	vld [tilespmem:$0x7B0];
	_ =	sdelay $0x7  }
0x1a1: {  	[tilespmem:v1+s3+$0x0] =	vst.idx.add.f32.msk $0xffff, v0  }
0x1a2: {  	v1 =	vld [tilespmem:$0x7C0];
	_ =	sdelay $0x7  }
0x1a3: {  	[tilespmem:v1+s3+$0x0] =	vst.idx.add.f32.msk $0xffff, v0  }
0x1a4: {  	v1 =	vld [tilespmem:$0x7D0];
	_ =	sdelay $0x7  }
0x1a5: {  	[tilespmem:v1+s3+$0x0] =	vst.idx.add.f32.msk $0xffff, v0  }
0x1a6: {  	v1 =	vld [tilespmem:$0x7E0];
	_ =	sdelay $0x7  }
0x1a7: {  	[tilespmem:v1+s3+$0x0] =	vst.idx.add.f32.msk $0xffff, v0  }
0x1a8: {  	v1 =	vld [tilespmem:$0x7F0];
	_ =	sdelay $0x3  }
.Ltmp2:
0x1a9: {  	_ = 	snop;
	(pc) =	sbr.rel @p0 .LBB2_4-.Ltmp2, $2  }
0x1aa: {  	_ =	sdelay $0x2  }
0x1ab: {  	[tilespmem:v1+s3+$0x0] =	vst.idx.add.f32.msk $0xffff, v0  }
0x1ac: {  	_ =	swait.ge [sflag:s29], $0x4000  }
0x1ad: {  	[sflag:s29] =	ssyncset.done $0x0  }
0x1ae: {  	[sflag:s29] =	ssyncadd.s32 $0xFFFFC000  }
0x1af: {  	_ =	swait.ge [sflag:s19], $0x80  }
0x1b0: {  	[sflag:s19] =	ssyncset.done $0x0  }
.Ltmp3:
0x1b1: {  	[sflag:s19] =	ssyncadd.s32 $0xFFFFFF80;
	(pc) =	sbr.rel .LBB2_2-.Ltmp3, $4  }
0x1b2: {  	_ =	swait.ge [sflag:s19], $0x80  }
0x1b3: {  	[sflag:s19] =	ssyncset.done $0x0  }
0x1b4: {  	s10 =	sadd.s32 $0x80, s10;
	[sflag:s19] =	ssyncadd.s32 $0xFFFFFF80  }
0x1b5: {  	[tilespmem:s20], [sflag:$0xA] =	stream.indirect.gather [hbm4b:s1+s7], $0x80, s7, s7, $0xb8;
	[tilespmem:$0x1F000] =	vst v63  }
.LBB2_4:
0x1b6: {  	_ =	swait.ge [sflag:s24], $0x4000  }
0x1b7: {  	[sflag:s24] =	ssyncset.done $0x0  }
0x1b8: {  	[sflag:s24] =	ssyncadd.s32 $0xFFFFC000  }
0x1b9: {  	_ =	swait.ge [sflag:s29], $0x4000  }
0x1ba: {  	[sflag:s29] =	ssyncset.done $0x0  }
0x1bb: {  	[sflag:s29] =	ssyncadd.s32 $0xFFFFC000  }
0x1bc: {  	[bflag:$0x0] =	sbarrier.arrive $0xFFFF  }
0x1bd: {  	s12 =	sld [smem:$0x7FD]  }
0x1be: {  	s10 =	sld [smem:$0x7F8]  }
0x1bf: {  	s14 =	sld [smem:$0x7D7];
	_ =	sdelay $0x1  }
0x1c0: {  	s13 =	simm.s32 $0xD  }
0x1c1: {  	[hbm:s10], [sflag:s12] =	dma.local [spmem:s14], $0x2800  }
0x1c2: {  	_ =	swait.ge [sflag:s13], $0x2800  }
0x1c3: {  	s11 =	sld [smem:$0x7FA]  }
0x1c4: {  	[sflag:s13] =	ssyncset.done $0x0  }
0x1c5: {  	s10 =	simm.s32 $0x0;
	[sflag:s13] =	ssyncadd.s32 $0xFFFFD800  }
0x1c6: {  	[hbm4b:s11+s10] =	stream.linear.scatter [tilespmem:s3], [sflag:$0xD], $0x2800, $0x38;
	[tilespmem:$0x1F000] =	vst v63  }
0x1c7: {  	_ =	swait.ge [sflag:s13], $0x2800  }
0x1c8: {  	s11 =	sld [smem:$0x7F5]  }
0x1c9: {  	[sflag:s13] =	ssyncset.done $0x0  }
0x1ca: {  	[sflag:s13] =	ssyncadd.s32 $0xFFFFD800  }
0x1cb: {  	[spmem:s14], [sflag:s12] =	dma.local [hbm:s11], $0x2800  }
0x1cc: {  	_ =	swait.ge [sflag:s13], $0x2800  }
0x1cd: {  	s14 =	sld [smem:$0x7F6]  }
0x1ce: {  	[sflag:s13] =	ssyncset.done $0x0  }
0x1cf: {  	[sflag:s13] =	ssyncadd.s32 $0xFFFFD800  }
0x1d0: {  	[tilespmem:s3], [sflag:$0xD] =	stream.linear.gather [hbm4b:s14+s10], $0x2800, $0x38;
	[tilespmem:$0x1F000] =	vst v63  }
0x1d1: {  	_ =	swait.ge [sflag:s13], $0x2800  }
0x1d2: {  	[sflag:s13] =	ssyncset.done $0x0  }
0x1d3: {  	[sflag:s13] =	ssyncadd.s32 $0xFFFFD800  }
0x1d4: {  	[bflag:$0x0] =	sbarrier.arrive $0xFFFF  }
0x1d5: {  	s12 =	sld [smem:$0x7F1];
	_ =	sdelay $0x1  }
0x1d6: {  	s13 =	sld [smem:$0x7F4]  }
0x1d7: {  	[tilespmem:s10], [sflag:$0x1] =	stream.linear.gather [hbm4b:s12+s10], $0x80, $0x38;
	[tilespmem:$0x1F000] =	vst v63  }
0x1d8: {  	s14 =	simm.s32 $0x400  }
0x1d9: {  	[tilespmem:s14], [sflag:$0x1] =	stream.linear.gather [hbm4b:s13+s10], $0x80, $0x38;
	[tilespmem:$0x1F000] =	vst v63  }
0x1da: {  	s12 =	rddreg [dreg:$0xb]  }
0x1db: {  	[tilespmem:s7], [sflag:$0x2] =	stream.linear.gather [hbm4b:s12+s10], $0x80, $0x38;
	[tilespmem:$0x1F000] =	vst v63  }
0x1dc: {  	s13 =	rddreg [dreg:$0xc];
	s14 =	simm.s32 $0x480  }
0x1dd: {  	[tilespmem:s14], [sflag:$0x2] =	stream.linear.gather [hbm4b:s13+s10], $0x80, $0x38;
	[tilespmem:$0x1F000] =	vst v63  }
0x1de: {  	s13 =	rddreg [dreg:$0xd];
	s14 =	simm.s32 $0x100  }
0x1df: {  	[tilespmem:s14], [sflag:$0x3] =	stream.linear.gather [hbm4b:s13+s10], $0x80, $0x38;
	[tilespmem:$0x1F000] =	vst v63  }
0x1e0: {  	s13 =	rddreg [dreg:$0xe];
	s14 =	simm.s32 $0x500  }
0x1e1: {  	[tilespmem:s14], [sflag:$0x3] =	stream.linear.gather [hbm4b:s13+s10], $0x80, $0x38;
	[tilespmem:$0x1F000] =	vst v63  }
0x1e2: {  	s13 =	rddreg [dreg:$0xf];
	s14 =	simm.s32 $0x180  }
0x1e3: {  	[tilespmem:s14], [sflag:$0x4] =	stream.linear.gather [hbm4b:s13+s10], $0x80, $0x38;
	[tilespmem:$0x1F000] =	vst v63  }
0x1e4: {  	s13 =	rddreg [dreg:$0x10];
	s14 =	simm.s32 $0x580  }
0x1e5: {  	[tilespmem:s14], [sflag:$0x4] =	stream.linear.gather [hbm4b:s13+s10], $0x80, $0x38;
	[tilespmem:$0x1F000] =	vst v63  }
0x1e6: {  	s12 =	rddreg [dreg:$0x13];
	s13 =	simm.s32 $0x200  }
0x1e7: {  	[tilespmem:s13], [sflag:$0x5] =	stream.linear.gather [hbm4b:s12+s10], $0x80, $0x38;
	[tilespmem:$0x1F000] =	vst v63  }
0x1e8: {  	s14 =	rddreg [dreg:$0x14]  }
0x1e9: {  	[tilespmem:s15], [sflag:$0x5] =	stream.linear.gather [hbm4b:s14+s10], $0x80, $0x38;
	[tilespmem:$0x1F000] =	vst v63  }
0x1ea: {  	s12 =	rddreg [dreg:$0x17]  }
0x1eb: {  	[tilespmem:s16], [sflag:$0x6] =	stream.linear.gather [hbm4b:s12+s10], $0x80, $0x38;
	[tilespmem:$0x1F000] =	vst v63  }
0x1ec: {  	s13 =	rddreg [dreg:$0x18];
	s14 =	simm.s32 $0x1  }
0x1ed: {  	[tilespmem:s17], [sflag:$0x6] =	stream.linear.gather [hbm4b:s13+s10], $0x80, $0x38;
	[tilespmem:$0x1F000] =	vst v63  }
0x1ee: {  	_ =	swait.ge [sflag:s14], $0x80  }
0x1ef: {  	[sflag:s14] =	ssyncset.done $0x0  }
0x1f0: {  	[sflag:s14] =	ssyncadd.s32 $0xFFFFFF80  }
0x1f1: {  	_ =	swait.ge [sflag:s14], $0x80  }
0x1f2: {  	[sflag:s14] =	ssyncset.done $0x0  }
0x1f3: {  	[sflag:s14] =	ssyncadd.s32 $0xFFFFFF80  }
0x1f4: {  	[tilespmem:s18], [sflag:$0x9] =	stream.indirect.gather [hbm4b:s2+s7], $0x80, s10, s7, $0xb8;
	[tilespmem:$0x1F000] =	vst v63  }
0x1f5: {  	_ =	swait.ge [sflag:s19], $0x80  }
0x1f6: {  	[sflag:s19] =	ssyncset.done $0x0  }
0x1f7: {  	[sflag:s19] =	ssyncadd.s32 $0xFFFFFF80  }
0x1f8: {  	_ =	swait.ge [sflag:s19], $0x80  }
0x1f9: {  	[sflag:s19] =	ssyncset.done $0x0  }
0x1fa: {  	[sflag:s19] =	ssyncadd.s32 $0xFFFFFF80  }
0x1fb: {  	[tilespmem:s20], [sflag:$0xA] =	stream.indirect.gather [hbm4b:s2+s7], $0x80, s7, s7, $0xb8;
	[tilespmem:$0x1F000] =	vst v63  }
.LBB2_5:
0x1fc: {  	s11 =	sld [smem:$0x7F2];
	_ =	sdelay $0x1  }
0x1fd: {  	s13 =	sld [smem:$0x7F3]  }
0x1fe: {  	s11 =	sadd.s32 s10, s11  }
0x1ff: {  	[tilespmem:s21], [sflag:$0x7] =	stream.linear.gather [hbm4b:s11+s5], $0x80, $0x38;
	[tilespmem:$0x1F000] =	vst v63  }
0x200: {  	s11 =	sadd.s32 s10, s13  }
0x201: {  	[tilespmem:s22], [sflag:$0x7] =	stream.linear.gather [hbm4b:s11+s5], $0x80, $0x38;
	[tilespmem:$0x1F000] =	vst v63  }
0x202: {  	_ =	swait.ge [sflag:s23], $0x4000  }
0x203: {  	[sflag:s23] =	ssyncset.done $0x0  }
0x204: {  	s14 =	simm.s32 $0x400;
	[sflag:s23] =	ssyncadd.s32 $0xFFFFC000  }
0x205: {  	[spmem:s4] =	stream.indirect.scatter.add.f32 [tilespmem:s18], [sflag:$0xB], $0x80, s14, s7, $0xb8;
	[tilespmem:$0x1F000] =	vst v63  }
0x206: {  	v1 =	vld [tilespmem:$0x400];
	_ =	sdelay $0x7  }
0x207: {  	[tilespmem:v1+s3+$0x0] =	vst.idx.add.f32.msk $0xffff, v0  }
0x208: {  	v1 =	vld [tilespmem:$0x410];
	_ =	sdelay $0x7  }
0x209: {  	[tilespmem:v1+s3+$0x0] =	vst.idx.add.f32.msk $0xffff, v0  }
0x20a: {  	v1 =	vld [tilespmem:$0x420];
	_ =	sdelay $0x7  }
0x20b: {  	[tilespmem:v1+s3+$0x0] =	vst.idx.add.f32.msk $0xffff, v0  }
0x20c: {  	v1 =	vld [tilespmem:$0x430];
	_ =	sdelay $0x7  }
0x20d: {  	[tilespmem:v1+s3+$0x0] =	vst.idx.add.f32.msk $0xffff, v0  }
0x20e: {  	v1 =	vld [tilespmem:$0x440];
	_ =	sdelay $0x7  }
0x20f: {  	[tilespmem:v1+s3+$0x0] =	vst.idx.add.f32.msk $0xffff, v0  }
0x210: {  	v1 =	vld [tilespmem:$0x450];
	_ =	sdelay $0x7  }
0x211: {  	[tilespmem:v1+s3+$0x0] =	vst.idx.add.f32.msk $0xffff, v0  }
0x212: {  	v1 =	vld [tilespmem:$0x460];
	_ =	sdelay $0x7  }
0x213: {  	[tilespmem:v1+s3+$0x0] =	vst.idx.add.f32.msk $0xffff, v0  }
0x214: {  	v1 =	vld [tilespmem:$0x470];
	_ =	sdelay $0x7  }
0x215: {  	[tilespmem:v1+s3+$0x0] =	vst.idx.add.f32.msk $0xffff, v0  }
0x216: {  	_ =	swait.ge [sflag:s24], $0x4000  }
0x217: {  	[sflag:s24] =	ssyncset.done $0x0  }
0x218: {  	[sflag:s24] =	ssyncadd.s32 $0xFFFFC000  }
0x219: {  	_ =	swait.ge [sflag:s25], $0x80  }
0x21a: {  	[sflag:s25] =	ssyncset.done $0x0  }
0x21b: {  	[sflag:s25] =	ssyncadd.s32 $0xFFFFFF80  }
0x21c: {  	_ =	swait.ge [sflag:s25], $0x80  }
0x21d: {  	[sflag:s25] =	ssyncset.done $0x0;
	s13 =	sld [smem:$0x7F0]  }
0x21e: {  	s12 =	simm.s32 $0x100;
	s14 =	sld [smem:$0x7EF];
	[sflag:s25] =	ssyncadd.s32 $0xFFFFFF80  }
0x21f: {  	[tilespmem:s18], [sflag:$0x9] =	stream.indirect.gather [hbm4b:s2+s7], $0x80, s12, s7, $0xb8;
	[tilespmem:$0x1F000] =	vst v63  }
0x220: {  	s11 =	sadd.s32 s10, s13  }
0x221: {  	[tilespmem:s26], [sflag:$0x8] =	stream.linear.gather [hbm4b:s11+s5], $0x80, $0x38;
	[tilespmem:$0x1F000] =	vst v63  }
0x222: {  	s11 =	sadd.s32 s10, s14  }
0x223: {  	[tilespmem:s8], [sflag:$0x8] =	stream.linear.gather [hbm4b:s11+s5], $0x80, $0x38;
	[tilespmem:$0x1F000] =	vst v63  }
0x224: {  	_ =	swait.ge [sflag:s28], $0x4000  }
0x225: {  	[sflag:s28] =	ssyncset.done $0x0  }
0x226: {  	s12 =	simm.s32 $0x480;
	[sflag:s28] =	ssyncadd.s32 $0xFFFFC000  }
0x227: {  	[spmem:s4] =	stream.indirect.scatter.add.f32 [tilespmem:s20], [sflag:$0xC], $0x80, s12, s7, $0xb8;
	[tilespmem:$0x1F000] =	vst v63  }
0x228: {  	v1 =	vld [tilespmem:$0x480];
	_ =	sdelay $0x7  }
0x229: {  	[tilespmem:v1+s3+$0x0] =	vst.idx.add.f32.msk $0xffff, v0  }
0x22a: {  	v1 =	vld [tilespmem:$0x490];
	_ =	sdelay $0x7  }
0x22b: {  	[tilespmem:v1+s3+$0x0] =	vst.idx.add.f32.msk $0xffff, v0  }
0x22c: {  	v1 =	vld [tilespmem:$0x4A0];
	_ =	sdelay $0x7  }
0x22d: {  	[tilespmem:v1+s3+$0x0] =	vst.idx.add.f32.msk $0xffff, v0  }
0x22e: {  	v1 =	vld [tilespmem:$0x4B0];
	_ =	sdelay $0x7  }
0x22f: {  	[tilespmem:v1+s3+$0x0] =	vst.idx.add.f32.msk $0xffff, v0  }
0x230: {  	v1 =	vld [tilespmem:$0x4C0];
	_ =	sdelay $0x7  }
0x231: {  	[tilespmem:v1+s3+$0x0] =	vst.idx.add.f32.msk $0xffff, v0  }
0x232: {  	v1 =	vld [tilespmem:$0x4D0];
	_ =	sdelay $0x7  }
0x233: {  	[tilespmem:v1+s3+$0x0] =	vst.idx.add.f32.msk $0xffff, v0  }
0x234: {  	v1 =	vld [tilespmem:$0x4E0];
	_ =	sdelay $0x7  }
0x235: {  	[tilespmem:v1+s3+$0x0] =	vst.idx.add.f32.msk $0xffff, v0  }
0x236: {  	v1 =	vld [tilespmem:$0x4F0];
	_ =	sdelay $0x7  }
0x237: {  	[tilespmem:v1+s3+$0x0] =	vst.idx.add.f32.msk $0xffff, v0  }
0x238: {  	_ =	swait.ge [sflag:s29], $0x4000  }
0x239: {  	[sflag:s29] =	ssyncset.done $0x0  }
0x23a: {  	[sflag:s29] =	ssyncadd.s32 $0xFFFFC000  }
0x23b: {  	_ =	swait.ge [sflag:s30], $0x80  }
0x23c: {  	[sflag:s30] =	ssyncset.done $0x0  }
0x23d: {  	[sflag:s30] =	ssyncadd.s32 $0xFFFFFF80  }
0x23e: {  	_ =	swait.ge [sflag:s30], $0x80  }
0x23f: {  	[sflag:s30] =	ssyncset.done $0x0;
	s11 =	sld [smem:$0x7EE]  }
0x240: {  	p0 =	seq.s32 s10, $0x480;
	s13 =	simm.s32 $0x180;
	[sflag:s30] =	ssyncadd.s32 $0xFFFFFF80  }
0x241: {  	[tilespmem:s20], [sflag:$0xA] =	stream.indirect.gather [hbm4b:s2+s7], $0x80, s13, s7, $0xb8;
	[tilespmem:$0x1F000] =	vst v63  }
0x242: {  	s12 =	sadd.s32 @!p0 s10, s11;
	s11 =	simm.s32 @!p0 $0x0  }
0x243: {  	[tilespmem:s11], [sflag:$0x1] =	stream.linear.gather @!p0 [hbm4b:s12+s11], $0x80, $0x38;
	[tilespmem:$0x1F000] =	vst v63  }
0x244: {  	s12 =	sld [smem:$0x7ED];
	_ =	sdelay $0x2  }
0x245: {  	s13 =	simm.s32 @!p0 $0x400;
	s12 =	sadd.s32 @!p0 s10, s12  }
0x246: {  	[tilespmem:s13], [sflag:$0x1] =	stream.linear.gather @!p0 [hbm4b:s12+s11], $0x80, $0x38;
	[tilespmem:$0x1F000] =	vst v63  }
0x247: {  	_ =	swait.ge [sflag:s23], $0x4000  }
0x248: {  	[sflag:s23] =	ssyncset.done $0x0  }
0x249: {  	s14 =	simm.s32 $0x500;
	[sflag:s23] =	ssyncadd.s32 $0xFFFFC000  }
0x24a: {  	[spmem:s4] =	stream.indirect.scatter.add.f32 [tilespmem:s18], [sflag:$0xB], $0x80, s14, s7, $0xb8;
	[tilespmem:$0x1F000] =	vst v63  }
0x24b: {  	v1 =	vld [tilespmem:$0x500];
	_ =	sdelay $0x7  }
0x24c: {  	[tilespmem:v1+s3+$0x0] =	vst.idx.add.f32.msk $0xffff, v0  }
0x24d: {  	v1 =	vld [tilespmem:$0x510];
	_ =	sdelay $0x7  }
0x24e: {  	[tilespmem:v1+s3+$0x0] =	vst.idx.add.f32.msk $0xffff, v0  }
0x24f: {  	v1 =	vld [tilespmem:$0x520];
	_ =	sdelay $0x7  }
0x250: {  	[tilespmem:v1+s3+$0x0] =	vst.idx.add.f32.msk $0xffff, v0  }
0x251: {  	v1 =	vld [tilespmem:$0x530];
	_ =	sdelay $0x7  }
0x252: {  	[tilespmem:v1+s3+$0x0] =	vst.idx.add.f32.msk $0xffff, v0  }
0x253: {  	v1 =	vld [tilespmem:$0x540];
	_ =	sdelay $0x7  }
0x254: {  	[tilespmem:v1+s3+$0x0] =	vst.idx.add.f32.msk $0xffff, v0  }
0x255: {  	v1 =	vld [tilespmem:$0x550];
	_ =	sdelay $0x7  }
0x256: {  	[tilespmem:v1+s3+$0x0] =	vst.idx.add.f32.msk $0xffff, v0  }
0x257: {  	v1 =	vld [tilespmem:$0x560];
	_ =	sdelay $0x7  }
0x258: {  	[tilespmem:v1+s3+$0x0] =	vst.idx.add.f32.msk $0xffff, v0  }
0x259: {  	v1 =	vld [tilespmem:$0x570];
	_ =	sdelay $0x7  }
0x25a: {  	[tilespmem:v1+s3+$0x0] =	vst.idx.add.f32.msk $0xffff, v0  }
0x25b: {  	_ =	swait.ge [sflag:s24], $0x4000  }
0x25c: {  	[sflag:s24] =	ssyncset.done $0x0  }
0x25d: {  	[sflag:s24] =	ssyncadd.s32 $0xFFFFC000  }
0x25e: {  	_ =	swait.ge [sflag:s31], $0x80  }
0x25f: {  	[sflag:s31] =	ssyncset.done $0x0  }
0x260: {  	[sflag:s31] =	ssyncadd.s32 $0xFFFFFF80  }
0x261: {  	_ =	swait.ge [sflag:s31], $0x80  }
0x262: {  	[sflag:s31] =	ssyncset.done $0x0;
	s12 =	sld [smem:$0x7EC]  }
0x263: {  	s13 =	simm.s32 $0x200;
	[sflag:s31] =	ssyncadd.s32 $0xFFFFFF80  }
0x264: {  	[tilespmem:s18], [sflag:$0x9] =	stream.indirect.gather [hbm4b:s2+s7], $0x80, s13, s7, $0xb8;
	[tilespmem:$0x1F000] =	vst v63  }
0x265: {  	s13 =	sadd.s32 @!p0 s10, s12;
	s12 =	simm.s32 @!p0 $0x80  }
0x266: {  	[tilespmem:s12], [sflag:$0x2] =	stream.linear.gather @!p0 [hbm4b:s13+s11], $0x80, $0x38;
	[tilespmem:$0x1F000] =	vst v63  }
0x267: {  	s13 =	sld [smem:$0x7EB];
	_ =	sdelay $0x2  }
0x268: {  	s14 =	simm.s32 @!p0 $0x480;
	s13 =	sadd.s32 @!p0 s10, s13  }
0x269: {  	[tilespmem:s14], [sflag:$0x2] =	stream.linear.gather @!p0 [hbm4b:s13+s11], $0x80, $0x38;
	[tilespmem:$0x1F000] =	vst v63  }
0x26a: {  	_ =	swait.ge [sflag:s28], $0x4000  }
0x26b: {  	[sflag:s28] =	ssyncset.done $0x0  }
0x26c: {  	s14 =	simm.s32 $0x580;
	[sflag:s28] =	ssyncadd.s32 $0xFFFFC000  }
0x26d: {  	[spmem:s4] =	stream.indirect.scatter.add.f32 [tilespmem:s20], [sflag:$0xC], $0x80, s14, s7, $0xb8;
	[tilespmem:$0x1F000] =	vst v63  }
0x26e: {  	v1 =	vld [tilespmem:$0x580];
	_ =	sdelay $0x7  }
0x26f: {  	[tilespmem:v1+s3+$0x0] =	vst.idx.add.f32.msk $0xffff, v0  }
0x270: {  	v1 =	vld [tilespmem:$0x590];
	_ =	sdelay $0x7  }
0x271: {  	[tilespmem:v1+s3+$0x0] =	vst.idx.add.f32.msk $0xffff, v0  }
0x272: {  	v1 =	vld [tilespmem:$0x5A0];
	_ =	sdelay $0x7  }
0x273: {  	[tilespmem:v1+s3+$0x0] =	vst.idx.add.f32.msk $0xffff, v0  }
0x274: {  	v1 =	vld [tilespmem:$0x5B0];
	_ =	sdelay $0x7  }
0x275: {  	[tilespmem:v1+s3+$0x0] =	vst.idx.add.f32.msk $0xffff, v0  }
0x276: {  	v1 =	vld [tilespmem:$0x5C0];
	_ =	sdelay $0x7  }
0x277: {  	[tilespmem:v1+s3+$0x0] =	vst.idx.add.f32.msk $0xffff, v0  }
0x278: {  	v1 =	vld [tilespmem:$0x5D0];
	_ =	sdelay $0x7  }
0x279: {  	[tilespmem:v1+s3+$0x0] =	vst.idx.add.f32.msk $0xffff, v0  }
0x27a: {  	v1 =	vld [tilespmem:$0x5E0];
	_ =	sdelay $0x7  }
0x27b: {  	[tilespmem:v1+s3+$0x0] =	vst.idx.add.f32.msk $0xffff, v0  }
0x27c: {  	v1 =	vld [tilespmem:$0x5F0];
	_ =	sdelay $0x7  }
0x27d: {  	[tilespmem:v1+s3+$0x0] =	vst.idx.add.f32.msk $0xffff, v0  }
0x27e: {  	_ =	swait.ge [sflag:s29], $0x4000  }
0x27f: {  	[sflag:s29] =	ssyncset.done $0x0  }
0x280: {  	[sflag:s29] =	ssyncadd.s32 $0xFFFFC000  }
0x281: {  	_ =	swait.ge [sflag:s0], $0x80  }
0x282: {  	[sflag:s0] =	ssyncset.done $0x0  }
0x283: {  	[sflag:s0] =	ssyncadd.s32 $0xFFFFFF80  }
0x284: {  	_ =	swait.ge [sflag:s0], $0x80  }
0x285: {  	[sflag:s0] =	ssyncset.done $0x0;
	s13 =	sld [smem:$0x7EA]  }
0x286: {  	[sflag:s0] =	ssyncadd.s32 $0xFFFFFF80  }
0x287: {  	[tilespmem:s20], [sflag:$0xA] =	stream.indirect.gather [hbm4b:s2+s7], $0x80, s16, s7, $0xb8;
	[tilespmem:$0x1F000] =	vst v63  }
0x288: {  	s14 =	simm.s32 @!p0 $0x100;
	s13 =	sadd.s32 @!p0 s10, s13  }
0x289: {  	[tilespmem:s14], [sflag:$0x3] =	stream.linear.gather @!p0 [hbm4b:s13+s11], $0x80, $0x38;
	[tilespmem:$0x1F000] =	vst v63  }
0x28a: {  	s13 =	sld [smem:$0x7E9];
	_ =	sdelay $0x2  }
0x28b: {  	s14 =	simm.s32 @!p0 $0x500;
	s13 =	sadd.s32 @!p0 s10, s13  }
0x28c: {  	[tilespmem:s14], [sflag:$0x3] =	stream.linear.gather @!p0 [hbm4b:s13+s11], $0x80, $0x38;
	[tilespmem:$0x1F000] =	vst v63  }
0x28d: {  	_ =	swait.ge [sflag:s23], $0x4000  }
0x28e: {  	[sflag:s23] =	ssyncset.done $0x0  }
0x28f: {  	[sflag:s23] =	ssyncadd.s32 $0xFFFFC000  }
0x290: {  	[spmem:s4] =	stream.indirect.scatter.add.f32 [tilespmem:s18], [sflag:$0xB], $0x80, s15, s7, $0xb8;
	[tilespmem:$0x1F000] =	vst v63  }
0x291: {  	v1 =	vld [tilespmem:$0x600];
	_ =	sdelay $0x7  }
0x292: {  	[tilespmem:v1+s3+$0x0] =	vst.idx.add.f32.msk $0xffff, v0  }
0x293: {  	v1 =	vld [tilespmem:$0x610];
	_ =	sdelay $0x7  }
0x294: {  	[tilespmem:v1+s3+$0x0] =	vst.idx.add.f32.msk $0xffff, v0  }
0x295: {  	v1 =	vld [tilespmem:$0x620];
	_ =	sdelay $0x7  }
0x296: {  	[tilespmem:v1+s3+$0x0] =	vst.idx.add.f32.msk $0xffff, v0  }
0x297: {  	v1 =	vld [tilespmem:$0x630];
	_ =	sdelay $0x7  }
0x298: {  	[tilespmem:v1+s3+$0x0] =	vst.idx.add.f32.msk $0xffff, v0  }
0x299: {  	v1 =	vld [tilespmem:$0x640];
	_ =	sdelay $0x7  }
0x29a: {  	[tilespmem:v1+s3+$0x0] =	vst.idx.add.f32.msk $0xffff, v0  }
0x29b: {  	v1 =	vld [tilespmem:$0x650];
	_ =	sdelay $0x7  }
0x29c: {  	[tilespmem:v1+s3+$0x0] =	vst.idx.add.f32.msk $0xffff, v0  }
0x29d: {  	v1 =	vld [tilespmem:$0x660];
	_ =	sdelay $0x7  }
0x29e: {  	[tilespmem:v1+s3+$0x0] =	vst.idx.add.f32.msk $0xffff, v0  }
0x29f: {  	v1 =	vld [tilespmem:$0x670];
	_ =	sdelay $0x7  }
0x2a0: {  	[tilespmem:v1+s3+$0x0] =	vst.idx.add.f32.msk $0xffff, v0  }
0x2a1: {  	_ =	swait.ge [sflag:s24], $0x4000  }
0x2a2: {  	[sflag:s24] =	ssyncset.done $0x0  }
0x2a3: {  	[sflag:s24] =	ssyncadd.s32 $0xFFFFC000  }
0x2a4: {  	_ =	swait.ge [sflag:s6], $0x80  }
0x2a5: {  	[sflag:s6] =	ssyncset.done $0x0  }
0x2a6: {  	[sflag:s6] =	ssyncadd.s32 $0xFFFFFF80  }
0x2a7: {  	_ =	swait.ge [sflag:s6], $0x80  }
0x2a8: {  	[sflag:s6] =	ssyncset.done $0x0;
	s13 =	sld [smem:$0x7E8]  }
0x2a9: {  	[sflag:s6] =	ssyncadd.s32 $0xFFFFFF80  }
0x2aa: {  	[tilespmem:s18], [sflag:$0x9] =	stream.indirect.gather [hbm4b:s2+s7], $0x80, s21, s7, $0xb8;
	[tilespmem:$0x1F000] =	vst v63  }
0x2ab: {  	s14 =	simm.s32 @!p0 $0x180;
	s13 =	sadd.s32 @!p0 s10, s13  }
0x2ac: {  	[tilespmem:s14], [sflag:$0x4] =	stream.linear.gather @!p0 [hbm4b:s13+s11], $0x80, $0x38;
	[tilespmem:$0x1F000] =	vst v63  }
0x2ad: {  	s13 =	sld [smem:$0x7E7];
	_ =	sdelay $0x2  }
0x2ae: {  	s14 =	simm.s32 @!p0 $0x580;
	s13 =	sadd.s32 @!p0 s10, s13  }
0x2af: {  	[tilespmem:s14], [sflag:$0x4] =	stream.linear.gather @!p0 [hbm4b:s13+s11], $0x80, $0x38;
	[tilespmem:$0x1F000] =	vst v63  }
0x2b0: {  	_ =	swait.ge [sflag:s28], $0x4000  }
0x2b1: {  	[sflag:s28] =	ssyncset.done $0x0  }
0x2b2: {  	[sflag:s28] =	ssyncadd.s32 $0xFFFFC000  }
0x2b3: {  	[spmem:s4] =	stream.indirect.scatter.add.f32 [tilespmem:s20], [sflag:$0xC], $0x80, s17, s7, $0xb8;
	[tilespmem:$0x1F000] =	vst v63  }
0x2b4: {  	v1 =	vld [tilespmem:$0x680];
	_ =	sdelay $0x7  }
0x2b5: {  	[tilespmem:v1+s3+$0x0] =	vst.idx.add.f32.msk $0xffff, v0  }
0x2b6: {  	v1 =	vld [tilespmem:$0x690];
	_ =	sdelay $0x7  }
0x2b7: {  	[tilespmem:v1+s3+$0x0] =	vst.idx.add.f32.msk $0xffff, v0  }
0x2b8: {  	v1 =	vld [tilespmem:$0x6A0];
	_ =	sdelay $0x7  }
0x2b9: {  	[tilespmem:v1+s3+$0x0] =	vst.idx.add.f32.msk $0xffff, v0  }
0x2ba: {  	v1 =	vld [tilespmem:$0x6B0];
	_ =	sdelay $0x7  }
0x2bb: {  	[tilespmem:v1+s3+$0x0] =	vst.idx.add.f32.msk $0xffff, v0  }
0x2bc: {  	v1 =	vld [tilespmem:$0x6C0];
	_ =	sdelay $0x7  }
0x2bd: {  	[tilespmem:v1+s3+$0x0] =	vst.idx.add.f32.msk $0xffff, v0  }
0x2be: {  	v1 =	vld [tilespmem:$0x6D0];
	_ =	sdelay $0x7  }
0x2bf: {  	[tilespmem:v1+s3+$0x0] =	vst.idx.add.f32.msk $0xffff, v0  }
0x2c0: {  	v1 =	vld [tilespmem:$0x6E0];
	_ =	sdelay $0x7  }
0x2c1: {  	[tilespmem:v1+s3+$0x0] =	vst.idx.add.f32.msk $0xffff, v0  }
0x2c2: {  	v1 =	vld [tilespmem:$0x6F0];
	_ =	sdelay $0x7  }
0x2c3: {  	[tilespmem:v1+s3+$0x0] =	vst.idx.add.f32.msk $0xffff, v0  }
0x2c4: {  	_ =	swait.ge [sflag:s29], $0x4000  }
0x2c5: {  	[sflag:s29] =	ssyncset.done $0x0  }
0x2c6: {  	[sflag:s29] =	ssyncadd.s32 $0xFFFFC000  }
0x2c7: {  	_ =	swait.ge [sflag:s9], $0x80  }
0x2c8: {  	[sflag:s9] =	ssyncset.done $0x0  }
0x2c9: {  	[sflag:s9] =	ssyncadd.s32 $0xFFFFFF80  }
0x2ca: {  	_ =	swait.ge [sflag:s9], $0x80  }
0x2cb: {  	[sflag:s9] =	ssyncset.done $0x0;
	s13 =	sld [smem:$0x7E6]  }
0x2cc: {  	[sflag:s9] =	ssyncadd.s32 $0xFFFFFF80  }
0x2cd: {  	[tilespmem:s20], [sflag:$0xA] =	stream.indirect.gather [hbm4b:s2+s7], $0x80, s26, s7, $0xb8;
	[tilespmem:$0x1F000] =	vst v63  }
0x2ce: {  	s14 =	simm.s32 @!p0 $0x200;
	s13 =	sadd.s32 @!p0 s10, s13  }
0x2cf: {  	[tilespmem:s14], [sflag:$0x5] =	stream.linear.gather @!p0 [hbm4b:s13+s11], $0x80, $0x38;
	[tilespmem:$0x1F000] =	vst v63  }
0x2d0: {  	s13 =	sld [smem:$0x7E5];
	_ =	sdelay $0x2  }
0x2d1: {  	s14 =	simm.s32 @!p0 $0x600;
	s13 =	sadd.s32 @!p0 s10, s13  }
0x2d2: {  	[tilespmem:s14], [sflag:$0x5] =	stream.linear.gather @!p0 [hbm4b:s13+s11], $0x80, $0x38;
	[tilespmem:$0x1F000] =	vst v63  }
0x2d3: {  	_ =	swait.ge [sflag:s23], $0x4000  }
0x2d4: {  	[sflag:s23] =	ssyncset.done $0x0  }
0x2d5: {  	[sflag:s23] =	ssyncadd.s32 $0xFFFFC000  }
0x2d6: {  	[spmem:s4] =	stream.indirect.scatter.add.f32 [tilespmem:s18], [sflag:$0xB], $0x80, s22, s7, $0xb8;
	[tilespmem:$0x1F000] =	vst v63  }
0x2d7: {  	v1 =	vld [tilespmem:$0x700];
	_ =	sdelay $0x7  }
0x2d8: {  	[tilespmem:v1+s3+$0x0] =	vst.idx.add.f32.msk $0xffff, v0  }
0x2d9: {  	v1 =	vld [tilespmem:$0x710];
	_ =	sdelay $0x7  }
0x2da: {  	[tilespmem:v1+s3+$0x0] =	vst.idx.add.f32.msk $0xffff, v0  }
0x2db: {  	v1 =	vld [tilespmem:$0x720];
	_ =	sdelay $0x7  }
0x2dc: {  	[tilespmem:v1+s3+$0x0] =	vst.idx.add.f32.msk $0xffff, v0  }
0x2dd: {  	v1 =	vld [tilespmem:$0x730];
	_ =	sdelay $0x7  }
0x2de: {  	[tilespmem:v1+s3+$0x0] =	vst.idx.add.f32.msk $0xffff, v0  }
0x2df: {  	v1 =	vld [tilespmem:$0x740];
	_ =	sdelay $0x7  }
0x2e0: {  	[tilespmem:v1+s3+$0x0] =	vst.idx.add.f32.msk $0xffff, v0  }
0x2e1: {  	v1 =	vld [tilespmem:$0x750];
	_ =	sdelay $0x7  }
0x2e2: {  	[tilespmem:v1+s3+$0x0] =	vst.idx.add.f32.msk $0xffff, v0  }
0x2e3: {  	v1 =	vld [tilespmem:$0x760];
	_ =	sdelay $0x7  }
0x2e4: {  	[tilespmem:v1+s3+$0x0] =	vst.idx.add.f32.msk $0xffff, v0  }
0x2e5: {  	v1 =	vld [tilespmem:$0x770];
	_ =	sdelay $0x7  }
0x2e6: {  	s13 =	simm.s32 @!p0 $0xB;
	[tilespmem:v1+s3+$0x0] =	vst.idx.add.f32.msk $0xffff, v0  }
0x2e7: {  	_ =	swait.ge @!p0 [sflag:s13], $0x4000  }
0x2e8: {  	[sflag:s13] =	ssyncset.done @!p0 $0x0  }
0x2e9: {  	[sflag:s13] =	ssyncadd.s32 @!p0 $0xFFFFC000;
	s13 =	simm.s32 @!p0 $0x1  }
0x2ea: {  	_ =	swait.ge @!p0 [sflag:s13], $0x80  }
0x2eb: {  	[sflag:s13] =	ssyncset.done @!p0 $0x0  }
0x2ec: {  	[sflag:s13] =	ssyncadd.s32 @!p0 $0xFFFFFF80  }
0x2ed: {  	_ =	swait.ge @!p0 [sflag:s13], $0x80  }
0x2ee: {  	[sflag:s13] =	ssyncset.done @!p0 $0x0  }
0x2ef: {  	[sflag:s13] =	ssyncadd.s32 @!p0 $0xFFFFFF80;
	s13 =	simm.s32 @!p0 $0x800  }
0x2f0: {  	[tilespmem:s13], [sflag:$0x9] =	stream.indirect.gather @!p0 [hbm4b:s2+s12], $0x80, s11, s12, $0xb8;
	[tilespmem:$0x1F000] =	vst v63  }
0x2f1: {  	s12 =	sld [smem:$0x7E4];
	_ =	sdelay $0x2  }
0x2f2: {  	s13 =	simm.s32 @!p0 $0x280;
	s12 =	sadd.s32 @!p0 s10, s12  }
0x2f3: {  	[tilespmem:s13], [sflag:$0x6] =	stream.linear.gather @!p0 [hbm4b:s12+s11], $0x80, $0x38;
	[tilespmem:$0x1F000] =	vst v63  }
0x2f4: {  	s12 =	sld [smem:$0x7E3];
	_ =	sdelay $0x2  }
0x2f5: {  	s13 =	simm.s32 @!p0 $0x680;
	s12 =	sadd.s32 @!p0 s10, s12  }
0x2f6: {  	[tilespmem:s13], [sflag:$0x6] =	stream.linear.gather @!p0 [hbm4b:s12+s11], $0x80, $0x38;
	[tilespmem:$0x1F000] =	vst v63  }
0x2f7: {  	_ =	swait.ge [sflag:s28], $0x4000  }
0x2f8: {  	[sflag:s28] =	ssyncset.done $0x0  }
0x2f9: {  	[sflag:s28] =	ssyncadd.s32 $0xFFFFC000  }
0x2fa: {  	[spmem:s4] =	stream.indirect.scatter.add.f32 [tilespmem:s20], [sflag:$0xC], $0x80, s8, s7, $0xb8;
	[tilespmem:$0x1F000] =	vst v63  }
0x2fb: {  	v1 =	vld [tilespmem:$0x780];
	_ =	sdelay $0x7  }
0x2fc: {  	[tilespmem:v1+s3+$0x0] =	vst.idx.add.f32.msk $0xffff, v0  }
0x2fd: {  	v1 =	vld [tilespmem:$0x790];
	_ =	sdelay $0x7  }
0x2fe: {  	[tilespmem:v1+s3+$0x0] =	vst.idx.add.f32.msk $0xffff, v0  }
0x2ff: {  	v1 =	vld [tilespmem:$0x7A0];
	_ =	sdelay $0x7  }
0x300: {  	[tilespmem:v1+s3+$0x0] =	vst.idx.add.f32.msk $0xffff, v0  }
0x301: {  	v1 =	vld [tilespmem:$0x7B0];
	_ =	sdelay $0x7  }
0x302: {  	[tilespmem:v1+s3+$0x0] =	vst.idx.add.f32.msk $0xffff, v0  }
0x303: {  	v1 =	vld [tilespmem:$0x7C0];
	_ =	sdelay $0x7  }
0x304: {  	[tilespmem:v1+s3+$0x0] =	vst.idx.add.f32.msk $0xffff, v0  }
0x305: {  	v1 =	vld [tilespmem:$0x7D0];
	_ =	sdelay $0x7  }
0x306: {  	[tilespmem:v1+s3+$0x0] =	vst.idx.add.f32.msk $0xffff, v0  }
0x307: {  	v1 =	vld [tilespmem:$0x7E0];
	_ =	sdelay $0x7  }
0x308: {  	[tilespmem:v1+s3+$0x0] =	vst.idx.add.f32.msk $0xffff, v0  }
0x309: {  	v1 =	vld [tilespmem:$0x7F0];
	_ =	sdelay $0x3  }
.Ltmp4:
0x30a: {  	_ = 	snop;
	(pc) =	sbr.rel @p0 .LBB2_7-.Ltmp4, $2  }
0x30b: {  	_ =	sdelay $0x2  }
0x30c: {  	[tilespmem:v1+s3+$0x0] =	vst.idx.add.f32.msk $0xffff, v0  }
0x30d: {  	_ =	swait.ge [sflag:s29], $0x4000  }
0x30e: {  	[sflag:s29] =	ssyncset.done $0x0  }
0x30f: {  	[sflag:s29] =	ssyncadd.s32 $0xFFFFC000  }
0x310: {  	_ =	swait.ge [sflag:s19], $0x80  }
0x311: {  	[sflag:s19] =	ssyncset.done $0x0  }
.Ltmp5:
0x312: {  	[sflag:s19] =	ssyncadd.s32 $0xFFFFFF80;
	(pc) =	sbr.rel .LBB2_5-.Ltmp5, $4  }
0x313: {  	_ =	swait.ge [sflag:s19], $0x80  }
0x314: {  	[sflag:s19] =	ssyncset.done $0x0  }
0x315: {  	s10 =	sadd.s32 $0x80, s10;
	[sflag:s19] =	ssyncadd.s32 $0xFFFFFF80  }
0x316: {  	[tilespmem:s20], [sflag:$0xA] =	stream.indirect.gather [hbm4b:s2+s7], $0x80, s7, s7, $0xb8;
	[tilespmem:$0x1F000] =	vst v63  }
.LBB2_8:
0x317: {  	_ =	sfence.sel $0x180000  }
0x318: {  	[bflag:$0x0] =	sbarrier.arrive $0xFFFF  }
0x319: {  	_ =	strace $0x90000047  }
0x31a: {  	s0 =	stileid.u32;
	[bflag:$0x2] =	sbarrier.arrive $0xFFFF  }
0x31b: {  	p0 =	sne.s32 s0, $0x0;
	s0 =	rddreg [dreg:$0x4]  }
0x31c: {  	s0 =	sadd.s32 @!p0 $0x100000, s0  }
0x31d: {  	[sflag:s0] =	ssyncadd.tile.s32 @!p0 $0x1;
	_ =	shalt  }
.Lfunc_end2:
_tile_overlayer_lowered:
.L_overlay_start_2:
0x31e: {  	(tag) =	ssettag $0x2  }
0x31f: {  	s0 =	rddreg [dreg:$0x0];
	s2 =	stileid.u32  }
0x320: {  	s1 =	rddreg [dreg:$0x1];
	p0 =	sne.s32 s2, $0x0  }
0x321: {  	s3 =	rddreg [dreg:$0x2];
	[bflag:$0x3] =	sbarrier.arrive $0xFFFF;
	s2 =	simm.s32 @!p0 $0x1C0D  }
0x322: {  	[timem:s3], [sflag:s2] =	dma.local @!p0 [hbm:s0], s1  }
0x323: {  	s0 =	simm.s32 @!p0 $0xD  }
0x324: {  	_ =	swait.ge @!p0 [sflag:s0], s1  }
0x325: {  	s1 =	ssub.s32 @!p0 $0x0, s1;
	[sflag:s0] =	ssyncset.done @!p0 $0x0  }
0x326: {  	[sflag:s0] =	ssyncadd.s32 @!p0 s1  }
0x327: {  	[bflag:$0x3] =	sbarrier.arrive $0xFFFF  }
0x328: {  	_ =	shalt  }

</sc_bundles>
